<compile_context>
chip_gen: v7x
topology: tpu7x:2x2x1
jax: 0.10.2.dev20260603
libtpu: 0.0.44.dev20260713+nightly
codegen_flags: <defaults>
</compile_context>

<pallas_src>
import functools

import jax
import jax.numpy as jnp
from jax import lax
from jax.experimental import pallas as pl
from jax.experimental.pallas import tpu as pltpu
from jax.experimental.pallas import tpu_sc as plsc

B = 16384
L = 200
EMBED = 16
VOCAB = 10000
TW = 9

NUM_CORES = 2
NUM_SUBCORES = 16
NW = NUM_CORES * NUM_SUBCORES
ROWS_PER_W = B // NW
GROUP = 16
GROUPS_PER_W = ROWS_PER_W // GROUP
GIDX = GROUP * L


def _sc_fused(idx_t, table_pk, wpack):
    mesh = plsc.VectorSubcoreMesh(core_axis_name="c", subcore_axis_name="s")

    @functools.partial(
        pl.kernel,
        out_type=jax.ShapeDtypeStruct((B,), jnp.float32),
        mesh=mesh,
        scratch_types=[
            pltpu.VMEM((VOCAB * TW,), jnp.int32),
            pltpu.VMEM((GIDX,), jnp.int32),
            pltpu.VMEM((GIDX,), jnp.int32),
            pltpu.VMEM((wpack.shape[0],), jnp.float32),
            pltpu.VMEM((ROWS_PER_W,), jnp.float32),
            pltpu.SemaphoreType.DMA,
        ],
        compiler_params=pltpu.CompilerParams(
            use_tc_tiling_on_sc=False, needs_layout_passes=False
        ),
    )
    def fused_kernel(idx_hbm, table_hbm, w_hbm, out_hbm,
                     table_v, idx0, idx1, w_v, out_v, isem):
        wid = lax.axis_index("s") * NUM_CORES + lax.axis_index("c")
        gbase = wid * GROUPS_PER_W

        pltpu.sync_copy(table_hbm, table_v)
        pltpu.sync_copy(w_hbm, w_v)

        def start_idx(g, idx_v):
            pltpu.async_copy(
                idx_hbm.at[pl.ds((gbase + g) * GIDX, GIDX)], idx_v, isem
            )

        def wait_idx(idx_v):
            pltpu.make_async_copy(
                idx_hbm.at[pl.ds(0, GIDX)], idx_v, isem
            ).wait()

        def process(idx_v, g):
            lane_base = jax.lax.iota(jnp.int32, GROUP) * L

            def lbody(l, accs):
                new = list(accs)
                for s in range(2):
                    vidx = plsc.load_gather(idx_v, [lane_base + (2 * l + s)])
                    base = vidx * TW
                    for e in range(8):
                        addr = base + e if e else base
                        w = plsc.load_gather(table_v, [addr])
                        new[e] = new[e] + plsc.bitcast(w, jnp.bfloat16)
                return tuple(new)

            z16 = jnp.zeros((2 * GROUP,), jnp.bfloat16)
            accs = lax.fori_loop(0, L // 2, lbody, (z16,) * 8)

            p = []
            for e in range(8):
                u0, u1 = plsc.unpack(accs[e], format=plsc.PackFormat.INTERLEAVED)
                p += [u0, u1]

            b1v = w_v[pl.ds(256, 16)]
            w2v = w_v[pl.ds(272, 16)]
            b2v = w_v[pl.ds(288, 16)]
            z = None
            for k in range(EMBED):
                wk = w_v[pl.ds(k * EMBED, EMBED)]
                h = p[0] * wk[0]
                for m in range(1, EMBED):
                    h += p[m] * wk[m]
                h = jnp.maximum(h + b1v[k], jnp.float32(0.0))
                t = h * w2v[k]
                z = t if z is None else z + t
            z = z + b2v[0]
            res = jnp.float32(1.0) / (jnp.float32(1.0) + jnp.exp(-z))
            out_v[pl.ds(g * GROUP, GROUP)] = res

        start_idx(0, idx0)

        @pl.loop(0, GROUPS_PER_W, step=2)
        def _(i):
            for pp, (ic, inx) in enumerate(((idx0, idx1), (idx1, idx0))):
                g = i + pp
                wait_idx(ic)

                @pl.when(g + 1 < GROUPS_PER_W)
                def _():
                    start_idx(g + 1, inx)

                process(ic, g)

        pltpu.sync_copy(out_v, out_hbm.at[pl.ds(wid * ROWS_PER_W, ROWS_PER_W)])

    return fused_kernel(idx_t, table_pk, wpack)


def kernel(inputs, table, W1, b1, W2, b2):
    idx_t = inputs.reshape(-1).astype(jnp.int32)
    tb = jax.lax.bitcast_convert_type(
        table.astype(jnp.bfloat16).reshape(VOCAB, 8, 2), jnp.int32
    )
    table_pk = jnp.pad(tb, ((0, 0), (0, TW - 8))).reshape(-1)
    wpack = jnp.concatenate(
        [
            (W1.T * jnp.float32(1.0 / L)).reshape(-1),
            b1,
            W2.reshape(-1),
            b2,
            jnp.zeros((15,), jnp.float32),
        ]
    ).astype(jnp.float32)
    return _sc_fused(idx_t, table_pk, wpack).reshape(B, 1)

# --- scband reference (transcript-rebuilt; emitter-appended) ---
"""Pipeline reference for scband-model-55216099557761 (READ-ONLY COPY).

The authoritative reference and input builder live on the scoring server;
editing this copy changes nothing except your own understanding.
"""

import jax, jax.numpy as jnp
import numpy as np

VOCAB = 10000
EMBED = 16
B = 16384
L = 200

def setup_inputs(seed: int = 0) -> dict:
    key = jax.random.key(seed)
    k0, k1, k2, k3, k4, k5 = jax.random.split(key, 6)
    inputs = jax.random.randint(k0, (B, L), 0, VOCAB, dtype=jnp.int64 if jax.config.jax_enable_x64 else jnp.int32)
    table = jax.random.normal(k1, (VOCAB, EMBED), dtype=jnp.float32) * 0.05
    W1 = jax.random.normal(k2, (EMBED, 16), dtype=jnp.float32) * (1.0 / np.sqrt(EMBED))
    b1 = jnp.zeros((16,), dtype=jnp.float32)
    W2 = jax.random.normal(k3, (16, 1), dtype=jnp.float32) * 0.25
    b2 = jnp.zeros((1,), dtype=jnp.float32)
    return {"inputs": inputs, "table": table, "W1": W1, "b1": b1, "W2": W2, "b2": b2}

def reference(inputs, table, W1, b1, W2, b2):
    # Embedding lookup (gather)
    emb = jnp.take(table, inputs, axis=0)          # [B, L, 16]
    # GlobalAveragePooling1D
    pooled = jnp.mean(emb, axis=1)                 # [B, 16]
    # Dense(16, relu)
    h = jax.nn.relu(pooled @ W1 + b1)              # [B, 16]
    # Dense(1, sigmoid)
    out = jax.nn.sigmoid(h @ W2 + b2)              # [B, 1]
    return out

if __name__ == "__main__":
    import jax
    _d = setup_inputs()
    print(jax.jit(kernel)(*tuple(_d.values())))

</pallas_src>

<mosaic_0001>
#map = affine_map<(d0, d1) -> (0)>
module attributes {stable_mosaic.version = 14 : i64} {
  func.func @fused_kernel(%arg0: i32, %arg1: i32, %arg2: memref<3276800xi32, #tpu.memory_space<hbm>>, %arg3: memref<90000xi32, #tpu.memory_space<hbm>>, %arg4: memref<304xf32, #tpu.memory_space<hbm>>, %arg5: memref<16384xf32, #tpu.memory_space<hbm>>, %arg6: memref<90000xi32, #tpu.memory_space<vmem>>, %arg7: memref<3200xi32, #tpu.memory_space<vmem>>, %arg8: memref<3200xi32, #tpu.memory_space<vmem>>, %arg9: memref<304xf32, #tpu.memory_space<vmem>>, %arg10: memref<512xf32, #tpu.memory_space<vmem>>, %arg11: memref<!tpu.dma_semaphore, #tpu.memory_space<semaphore_mem>>) attributes {dimension_semantics = [#tpu.dimension_semantics<core_parallel>, #tpu.dimension_semantics<subcore_parallel>], iteration_bounds = array<i64: 2, 16>, scalar_prefetch = 0 : i64, scratch_operands = 6 : i64, tpu.core_type = #tpu.core_type<sc_vector_subcore>, window_params = [{transform_indices = #map}, {transform_indices = #map}, {transform_indices = #map}, {transform_indices = #map}]} {
    %mul3A = arith.constant 2 : i32
    %mul3A_0 = arith.muli %arg1, %mul3A : i32
    %add3A = arith.addi %mul3A_0, %arg0 : i32
    %mul3A_1 = arith.constant 32 : i32
    %mul3A_2 = arith.muli %add3A, %mul3A_1 : i32
    "tpu.region"() ({
      %run_scoped3A = tpu.sem_alloc : memref<!tpu.dma_semaphore, #tpu.memory_space<semaphore_mem>>
      tpu.enqueue_dma source(%arg3 : memref<90000xi32, #tpu.memory_space<hbm>>) target(%arg6 : memref<90000xi32, #tpu.memory_space<vmem>>) target_semaphore(%run_scoped3A : memref<!tpu.dma_semaphore, #tpu.memory_space<semaphore_mem>>)
      tpu.wait_dma2 semaphore(%run_scoped3A : memref<!tpu.dma_semaphore, #tpu.memory_space<semaphore_mem>>) src(%arg3 : memref<90000xi32, #tpu.memory_space<hbm>>) dst(%arg6 : memref<90000xi32, #tpu.memory_space<vmem>>)
      tpu.yield
    }) : () -> ()
    "tpu.region"() ({
      %run_scoped3A = tpu.sem_alloc : memref<!tpu.dma_semaphore, #tpu.memory_space<semaphore_mem>>
      tpu.enqueue_dma source(%arg4 : memref<304xf32, #tpu.memory_space<hbm>>) target(%arg9 : memref<304xf32, #tpu.memory_space<vmem>>) target_semaphore(%run_scoped3A : memref<!tpu.dma_semaphore, #tpu.memory_space<semaphore_mem>>)
      tpu.wait_dma2 semaphore(%run_scoped3A : memref<!tpu.dma_semaphore, #tpu.memory_space<semaphore_mem>>) src(%arg4 : memref<304xf32, #tpu.memory_space<hbm>>) dst(%arg9 : memref<304xf32, #tpu.memory_space<vmem>>)
      tpu.yield
    }) : () -> ()
    %add3A_3 = arith.constant 0 : i32
    %add3A_4 = arith.addi %mul3A_2, %add3A_3 : i32
    %mul3A_5 = arith.constant 3200 : i32
    %mul3A_6 = arith.muli %add3A_4, %mul3A_5 : i32
    %dma_start3A = tpu.memref_slice %arg2[%mul3A_6] : memref<3276800xi32, #tpu.memory_space<hbm>> -> memref<3200xi32, #tpu.memory_space<hbm>>
    %dma_start3A_7 = tpu.memref_slice %arg2[%mul3A_6] : memref<3276800xi32, #tpu.memory_space<hbm>> -> memref<3200xi32, #tpu.memory_space<hbm>>
    tpu.enqueue_dma source(%dma_start3A_7 : memref<3200xi32, #tpu.memory_space<hbm>>) target(%arg7 : memref<3200xi32, #tpu.memory_space<vmem>>) target_semaphore(%arg11 : memref<!tpu.dma_semaphore, #tpu.memory_space<semaphore_mem>>)
    %scan3A = arith.constant 0 : i32
    %scan3A_8 = arith.constant 16 : i32
    %scan3A_9 = arith.addi %scan3A, %scan3A_8 : i32
    %scan3A_10 = arith.constant 1 : i32
    scf.for %scan3A_14 = %scan3A to %scan3A_9 step %scan3A_10  : i32 {
      %mul3A_15 = arith.constant 2 : i32
      %mul3A_16 = arith.muli %scan3A_14, %mul3A_15 : i32
      %add3A_17 = arith.constant 0 : i32
      %add3A_18 = arith.addi %add3A_17, %mul3A_16 : i32
      %add3A_19 = arith.constant 0 : i32
      %add3A_20 = arith.addi %add3A_18, %add3A_19 : i32
      %dma_wait3A = arith.constant 0 : i32
      %dma_wait3A_21 = tpu.memref_slice %arg2[%dma_wait3A] : memref<3276800xi32, #tpu.memory_space<hbm>> -> memref<3200xi32, #tpu.memory_space<hbm>>
      %dma_wait3A_22 = arith.constant 0 : i32
      %dma_wait3A_23 = tpu.memref_slice %arg2[%dma_wait3A_22] : memref<3276800xi32, #tpu.memory_space<hbm>> -> memref<3200xi32, #tpu.memory_space<hbm>>
      tpu.wait_dma2 semaphore(%arg11 : memref<!tpu.dma_semaphore, #tpu.memory_space<semaphore_mem>>) src(%dma_wait3A_23 : memref<3200xi32, #tpu.memory_space<hbm>>) dst(%arg7 : memref<3200xi32, #tpu.memory_space<vmem>>)
      %add3A_24 = arith.constant 1 : i32
      %add3A_25 = arith.addi %add3A_20, %add3A_24 : i32
      %lt3A = arith.constant 32 : i32
      %lt3A_26 = arith.cmpi slt, %add3A_25, %lt3A : i32
      %convert_element_type3A = arith.extui %lt3A_26 : i1 to i32
      %cond3A = arith.constant 0 : i32
      %cond3A_27 = arith.cmpi ne, %convert_element_type3A, %cond3A : i32
      scf.if %cond3A_27 {
        %add3A_3108 = arith.constant 1 : i32
        %add3A_3109 = arith.addi %add3A_20, %add3A_3108 : i32
        %add3A_3110 = arith.addi %mul3A_2, %add3A_3109 : i32
        %mul3A_3111 = arith.constant 3200 : i32
        %mul3A_3112 = arith.muli %add3A_3110, %mul3A_3111 : i32
        %dma_start3A_3113 = tpu.memref_slice %arg2[%mul3A_3112] : memref<3276800xi32, #tpu.memory_space<hbm>> -> memref<3200xi32, #tpu.memory_space<hbm>>
        %dma_start3A_3114 = tpu.memref_slice %arg2[%mul3A_3112] : memref<3276800xi32, #tpu.memory_space<hbm>> -> memref<3200xi32, #tpu.memory_space<hbm>>
        tpu.enqueue_dma source(%dma_start3A_3114 : memref<3200xi32, #tpu.memory_space<hbm>>) target(%arg8 : memref<3200xi32, #tpu.memory_space<vmem>>) target_semaphore(%arg11 : memref<!tpu.dma_semaphore, #tpu.memory_space<semaphore_mem>>)
      } else {
      }
      %iota3A = tpu.iota {dimensions = array<i32: 0>} : vector<16xi32>
      %mul3A_28 = arith.constant 200 : i32
      %mul3A_29 = vector.broadcast %mul3A_28 : i32 to vector<16xi32>
      %mul3A_30 = arith.muli %iota3A, %mul3A_29 : vector<16xi32>
      %broadcast_in_dim3A = arith.constant 0.000000e+00 : bf16
      %broadcast_in_dim3A_31 = vector.broadcast %broadcast_in_dim3A : bf16 to vector<32xbf16>
      %scan3A_32 = arith.constant 0 : i32
      %scan3A_33 = arith.constant 100 : i32
      %scan3A_34 = arith.addi %scan3A_32, %scan3A_33 : i32
      %scan3A_35 = arith.constant 1 : i32
      %scan3A_36:8 = scf.for %scan3A_3108 = %scan3A_32 to %scan3A_34 step %scan3A_35 iter_args(%scan3A_3109 = %broadcast_in_dim3A_31, %scan3A_3110 = %broadcast_in_dim3A_31, %scan3A_3111 = %broadcast_in_dim3A_31, %scan3A_3112 = %broadcast_in_dim3A_31, %scan3A_3113 = %broadcast_in_dim3A_31, %scan3A_3114 = %broadcast_in_dim3A_31, %scan3A_3115 = %broadcast_in_dim3A_31, %scan3A_3116 = %broadcast_in_dim3A_31) -> (vector<32xbf16>, vector<32xbf16>, vector<32xbf16>, vector<32xbf16>, vector<32xbf16>, vector<32xbf16>, vector<32xbf16>, vector<32xbf16>)  : i32 {
        %mul3A_3117 = arith.constant 2 : i32
        %mul3A_3118 = arith.muli %mul3A_3117, %scan3A_3108 : i32
        %add3A_3119 = arith.constant 0 : i32
        %add3A_3120 = arith.addi %mul3A_3118, %add3A_3119 : i32
        %add3A_3121 = vector.broadcast %add3A_3120 : i32 to vector<16xi32>
        %add3A_3122 = arith.addi %mul3A_30, %add3A_3121 : vector<16xi32>
        %gather3A = tpu.vector_load_idx %arg7[%add3A_3122] : memref<3200xi32, #tpu.memory_space<vmem>>[vector<16xi32>], vector<16xi32>,
        %mul3A_3123 = arith.constant 9 : i32
        %mul3A_3124 = vector.broadcast %mul3A_3123 : i32 to vector<16xi32>
        %mul3A_3125 = arith.muli %gather3A, %mul3A_3124 : vector<16xi32>
        %gather3A_3126 = tpu.vector_load_idx %arg6[%mul3A_3125] : memref<90000xi32, #tpu.memory_space<vmem>>[vector<16xi32>], vector<16xi32>,
        %bitcast3A = vector.bitcast %gather3A_3126 : vector<16xi32> to vector<32xbf16>
        %add3A_3127 = arith.addf %scan3A_3109, %bitcast3A : vector<32xbf16>
        %add3A_3128 = arith.constant 1 : i32
        %add3A_3129 = vector.broadcast %add3A_3128 : i32 to vector<16xi32>
        %add3A_3130 = arith.addi %mul3A_3125, %add3A_3129 : vector<16xi32>
        %gather3A_3131 = tpu.vector_load_idx %arg6[%add3A_3130] : memref<90000xi32, #tpu.memory_space<vmem>>[vector<16xi32>], vector<16xi32>,
        %bitcast3A_3132 = vector.bitcast %gather3A_3131 : vector<16xi32> to vector<32xbf16>
        %add3A_3133 = arith.addf %scan3A_3110, %bitcast3A_3132 : vector<32xbf16>
        %add3A_3134 = arith.constant 2 : i32
        %add3A_3135 = vector.broadcast %add3A_3134 : i32 to vector<16xi32>
        %add3A_3136 = arith.addi %mul3A_3125, %add3A_3135 : vector<16xi32>
        %gather3A_3137 = tpu.vector_load_idx %arg6[%add3A_3136] : memref<90000xi32, #tpu.memory_space<vmem>>[vector<16xi32>], vector<16xi32>,
        %bitcast3A_3138 = vector.bitcast %gather3A_3137 : vector<16xi32> to vector<32xbf16>
        %add3A_3139 = arith.addf %scan3A_3111, %bitcast3A_3138 : vector<32xbf16>
        %add3A_3140 = arith.constant 3 : i32
        %add3A_3141 = vector.broadcast %add3A_3140 : i32 to vector<16xi32>
        %add3A_3142 = arith.addi %mul3A_3125, %add3A_3141 : vector<16xi32>
        %gather3A_3143 = tpu.vector_load_idx %arg6[%add3A_3142] : memref<90000xi32, #tpu.memory_space<vmem>>[vector<16xi32>], vector<16xi32>,
        %bitcast3A_3144 = vector.bitcast %gather3A_3143 : vector<16xi32> to vector<32xbf16>
        %add3A_3145 = arith.addf %scan3A_3112, %bitcast3A_3144 : vector<32xbf16>
        %add3A_3146 = arith.constant 4 : i32
        %add3A_3147 = vector.broadcast %add3A_3146 : i32 to vector<16xi32>
        %add3A_3148 = arith.addi %mul3A_3125, %add3A_3147 : vector<16xi32>
        %gather3A_3149 = tpu.vector_load_idx %arg6[%add3A_3148] : memref<90000xi32, #tpu.memory_space<vmem>>[vector<16xi32>], vector<16xi32>,
        %bitcast3A_3150 = vector.bitcast %gather3A_3149 : vector<16xi32> to vector<32xbf16>
        %add3A_3151 = arith.addf %scan3A_3113, %bitcast3A_3150 : vector<32xbf16>
        %add3A_3152 = arith.constant 5 : i32
        %add3A_3153 = vector.broadcast %add3A_3152 : i32 to vector<16xi32>
        %add3A_3154 = arith.addi %mul3A_3125, %add3A_3153 : vector<16xi32>
        %gather3A_3155 = tpu.vector_load_idx %arg6[%add3A_3154] : memref<90000xi32, #tpu.memory_space<vmem>>[vector<16xi32>], vector<16xi32>,
        %bitcast3A_3156 = vector.bitcast %gather3A_3155 : vector<16xi32> to vector<32xbf16>
        %add3A_3157 = arith.addf %scan3A_3114, %bitcast3A_3156 : vector<32xbf16>
        %add3A_3158 = arith.constant 6 : i32
        %add3A_3159 = vector.broadcast %add3A_3158 : i32 to vector<16xi32>
        %add3A_3160 = arith.addi %mul3A_3125, %add3A_3159 : vector<16xi32>
        %gather3A_3161 = tpu.vector_load_idx %arg6[%add3A_3160] : memref<90000xi32, #tpu.memory_space<vmem>>[vector<16xi32>], vector<16xi32>,
        %bitcast3A_3162 = vector.bitcast %gather3A_3161 : vector<16xi32> to vector<32xbf16>
        %add3A_3163 = arith.addf %scan3A_3115, %bitcast3A_3162 : vector<32xbf16>
        %add3A_3164 = arith.constant 7 : i32
        %add3A_3165 = vector.broadcast %add3A_3164 : i32 to vector<16xi32>
        %add3A_3166 = arith.addi %mul3A_3125, %add3A_3165 : vector<16xi32>
        %gather3A_3167 = tpu.vector_load_idx %arg6[%add3A_3166] : memref<90000xi32, #tpu.memory_space<vmem>>[vector<16xi32>], vector<16xi32>,
        %bitcast3A_3168 = vector.bitcast %gather3A_3167 : vector<16xi32> to vector<32xbf16>
        %add3A_3169 = arith.addf %scan3A_3116, %bitcast3A_3168 : vector<32xbf16>
        %mul3A_3170 = arith.constant 2 : i32
        %mul3A_3171 = arith.muli %mul3A_3170, %scan3A_3108 : i32
        %add3A_3172 = arith.constant 1 : i32
        %add3A_3173 = arith.addi %mul3A_3171, %add3A_3172 : i32
        %add3A_3174 = vector.broadcast %add3A_3173 : i32 to vector<16xi32>
        %add3A_3175 = arith.addi %mul3A_30, %add3A_3174 : vector<16xi32>
        %gather3A_3176 = tpu.vector_load_idx %arg7[%add3A_3175] : memref<3200xi32, #tpu.memory_space<vmem>>[vector<16xi32>], vector<16xi32>,
        %mul3A_3177 = arith.constant 9 : i32
        %mul3A_3178 = vector.broadcast %mul3A_3177 : i32 to vector<16xi32>
        %mul3A_3179 = arith.muli %gather3A_3176, %mul3A_3178 : vector<16xi32>
        %gather3A_3180 = tpu.vector_load_idx %arg6[%mul3A_3179] : memref<90000xi32, #tpu.memory_space<vmem>>[vector<16xi32>], vector<16xi32>,
        %bitcast3A_3181 = vector.bitcast %gather3A_3180 : vector<16xi32> to vector<32xbf16>
        %add3A_3182 = arith.addf %add3A_3127, %bitcast3A_3181 : vector<32xbf16>
        %add3A_3183 = arith.constant 1 : i32
        %add3A_3184 = vector.broadcast %add3A_3183 : i32 to vector<16xi32>
        %add3A_3185 = arith.addi %mul3A_3179, %add3A_3184 : vector<16xi32>
        %gather3A_3186 = tpu.vector_load_idx %arg6[%add3A_3185] : memref<90000xi32, #tpu.memory_space<vmem>>[vector<16xi32>], vector<16xi32>,
        %bitcast3A_3187 = vector.bitcast %gather3A_3186 : vector<16xi32> to vector<32xbf16>
        %add3A_3188 = arith.addf %add3A_3133, %bitcast3A_3187 : vector<32xbf16>
        %add3A_3189 = arith.constant 2 : i32
        %add3A_3190 = vector.broadcast %add3A_3189 : i32 to vector<16xi32>
        %add3A_3191 = arith.addi %mul3A_3179, %add3A_3190 : vector<16xi32>
        %gather3A_3192 = tpu.vector_load_idx %arg6[%add3A_3191] : memref<90000xi32, #tpu.memory_space<vmem>>[vector<16xi32>], vector<16xi32>,
        %bitcast3A_3193 = vector.bitcast %gather3A_3192 : vector<16xi32> to vector<32xbf16>
        %add3A_3194 = arith.addf %add3A_3139, %bitcast3A_3193 : vector<32xbf16>
        %add3A_3195 = arith.constant 3 : i32
        %add3A_3196 = vector.broadcast %add3A_3195 : i32 to vector<16xi32>
        %add3A_3197 = arith.addi %mul3A_3179, %add3A_3196 : vector<16xi32>
        %gather3A_3198 = tpu.vector_load_idx %arg6[%add3A_3197] : memref<90000xi32, #tpu.memory_space<vmem>>[vector<16xi32>], vector<16xi32>,
        %bitcast3A_3199 = vector.bitcast %gather3A_3198 : vector<16xi32> to vector<32xbf16>
        %add3A_3200 = arith.addf %add3A_3145, %bitcast3A_3199 : vector<32xbf16>
        %add3A_3201 = arith.constant 4 : i32
        %add3A_3202 = vector.broadcast %add3A_3201 : i32 to vector<16xi32>
        %add3A_3203 = arith.addi %mul3A_3179, %add3A_3202 : vector<16xi32>
        %gather3A_3204 = tpu.vector_load_idx %arg6[%add3A_3203] : memref<90000xi32, #tpu.memory_space<vmem>>[vector<16xi32>], vector<16xi32>,
        %bitcast3A_3205 = vector.bitcast %gather3A_3204 : vector<16xi32> to vector<32xbf16>
        %add3A_3206 = arith.addf %add3A_3151, %bitcast3A_3205 : vector<32xbf16>
        %add3A_3207 = arith.constant 5 : i32
        %add3A_3208 = vector.broadcast %add3A_3207 : i32 to vector<16xi32>
        %add3A_3209 = arith.addi %mul3A_3179, %add3A_3208 : vector<16xi32>
        %gather3A_3210 = tpu.vector_load_idx %arg6[%add3A_3209] : memref<90000xi32, #tpu.memory_space<vmem>>[vector<16xi32>], vector<16xi32>,
        %bitcast3A_3211 = vector.bitcast %gather3A_3210 : vector<16xi32> to vector<32xbf16>
        %add3A_3212 = arith.addf %add3A_3157, %bitcast3A_3211 : vector<32xbf16>
        %add3A_3213 = arith.constant 6 : i32
        %add3A_3214 = vector.broadcast %add3A_3213 : i32 to vector<16xi32>
        %add3A_3215 = arith.addi %mul3A_3179, %add3A_3214 : vector<16xi32>
        %gather3A_3216 = tpu.vector_load_idx %arg6[%add3A_3215] : memref<90000xi32, #tpu.memory_space<vmem>>[vector<16xi32>], vector<16xi32>,
        %bitcast3A_3217 = vector.bitcast %gather3A_3216 : vector<16xi32> to vector<32xbf16>
        %add3A_3218 = arith.addf %add3A_3163, %bitcast3A_3217 : vector<32xbf16>
        %add3A_3219 = arith.constant 7 : i32
        %add3A_3220 = vector.broadcast %add3A_3219 : i32 to vector<16xi32>
        %add3A_3221 = arith.addi %mul3A_3179, %add3A_3220 : vector<16xi32>
        %gather3A_3222 = tpu.vector_load_idx %arg6[%add3A_3221] : memref<90000xi32, #tpu.memory_space<vmem>>[vector<16xi32>], vector<16xi32>,
        %bitcast3A_3223 = vector.bitcast %gather3A_3222 : vector<16xi32> to vector<32xbf16>
        %add3A_3224 = arith.addf %add3A_3169, %bitcast3A_3223 : vector<32xbf16>
        scf.yield %add3A_3182, %add3A_3188, %add3A_3194, %add3A_3200, %add3A_3206, %add3A_3212, %add3A_3218, %add3A_3224 : vector<32xbf16>, vector<32xbf16>, vector<32xbf16>, vector<32xbf16>, vector<32xbf16>, vector<32xbf16>, vector<32xbf16>, vector<32xbf16>
      }
      %scan3A_37 = arith.constant 100 : i32
      %unpack3A = tpu.unpack_subelements %scan3A_36#0, 0 {pack_format = #tpu.pack_format<interleaved>} : vector<32xbf16> -> vector<16xf32>
      %unpack3A_38 = tpu.unpack_subelements %scan3A_36#0, 1 {pack_format = #tpu.pack_format<interleaved>} : vector<32xbf16> -> vector<16xf32>
      %unpack3A_39 = tpu.unpack_subelements %scan3A_36#1, 0 {pack_format = #tpu.pack_format<interleaved>} : vector<32xbf16> -> vector<16xf32>
      %unpack3A_40 = tpu.unpack_subelements %scan3A_36#1, 1 {pack_format = #tpu.pack_format<interleaved>} : vector<32xbf16> -> vector<16xf32>
      %unpack3A_41 = tpu.unpack_subelements %scan3A_36#2, 0 {pack_format = #tpu.pack_format<interleaved>} : vector<32xbf16> -> vector<16xf32>
      %unpack3A_42 = tpu.unpack_subelements %scan3A_36#2, 1 {pack_format = #tpu.pack_format<interleaved>} : vector<32xbf16> -> vector<16xf32>
      %unpack3A_43 = tpu.unpack_subelements %scan3A_36#3, 0 {pack_format = #tpu.pack_format<interleaved>} : vector<32xbf16> -> vector<16xf32>
      %unpack3A_44 = tpu.unpack_subelements %scan3A_36#3, 1 {pack_format = #tpu.pack_format<interleaved>} : vector<32xbf16> -> vector<16xf32>
      %unpack3A_45 = tpu.unpack_subelements %scan3A_36#4, 0 {pack_format = #tpu.pack_format<interleaved>} : vector<32xbf16> -> vector<16xf32>
      %unpack3A_46 = tpu.unpack_subelements %scan3A_36#4, 1 {pack_format = #tpu.pack_format<interleaved>} : vector<32xbf16> -> vector<16xf32>
      %unpack3A_47 = tpu.unpack_subelements %scan3A_36#5, 0 {pack_format = #tpu.pack_format<interleaved>} : vector<32xbf16> -> vector<16xf32>
      %unpack3A_48 = tpu.unpack_subelements %scan3A_36#5, 1 {pack_format = #tpu.pack_format<interleaved>} : vector<32xbf16> -> vector<16xf32>
      %unpack3A_49 = tpu.unpack_subelements %scan3A_36#6, 0 {pack_format = #tpu.pack_format<interleaved>} : vector<32xbf16> -> vector<16xf32>
      %unpack3A_50 = tpu.unpack_subelements %scan3A_36#6, 1 {pack_format = #tpu.pack_format<interleaved>} : vector<32xbf16> -> vector<16xf32>
      %unpack3A_51 = tpu.unpack_subelements %scan3A_36#7, 0 {pack_format = #tpu.pack_format<interleaved>} : vector<32xbf16> -> vector<16xf32>
      %unpack3A_52 = tpu.unpack_subelements %scan3A_36#7, 1 {pack_format = #tpu.pack_format<interleaved>} : vector<32xbf16> -> vector<16xf32>
      %get3A = arith.constant 256 : index
      %get3A_53 = tpu.vector_load %arg9[%get3A] {strides = array<i32>} : memref<304xf32, #tpu.memory_space<vmem>>, vector<16xf32>,
      %get3A_54 = arith.constant 272 : index
      %get3A_55 = tpu.vector_load %arg9[%get3A_54] {strides = array<i32>} : memref<304xf32, #tpu.memory_space<vmem>>, vector<16xf32>,
      %get3A_56 = arith.constant 288 : index
      %get3A_57 = tpu.vector_load %arg9[%get3A_56] {strides = array<i32>} : memref<304xf32, #tpu.memory_space<vmem>>, vector<16xf32>,
      %get3A_58 = arith.constant 0 : index
      %get3A_59 = tpu.vector_load %arg9[%get3A_58] {strides = array<i32>} : memref<304xf32, #tpu.memory_space<vmem>>, vector<16xf32>,
      %slice3A = vector.extract_strided_slice %get3A_59 {offsets = [0], sizes = [1], strides = [1]} : vector<16xf32> to vector<1xf32>
      %squeeze3A = vector.extract %slice3A[0] : f32 from vector<1xf32>
      %mul3A_60 = vector.broadcast %squeeze3A : f32 to vector<16xf32>
      %mul3A_61 = arith.mulf %unpack3A, %mul3A_60 : vector<16xf32>
      %slice3A_62 = vector.extract_strided_slice %get3A_59 {offsets = [1], sizes = [1], strides = [1]} : vector<16xf32> to vector<1xf32>
      %squeeze3A_63 = vector.extract %slice3A_62[0] : f32 from vector<1xf32>
      %mul3A_64 = vector.broadcast %squeeze3A_63 : f32 to vector<16xf32>
      %mul3A_65 = arith.mulf %unpack3A_38, %mul3A_64 : vector<16xf32>
      %add3A_66 = arith.addf %mul3A_61, %mul3A_65 : vector<16xf32>
      %slice3A_67 = vector.extract_strided_slice %get3A_59 {offsets = [2], sizes = [1], strides = [1]} : vector<16xf32> to vector<1xf32>
      %squeeze3A_68 = vector.extract %slice3A_67[0] : f32 from vector<1xf32>
      %mul3A_69 = vector.broadcast %squeeze3A_68 : f32 to vector<16xf32>
      %mul3A_70 = arith.mulf %unpack3A_39, %mul3A_69 : vector<16xf32>
      %add3A_71 = arith.addf %add3A_66, %mul3A_70 : vector<16xf32>
      %slice3A_72 = vector.extract_strided_slice %get3A_59 {offsets = [3], sizes = [1], strides = [1]} : vector<16xf32> to vector<1xf32>
      %squeeze3A_73 = vector.extract %slice3A_72[0] : f32 from vector<1xf32>
      %mul3A_74 = vector.broadcast %squeeze3A_73 : f32 to vector<16xf32>
      %mul3A_75 = arith.mulf %unpack3A_40, %mul3A_74 : vector<16xf32>
      %add3A_76 = arith.addf %add3A_71, %mul3A_75 : vector<16xf32>
      %slice3A_77 = vector.extract_strided_slice %get3A_59 {offsets = [4], sizes = [1], strides = [1]} : vector<16xf32> to vector<1xf32>
      %squeeze3A_78 = vector.extract %slice3A_77[0] : f32 from vector<1xf32>
      %mul3A_79 = vector.broadcast %squeeze3A_78 : f32 to vector<16xf32>
      %mul3A_80 = arith.mulf %unpack3A_41, %mul3A_79 : vector<16xf32>
      %add3A_81 = arith.addf %add3A_76, %mul3A_80 : vector<16xf32>
      %slice3A_82 = vector.extract_strided_slice %get3A_59 {offsets = [5], sizes = [1], strides = [1]} : vector<16xf32> to vector<1xf32>
      %squeeze3A_83 = vector.extract %slice3A_82[0] : f32 from vector<1xf32>
      %mul3A_84 = vector.broadcast %squeeze3A_83 : f32 to vector<16xf32>
      %mul3A_85 = arith.mulf %unpack3A_42, %mul3A_84 : vector<16xf32>
      %add3A_86 = arith.addf %add3A_81, %mul3A_85 : vector<16xf32>
      %slice3A_87 = vector.extract_strided_slice %get3A_59 {offsets = [6], sizes = [1], strides = [1]} : vector<16xf32> to vector<1xf32>
      %squeeze3A_88 = vector.extract %slice3A_87[0] : f32 from vector<1xf32>
      %mul3A_89 = vector.broadcast %squeeze3A_88 : f32 to vector<16xf32>
      %mul3A_90 = arith.mulf %unpack3A_43, %mul3A_89 : vector<16xf32>
      %add3A_91 = arith.addf %add3A_86, %mul3A_90 : vector<16xf32>
      %slice3A_92 = vector.extract_strided_slice %get3A_59 {offsets = [7], sizes = [1], strides = [1]} : vector<16xf32> to vector<1xf32>
      %squeeze3A_93 = vector.extract %slice3A_92[0] : f32 from vector<1xf32>
      %mul3A_94 = vector.broadcast %squeeze3A_93 : f32 to vector<16xf32>
      %mul3A_95 = arith.mulf %unpack3A_44, %mul3A_94 : vector<16xf32>
      %add3A_96 = arith.addf %add3A_91, %mul3A_95 : vector<16xf32>
      %slice3A_97 = vector.extract_strided_slice %get3A_59 {offsets = [8], sizes = [1], strides = [1]} : vector<16xf32> to vector<1xf32>
      %squeeze3A_98 = vector.extract %slice3A_97[0] : f32 from vector<1xf32>
      %mul3A_99 = vector.broadcast %squeeze3A_98 : f32 to vector<16xf32>
      %mul3A_100 = arith.mulf %unpack3A_45, %mul3A_99 : vector<16xf32>
      %add3A_101 = arith.addf %add3A_96, %mul3A_100 : vector<16xf32>
      %slice3A_102 = vector.extract_strided_slice %get3A_59 {offsets = [9], sizes = [1], strides = [1]} : vector<16xf32> to vector<1xf32>
      %squeeze3A_103 = vector.extract %slice3A_102[0] : f32 from vector<1xf32>
      %mul3A_104 = vector.broadcast %squeeze3A_103 : f32 to vector<16xf32>
      %mul3A_105 = arith.mulf %unpack3A_46, %mul3A_104 : vector<16xf32>
      %add3A_106 = arith.addf %add3A_101, %mul3A_105 : vector<16xf32>
      %slice3A_107 = vector.extract_strided_slice %get3A_59 {offsets = [10], sizes = [1], strides = [1]} : vector<16xf32> to vector<1xf32>
      %squeeze3A_108 = vector.extract %slice3A_107[0] : f32 from vector<1xf32>
      %mul3A_109 = vector.broadcast %squeeze3A_108 : f32 to vector<16xf32>
      %mul3A_110 = arith.mulf %unpack3A_47, %mul3A_109 : vector<16xf32>
      %add3A_111 = arith.addf %add3A_106, %mul3A_110 : vector<16xf32>
      %slice3A_112 = vector.extract_strided_slice %get3A_59 {offsets = [11], sizes = [1], strides = [1]} : vector<16xf32> to vector<1xf32>
      %squeeze3A_113 = vector.extract %slice3A_112[0] : f32 from vector<1xf32>
      %mul3A_114 = vector.broadcast %squeeze3A_113 : f32 to vector<16xf32>
      %mul3A_115 = arith.mulf %unpack3A_48, %mul3A_114 : vector<16xf32>
      %add3A_116 = arith.addf %add3A_111, %mul3A_115 : vector<16xf32>
      %slice3A_117 = vector.extract_strided_slice %get3A_59 {offsets = [12], sizes = [1], strides = [1]} : vector<16xf32> to vector<1xf32>
      %squeeze3A_118 = vector.extract %slice3A_117[0] : f32 from vector<1xf32>
      %mul3A_119 = vector.broadcast %squeeze3A_118 : f32 to vector<16xf32>
      %mul3A_120 = arith.mulf %unpack3A_49, %mul3A_119 : vector<16xf32>
      %add3A_121 = arith.addf %add3A_116, %mul3A_120 : vector<16xf32>
      %slice3A_122 = vector.extract_strided_slice %get3A_59 {offsets = [13], sizes = [1], strides = [1]} : vector<16xf32> to vector<1xf32>
      %squeeze3A_123 = vector.extract %slice3A_122[0] : f32 from vector<1xf32>
      %mul3A_124 = vector.broadcast %squeeze3A_123 : f32 to vector<16xf32>
      %mul3A_125 = arith.mulf %unpack3A_50, %mul3A_124 : vector<16xf32>
      %add3A_126 = arith.addf %add3A_121, %mul3A_125 : vector<16xf32>
      %slice3A_127 = vector.extract_strided_slice %get3A_59 {offsets = [14], sizes = [1], strides = [1]} : vector<16xf32> to vector<1xf32>
      %squeeze3A_128 = vector.extract %slice3A_127[0] : f32 from vector<1xf32>
      %mul3A_129 = vector.broadcast %squeeze3A_128 : f32 to vector<16xf32>
      %mul3A_130 = arith.mulf %unpack3A_51, %mul3A_129 : vector<16xf32>
      %add3A_131 = arith.addf %add3A_126, %mul3A_130 : vector<16xf32>
      %slice3A_132 = vector.extract_strided_slice %get3A_59 {offsets = [15], sizes = [1], strides = [1]} : vector<16xf32> to vector<1xf32>
      %squeeze3A_133 = vector.extract %slice3A_132[0] : f32 from vector<1xf32>
      %mul3A_134 = vector.broadcast %squeeze3A_133 : f32 to vector<16xf32>
      %mul3A_135 = arith.mulf %unpack3A_52, %mul3A_134 : vector<16xf32>
      %add3A_136 = arith.addf %add3A_131, %mul3A_135 : vector<16xf32>
      %slice3A_137 = vector.extract_strided_slice %get3A_53 {offsets = [0], sizes = [1], strides = [1]} : vector<16xf32> to vector<1xf32>
      %squeeze3A_138 = vector.extract %slice3A_137[0] : f32 from vector<1xf32>
      %add3A_139 = vector.broadcast %squeeze3A_138 : f32 to vector<16xf32>
      %add3A_140 = arith.addf %add3A_136, %add3A_139 : vector<16xf32>
      %max3A = arith.constant 0.000000e+00 : f32
      %max3A_141 = vector.broadcast %max3A : f32 to vector<16xf32>
      %max3A_142 = arith.maximumf %add3A_140, %max3A_141 : vector<16xf32>
      %slice3A_143 = vector.extract_strided_slice %get3A_55 {offsets = [0], sizes = [1], strides = [1]} : vector<16xf32> to vector<1xf32>
      %squeeze3A_144 = vector.extract %slice3A_143[0] : f32 from vector<1xf32>
      %mul3A_145 = vector.broadcast %squeeze3A_144 : f32 to vector<16xf32>
      %mul3A_146 = arith.mulf %max3A_142, %mul3A_145 : vector<16xf32>
      %get3A_147 = arith.constant 16 : index
      %get3A_148 = tpu.vector_load %arg9[%get3A_147] {strides = array<i32>} : memref<304xf32, #tpu.memory_space<vmem>>, vector<16xf32>,
      %slice3A_149 = vector.extract_strided_slice %get3A_148 {offsets = [0], sizes = [1], strides = [1]} : vector<16xf32> to vector<1xf32>
      %squeeze3A_150 = vector.extract %slice3A_149[0] : f32 from vector<1xf32>
      %mul3A_151 = vector.broadcast %squeeze3A_150 : f32 to vector<16xf32>
      %mul3A_152 = arith.mulf %unpack3A, %mul3A_151 : vector<16xf32>
      %slice3A_153 = vector.extract_strided_slice %get3A_148 {offsets = [1], sizes = [1], strides = [1]} : vector<16xf32> to vector<1xf32>
      %squeeze3A_154 = vector.extract %slice3A_153[0] : f32 from vector<1xf32>
      %mul3A_155 = vector.broadcast %squeeze3A_154 : f32 to vector<16xf32>
      %mul3A_156 = arith.mulf %unpack3A_38, %mul3A_155 : vector<16xf32>
      %add3A_157 = arith.addf %mul3A_152, %mul3A_156 : vector<16xf32>
      %slice3A_158 = vector.extract_strided_slice %get3A_148 {offsets = [2], sizes = [1], strides = [1]} : vector<16xf32> to vector<1xf32>
      %squeeze3A_159 = vector.extract %slice3A_158[0] : f32 from vector<1xf32>
      %mul3A_160 = vector.broadcast %squeeze3A_159 : f32 to vector<16xf32>
      %mul3A_161 = arith.mulf %unpack3A_39, %mul3A_160 : vector<16xf32>
      %add3A_162 = arith.addf %add3A_157, %mul3A_161 : vector<16xf32>
      %slice3A_163 = vector.extract_strided_slice %get3A_148 {offsets = [3], sizes = [1], strides = [1]} : vector<16xf32> to vector<1xf32>
      %squeeze3A_164 = vector.extract %slice3A_163[0] : f32 from vector<1xf32>
      %mul3A_165 = vector.broadcast %squeeze3A_164 : f32 to vector<16xf32>
      %mul3A_166 = arith.mulf %unpack3A_40, %mul3A_165 : vector<16xf32>
      %add3A_167 = arith.addf %add3A_162, %mul3A_166 : vector<16xf32>
      %slice3A_168 = vector.extract_strided_slice %get3A_148 {offsets = [4], sizes = [1], strides = [1]} : vector<16xf32> to vector<1xf32>
      %squeeze3A_169 = vector.extract %slice3A_168[0] : f32 from vector<1xf32>
      %mul3A_170 = vector.broadcast %squeeze3A_169 : f32 to vector<16xf32>
      %mul3A_171 = arith.mulf %unpack3A_41, %mul3A_170 : vector<16xf32>
      %add3A_172 = arith.addf %add3A_167, %mul3A_171 : vector<16xf32>
      %slice3A_173 = vector.extract_strided_slice %get3A_148 {offsets = [5], sizes = [1], strides = [1]} : vector<16xf32> to vector<1xf32>
      %squeeze3A_174 = vector.extract %slice3A_173[0] : f32 from vector<1xf32>
      %mul3A_175 = vector.broadcast %squeeze3A_174 : f32 to vector<16xf32>
      %mul3A_176 = arith.mulf %unpack3A_42, %mul3A_175 : vector<16xf32>
      %add3A_177 = arith.addf %add3A_172, %mul3A_176 : vector<16xf32>
      %slice3A_178 = vector.extract_strided_slice %get3A_148 {offsets = [6], sizes = [1], strides = [1]} : vector<16xf32> to vector<1xf32>
      %squeeze3A_179 = vector.extract %slice3A_178[0] : f32 from vector<1xf32>
      %mul3A_180 = vector.broadcast %squeeze3A_179 : f32 to vector<16xf32>
      %mul3A_181 = arith.mulf %unpack3A_43, %mul3A_180 : vector<16xf32>
      %add3A_182 = arith.addf %add3A_177, %mul3A_181 : vector<16xf32>
      %slice3A_183 = vector.extract_strided_slice %get3A_148 {offsets = [7], sizes = [1], strides = [1]} : vector<16xf32> to vector<1xf32>
      %squeeze3A_184 = vector.extract %slice3A_183[0] : f32 from vector<1xf32>
      %mul3A_185 = vector.broadcast %squeeze3A_184 : f32 to vector<16xf32>
      %mul3A_186 = arith.mulf %unpack3A_44, %mul3A_185 : vector<16xf32>
      %add3A_187 = arith.addf %add3A_182, %mul3A_186 : vector<16xf32>
      %slice3A_188 = vector.extract_strided_slice %get3A_148 {offsets = [8], sizes = [1], strides = [1]} : vector<16xf32> to vector<1xf32>
      %squeeze3A_189 = vector.extract %slice3A_188[0] : f32 from vector<1xf32>
      %mul3A_190 = vector.broadcast %squeeze3A_189 : f32 to vector<16xf32>
      %mul3A_191 = arith.mulf %unpack3A_45, %mul3A_190 : vector<16xf32>
      %add3A_192 = arith.addf %add3A_187, %mul3A_191 : vector<16xf32>
      %slice3A_193 = vector.extract_strided_slice %get3A_148 {offsets = [9], sizes = [1], strides = [1]} : vector<16xf32> to vector<1xf32>
      %squeeze3A_194 = vector.extract %slice3A_193[0] : f32 from vector<1xf32>
      %mul3A_195 = vector.broadcast %squeeze3A_194 : f32 to vector<16xf32>
      %mul3A_196 = arith.mulf %unpack3A_46, %mul3A_195 : vector<16xf32>
      %add3A_197 = arith.addf %add3A_192, %mul3A_196 : vector<16xf32>
      %slice3A_198 = vector.extract_strided_slice %get3A_148 {offsets = [10], sizes = [1], strides = [1]} : vector<16xf32> to vector<1xf32>
      %squeeze3A_199 = vector.extract %slice3A_198[0] : f32 from vector<1xf32>
      %mul3A_200 = vector.broadcast %squeeze3A_199 : f32 to vector<16xf32>
      %mul3A_201 = arith.mulf %unpack3A_47, %mul3A_200 : vector<16xf32>
      %add3A_202 = arith.addf %add3A_197, %mul3A_201 : vector<16xf32>
      %slice3A_203 = vector.extract_strided_slice %get3A_148 {offsets = [11], sizes = [1], strides = [1]} : vector<16xf32> to vector<1xf32>
      %squeeze3A_204 = vector.extract %slice3A_203[0] : f32 from vector<1xf32>
      %mul3A_205 = vector.broadcast %squeeze3A_204 : f32 to vector<16xf32>
      %mul3A_206 = arith.mulf %unpack3A_48, %mul3A_205 : vector<16xf32>
      %add3A_207 = arith.addf %add3A_202, %mul3A_206 : vector<16xf32>
      %slice3A_208 = vector.extract_strided_slice %get3A_148 {offsets = [12], sizes = [1], strides = [1]} : vector<16xf32> to vector<1xf32>
      %squeeze3A_209 = vector.extract %slice3A_208[0] : f32 from vector<1xf32>
      %mul3A_210 = vector.broadcast %squeeze3A_209 : f32 to vector<16xf32>
      %mul3A_211 = arith.mulf %unpack3A_49, %mul3A_210 : vector<16xf32>
      %add3A_212 = arith.addf %add3A_207, %mul3A_211 : vector<16xf32>
      %slice3A_213 = vector.extract_strided_slice %get3A_148 {offsets = [13], sizes = [1], strides = [1]} : vector<16xf32> to vector<1xf32>
      %squeeze3A_214 = vector.extract %slice3A_213[0] : f32 from vector<1xf32>
      %mul3A_215 = vector.broadcast %squeeze3A_214 : f32 to vector<16xf32>
      %mul3A_216 = arith.mulf %unpack3A_50, %mul3A_215 : vector<16xf32>
      %add3A_217 = arith.addf %add3A_212, %mul3A_216 : vector<16xf32>
      %slice3A_218 = vector.extract_strided_slice %get3A_148 {offsets = [14], sizes = [1], strides = [1]} : vector<16xf32> to vector<1xf32>
      %squeeze3A_219 = vector.extract %slice3A_218[0] : f32 from vector<1xf32>
      %mul3A_220 = vector.broadcast %squeeze3A_219 : f32 to vector<16xf32>
      %mul3A_221 = arith.mulf %unpack3A_51, %mul3A_220 : vector<16xf32>
      %add3A_222 = arith.addf %add3A_217, %mul3A_221 : vector<16xf32>
      %slice3A_223 = vector.extract_strided_slice %get3A_148 {offsets = [15], sizes = [1], strides = [1]} : vector<16xf32> to vector<1xf32>
      %squeeze3A_224 = vector.extract %slice3A_223[0] : f32 from vector<1xf32>
      %mul3A_225 = vector.broadcast %squeeze3A_224 : f32 to vector<16xf32>
      %mul3A_226 = arith.mulf %unpack3A_52, %mul3A_225 : vector<16xf32>
      %add3A_227 = arith.addf %add3A_222, %mul3A_226 : vector<16xf32>
      %slice3A_228 = vector.extract_strided_slice %get3A_53 {offsets = [1], sizes = [1], strides = [1]} : vector<16xf32> to vector<1xf32>
      %squeeze3A_229 = vector.extract %slice3A_228[0] : f32 from vector<1xf32>
      %add3A_230 = vector.broadcast %squeeze3A_229 : f32 to vector<16xf32>
      %add3A_231 = arith.addf %add3A_227, %add3A_230 : vector<16xf32>
      %max3A_232 = arith.constant 0.000000e+00 : f32
      %max3A_233 = vector.broadcast %max3A_232 : f32 to vector<16xf32>
      %max3A_234 = arith.maximumf %add3A_231, %max3A_233 : vector<16xf32>
      %slice3A_235 = vector.extract_strided_slice %get3A_55 {offsets = [1], sizes = [1], strides = [1]} : vector<16xf32> to vector<1xf32>
      %squeeze3A_236 = vector.extract %slice3A_235[0] : f32 from vector<1xf32>
      %mul3A_237 = vector.broadcast %squeeze3A_236 : f32 to vector<16xf32>
      %mul3A_238 = arith.mulf %max3A_234, %mul3A_237 : vector<16xf32>
      %add3A_239 = arith.addf %mul3A_146, %mul3A_238 : vector<16xf32>
      %get3A_240 = arith.constant 32 : index
      %get3A_241 = tpu.vector_load %arg9[%get3A_240] {strides = array<i32>} : memref<304xf32, #tpu.memory_space<vmem>>, vector<16xf32>,
      %slice3A_242 = vector.extract_strided_slice %get3A_241 {offsets = [0], sizes = [1], strides = [1]} : vector<16xf32> to vector<1xf32>
      %squeeze3A_243 = vector.extract %slice3A_242[0] : f32 from vector<1xf32>
      %mul3A_244 = vector.broadcast %squeeze3A_243 : f32 to vector<16xf32>
      %mul3A_245 = arith.mulf %unpack3A, %mul3A_244 : vector<16xf32>
      %slice3A_246 = vector.extract_strided_slice %get3A_241 {offsets = [1], sizes = [1], strides = [1]} : vector<16xf32> to vector<1xf32>
      %squeeze3A_247 = vector.extract %slice3A_246[0] : f32 from vector<1xf32>
      %mul3A_248 = vector.broadcast %squeeze3A_247 : f32 to vector<16xf32>
      %mul3A_249 = arith.mulf %unpack3A_38, %mul3A_248 : vector<16xf32>
      %add3A_250 = arith.addf %mul3A_245, %mul3A_249 : vector<16xf32>
      %slice3A_251 = vector.extract_strided_slice %get3A_241 {offsets = [2], sizes = [1], strides = [1]} : vector<16xf32> to vector<1xf32>
      %squeeze3A_252 = vector.extract %slice3A_251[0] : f32 from vector<1xf32>
      %mul3A_253 = vector.broadcast %squeeze3A_252 : f32 to vector<16xf32>
      %mul3A_254 = arith.mulf %unpack3A_39, %mul3A_253 : vector<16xf32>
      %add3A_255 = arith.addf %add3A_250, %mul3A_254 : vector<16xf32>
      %slice3A_256 = vector.extract_strided_slice %get3A_241 {offsets = [3], sizes = [1], strides = [1]} : vector<16xf32> to vector<1xf32>
      %squeeze3A_257 = vector.extract %slice3A_256[0] : f32 from vector<1xf32>
      %mul3A_258 = vector.broadcast %squeeze3A_257 : f32 to vector<16xf32>
      %mul3A_259 = arith.mulf %unpack3A_40, %mul3A_258 : vector<16xf32>
      %add3A_260 = arith.addf %add3A_255, %mul3A_259 : vector<16xf32>
      %slice3A_261 = vector.extract_strided_slice %get3A_241 {offsets = [4], sizes = [1], strides = [1]} : vector<16xf32> to vector<1xf32>
      %squeeze3A_262 = vector.extract %slice3A_261[0] : f32 from vector<1xf32>
      %mul3A_263 = vector.broadcast %squeeze3A_262 : f32 to vector<16xf32>
      %mul3A_264 = arith.mulf %unpack3A_41, %mul3A_263 : vector<16xf32>
      %add3A_265 = arith.addf %add3A_260, %mul3A_264 : vector<16xf32>
      %slice3A_266 = vector.extract_strided_slice %get3A_241 {offsets = [5], sizes = [1], strides = [1]} : vector<16xf32> to vector<1xf32>
      %squeeze3A_267 = vector.extract %slice3A_266[0] : f32 from vector<1xf32>
      %mul3A_268 = vector.broadcast %squeeze3A_267 : f32 to vector<16xf32>
      %mul3A_269 = arith.mulf %unpack3A_42, %mul3A_268 : vector<16xf32>
      %add3A_270 = arith.addf %add3A_265, %mul3A_269 : vector<16xf32>
      %slice3A_271 = vector.extract_strided_slice %get3A_241 {offsets = [6], sizes = [1], strides = [1]} : vector<16xf32> to vector<1xf32>
      %squeeze3A_272 = vector.extract %slice3A_271[0] : f32 from vector<1xf32>
      %mul3A_273 = vector.broadcast %squeeze3A_272 : f32 to vector<16xf32>
      %mul3A_274 = arith.mulf %unpack3A_43, %mul3A_273 : vector<16xf32>
      %add3A_275 = arith.addf %add3A_270, %mul3A_274 : vector<16xf32>
      %slice3A_276 = vector.extract_strided_slice %get3A_241 {offsets = [7], sizes = [1], strides = [1]} : vector<16xf32> to vector<1xf32>
      %squeeze3A_277 = vector.extract %slice3A_276[0] : f32 from vector<1xf32>
      %mul3A_278 = vector.broadcast %squeeze3A_277 : f32 to vector<16xf32>
      %mul3A_279 = arith.mulf %unpack3A_44, %mul3A_278 : vector<16xf32>
      %add3A_280 = arith.addf %add3A_275, %mul3A_279 : vector<16xf32>
      %slice3A_281 = vector.extract_strided_slice %get3A_241 {offsets = [8], sizes = [1], strides = [1]} : vector<16xf32> to vector<1xf32>
      %squeeze3A_282 = vector.extract %slice3A_281[0] : f32 from vector<1xf32>
      %mul3A_283 = vector.broadcast %squeeze3A_282 : f32 to vector<16xf32>
      %mul3A_284 = arith.mulf %unpack3A_45, %mul3A_283 : vector<16xf32>
      %add3A_285 = arith.addf %add3A_280, %mul3A_284 : vector<16xf32>
      %slice3A_286 = vector.extract_strided_slice %get3A_241 {offsets = [9], sizes = [1], strides = [1]} : vector<16xf32> to vector<1xf32>
      %squeeze3A_287 = vector.extract %slice3A_286[0] : f32 from vector<1xf32>
      %mul3A_288 = vector.broadcast %squeeze3A_287 : f32 to vector<16xf32>
      %mul3A_289 = arith.mulf %unpack3A_46, %mul3A_288 : vector<16xf32>
      %add3A_290 = arith.addf %add3A_285, %mul3A_289 : vector<16xf32>
      %slice3A_291 = vector.extract_strided_slice %get3A_241 {offsets = [10], sizes = [1], strides = [1]} : vector<16xf32> to vector<1xf32>
      %squeeze3A_292 = vector.extract %slice3A_291[0] : f32 from vector<1xf32>
      %mul3A_293 = vector.broadcast %squeeze3A_292 : f32 to vector<16xf32>
      %mul3A_294 = arith.mulf %unpack3A_47, %mul3A_293 : vector<16xf32>
      %add3A_295 = arith.addf %add3A_290, %mul3A_294 : vector<16xf32>
      %slice3A_296 = vector.extract_strided_slice %get3A_241 {offsets = [11], sizes = [1], strides = [1]} : vector<16xf32> to vector<1xf32>
      %squeeze3A_297 = vector.extract %slice3A_296[0] : f32 from vector<1xf32>
      %mul3A_298 = vector.broadcast %squeeze3A_297 : f32 to vector<16xf32>
      %mul3A_299 = arith.mulf %unpack3A_48, %mul3A_298 : vector<16xf32>
      %add3A_300 = arith.addf %add3A_295, %mul3A_299 : vector<16xf32>
      %slice3A_301 = vector.extract_strided_slice %get3A_241 {offsets = [12], sizes = [1], strides = [1]} : vector<16xf32> to vector<1xf32>
      %squeeze3A_302 = vector.extract %slice3A_301[0] : f32 from vector<1xf32>
      %mul3A_303 = vector.broadcast %squeeze3A_302 : f32 to vector<16xf32>
      %mul3A_304 = arith.mulf %unpack3A_49, %mul3A_303 : vector<16xf32>
      %add3A_305 = arith.addf %add3A_300, %mul3A_304 : vector<16xf32>
      %slice3A_306 = vector.extract_strided_slice %get3A_241 {offsets = [13], sizes = [1], strides = [1]} : vector<16xf32> to vector<1xf32>
      %squeeze3A_307 = vector.extract %slice3A_306[0] : f32 from vector<1xf32>
      %mul3A_308 = vector.broadcast %squeeze3A_307 : f32 to vector<16xf32>
      %mul3A_309 = arith.mulf %unpack3A_50, %mul3A_308 : vector<16xf32>
      %add3A_310 = arith.addf %add3A_305, %mul3A_309 : vector<16xf32>
      %slice3A_311 = vector.extract_strided_slice %get3A_241 {offsets = [14], sizes = [1], strides = [1]} : vector<16xf32> to vector<1xf32>
      %squeeze3A_312 = vector.extract %slice3A_311[0] : f32 from vector<1xf32>
      %mul3A_313 = vector.broadcast %squeeze3A_312 : f32 to vector<16xf32>
      %mul3A_314 = arith.mulf %unpack3A_51, %mul3A_313 : vector<16xf32>
      %add3A_315 = arith.addf %add3A_310, %mul3A_314 : vector<16xf32>
      %slice3A_316 = vector.extract_strided_slice %get3A_241 {offsets = [15], sizes = [1], strides = [1]} : vector<16xf32> to vector<1xf32>
      %squeeze3A_317 = vector.extract %slice3A_316[0] : f32 from vector<1xf32>
      %mul3A_318 = vector.broadcast %squeeze3A_317 : f32 to vector<16xf32>
      %mul3A_319 = arith.mulf %unpack3A_52, %mul3A_318 : vector<16xf32>
      %add3A_320 = arith.addf %add3A_315, %mul3A_319 : vector<16xf32>
      %slice3A_321 = vector.extract_strided_slice %get3A_53 {offsets = [2], sizes = [1], strides = [1]} : vector<16xf32> to vector<1xf32>
      %squeeze3A_322 = vector.extract %slice3A_321[0] : f32 from vector<1xf32>
      %add3A_323 = vector.broadcast %squeeze3A_322 : f32 to vector<16xf32>
      %add3A_324 = arith.addf %add3A_320, %add3A_323 : vector<16xf32>
      %max3A_325 = arith.constant 0.000000e+00 : f32
      %max3A_326 = vector.broadcast %max3A_325 : f32 to vector<16xf32>
      %max3A_327 = arith.maximumf %add3A_324, %max3A_326 : vector<16xf32>
      %slice3A_328 = vector.extract_strided_slice %get3A_55 {offsets = [2], sizes = [1], strides = [1]} : vector<16xf32> to vector<1xf32>
      %squeeze3A_329 = vector.extract %slice3A_328[0] : f32 from vector<1xf32>
      %mul3A_330 = vector.broadcast %squeeze3A_329 : f32 to vector<16xf32>
      %mul3A_331 = arith.mulf %max3A_327, %mul3A_330 : vector<16xf32>
      %add3A_332 = arith.addf %add3A_239, %mul3A_331 : vector<16xf32>
      %get3A_333 = arith.constant 48 : index
      %get3A_334 = tpu.vector_load %arg9[%get3A_333] {strides = array<i32>} : memref<304xf32, #tpu.memory_space<vmem>>, vector<16xf32>,
      %slice3A_335 = vector.extract_strided_slice %get3A_334 {offsets = [0], sizes = [1], strides = [1]} : vector<16xf32> to vector<1xf32>
      %squeeze3A_336 = vector.extract %slice3A_335[0] : f32 from vector<1xf32>
      %mul3A_337 = vector.broadcast %squeeze3A_336 : f32 to vector<16xf32>
      %mul3A_338 = arith.mulf %unpack3A, %mul3A_337 : vector<16xf32>
      %slice3A_339 = vector.extract_strided_slice %get3A_334 {offsets = [1], sizes = [1], strides = [1]} : vector<16xf32> to vector<1xf32>
      %squeeze3A_340 = vector.extract %slice3A_339[0] : f32 from vector<1xf32>
      %mul3A_341 = vector.broadcast %squeeze3A_340 : f32 to vector<16xf32>
      %mul3A_342 = arith.mulf %unpack3A_38, %mul3A_341 : vector<16xf32>
      %add3A_343 = arith.addf %mul3A_338, %mul3A_342 : vector<16xf32>
      %slice3A_344 = vector.extract_strided_slice %get3A_334 {offsets = [2], sizes = [1], strides = [1]} : vector<16xf32> to vector<1xf32>
      %squeeze3A_345 = vector.extract %slice3A_344[0] : f32 from vector<1xf32>
      %mul3A_346 = vector.broadcast %squeeze3A_345 : f32 to vector<16xf32>
      %mul3A_347 = arith.mulf %unpack3A_39, %mul3A_346 : vector<16xf32>
      %add3A_348 = arith.addf %add3A_343, %mul3A_347 : vector<16xf32>
      %slice3A_349 = vector.extract_strided_slice %get3A_334 {offsets = [3], sizes = [1], strides = [1]} : vector<16xf32> to vector<1xf32>
      %squeeze3A_350 = vector.extract %slice3A_349[0] : f32 from vector<1xf32>
      %mul3A_351 = vector.broadcast %squeeze3A_350 : f32 to vector<16xf32>
      %mul3A_352 = arith.mulf %unpack3A_40, %mul3A_351 : vector<16xf32>
      %add3A_353 = arith.addf %add3A_348, %mul3A_352 : vector<16xf32>
      %slice3A_354 = vector.extract_strided_slice %get3A_334 {offsets = [4], sizes = [1], strides = [1]} : vector<16xf32> to vector<1xf32>
      %squeeze3A_355 = vector.extract %slice3A_354[0] : f32 from vector<1xf32>
      %mul3A_356 = vector.broadcast %squeeze3A_355 : f32 to vector<16xf32>
      %mul3A_357 = arith.mulf %unpack3A_41, %mul3A_356 : vector<16xf32>
      %add3A_358 = arith.addf %add3A_353, %mul3A_357 : vector<16xf32>
      %slice3A_359 = vector.extract_strided_slice %get3A_334 {offsets = [5], sizes = [1], strides = [1]} : vector<16xf32> to vector<1xf32>
      %squeeze3A_360 = vector.extract %slice3A_359[0] : f32 from vector<1xf32>
      %mul3A_361 = vector.broadcast %squeeze3A_360 : f32 to vector<16xf32>
      %mul3A_362 = arith.mulf %unpack3A_42, %mul3A_361 : vector<16xf32>
      %add3A_363 = arith.addf %add3A_358, %mul3A_362 : vector<16xf32>
      %slice3A_364 = vector.extract_strided_slice %get3A_334 {offsets = [6], sizes = [1], strides = [1]} : vector<16xf32> to vector<1xf32>
      %squeeze3A_365 = vector.extract %slice3A_364[0] : f32 from vector<1xf32>
      %mul3A_366 = vector.broadcast %squeeze3A_365 : f32 to vector<16xf32>
      %mul3A_367 = arith.mulf %unpack3A_43, %mul3A_366 : vector<16xf32>
      %add3A_368 = arith.addf %add3A_363, %mul3A_367 : vector<16xf32>
      %slice3A_369 = vector.extract_strided_slice %get3A_334 {offsets = [7], sizes = [1], strides = [1]} : vector<16xf32> to vector<1xf32>
      %squeeze3A_370 = vector.extract %slice3A_369[0] : f32 from vector<1xf32>
      %mul3A_371 = vector.broadcast %squeeze3A_370 : f32 to vector<16xf32>
      %mul3A_372 = arith.mulf %unpack3A_44, %mul3A_371 : vector<16xf32>
      %add3A_373 = arith.addf %add3A_368, %mul3A_372 : vector<16xf32>
      %slice3A_374 = vector.extract_strided_slice %get3A_334 {offsets = [8], sizes = [1], strides = [1]} : vector<16xf32> to vector<1xf32>
      %squeeze3A_375 = vector.extract %slice3A_374[0] : f32 from vector<1xf32>
      %mul3A_376 = vector.broadcast %squeeze3A_375 : f32 to vector<16xf32>
      %mul3A_377 = arith.mulf %unpack3A_45, %mul3A_376 : vector<16xf32>
      %add3A_378 = arith.addf %add3A_373, %mul3A_377 : vector<16xf32>
      %slice3A_379 = vector.extract_strided_slice %get3A_334 {offsets = [9], sizes = [1], strides = [1]} : vector<16xf32> to vector<1xf32>
      %squeeze3A_380 = vector.extract %slice3A_379[0] : f32 from vector<1xf32>
      %mul3A_381 = vector.broadcast %squeeze3A_380 : f32 to vector<16xf32>
      %mul3A_382 = arith.mulf %unpack3A_46, %mul3A_381 : vector<16xf32>
      %add3A_383 = arith.addf %add3A_378, %mul3A_382 : vector<16xf32>
      %slice3A_384 = vector.extract_strided_slice %get3A_334 {offsets = [10], sizes = [1], strides = [1]} : vector<16xf32> to vector<1xf32>
      %squeeze3A_385 = vector.extract %slice3A_384[0] : f32 from vector<1xf32>
      %mul3A_386 = vector.broadcast %squeeze3A_385 : f32 to vector<16xf32>
      %mul3A_387 = arith.mulf %unpack3A_47, %mul3A_386 : vector<16xf32>
      %add3A_388 = arith.addf %add3A_383, %mul3A_387 : vector<16xf32>
      %slice3A_389 = vector.extract_strided_slice %get3A_334 {offsets = [11], sizes = [1], strides = [1]} : vector<16xf32> to vector<1xf32>
      %squeeze3A_390 = vector.extract %slice3A_389[0] : f32 from vector<1xf32>
      %mul3A_391 = vector.broadcast %squeeze3A_390 : f32 to vector<16xf32>
      %mul3A_392 = arith.mulf %unpack3A_48, %mul3A_391 : vector<16xf32>
      %add3A_393 = arith.addf %add3A_388, %mul3A_392 : vector<16xf32>
      %slice3A_394 = vector.extract_strided_slice %get3A_334 {offsets = [12], sizes = [1], strides = [1]} : vector<16xf32> to vector<1xf32>
      %squeeze3A_395 = vector.extract %slice3A_394[0] : f32 from vector<1xf32>
      %mul3A_396 = vector.broadcast %squeeze3A_395 : f32 to vector<16xf32>
      %mul3A_397 = arith.mulf %unpack3A_49, %mul3A_396 : vector<16xf32>
      %add3A_398 = arith.addf %add3A_393, %mul3A_397 : vector<16xf32>
      %slice3A_399 = vector.extract_strided_slice %get3A_334 {offsets = [13], sizes = [1], strides = [1]} : vector<16xf32> to vector<1xf32>
      %squeeze3A_400 = vector.extract %slice3A_399[0] : f32 from vector<1xf32>
      %mul3A_401 = vector.broadcast %squeeze3A_400 : f32 to vector<16xf32>
      %mul3A_402 = arith.mulf %unpack3A_50, %mul3A_401 : vector<16xf32>
      %add3A_403 = arith.addf %add3A_398, %mul3A_402 : vector<16xf32>
      %slice3A_404 = vector.extract_strided_slice %get3A_334 {offsets = [14], sizes = [1], strides = [1]} : vector<16xf32> to vector<1xf32>
      %squeeze3A_405 = vector.extract %slice3A_404[0] : f32 from vector<1xf32>
      %mul3A_406 = vector.broadcast %squeeze3A_405 : f32 to vector<16xf32>
      %mul3A_407 = arith.mulf %unpack3A_51, %mul3A_406 : vector<16xf32>
      %add3A_408 = arith.addf %add3A_403, %mul3A_407 : vector<16xf32>
      %slice3A_409 = vector.extract_strided_slice %get3A_334 {offsets = [15], sizes = [1], strides = [1]} : vector<16xf32> to vector<1xf32>
      %squeeze3A_410 = vector.extract %slice3A_409[0] : f32 from vector<1xf32>
      %mul3A_411 = vector.broadcast %squeeze3A_410 : f32 to vector<16xf32>
      %mul3A_412 = arith.mulf %unpack3A_52, %mul3A_411 : vector<16xf32>
      %add3A_413 = arith.addf %add3A_408, %mul3A_412 : vector<16xf32>
      %slice3A_414 = vector.extract_strided_slice %get3A_53 {offsets = [3], sizes = [1], strides = [1]} : vector<16xf32> to vector<1xf32>
      %squeeze3A_415 = vector.extract %slice3A_414[0] : f32 from vector<1xf32>
      %add3A_416 = vector.broadcast %squeeze3A_415 : f32 to vector<16xf32>
      %add3A_417 = arith.addf %add3A_413, %add3A_416 : vector<16xf32>
      %max3A_418 = arith.constant 0.000000e+00 : f32
      %max3A_419 = vector.broadcast %max3A_418 : f32 to vector<16xf32>
      %max3A_420 = arith.maximumf %add3A_417, %max3A_419 : vector<16xf32>
      %slice3A_421 = vector.extract_strided_slice %get3A_55 {offsets = [3], sizes = [1], strides = [1]} : vector<16xf32> to vector<1xf32>
      %squeeze3A_422 = vector.extract %slice3A_421[0] : f32 from vector<1xf32>
      %mul3A_423 = vector.broadcast %squeeze3A_422 : f32 to vector<16xf32>
      %mul3A_424 = arith.mulf %max3A_420, %mul3A_423 : vector<16xf32>
      %add3A_425 = arith.addf %add3A_332, %mul3A_424 : vector<16xf32>
      %get3A_426 = arith.constant 64 : index
      %get3A_427 = tpu.vector_load %arg9[%get3A_426] {strides = array<i32>} : memref<304xf32, #tpu.memory_space<vmem>>, vector<16xf32>,
      %slice3A_428 = vector.extract_strided_slice %get3A_427 {offsets = [0], sizes = [1], strides = [1]} : vector<16xf32> to vector<1xf32>
      %squeeze3A_429 = vector.extract %slice3A_428[0] : f32 from vector<1xf32>
      %mul3A_430 = vector.broadcast %squeeze3A_429 : f32 to vector<16xf32>
      %mul3A_431 = arith.mulf %unpack3A, %mul3A_430 : vector<16xf32>
      %slice3A_432 = vector.extract_strided_slice %get3A_427 {offsets = [1], sizes = [1], strides = [1]} : vector<16xf32> to vector<1xf32>
      %squeeze3A_433 = vector.extract %slice3A_432[0] : f32 from vector<1xf32>
      %mul3A_434 = vector.broadcast %squeeze3A_433 : f32 to vector<16xf32>
      %mul3A_435 = arith.mulf %unpack3A_38, %mul3A_434 : vector<16xf32>
      %add3A_436 = arith.addf %mul3A_431, %mul3A_435 : vector<16xf32>
      %slice3A_437 = vector.extract_strided_slice %get3A_427 {offsets = [2], sizes = [1], strides = [1]} : vector<16xf32> to vector<1xf32>
      %squeeze3A_438 = vector.extract %slice3A_437[0] : f32 from vector<1xf32>
      %mul3A_439 = vector.broadcast %squeeze3A_438 : f32 to vector<16xf32>
      %mul3A_440 = arith.mulf %unpack3A_39, %mul3A_439 : vector<16xf32>
      %add3A_441 = arith.addf %add3A_436, %mul3A_440 : vector<16xf32>
      %slice3A_442 = vector.extract_strided_slice %get3A_427 {offsets = [3], sizes = [1], strides = [1]} : vector<16xf32> to vector<1xf32>
      %squeeze3A_443 = vector.extract %slice3A_442[0] : f32 from vector<1xf32>
      %mul3A_444 = vector.broadcast %squeeze3A_443 : f32 to vector<16xf32>
      %mul3A_445 = arith.mulf %unpack3A_40, %mul3A_444 : vector<16xf32>
      %add3A_446 = arith.addf %add3A_441, %mul3A_445 : vector<16xf32>
      %slice3A_447 = vector.extract_strided_slice %get3A_427 {offsets = [4], sizes = [1], strides = [1]} : vector<16xf32> to vector<1xf32>
      %squeeze3A_448 = vector.extract %slice3A_447[0] : f32 from vector<1xf32>
      %mul3A_449 = vector.broadcast %squeeze3A_448 : f32 to vector<16xf32>
      %mul3A_450 = arith.mulf %unpack3A_41, %mul3A_449 : vector<16xf32>
      %add3A_451 = arith.addf %add3A_446, %mul3A_450 : vector<16xf32>
      %slice3A_452 = vector.extract_strided_slice %get3A_427 {offsets = [5], sizes = [1], strides = [1]} : vector<16xf32> to vector<1xf32>
      %squeeze3A_453 = vector.extract %slice3A_452[0] : f32 from vector<1xf32>
      %mul3A_454 = vector.broadcast %squeeze3A_453 : f32 to vector<16xf32>
      %mul3A_455 = arith.mulf %unpack3A_42, %mul3A_454 : vector<16xf32>
      %add3A_456 = arith.addf %add3A_451, %mul3A_455 : vector<16xf32>
      %slice3A_457 = vector.extract_strided_slice %get3A_427 {offsets = [6], sizes = [1], strides = [1]} : vector<16xf32> to vector<1xf32>
      %squeeze3A_458 = vector.extract %slice3A_457[0] : f32 from vector<1xf32>
      %mul3A_459 = vector.broadcast %squeeze3A_458 : f32 to vector<16xf32>
      %mul3A_460 = arith.mulf %unpack3A_43, %mul3A_459 : vector<16xf32>
      %add3A_461 = arith.addf %add3A_456, %mul3A_460 : vector<16xf32>
      %slice3A_462 = vector.extract_strided_slice %get3A_427 {offsets = [7], sizes = [1], strides = [1]} : vector<16xf32> to vector<1xf32>
      %squeeze3A_463 = vector.extract %slice3A_462[0] : f32 from vector<1xf32>
      %mul3A_464 = vector.broadcast %squeeze3A_463 : f32 to vector<16xf32>
      %mul3A_465 = arith.mulf %unpack3A_44, %mul3A_464 : vector<16xf32>
      %add3A_466 = arith.addf %add3A_461, %mul3A_465 : vector<16xf32>
      %slice3A_467 = vector.extract_strided_slice %get3A_427 {offsets = [8], sizes = [1], strides = [1]} : vector<16xf32> to vector<1xf32>
      %squeeze3A_468 = vector.extract %slice3A_467[0] : f32 from vector<1xf32>
      %mul3A_469 = vector.broadcast %squeeze3A_468 : f32 to vector<16xf32>
      %mul3A_470 = arith.mulf %unpack3A_45, %mul3A_469 : vector<16xf32>
      %add3A_471 = arith.addf %add3A_466, %mul3A_470 : vector<16xf32>
      %slice3A_472 = vector.extract_strided_slice %get3A_427 {offsets = [9], sizes = [1], strides = [1]} : vector<16xf32> to vector<1xf32>
      %squeeze3A_473 = vector.extract %slice3A_472[0] : f32 from vector<1xf32>
      %mul3A_474 = vector.broadcast %squeeze3A_473 : f32 to vector<16xf32>
      %mul3A_475 = arith.mulf %unpack3A_46, %mul3A_474 : vector<16xf32>
      %add3A_476 = arith.addf %add3A_471, %mul3A_475 : vector<16xf32>
      %slice3A_477 = vector.extract_strided_slice %get3A_427 {offsets = [10], sizes = [1], strides = [1]} : vector<16xf32> to vector<1xf32>
      %squeeze3A_478 = vector.extract %slice3A_477[0] : f32 from vector<1xf32>
      %mul3A_479 = vector.broadcast %squeeze3A_478 : f32 to vector<16xf32>
      %mul3A_480 = arith.mulf %unpack3A_47, %mul3A_479 : vector<16xf32>
      %add3A_481 = arith.addf %add3A_476, %mul3A_480 : vector<16xf32>
      %slice3A_482 = vector.extract_strided_slice %get3A_427 {offsets = [11], sizes = [1], strides = [1]} : vector<16xf32> to vector<1xf32>
      %squeeze3A_483 = vector.extract %slice3A_482[0] : f32 from vector<1xf32>
      %mul3A_484 = vector.broadcast %squeeze3A_483 : f32 to vector<16xf32>
      %mul3A_485 = arith.mulf %unpack3A_48, %mul3A_484 : vector<16xf32>
      %add3A_486 = arith.addf %add3A_481, %mul3A_485 : vector<16xf32>
      %slice3A_487 = vector.extract_strided_slice %get3A_427 {offsets = [12], sizes = [1], strides = [1]} : vector<16xf32> to vector<1xf32>
      %squeeze3A_488 = vector.extract %slice3A_487[0] : f32 from vector<1xf32>
      %mul3A_489 = vector.broadcast %squeeze3A_488 : f32 to vector<16xf32>
      %mul3A_490 = arith.mulf %unpack3A_49, %mul3A_489 : vector<16xf32>
      %add3A_491 = arith.addf %add3A_486, %mul3A_490 : vector<16xf32>
      %slice3A_492 = vector.extract_strided_slice %get3A_427 {offsets = [13], sizes = [1], strides = [1]} : vector<16xf32> to vector<1xf32>
      %squeeze3A_493 = vector.extract %slice3A_492[0] : f32 from vector<1xf32>
      %mul3A_494 = vector.broadcast %squeeze3A_493 : f32 to vector<16xf32>
      %mul3A_495 = arith.mulf %unpack3A_50, %mul3A_494 : vector<16xf32>
      %add3A_496 = arith.addf %add3A_491, %mul3A_495 : vector<16xf32>
      %slice3A_497 = vector.extract_strided_slice %get3A_427 {offsets = [14], sizes = [1], strides = [1]} : vector<16xf32> to vector<1xf32>
      %squeeze3A_498 = vector.extract %slice3A_497[0] : f32 from vector<1xf32>
      %mul3A_499 = vector.broadcast %squeeze3A_498 : f32 to vector<16xf32>
      %mul3A_500 = arith.mulf %unpack3A_51, %mul3A_499 : vector<16xf32>
      %add3A_501 = arith.addf %add3A_496, %mul3A_500 : vector<16xf32>
      %slice3A_502 = vector.extract_strided_slice %get3A_427 {offsets = [15], sizes = [1], strides = [1]} : vector<16xf32> to vector<1xf32>
      %squeeze3A_503 = vector.extract %slice3A_502[0] : f32 from vector<1xf32>
      %mul3A_504 = vector.broadcast %squeeze3A_503 : f32 to vector<16xf32>
      %mul3A_505 = arith.mulf %unpack3A_52, %mul3A_504 : vector<16xf32>
      %add3A_506 = arith.addf %add3A_501, %mul3A_505 : vector<16xf32>
      %slice3A_507 = vector.extract_strided_slice %get3A_53 {offsets = [4], sizes = [1], strides = [1]} : vector<16xf32> to vector<1xf32>
      %squeeze3A_508 = vector.extract %slice3A_507[0] : f32 from vector<1xf32>
      %add3A_509 = vector.broadcast %squeeze3A_508 : f32 to vector<16xf32>
      %add3A_510 = arith.addf %add3A_506, %add3A_509 : vector<16xf32>
      %max3A_511 = arith.constant 0.000000e+00 : f32
      %max3A_512 = vector.broadcast %max3A_511 : f32 to vector<16xf32>
      %max3A_513 = arith.maximumf %add3A_510, %max3A_512 : vector<16xf32>
      %slice3A_514 = vector.extract_strided_slice %get3A_55 {offsets = [4], sizes = [1], strides = [1]} : vector<16xf32> to vector<1xf32>
      %squeeze3A_515 = vector.extract %slice3A_514[0] : f32 from vector<1xf32>
      %mul3A_516 = vector.broadcast %squeeze3A_515 : f32 to vector<16xf32>
      %mul3A_517 = arith.mulf %max3A_513, %mul3A_516 : vector<16xf32>
      %add3A_518 = arith.addf %add3A_425, %mul3A_517 : vector<16xf32>
      %get3A_519 = arith.constant 80 : index
      %get3A_520 = tpu.vector_load %arg9[%get3A_519] {strides = array<i32>} : memref<304xf32, #tpu.memory_space<vmem>>, vector<16xf32>,
      %slice3A_521 = vector.extract_strided_slice %get3A_520 {offsets = [0], sizes = [1], strides = [1]} : vector<16xf32> to vector<1xf32>
      %squeeze3A_522 = vector.extract %slice3A_521[0] : f32 from vector<1xf32>
      %mul3A_523 = vector.broadcast %squeeze3A_522 : f32 to vector<16xf32>
      %mul3A_524 = arith.mulf %unpack3A, %mul3A_523 : vector<16xf32>
      %slice3A_525 = vector.extract_strided_slice %get3A_520 {offsets = [1], sizes = [1], strides = [1]} : vector<16xf32> to vector<1xf32>
      %squeeze3A_526 = vector.extract %slice3A_525[0] : f32 from vector<1xf32>
      %mul3A_527 = vector.broadcast %squeeze3A_526 : f32 to vector<16xf32>
      %mul3A_528 = arith.mulf %unpack3A_38, %mul3A_527 : vector<16xf32>
      %add3A_529 = arith.addf %mul3A_524, %mul3A_528 : vector<16xf32>
      %slice3A_530 = vector.extract_strided_slice %get3A_520 {offsets = [2], sizes = [1], strides = [1]} : vector<16xf32> to vector<1xf32>
      %squeeze3A_531 = vector.extract %slice3A_530[0] : f32 from vector<1xf32>
      %mul3A_532 = vector.broadcast %squeeze3A_531 : f32 to vector<16xf32>
      %mul3A_533 = arith.mulf %unpack3A_39, %mul3A_532 : vector<16xf32>
      %add3A_534 = arith.addf %add3A_529, %mul3A_533 : vector<16xf32>
      %slice3A_535 = vector.extract_strided_slice %get3A_520 {offsets = [3], sizes = [1], strides = [1]} : vector<16xf32> to vector<1xf32>
      %squeeze3A_536 = vector.extract %slice3A_535[0] : f32 from vector<1xf32>
      %mul3A_537 = vector.broadcast %squeeze3A_536 : f32 to vector<16xf32>
      %mul3A_538 = arith.mulf %unpack3A_40, %mul3A_537 : vector<16xf32>
      %add3A_539 = arith.addf %add3A_534, %mul3A_538 : vector<16xf32>
      %slice3A_540 = vector.extract_strided_slice %get3A_520 {offsets = [4], sizes = [1], strides = [1]} : vector<16xf32> to vector<1xf32>
      %squeeze3A_541 = vector.extract %slice3A_540[0] : f32 from vector<1xf32>
      %mul3A_542 = vector.broadcast %squeeze3A_541 : f32 to vector<16xf32>
      %mul3A_543 = arith.mulf %unpack3A_41, %mul3A_542 : vector<16xf32>
      %add3A_544 = arith.addf %add3A_539, %mul3A_543 : vector<16xf32>
      %slice3A_545 = vector.extract_strided_slice %get3A_520 {offsets = [5], sizes = [1], strides = [1]} : vector<16xf32> to vector<1xf32>
      %squeeze3A_546 = vector.extract %slice3A_545[0] : f32 from vector<1xf32>
      %mul3A_547 = vector.broadcast %squeeze3A_546 : f32 to vector<16xf32>
      %mul3A_548 = arith.mulf %unpack3A_42, %mul3A_547 : vector<16xf32>
      %add3A_549 = arith.addf %add3A_544, %mul3A_548 : vector<16xf32>
      %slice3A_550 = vector.extract_strided_slice %get3A_520 {offsets = [6], sizes = [1], strides = [1]} : vector<16xf32> to vector<1xf32>
      %squeeze3A_551 = vector.extract %slice3A_550[0] : f32 from vector<1xf32>
      %mul3A_552 = vector.broadcast %squeeze3A_551 : f32 to vector<16xf32>
      %mul3A_553 = arith.mulf %unpack3A_43, %mul3A_552 : vector<16xf32>
      %add3A_554 = arith.addf %add3A_549, %mul3A_553 : vector<16xf32>
      %slice3A_555 = vector.extract_strided_slice %get3A_520 {offsets = [7], sizes = [1], strides = [1]} : vector<16xf32> to vector<1xf32>
      %squeeze3A_556 = vector.extract %slice3A_555[0] : f32 from vector<1xf32>
      %mul3A_557 = vector.broadcast %squeeze3A_556 : f32 to vector<16xf32>
      %mul3A_558 = arith.mulf %unpack3A_44, %mul3A_557 : vector<16xf32>
      %add3A_559 = arith.addf %add3A_554, %mul3A_558 : vector<16xf32>
      %slice3A_560 = vector.extract_strided_slice %get3A_520 {offsets = [8], sizes = [1], strides = [1]} : vector<16xf32> to vector<1xf32>
      %squeeze3A_561 = vector.extract %slice3A_560[0] : f32 from vector<1xf32>
      %mul3A_562 = vector.broadcast %squeeze3A_561 : f32 to vector<16xf32>
      %mul3A_563 = arith.mulf %unpack3A_45, %mul3A_562 : vector<16xf32>
      %add3A_564 = arith.addf %add3A_559, %mul3A_563 : vector<16xf32>
      %slice3A_565 = vector.extract_strided_slice %get3A_520 {offsets = [9], sizes = [1], strides = [1]} : vector<16xf32> to vector<1xf32>
      %squeeze3A_566 = vector.extract %slice3A_565[0] : f32 from vector<1xf32>
      %mul3A_567 = vector.broadcast %squeeze3A_566 : f32 to vector<16xf32>
      %mul3A_568 = arith.mulf %unpack3A_46, %mul3A_567 : vector<16xf32>
      %add3A_569 = arith.addf %add3A_564, %mul3A_568 : vector<16xf32>
      %slice3A_570 = vector.extract_strided_slice %get3A_520 {offsets = [10], sizes = [1], strides = [1]} : vector<16xf32> to vector<1xf32>
      %squeeze3A_571 = vector.extract %slice3A_570[0] : f32 from vector<1xf32>
      %mul3A_572 = vector.broadcast %squeeze3A_571 : f32 to vector<16xf32>
      %mul3A_573 = arith.mulf %unpack3A_47, %mul3A_572 : vector<16xf32>
      %add3A_574 = arith.addf %add3A_569, %mul3A_573 : vector<16xf32>
      %slice3A_575 = vector.extract_strided_slice %get3A_520 {offsets = [11], sizes = [1], strides = [1]} : vector<16xf32> to vector<1xf32>
      %squeeze3A_576 = vector.extract %slice3A_575[0] : f32 from vector<1xf32>
      %mul3A_577 = vector.broadcast %squeeze3A_576 : f32 to vector<16xf32>
      %mul3A_578 = arith.mulf %unpack3A_48, %mul3A_577 : vector<16xf32>
      %add3A_579 = arith.addf %add3A_574, %mul3A_578 : vector<16xf32>
      %slice3A_580 = vector.extract_strided_slice %get3A_520 {offsets = [12], sizes = [1], strides = [1]} : vector<16xf32> to vector<1xf32>
      %squeeze3A_581 = vector.extract %slice3A_580[0] : f32 from vector<1xf32>
      %mul3A_582 = vector.broadcast %squeeze3A_581 : f32 to vector<16xf32>
      %mul3A_583 = arith.mulf %unpack3A_49, %mul3A_582 : vector<16xf32>
      %add3A_584 = arith.addf %add3A_579, %mul3A_583 : vector<16xf32>
      %slice3A_585 = vector.extract_strided_slice %get3A_520 {offsets = [13], sizes = [1], strides = [1]} : vector<16xf32> to vector<1xf32>
      %squeeze3A_586 = vector.extract %slice3A_585[0] : f32 from vector<1xf32>
      %mul3A_587 = vector.broadcast %squeeze3A_586 : f32 to vector<16xf32>
      %mul3A_588 = arith.mulf %unpack3A_50, %mul3A_587 : vector<16xf32>
      %add3A_589 = arith.addf %add3A_584, %mul3A_588 : vector<16xf32>
      %slice3A_590 = vector.extract_strided_slice %get3A_520 {offsets = [14], sizes = [1], strides = [1]} : vector<16xf32> to vector<1xf32>
      %squeeze3A_591 = vector.extract %slice3A_590[0] : f32 from vector<1xf32>
      %mul3A_592 = vector.broadcast %squeeze3A_591 : f32 to vector<16xf32>
      %mul3A_593 = arith.mulf %unpack3A_51, %mul3A_592 : vector<16xf32>
      %add3A_594 = arith.addf %add3A_589, %mul3A_593 : vector<16xf32>
      %slice3A_595 = vector.extract_strided_slice %get3A_520 {offsets = [15], sizes = [1], strides = [1]} : vector<16xf32> to vector<1xf32>
      %squeeze3A_596 = vector.extract %slice3A_595[0] : f32 from vector<1xf32>
      %mul3A_597 = vector.broadcast %squeeze3A_596 : f32 to vector<16xf32>
      %mul3A_598 = arith.mulf %unpack3A_52, %mul3A_597 : vector<16xf32>
      %add3A_599 = arith.addf %add3A_594, %mul3A_598 : vector<16xf32>
      %slice3A_600 = vector.extract_strided_slice %get3A_53 {offsets = [5], sizes = [1], strides = [1]} : vector<16xf32> to vector<1xf32>
      %squeeze3A_601 = vector.extract %slice3A_600[0] : f32 from vector<1xf32>
      %add3A_602 = vector.broadcast %squeeze3A_601 : f32 to vector<16xf32>
      %add3A_603 = arith.addf %add3A_599, %add3A_602 : vector<16xf32>
      %max3A_604 = arith.constant 0.000000e+00 : f32
      %max3A_605 = vector.broadcast %max3A_604 : f32 to vector<16xf32>
      %max3A_606 = arith.maximumf %add3A_603, %max3A_605 : vector<16xf32>
      %slice3A_607 = vector.extract_strided_slice %get3A_55 {offsets = [5], sizes = [1], strides = [1]} : vector<16xf32> to vector<1xf32>
      %squeeze3A_608 = vector.extract %slice3A_607[0] : f32 from vector<1xf32>
      %mul3A_609 = vector.broadcast %squeeze3A_608 : f32 to vector<16xf32>
      %mul3A_610 = arith.mulf %max3A_606, %mul3A_609 : vector<16xf32>
      %add3A_611 = arith.addf %add3A_518, %mul3A_610 : vector<16xf32>
      %get3A_612 = arith.constant 96 : index
      %get3A_613 = tpu.vector_load %arg9[%get3A_612] {strides = array<i32>} : memref<304xf32, #tpu.memory_space<vmem>>, vector<16xf32>,
      %slice3A_614 = vector.extract_strided_slice %get3A_613 {offsets = [0], sizes = [1], strides = [1]} : vector<16xf32> to vector<1xf32>
      %squeeze3A_615 = vector.extract %slice3A_614[0] : f32 from vector<1xf32>
      %mul3A_616 = vector.broadcast %squeeze3A_615 : f32 to vector<16xf32>
      %mul3A_617 = arith.mulf %unpack3A, %mul3A_616 : vector<16xf32>
      %slice3A_618 = vector.extract_strided_slice %get3A_613 {offsets = [1], sizes = [1], strides = [1]} : vector<16xf32> to vector<1xf32>
      %squeeze3A_619 = vector.extract %slice3A_618[0] : f32 from vector<1xf32>
      %mul3A_620 = vector.broadcast %squeeze3A_619 : f32 to vector<16xf32>
      %mul3A_621 = arith.mulf %unpack3A_38, %mul3A_620 : vector<16xf32>
      %add3A_622 = arith.addf %mul3A_617, %mul3A_621 : vector<16xf32>
      %slice3A_623 = vector.extract_strided_slice %get3A_613 {offsets = [2], sizes = [1], strides = [1]} : vector<16xf32> to vector<1xf32>
      %squeeze3A_624 = vector.extract %slice3A_623[0] : f32 from vector<1xf32>
      %mul3A_625 = vector.broadcast %squeeze3A_624 : f32 to vector<16xf32>
      %mul3A_626 = arith.mulf %unpack3A_39, %mul3A_625 : vector<16xf32>
      %add3A_627 = arith.addf %add3A_622, %mul3A_626 : vector<16xf32>
      %slice3A_628 = vector.extract_strided_slice %get3A_613 {offsets = [3], sizes = [1], strides = [1]} : vector<16xf32> to vector<1xf32>
      %squeeze3A_629 = vector.extract %slice3A_628[0] : f32 from vector<1xf32>
      %mul3A_630 = vector.broadcast %squeeze3A_629 : f32 to vector<16xf32>
      %mul3A_631 = arith.mulf %unpack3A_40, %mul3A_630 : vector<16xf32>
      %add3A_632 = arith.addf %add3A_627, %mul3A_631 : vector<16xf32>
      %slice3A_633 = vector.extract_strided_slice %get3A_613 {offsets = [4], sizes = [1], strides = [1]} : vector<16xf32> to vector<1xf32>
      %squeeze3A_634 = vector.extract %slice3A_633[0] : f32 from vector<1xf32>
      %mul3A_635 = vector.broadcast %squeeze3A_634 : f32 to vector<16xf32>
      %mul3A_636 = arith.mulf %unpack3A_41, %mul3A_635 : vector<16xf32>
      %add3A_637 = arith.addf %add3A_632, %mul3A_636 : vector<16xf32>
      %slice3A_638 = vector.extract_strided_slice %get3A_613 {offsets = [5], sizes = [1], strides = [1]} : vector<16xf32> to vector<1xf32>
      %squeeze3A_639 = vector.extract %slice3A_638[0] : f32 from vector<1xf32>
      %mul3A_640 = vector.broadcast %squeeze3A_639 : f32 to vector<16xf32>
      %mul3A_641 = arith.mulf %unpack3A_42, %mul3A_640 : vector<16xf32>
      %add3A_642 = arith.addf %add3A_637, %mul3A_641 : vector<16xf32>
      %slice3A_643 = vector.extract_strided_slice %get3A_613 {offsets = [6], sizes = [1], strides = [1]} : vector<16xf32> to vector<1xf32>
      %squeeze3A_644 = vector.extract %slice3A_643[0] : f32 from vector<1xf32>
      %mul3A_645 = vector.broadcast %squeeze3A_644 : f32 to vector<16xf32>
      %mul3A_646 = arith.mulf %unpack3A_43, %mul3A_645 : vector<16xf32>
      %add3A_647 = arith.addf %add3A_642, %mul3A_646 : vector<16xf32>
      %slice3A_648 = vector.extract_strided_slice %get3A_613 {offsets = [7], sizes = [1], strides = [1]} : vector<16xf32> to vector<1xf32>
      %squeeze3A_649 = vector.extract %slice3A_648[0] : f32 from vector<1xf32>
      %mul3A_650 = vector.broadcast %squeeze3A_649 : f32 to vector<16xf32>
      %mul3A_651 = arith.mulf %unpack3A_44, %mul3A_650 : vector<16xf32>
      %add3A_652 = arith.addf %add3A_647, %mul3A_651 : vector<16xf32>
      %slice3A_653 = vector.extract_strided_slice %get3A_613 {offsets = [8], sizes = [1], strides = [1]} : vector<16xf32> to vector<1xf32>
      %squeeze3A_654 = vector.extract %slice3A_653[0] : f32 from vector<1xf32>
      %mul3A_655 = vector.broadcast %squeeze3A_654 : f32 to vector<16xf32>
      %mul3A_656 = arith.mulf %unpack3A_45, %mul3A_655 : vector<16xf32>
      %add3A_657 = arith.addf %add3A_652, %mul3A_656 : vector<16xf32>
      %slice3A_658 = vector.extract_strided_slice %get3A_613 {offsets = [9], sizes = [1], strides = [1]} : vector<16xf32> to vector<1xf32>
      %squeeze3A_659 = vector.extract %slice3A_658[0] : f32 from vector<1xf32>
      %mul3A_660 = vector.broadcast %squeeze3A_659 : f32 to vector<16xf32>
      %mul3A_661 = arith.mulf %unpack3A_46, %mul3A_660 : vector<16xf32>
      %add3A_662 = arith.addf %add3A_657, %mul3A_661 : vector<16xf32>
      %slice3A_663 = vector.extract_strided_slice %get3A_613 {offsets = [10], sizes = [1], strides = [1]} : vector<16xf32> to vector<1xf32>
      %squeeze3A_664 = vector.extract %slice3A_663[0] : f32 from vector<1xf32>
      %mul3A_665 = vector.broadcast %squeeze3A_664 : f32 to vector<16xf32>
      %mul3A_666 = arith.mulf %unpack3A_47, %mul3A_665 : vector<16xf32>
      %add3A_667 = arith.addf %add3A_662, %mul3A_666 : vector<16xf32>
      %slice3A_668 = vector.extract_strided_slice %get3A_613 {offsets = [11], sizes = [1], strides = [1]} : vector<16xf32> to vector<1xf32>
      %squeeze3A_669 = vector.extract %slice3A_668[0] : f32 from vector<1xf32>
      %mul3A_670 = vector.broadcast %squeeze3A_669 : f32 to vector<16xf32>
      %mul3A_671 = arith.mulf %unpack3A_48, %mul3A_670 : vector<16xf32>
      %add3A_672 = arith.addf %add3A_667, %mul3A_671 : vector<16xf32>
      %slice3A_673 = vector.extract_strided_slice %get3A_613 {offsets = [12], sizes = [1], strides = [1]} : vector<16xf32> to vector<1xf32>
      %squeeze3A_674 = vector.extract %slice3A_673[0] : f32 from vector<1xf32>
      %mul3A_675 = vector.broadcast %squeeze3A_674 : f32 to vector<16xf32>
      %mul3A_676 = arith.mulf %unpack3A_49, %mul3A_675 : vector<16xf32>
      %add3A_677 = arith.addf %add3A_672, %mul3A_676 : vector<16xf32>
      %slice3A_678 = vector.extract_strided_slice %get3A_613 {offsets = [13], sizes = [1], strides = [1]} : vector<16xf32> to vector<1xf32>
      %squeeze3A_679 = vector.extract %slice3A_678[0] : f32 from vector<1xf32>
      %mul3A_680 = vector.broadcast %squeeze3A_679 : f32 to vector<16xf32>
      %mul3A_681 = arith.mulf %unpack3A_50, %mul3A_680 : vector<16xf32>
      %add3A_682 = arith.addf %add3A_677, %mul3A_681 : vector<16xf32>
      %slice3A_683 = vector.extract_strided_slice %get3A_613 {offsets = [14], sizes = [1], strides = [1]} : vector<16xf32> to vector<1xf32>
      %squeeze3A_684 = vector.extract %slice3A_683[0] : f32 from vector<1xf32>
      %mul3A_685 = vector.broadcast %squeeze3A_684 : f32 to vector<16xf32>
      %mul3A_686 = arith.mulf %unpack3A_51, %mul3A_685 : vector<16xf32>
      %add3A_687 = arith.addf %add3A_682, %mul3A_686 : vector<16xf32>
      %slice3A_688 = vector.extract_strided_slice %get3A_613 {offsets = [15], sizes = [1], strides = [1]} : vector<16xf32> to vector<1xf32>
      %squeeze3A_689 = vector.extract %slice3A_688[0] : f32 from vector<1xf32>
      %mul3A_690 = vector.broadcast %squeeze3A_689 : f32 to vector<16xf32>
      %mul3A_691 = arith.mulf %unpack3A_52, %mul3A_690 : vector<16xf32>
      %add3A_692 = arith.addf %add3A_687, %mul3A_691 : vector<16xf32>
      %slice3A_693 = vector.extract_strided_slice %get3A_53 {offsets = [6], sizes = [1], strides = [1]} : vector<16xf32> to vector<1xf32>
      %squeeze3A_694 = vector.extract %slice3A_693[0] : f32 from vector<1xf32>
      %add3A_695 = vector.broadcast %squeeze3A_694 : f32 to vector<16xf32>
      %add3A_696 = arith.addf %add3A_692, %add3A_695 : vector<16xf32>
      %max3A_697 = arith.constant 0.000000e+00 : f32
      %max3A_698 = vector.broadcast %max3A_697 : f32 to vector<16xf32>
      %max3A_699 = arith.maximumf %add3A_696, %max3A_698 : vector<16xf32>
      %slice3A_700 = vector.extract_strided_slice %get3A_55 {offsets = [6], sizes = [1], strides = [1]} : vector<16xf32> to vector<1xf32>
      %squeeze3A_701 = vector.extract %slice3A_700[0] : f32 from vector<1xf32>
      %mul3A_702 = vector.broadcast %squeeze3A_701 : f32 to vector<16xf32>
      %mul3A_703 = arith.mulf %max3A_699, %mul3A_702 : vector<16xf32>
      %add3A_704 = arith.addf %add3A_611, %mul3A_703 : vector<16xf32>
      %get3A_705 = arith.constant 112 : index
      %get3A_706 = tpu.vector_load %arg9[%get3A_705] {strides = array<i32>} : memref<304xf32, #tpu.memory_space<vmem>>, vector<16xf32>,
      %slice3A_707 = vector.extract_strided_slice %get3A_706 {offsets = [0], sizes = [1], strides = [1]} : vector<16xf32> to vector<1xf32>
      %squeeze3A_708 = vector.extract %slice3A_707[0] : f32 from vector<1xf32>
      %mul3A_709 = vector.broadcast %squeeze3A_708 : f32 to vector<16xf32>
      %mul3A_710 = arith.mulf %unpack3A, %mul3A_709 : vector<16xf32>
      %slice3A_711 = vector.extract_strided_slice %get3A_706 {offsets = [1], sizes = [1], strides = [1]} : vector<16xf32> to vector<1xf32>
      %squeeze3A_712 = vector.extract %slice3A_711[0] : f32 from vector<1xf32>
      %mul3A_713 = vector.broadcast %squeeze3A_712 : f32 to vector<16xf32>
      %mul3A_714 = arith.mulf %unpack3A_38, %mul3A_713 : vector<16xf32>
      %add3A_715 = arith.addf %mul3A_710, %mul3A_714 : vector<16xf32>
      %slice3A_716 = vector.extract_strided_slice %get3A_706 {offsets = [2], sizes = [1], strides = [1]} : vector<16xf32> to vector<1xf32>
      %squeeze3A_717 = vector.extract %slice3A_716[0] : f32 from vector<1xf32>
      %mul3A_718 = vector.broadcast %squeeze3A_717 : f32 to vector<16xf32>
      %mul3A_719 = arith.mulf %unpack3A_39, %mul3A_718 : vector<16xf32>
      %add3A_720 = arith.addf %add3A_715, %mul3A_719 : vector<16xf32>
      %slice3A_721 = vector.extract_strided_slice %get3A_706 {offsets = [3], sizes = [1], strides = [1]} : vector<16xf32> to vector<1xf32>
      %squeeze3A_722 = vector.extract %slice3A_721[0] : f32 from vector<1xf32>
      %mul3A_723 = vector.broadcast %squeeze3A_722 : f32 to vector<16xf32>
      %mul3A_724 = arith.mulf %unpack3A_40, %mul3A_723 : vector<16xf32>
      %add3A_725 = arith.addf %add3A_720, %mul3A_724 : vector<16xf32>
      %slice3A_726 = vector.extract_strided_slice %get3A_706 {offsets = [4], sizes = [1], strides = [1]} : vector<16xf32> to vector<1xf32>
      %squeeze3A_727 = vector.extract %slice3A_726[0] : f32 from vector<1xf32>
      %mul3A_728 = vector.broadcast %squeeze3A_727 : f32 to vector<16xf32>
      %mul3A_729 = arith.mulf %unpack3A_41, %mul3A_728 : vector<16xf32>
      %add3A_730 = arith.addf %add3A_725, %mul3A_729 : vector<16xf32>
      %slice3A_731 = vector.extract_strided_slice %get3A_706 {offsets = [5], sizes = [1], strides = [1]} : vector<16xf32> to vector<1xf32>
      %squeeze3A_732 = vector.extract %slice3A_731[0] : f32 from vector<1xf32>
      %mul3A_733 = vector.broadcast %squeeze3A_732 : f32 to vector<16xf32>
      %mul3A_734 = arith.mulf %unpack3A_42, %mul3A_733 : vector<16xf32>
      %add3A_735 = arith.addf %add3A_730, %mul3A_734 : vector<16xf32>
      %slice3A_736 = vector.extract_strided_slice %get3A_706 {offsets = [6], sizes = [1], strides = [1]} : vector<16xf32> to vector<1xf32>
      %squeeze3A_737 = vector.extract %slice3A_736[0] : f32 from vector<1xf32>
      %mul3A_738 = vector.broadcast %squeeze3A_737 : f32 to vector<16xf32>
      %mul3A_739 = arith.mulf %unpack3A_43, %mul3A_738 : vector<16xf32>
      %add3A_740 = arith.addf %add3A_735, %mul3A_739 : vector<16xf32>
      %slice3A_741 = vector.extract_strided_slice %get3A_706 {offsets = [7], sizes = [1], strides = [1]} : vector<16xf32> to vector<1xf32>
      %squeeze3A_742 = vector.extract %slice3A_741[0] : f32 from vector<1xf32>
      %mul3A_743 = vector.broadcast %squeeze3A_742 : f32 to vector<16xf32>
      %mul3A_744 = arith.mulf %unpack3A_44, %mul3A_743 : vector<16xf32>
      %add3A_745 = arith.addf %add3A_740, %mul3A_744 : vector<16xf32>
      %slice3A_746 = vector.extract_strided_slice %get3A_706 {offsets = [8], sizes = [1], strides = [1]} : vector<16xf32> to vector<1xf32>
      %squeeze3A_747 = vector.extract %slice3A_746[0] : f32 from vector<1xf32>
      %mul3A_748 = vector.broadcast %squeeze3A_747 : f32 to vector<16xf32>
      %mul3A_749 = arith.mulf %unpack3A_45, %mul3A_748 : vector<16xf32>
      %add3A_750 = arith.addf %add3A_745, %mul3A_749 : vector<16xf32>
      %slice3A_751 = vector.extract_strided_slice %get3A_706 {offsets = [9], sizes = [1], strides = [1]} : vector<16xf32> to vector<1xf32>
      %squeeze3A_752 = vector.extract %slice3A_751[0] : f32 from vector<1xf32>
      %mul3A_753 = vector.broadcast %squeeze3A_752 : f32 to vector<16xf32>
      %mul3A_754 = arith.mulf %unpack3A_46, %mul3A_753 : vector<16xf32>
      %add3A_755 = arith.addf %add3A_750, %mul3A_754 : vector<16xf32>
      %slice3A_756 = vector.extract_strided_slice %get3A_706 {offsets = [10], sizes = [1], strides = [1]} : vector<16xf32> to vector<1xf32>
      %squeeze3A_757 = vector.extract %slice3A_756[0] : f32 from vector<1xf32>
      %mul3A_758 = vector.broadcast %squeeze3A_757 : f32 to vector<16xf32>
      %mul3A_759 = arith.mulf %unpack3A_47, %mul3A_758 : vector<16xf32>
      %add3A_760 = arith.addf %add3A_755, %mul3A_759 : vector<16xf32>
      %slice3A_761 = vector.extract_strided_slice %get3A_706 {offsets = [11], sizes = [1], strides = [1]} : vector<16xf32> to vector<1xf32>
      %squeeze3A_762 = vector.extract %slice3A_761[0] : f32 from vector<1xf32>
      %mul3A_763 = vector.broadcast %squeeze3A_762 : f32 to vector<16xf32>
      %mul3A_764 = arith.mulf %unpack3A_48, %mul3A_763 : vector<16xf32>
      %add3A_765 = arith.addf %add3A_760, %mul3A_764 : vector<16xf32>
      %slice3A_766 = vector.extract_strided_slice %get3A_706 {offsets = [12], sizes = [1], strides = [1]} : vector<16xf32> to vector<1xf32>
      %squeeze3A_767 = vector.extract %slice3A_766[0] : f32 from vector<1xf32>
      %mul3A_768 = vector.broadcast %squeeze3A_767 : f32 to vector<16xf32>
      %mul3A_769 = arith.mulf %unpack3A_49, %mul3A_768 : vector<16xf32>
      %add3A_770 = arith.addf %add3A_765, %mul3A_769 : vector<16xf32>
      %slice3A_771 = vector.extract_strided_slice %get3A_706 {offsets = [13], sizes = [1], strides = [1]} : vector<16xf32> to vector<1xf32>
      %squeeze3A_772 = vector.extract %slice3A_771[0] : f32 from vector<1xf32>
      %mul3A_773 = vector.broadcast %squeeze3A_772 : f32 to vector<16xf32>
      %mul3A_774 = arith.mulf %unpack3A_50, %mul3A_773 : vector<16xf32>
      %add3A_775 = arith.addf %add3A_770, %mul3A_774 : vector<16xf32>
      %slice3A_776 = vector.extract_strided_slice %get3A_706 {offsets = [14], sizes = [1], strides = [1]} : vector<16xf32> to vector<1xf32>
      %squeeze3A_777 = vector.extract %slice3A_776[0] : f32 from vector<1xf32>
      %mul3A_778 = vector.broadcast %squeeze3A_777 : f32 to vector<16xf32>
      %mul3A_779 = arith.mulf %unpack3A_51, %mul3A_778 : vector<16xf32>
      %add3A_780 = arith.addf %add3A_775, %mul3A_779 : vector<16xf32>
      %slice3A_781 = vector.extract_strided_slice %get3A_706 {offsets = [15], sizes = [1], strides = [1]} : vector<16xf32> to vector<1xf32>
      %squeeze3A_782 = vector.extract %slice3A_781[0] : f32 from vector<1xf32>
      %mul3A_783 = vector.broadcast %squeeze3A_782 : f32 to vector<16xf32>
      %mul3A_784 = arith.mulf %unpack3A_52, %mul3A_783 : vector<16xf32>
      %add3A_785 = arith.addf %add3A_780, %mul3A_784 : vector<16xf32>
      %slice3A_786 = vector.extract_strided_slice %get3A_53 {offsets = [7], sizes = [1], strides = [1]} : vector<16xf32> to vector<1xf32>
      %squeeze3A_787 = vector.extract %slice3A_786[0] : f32 from vector<1xf32>
      %add3A_788 = vector.broadcast %squeeze3A_787 : f32 to vector<16xf32>
      %add3A_789 = arith.addf %add3A_785, %add3A_788 : vector<16xf32>
      %max3A_790 = arith.constant 0.000000e+00 : f32
      %max3A_791 = vector.broadcast %max3A_790 : f32 to vector<16xf32>
      %max3A_792 = arith.maximumf %add3A_789, %max3A_791 : vector<16xf32>
      %slice3A_793 = vector.extract_strided_slice %get3A_55 {offsets = [7], sizes = [1], strides = [1]} : vector<16xf32> to vector<1xf32>
      %squeeze3A_794 = vector.extract %slice3A_793[0] : f32 from vector<1xf32>
      %mul3A_795 = vector.broadcast %squeeze3A_794 : f32 to vector<16xf32>
      %mul3A_796 = arith.mulf %max3A_792, %mul3A_795 : vector<16xf32>
      %add3A_797 = arith.addf %add3A_704, %mul3A_796 : vector<16xf32>
      %get3A_798 = arith.constant 128 : index
      %get3A_799 = tpu.vector_load %arg9[%get3A_798] {strides = array<i32>} : memref<304xf32, #tpu.memory_space<vmem>>, vector<16xf32>,
      %slice3A_800 = vector.extract_strided_slice %get3A_799 {offsets = [0], sizes = [1], strides = [1]} : vector<16xf32> to vector<1xf32>
      %squeeze3A_801 = vector.extract %slice3A_800[0] : f32 from vector<1xf32>
      %mul3A_802 = vector.broadcast %squeeze3A_801 : f32 to vector<16xf32>
      %mul3A_803 = arith.mulf %unpack3A, %mul3A_802 : vector<16xf32>
      %slice3A_804 = vector.extract_strided_slice %get3A_799 {offsets = [1], sizes = [1], strides = [1]} : vector<16xf32> to vector<1xf32>
      %squeeze3A_805 = vector.extract %slice3A_804[0] : f32 from vector<1xf32>
      %mul3A_806 = vector.broadcast %squeeze3A_805 : f32 to vector<16xf32>
      %mul3A_807 = arith.mulf %unpack3A_38, %mul3A_806 : vector<16xf32>
      %add3A_808 = arith.addf %mul3A_803, %mul3A_807 : vector<16xf32>
      %slice3A_809 = vector.extract_strided_slice %get3A_799 {offsets = [2], sizes = [1], strides = [1]} : vector<16xf32> to vector<1xf32>
      %squeeze3A_810 = vector.extract %slice3A_809[0] : f32 from vector<1xf32>
      %mul3A_811 = vector.broadcast %squeeze3A_810 : f32 to vector<16xf32>
      %mul3A_812 = arith.mulf %unpack3A_39, %mul3A_811 : vector<16xf32>
      %add3A_813 = arith.addf %add3A_808, %mul3A_812 : vector<16xf32>
      %slice3A_814 = vector.extract_strided_slice %get3A_799 {offsets = [3], sizes = [1], strides = [1]} : vector<16xf32> to vector<1xf32>
      %squeeze3A_815 = vector.extract %slice3A_814[0] : f32 from vector<1xf32>
      %mul3A_816 = vector.broadcast %squeeze3A_815 : f32 to vector<16xf32>
      %mul3A_817 = arith.mulf %unpack3A_40, %mul3A_816 : vector<16xf32>
      %add3A_818 = arith.addf %add3A_813, %mul3A_817 : vector<16xf32>
      %slice3A_819 = vector.extract_strided_slice %get3A_799 {offsets = [4], sizes = [1], strides = [1]} : vector<16xf32> to vector<1xf32>
      %squeeze3A_820 = vector.extract %slice3A_819[0] : f32 from vector<1xf32>
      %mul3A_821 = vector.broadcast %squeeze3A_820 : f32 to vector<16xf32>
      %mul3A_822 = arith.mulf %unpack3A_41, %mul3A_821 : vector<16xf32>
      %add3A_823 = arith.addf %add3A_818, %mul3A_822 : vector<16xf32>
      %slice3A_824 = vector.extract_strided_slice %get3A_799 {offsets = [5], sizes = [1], strides = [1]} : vector<16xf32> to vector<1xf32>
      %squeeze3A_825 = vector.extract %slice3A_824[0] : f32 from vector<1xf32>
      %mul3A_826 = vector.broadcast %squeeze3A_825 : f32 to vector<16xf32>
      %mul3A_827 = arith.mulf %unpack3A_42, %mul3A_826 : vector<16xf32>
      %add3A_828 = arith.addf %add3A_823, %mul3A_827 : vector<16xf32>
      %slice3A_829 = vector.extract_strided_slice %get3A_799 {offsets = [6], sizes = [1], strides = [1]} : vector<16xf32> to vector<1xf32>
      %squeeze3A_830 = vector.extract %slice3A_829[0] : f32 from vector<1xf32>
      %mul3A_831 = vector.broadcast %squeeze3A_830 : f32 to vector<16xf32>
      %mul3A_832 = arith.mulf %unpack3A_43, %mul3A_831 : vector<16xf32>
      %add3A_833 = arith.addf %add3A_828, %mul3A_832 : vector<16xf32>
      %slice3A_834 = vector.extract_strided_slice %get3A_799 {offsets = [7], sizes = [1], strides = [1]} : vector<16xf32> to vector<1xf32>
      %squeeze3A_835 = vector.extract %slice3A_834[0] : f32 from vector<1xf32>
      %mul3A_836 = vector.broadcast %squeeze3A_835 : f32 to vector<16xf32>
      %mul3A_837 = arith.mulf %unpack3A_44, %mul3A_836 : vector<16xf32>
      %add3A_838 = arith.addf %add3A_833, %mul3A_837 : vector<16xf32>
      %slice3A_839 = vector.extract_strided_slice %get3A_799 {offsets = [8], sizes = [1], strides = [1]} : vector<16xf32> to vector<1xf32>
      %squeeze3A_840 = vector.extract %slice3A_839[0] : f32 from vector<1xf32>
      %mul3A_841 = vector.broadcast %squeeze3A_840 : f32 to vector<16xf32>
      %mul3A_842 = arith.mulf %unpack3A_45, %mul3A_841 : vector<16xf32>
      %add3A_843 = arith.addf %add3A_838, %mul3A_842 : vector<16xf32>
      %slice3A_844 = vector.extract_strided_slice %get3A_799 {offsets = [9], sizes = [1], strides = [1]} : vector<16xf32> to vector<1xf32>
      %squeeze3A_845 = vector.extract %slice3A_844[0] : f32 from vector<1xf32>
      %mul3A_846 = vector.broadcast %squeeze3A_845 : f32 to vector<16xf32>
      %mul3A_847 = arith.mulf %unpack3A_46, %mul3A_846 : vector<16xf32>
      %add3A_848 = arith.addf %add3A_843, %mul3A_847 : vector<16xf32>
      %slice3A_849 = vector.extract_strided_slice %get3A_799 {offsets = [10], sizes = [1], strides = [1]} : vector<16xf32> to vector<1xf32>
      %squeeze3A_850 = vector.extract %slice3A_849[0] : f32 from vector<1xf32>
      %mul3A_851 = vector.broadcast %squeeze3A_850 : f32 to vector<16xf32>
      %mul3A_852 = arith.mulf %unpack3A_47, %mul3A_851 : vector<16xf32>
      %add3A_853 = arith.addf %add3A_848, %mul3A_852 : vector<16xf32>
      %slice3A_854 = vector.extract_strided_slice %get3A_799 {offsets = [11], sizes = [1], strides = [1]} : vector<16xf32> to vector<1xf32>
      %squeeze3A_855 = vector.extract %slice3A_854[0] : f32 from vector<1xf32>
      %mul3A_856 = vector.broadcast %squeeze3A_855 : f32 to vector<16xf32>
      %mul3A_857 = arith.mulf %unpack3A_48, %mul3A_856 : vector<16xf32>
      %add3A_858 = arith.addf %add3A_853, %mul3A_857 : vector<16xf32>
      %slice3A_859 = vector.extract_strided_slice %get3A_799 {offsets = [12], sizes = [1], strides = [1]} : vector<16xf32> to vector<1xf32>
      %squeeze3A_860 = vector.extract %slice3A_859[0] : f32 from vector<1xf32>
      %mul3A_861 = vector.broadcast %squeeze3A_860 : f32 to vector<16xf32>
      %mul3A_862 = arith.mulf %unpack3A_49, %mul3A_861 : vector<16xf32>
      %add3A_863 = arith.addf %add3A_858, %mul3A_862 : vector<16xf32>
      %slice3A_864 = vector.extract_strided_slice %get3A_799 {offsets = [13], sizes = [1], strides = [1]} : vector<16xf32> to vector<1xf32>
      %squeeze3A_865 = vector.extract %slice3A_864[0] : f32 from vector<1xf32>
      %mul3A_866 = vector.broadcast %squeeze3A_865 : f32 to vector<16xf32>
      %mul3A_867 = arith.mulf %unpack3A_50, %mul3A_866 : vector<16xf32>
      %add3A_868 = arith.addf %add3A_863, %mul3A_867 : vector<16xf32>
      %slice3A_869 = vector.extract_strided_slice %get3A_799 {offsets = [14], sizes = [1], strides = [1]} : vector<16xf32> to vector<1xf32>
      %squeeze3A_870 = vector.extract %slice3A_869[0] : f32 from vector<1xf32>
      %mul3A_871 = vector.broadcast %squeeze3A_870 : f32 to vector<16xf32>
      %mul3A_872 = arith.mulf %unpack3A_51, %mul3A_871 : vector<16xf32>
      %add3A_873 = arith.addf %add3A_868, %mul3A_872 : vector<16xf32>
      %slice3A_874 = vector.extract_strided_slice %get3A_799 {offsets = [15], sizes = [1], strides = [1]} : vector<16xf32> to vector<1xf32>
      %squeeze3A_875 = vector.extract %slice3A_874[0] : f32 from vector<1xf32>
      %mul3A_876 = vector.broadcast %squeeze3A_875 : f32 to vector<16xf32>
      %mul3A_877 = arith.mulf %unpack3A_52, %mul3A_876 : vector<16xf32>
      %add3A_878 = arith.addf %add3A_873, %mul3A_877 : vector<16xf32>
      %slice3A_879 = vector.extract_strided_slice %get3A_53 {offsets = [8], sizes = [1], strides = [1]} : vector<16xf32> to vector<1xf32>
      %squeeze3A_880 = vector.extract %slice3A_879[0] : f32 from vector<1xf32>
      %add3A_881 = vector.broadcast %squeeze3A_880 : f32 to vector<16xf32>
      %add3A_882 = arith.addf %add3A_878, %add3A_881 : vector<16xf32>
      %max3A_883 = arith.constant 0.000000e+00 : f32
      %max3A_884 = vector.broadcast %max3A_883 : f32 to vector<16xf32>
      %max3A_885 = arith.maximumf %add3A_882, %max3A_884 : vector<16xf32>
      %slice3A_886 = vector.extract_strided_slice %get3A_55 {offsets = [8], sizes = [1], strides = [1]} : vector<16xf32> to vector<1xf32>
      %squeeze3A_887 = vector.extract %slice3A_886[0] : f32 from vector<1xf32>
      %mul3A_888 = vector.broadcast %squeeze3A_887 : f32 to vector<16xf32>
      %mul3A_889 = arith.mulf %max3A_885, %mul3A_888 : vector<16xf32>
      %add3A_890 = arith.addf %add3A_797, %mul3A_889 : vector<16xf32>
      %get3A_891 = arith.constant 144 : index
      %get3A_892 = tpu.vector_load %arg9[%get3A_891] {strides = array<i32>} : memref<304xf32, #tpu.memory_space<vmem>>, vector<16xf32>,
      %slice3A_893 = vector.extract_strided_slice %get3A_892 {offsets = [0], sizes = [1], strides = [1]} : vector<16xf32> to vector<1xf32>
      %squeeze3A_894 = vector.extract %slice3A_893[0] : f32 from vector<1xf32>
      %mul3A_895 = vector.broadcast %squeeze3A_894 : f32 to vector<16xf32>
      %mul3A_896 = arith.mulf %unpack3A, %mul3A_895 : vector<16xf32>
      %slice3A_897 = vector.extract_strided_slice %get3A_892 {offsets = [1], sizes = [1], strides = [1]} : vector<16xf32> to vector<1xf32>
      %squeeze3A_898 = vector.extract %slice3A_897[0] : f32 from vector<1xf32>
      %mul3A_899 = vector.broadcast %squeeze3A_898 : f32 to vector<16xf32>
      %mul3A_900 = arith.mulf %unpack3A_38, %mul3A_899 : vector<16xf32>
      %add3A_901 = arith.addf %mul3A_896, %mul3A_900 : vector<16xf32>
      %slice3A_902 = vector.extract_strided_slice %get3A_892 {offsets = [2], sizes = [1], strides = [1]} : vector<16xf32> to vector<1xf32>
      %squeeze3A_903 = vector.extract %slice3A_902[0] : f32 from vector<1xf32>
      %mul3A_904 = vector.broadcast %squeeze3A_903 : f32 to vector<16xf32>
      %mul3A_905 = arith.mulf %unpack3A_39, %mul3A_904 : vector<16xf32>
      %add3A_906 = arith.addf %add3A_901, %mul3A_905 : vector<16xf32>
      %slice3A_907 = vector.extract_strided_slice %get3A_892 {offsets = [3], sizes = [1], strides = [1]} : vector<16xf32> to vector<1xf32>
      %squeeze3A_908 = vector.extract %slice3A_907[0] : f32 from vector<1xf32>
      %mul3A_909 = vector.broadcast %squeeze3A_908 : f32 to vector<16xf32>
      %mul3A_910 = arith.mulf %unpack3A_40, %mul3A_909 : vector<16xf32>
      %add3A_911 = arith.addf %add3A_906, %mul3A_910 : vector<16xf32>
      %slice3A_912 = vector.extract_strided_slice %get3A_892 {offsets = [4], sizes = [1], strides = [1]} : vector<16xf32> to vector<1xf32>
      %squeeze3A_913 = vector.extract %slice3A_912[0] : f32 from vector<1xf32>
      %mul3A_914 = vector.broadcast %squeeze3A_913 : f32 to vector<16xf32>
      %mul3A_915 = arith.mulf %unpack3A_41, %mul3A_914 : vector<16xf32>
      %add3A_916 = arith.addf %add3A_911, %mul3A_915 : vector<16xf32>
      %slice3A_917 = vector.extract_strided_slice %get3A_892 {offsets = [5], sizes = [1], strides = [1]} : vector<16xf32> to vector<1xf32>
      %squeeze3A_918 = vector.extract %slice3A_917[0] : f32 from vector<1xf32>
      %mul3A_919 = vector.broadcast %squeeze3A_918 : f32 to vector<16xf32>
      %mul3A_920 = arith.mulf %unpack3A_42, %mul3A_919 : vector<16xf32>
      %add3A_921 = arith.addf %add3A_916, %mul3A_920 : vector<16xf32>
      %slice3A_922 = vector.extract_strided_slice %get3A_892 {offsets = [6], sizes = [1], strides = [1]} : vector<16xf32> to vector<1xf32>
      %squeeze3A_923 = vector.extract %slice3A_922[0] : f32 from vector<1xf32>
      %mul3A_924 = vector.broadcast %squeeze3A_923 : f32 to vector<16xf32>
      %mul3A_925 = arith.mulf %unpack3A_43, %mul3A_924 : vector<16xf32>
      %add3A_926 = arith.addf %add3A_921, %mul3A_925 : vector<16xf32>
      %slice3A_927 = vector.extract_strided_slice %get3A_892 {offsets = [7], sizes = [1], strides = [1]} : vector<16xf32> to vector<1xf32>
      %squeeze3A_928 = vector.extract %slice3A_927[0] : f32 from vector<1xf32>
      %mul3A_929 = vector.broadcast %squeeze3A_928 : f32 to vector<16xf32>
      %mul3A_930 = arith.mulf %unpack3A_44, %mul3A_929 : vector<16xf32>
      %add3A_931 = arith.addf %add3A_926, %mul3A_930 : vector<16xf32>
      %slice3A_932 = vector.extract_strided_slice %get3A_892 {offsets = [8], sizes = [1], strides = [1]} : vector<16xf32> to vector<1xf32>
      %squeeze3A_933 = vector.extract %slice3A_932[0] : f32 from vector<1xf32>
      %mul3A_934 = vector.broadcast %squeeze3A_933 : f32 to vector<16xf32>
      %mul3A_935 = arith.mulf %unpack3A_45, %mul3A_934 : vector<16xf32>
      %add3A_936 = arith.addf %add3A_931, %mul3A_935 : vector<16xf32>
      %slice3A_937 = vector.extract_strided_slice %get3A_892 {offsets = [9], sizes = [1], strides = [1]} : vector<16xf32> to vector<1xf32>
      %squeeze3A_938 = vector.extract %slice3A_937[0] : f32 from vector<1xf32>
      %mul3A_939 = vector.broadcast %squeeze3A_938 : f32 to vector<16xf32>
      %mul3A_940 = arith.mulf %unpack3A_46, %mul3A_939 : vector<16xf32>
      %add3A_941 = arith.addf %add3A_936, %mul3A_940 : vector<16xf32>
      %slice3A_942 = vector.extract_strided_slice %get3A_892 {offsets = [10], sizes = [1], strides = [1]} : vector<16xf32> to vector<1xf32>
      %squeeze3A_943 = vector.extract %slice3A_942[0] : f32 from vector<1xf32>
      %mul3A_944 = vector.broadcast %squeeze3A_943 : f32 to vector<16xf32>
      %mul3A_945 = arith.mulf %unpack3A_47, %mul3A_944 : vector<16xf32>
      %add3A_946 = arith.addf %add3A_941, %mul3A_945 : vector<16xf32>
      %slice3A_947 = vector.extract_strided_slice %get3A_892 {offsets = [11], sizes = [1], strides = [1]} : vector<16xf32> to vector<1xf32>
      %squeeze3A_948 = vector.extract %slice3A_947[0] : f32 from vector<1xf32>
      %mul3A_949 = vector.broadcast %squeeze3A_948 : f32 to vector<16xf32>
      %mul3A_950 = arith.mulf %unpack3A_48, %mul3A_949 : vector<16xf32>
      %add3A_951 = arith.addf %add3A_946, %mul3A_950 : vector<16xf32>
      %slice3A_952 = vector.extract_strided_slice %get3A_892 {offsets = [12], sizes = [1], strides = [1]} : vector<16xf32> to vector<1xf32>
      %squeeze3A_953 = vector.extract %slice3A_952[0] : f32 from vector<1xf32>
      %mul3A_954 = vector.broadcast %squeeze3A_953 : f32 to vector<16xf32>
      %mul3A_955 = arith.mulf %unpack3A_49, %mul3A_954 : vector<16xf32>
      %add3A_956 = arith.addf %add3A_951, %mul3A_955 : vector<16xf32>
      %slice3A_957 = vector.extract_strided_slice %get3A_892 {offsets = [13], sizes = [1], strides = [1]} : vector<16xf32> to vector<1xf32>
      %squeeze3A_958 = vector.extract %slice3A_957[0] : f32 from vector<1xf32>
      %mul3A_959 = vector.broadcast %squeeze3A_958 : f32 to vector<16xf32>
      %mul3A_960 = arith.mulf %unpack3A_50, %mul3A_959 : vector<16xf32>
      %add3A_961 = arith.addf %add3A_956, %mul3A_960 : vector<16xf32>
      %slice3A_962 = vector.extract_strided_slice %get3A_892 {offsets = [14], sizes = [1], strides = [1]} : vector<16xf32> to vector<1xf32>
      %squeeze3A_963 = vector.extract %slice3A_962[0] : f32 from vector<1xf32>
      %mul3A_964 = vector.broadcast %squeeze3A_963 : f32 to vector<16xf32>
      %mul3A_965 = arith.mulf %unpack3A_51, %mul3A_964 : vector<16xf32>
      %add3A_966 = arith.addf %add3A_961, %mul3A_965 : vector<16xf32>
      %slice3A_967 = vector.extract_strided_slice %get3A_892 {offsets = [15], sizes = [1], strides = [1]} : vector<16xf32> to vector<1xf32>
      %squeeze3A_968 = vector.extract %slice3A_967[0] : f32 from vector<1xf32>
      %mul3A_969 = vector.broadcast %squeeze3A_968 : f32 to vector<16xf32>
      %mul3A_970 = arith.mulf %unpack3A_52, %mul3A_969 : vector<16xf32>
      %add3A_971 = arith.addf %add3A_966, %mul3A_970 : vector<16xf32>
      %slice3A_972 = vector.extract_strided_slice %get3A_53 {offsets = [9], sizes = [1], strides = [1]} : vector<16xf32> to vector<1xf32>
      %squeeze3A_973 = vector.extract %slice3A_972[0] : f32 from vector<1xf32>
      %add3A_974 = vector.broadcast %squeeze3A_973 : f32 to vector<16xf32>
      %add3A_975 = arith.addf %add3A_971, %add3A_974 : vector<16xf32>
      %max3A_976 = arith.constant 0.000000e+00 : f32
      %max3A_977 = vector.broadcast %max3A_976 : f32 to vector<16xf32>
      %max3A_978 = arith.maximumf %add3A_975, %max3A_977 : vector<16xf32>
      %slice3A_979 = vector.extract_strided_slice %get3A_55 {offsets = [9], sizes = [1], strides = [1]} : vector<16xf32> to vector<1xf32>
      %squeeze3A_980 = vector.extract %slice3A_979[0] : f32 from vector<1xf32>
      %mul3A_981 = vector.broadcast %squeeze3A_980 : f32 to vector<16xf32>
      %mul3A_982 = arith.mulf %max3A_978, %mul3A_981 : vector<16xf32>
      %add3A_983 = arith.addf %add3A_890, %mul3A_982 : vector<16xf32>
      %get3A_984 = arith.constant 160 : index
      %get3A_985 = tpu.vector_load %arg9[%get3A_984] {strides = array<i32>} : memref<304xf32, #tpu.memory_space<vmem>>, vector<16xf32>,
      %slice3A_986 = vector.extract_strided_slice %get3A_985 {offsets = [0], sizes = [1], strides = [1]} : vector<16xf32> to vector<1xf32>
      %squeeze3A_987 = vector.extract %slice3A_986[0] : f32 from vector<1xf32>
      %mul3A_988 = vector.broadcast %squeeze3A_987 : f32 to vector<16xf32>
      %mul3A_989 = arith.mulf %unpack3A, %mul3A_988 : vector<16xf32>
      %slice3A_990 = vector.extract_strided_slice %get3A_985 {offsets = [1], sizes = [1], strides = [1]} : vector<16xf32> to vector<1xf32>
      %squeeze3A_991 = vector.extract %slice3A_990[0] : f32 from vector<1xf32>
      %mul3A_992 = vector.broadcast %squeeze3A_991 : f32 to vector<16xf32>
      %mul3A_993 = arith.mulf %unpack3A_38, %mul3A_992 : vector<16xf32>
      %add3A_994 = arith.addf %mul3A_989, %mul3A_993 : vector<16xf32>
      %slice3A_995 = vector.extract_strided_slice %get3A_985 {offsets = [2], sizes = [1], strides = [1]} : vector<16xf32> to vector<1xf32>
      %squeeze3A_996 = vector.extract %slice3A_995[0] : f32 from vector<1xf32>
      %mul3A_997 = vector.broadcast %squeeze3A_996 : f32 to vector<16xf32>
      %mul3A_998 = arith.mulf %unpack3A_39, %mul3A_997 : vector<16xf32>
      %add3A_999 = arith.addf %add3A_994, %mul3A_998 : vector<16xf32>
      %slice3A_1000 = vector.extract_strided_slice %get3A_985 {offsets = [3], sizes = [1], strides = [1]} : vector<16xf32> to vector<1xf32>
      %squeeze3A_1001 = vector.extract %slice3A_1000[0] : f32 from vector<1xf32>
      %mul3A_1002 = vector.broadcast %squeeze3A_1001 : f32 to vector<16xf32>
      %mul3A_1003 = arith.mulf %unpack3A_40, %mul3A_1002 : vector<16xf32>
      %add3A_1004 = arith.addf %add3A_999, %mul3A_1003 : vector<16xf32>
      %slice3A_1005 = vector.extract_strided_slice %get3A_985 {offsets = [4], sizes = [1], strides = [1]} : vector<16xf32> to vector<1xf32>
      %squeeze3A_1006 = vector.extract %slice3A_1005[0] : f32 from vector<1xf32>
      %mul3A_1007 = vector.broadcast %squeeze3A_1006 : f32 to vector<16xf32>
      %mul3A_1008 = arith.mulf %unpack3A_41, %mul3A_1007 : vector<16xf32>
      %add3A_1009 = arith.addf %add3A_1004, %mul3A_1008 : vector<16xf32>
      %slice3A_1010 = vector.extract_strided_slice %get3A_985 {offsets = [5], sizes = [1], strides = [1]} : vector<16xf32> to vector<1xf32>
      %squeeze3A_1011 = vector.extract %slice3A_1010[0] : f32 from vector<1xf32>
      %mul3A_1012 = vector.broadcast %squeeze3A_1011 : f32 to vector<16xf32>
      %mul3A_1013 = arith.mulf %unpack3A_42, %mul3A_1012 : vector<16xf32>
      %add3A_1014 = arith.addf %add3A_1009, %mul3A_1013 : vector<16xf32>
      %slice3A_1015 = vector.extract_strided_slice %get3A_985 {offsets = [6], sizes = [1], strides = [1]} : vector<16xf32> to vector<1xf32>
      %squeeze3A_1016 = vector.extract %slice3A_1015[0] : f32 from vector<1xf32>
      %mul3A_1017 = vector.broadcast %squeeze3A_1016 : f32 to vector<16xf32>
      %mul3A_1018 = arith.mulf %unpack3A_43, %mul3A_1017 : vector<16xf32>
      %add3A_1019 = arith.addf %add3A_1014, %mul3A_1018 : vector<16xf32>
      %slice3A_1020 = vector.extract_strided_slice %get3A_985 {offsets = [7], sizes = [1], strides = [1]} : vector<16xf32> to vector<1xf32>
      %squeeze3A_1021 = vector.extract %slice3A_1020[0] : f32 from vector<1xf32>
      %mul3A_1022 = vector.broadcast %squeeze3A_1021 : f32 to vector<16xf32>
      %mul3A_1023 = arith.mulf %unpack3A_44, %mul3A_1022 : vector<16xf32>
      %add3A_1024 = arith.addf %add3A_1019, %mul3A_1023 : vector<16xf32>
      %slice3A_1025 = vector.extract_strided_slice %get3A_985 {offsets = [8], sizes = [1], strides = [1]} : vector<16xf32> to vector<1xf32>
      %squeeze3A_1026 = vector.extract %slice3A_1025[0] : f32 from vector<1xf32>
      %mul3A_1027 = vector.broadcast %squeeze3A_1026 : f32 to vector<16xf32>
      %mul3A_1028 = arith.mulf %unpack3A_45, %mul3A_1027 : vector<16xf32>
      %add3A_1029 = arith.addf %add3A_1024, %mul3A_1028 : vector<16xf32>
      %slice3A_1030 = vector.extract_strided_slice %get3A_985 {offsets = [9], sizes = [1], strides = [1]} : vector<16xf32> to vector<1xf32>
      %squeeze3A_1031 = vector.extract %slice3A_1030[0] : f32 from vector<1xf32>
      %mul3A_1032 = vector.broadcast %squeeze3A_1031 : f32 to vector<16xf32>
      %mul3A_1033 = arith.mulf %unpack3A_46, %mul3A_1032 : vector<16xf32>
      %add3A_1034 = arith.addf %add3A_1029, %mul3A_1033 : vector<16xf32>
      %slice3A_1035 = vector.extract_strided_slice %get3A_985 {offsets = [10], sizes = [1], strides = [1]} : vector<16xf32> to vector<1xf32>
      %squeeze3A_1036 = vector.extract %slice3A_1035[0] : f32 from vector<1xf32>
      %mul3A_1037 = vector.broadcast %squeeze3A_1036 : f32 to vector<16xf32>
      %mul3A_1038 = arith.mulf %unpack3A_47, %mul3A_1037 : vector<16xf32>
      %add3A_1039 = arith.addf %add3A_1034, %mul3A_1038 : vector<16xf32>
      %slice3A_1040 = vector.extract_strided_slice %get3A_985 {offsets = [11], sizes = [1], strides = [1]} : vector<16xf32> to vector<1xf32>
      %squeeze3A_1041 = vector.extract %slice3A_1040[0] : f32 from vector<1xf32>
      %mul3A_1042 = vector.broadcast %squeeze3A_1041 : f32 to vector<16xf32>
      %mul3A_1043 = arith.mulf %unpack3A_48, %mul3A_1042 : vector<16xf32>
      %add3A_1044 = arith.addf %add3A_1039, %mul3A_1043 : vector<16xf32>
      %slice3A_1045 = vector.extract_strided_slice %get3A_985 {offsets = [12], sizes = [1], strides = [1]} : vector<16xf32> to vector<1xf32>
      %squeeze3A_1046 = vector.extract %slice3A_1045[0] : f32 from vector<1xf32>
      %mul3A_1047 = vector.broadcast %squeeze3A_1046 : f32 to vector<16xf32>
      %mul3A_1048 = arith.mulf %unpack3A_49, %mul3A_1047 : vector<16xf32>
      %add3A_1049 = arith.addf %add3A_1044, %mul3A_1048 : vector<16xf32>
      %slice3A_1050 = vector.extract_strided_slice %get3A_985 {offsets = [13], sizes = [1], strides = [1]} : vector<16xf32> to vector<1xf32>
      %squeeze3A_1051 = vector.extract %slice3A_1050[0] : f32 from vector<1xf32>
      %mul3A_1052 = vector.broadcast %squeeze3A_1051 : f32 to vector<16xf32>
      %mul3A_1053 = arith.mulf %unpack3A_50, %mul3A_1052 : vector<16xf32>
      %add3A_1054 = arith.addf %add3A_1049, %mul3A_1053 : vector<16xf32>
      %slice3A_1055 = vector.extract_strided_slice %get3A_985 {offsets = [14], sizes = [1], strides = [1]} : vector<16xf32> to vector<1xf32>
      %squeeze3A_1056 = vector.extract %slice3A_1055[0] : f32 from vector<1xf32>
      %mul3A_1057 = vector.broadcast %squeeze3A_1056 : f32 to vector<16xf32>
      %mul3A_1058 = arith.mulf %unpack3A_51, %mul3A_1057 : vector<16xf32>
      %add3A_1059 = arith.addf %add3A_1054, %mul3A_1058 : vector<16xf32>
      %slice3A_1060 = vector.extract_strided_slice %get3A_985 {offsets = [15], sizes = [1], strides = [1]} : vector<16xf32> to vector<1xf32>
      %squeeze3A_1061 = vector.extract %slice3A_1060[0] : f32 from vector<1xf32>
      %mul3A_1062 = vector.broadcast %squeeze3A_1061 : f32 to vector<16xf32>
      %mul3A_1063 = arith.mulf %unpack3A_52, %mul3A_1062 : vector<16xf32>
      %add3A_1064 = arith.addf %add3A_1059, %mul3A_1063 : vector<16xf32>
      %slice3A_1065 = vector.extract_strided_slice %get3A_53 {offsets = [10], sizes = [1], strides = [1]} : vector<16xf32> to vector<1xf32>
      %squeeze3A_1066 = vector.extract %slice3A_1065[0] : f32 from vector<1xf32>
      %add3A_1067 = vector.broadcast %squeeze3A_1066 : f32 to vector<16xf32>
      %add3A_1068 = arith.addf %add3A_1064, %add3A_1067 : vector<16xf32>
      %max3A_1069 = arith.constant 0.000000e+00 : f32
      %max3A_1070 = vector.broadcast %max3A_1069 : f32 to vector<16xf32>
      %max3A_1071 = arith.maximumf %add3A_1068, %max3A_1070 : vector<16xf32>
      %slice3A_1072 = vector.extract_strided_slice %get3A_55 {offsets = [10], sizes = [1], strides = [1]} : vector<16xf32> to vector<1xf32>
      %squeeze3A_1073 = vector.extract %slice3A_1072[0] : f32 from vector<1xf32>
      %mul3A_1074 = vector.broadcast %squeeze3A_1073 : f32 to vector<16xf32>
      %mul3A_1075 = arith.mulf %max3A_1071, %mul3A_1074 : vector<16xf32>
      %add3A_1076 = arith.addf %add3A_983, %mul3A_1075 : vector<16xf32>
      %get3A_1077 = arith.constant 176 : index
      %get3A_1078 = tpu.vector_load %arg9[%get3A_1077] {strides = array<i32>} : memref<304xf32, #tpu.memory_space<vmem>>, vector<16xf32>,
      %slice3A_1079 = vector.extract_strided_slice %get3A_1078 {offsets = [0], sizes = [1], strides = [1]} : vector<16xf32> to vector<1xf32>
      %squeeze3A_1080 = vector.extract %slice3A_1079[0] : f32 from vector<1xf32>
      %mul3A_1081 = vector.broadcast %squeeze3A_1080 : f32 to vector<16xf32>
      %mul3A_1082 = arith.mulf %unpack3A, %mul3A_1081 : vector<16xf32>
      %slice3A_1083 = vector.extract_strided_slice %get3A_1078 {offsets = [1], sizes = [1], strides = [1]} : vector<16xf32> to vector<1xf32>
      %squeeze3A_1084 = vector.extract %slice3A_1083[0] : f32 from vector<1xf32>
      %mul3A_1085 = vector.broadcast %squeeze3A_1084 : f32 to vector<16xf32>
      %mul3A_1086 = arith.mulf %unpack3A_38, %mul3A_1085 : vector<16xf32>
      %add3A_1087 = arith.addf %mul3A_1082, %mul3A_1086 : vector<16xf32>
      %slice3A_1088 = vector.extract_strided_slice %get3A_1078 {offsets = [2], sizes = [1], strides = [1]} : vector<16xf32> to vector<1xf32>
      %squeeze3A_1089 = vector.extract %slice3A_1088[0] : f32 from vector<1xf32>
      %mul3A_1090 = vector.broadcast %squeeze3A_1089 : f32 to vector<16xf32>
      %mul3A_1091 = arith.mulf %unpack3A_39, %mul3A_1090 : vector<16xf32>
      %add3A_1092 = arith.addf %add3A_1087, %mul3A_1091 : vector<16xf32>
      %slice3A_1093 = vector.extract_strided_slice %get3A_1078 {offsets = [3], sizes = [1], strides = [1]} : vector<16xf32> to vector<1xf32>
      %squeeze3A_1094 = vector.extract %slice3A_1093[0] : f32 from vector<1xf32>
      %mul3A_1095 = vector.broadcast %squeeze3A_1094 : f32 to vector<16xf32>
      %mul3A_1096 = arith.mulf %unpack3A_40, %mul3A_1095 : vector<16xf32>
      %add3A_1097 = arith.addf %add3A_1092, %mul3A_1096 : vector<16xf32>
      %slice3A_1098 = vector.extract_strided_slice %get3A_1078 {offsets = [4], sizes = [1], strides = [1]} : vector<16xf32> to vector<1xf32>
      %squeeze3A_1099 = vector.extract %slice3A_1098[0] : f32 from vector<1xf32>
      %mul3A_1100 = vector.broadcast %squeeze3A_1099 : f32 to vector<16xf32>
      %mul3A_1101 = arith.mulf %unpack3A_41, %mul3A_1100 : vector<16xf32>
      %add3A_1102 = arith.addf %add3A_1097, %mul3A_1101 : vector<16xf32>
      %slice3A_1103 = vector.extract_strided_slice %get3A_1078 {offsets = [5], sizes = [1], strides = [1]} : vector<16xf32> to vector<1xf32>
      %squeeze3A_1104 = vector.extract %slice3A_1103[0] : f32 from vector<1xf32>
      %mul3A_1105 = vector.broadcast %squeeze3A_1104 : f32 to vector<16xf32>
      %mul3A_1106 = arith.mulf %unpack3A_42, %mul3A_1105 : vector<16xf32>
      %add3A_1107 = arith.addf %add3A_1102, %mul3A_1106 : vector<16xf32>
      %slice3A_1108 = vector.extract_strided_slice %get3A_1078 {offsets = [6], sizes = [1], strides = [1]} : vector<16xf32> to vector<1xf32>
      %squeeze3A_1109 = vector.extract %slice3A_1108[0] : f32 from vector<1xf32>
      %mul3A_1110 = vector.broadcast %squeeze3A_1109 : f32 to vector<16xf32>
      %mul3A_1111 = arith.mulf %unpack3A_43, %mul3A_1110 : vector<16xf32>
      %add3A_1112 = arith.addf %add3A_1107, %mul3A_1111 : vector<16xf32>
      %slice3A_1113 = vector.extract_strided_slice %get3A_1078 {offsets = [7], sizes = [1], strides = [1]} : vector<16xf32> to vector<1xf32>
      %squeeze3A_1114 = vector.extract %slice3A_1113[0] : f32 from vector<1xf32>
      %mul3A_1115 = vector.broadcast %squeeze3A_1114 : f32 to vector<16xf32>
      %mul3A_1116 = arith.mulf %unpack3A_44, %mul3A_1115 : vector<16xf32>
      %add3A_1117 = arith.addf %add3A_1112, %mul3A_1116 : vector<16xf32>
      %slice3A_1118 = vector.extract_strided_slice %get3A_1078 {offsets = [8], sizes = [1], strides = [1]} : vector<16xf32> to vector<1xf32>
      %squeeze3A_1119 = vector.extract %slice3A_1118[0] : f32 from vector<1xf32>
      %mul3A_1120 = vector.broadcast %squeeze3A_1119 : f32 to vector<16xf32>
      %mul3A_1121 = arith.mulf %unpack3A_45, %mul3A_1120 : vector<16xf32>
      %add3A_1122 = arith.addf %add3A_1117, %mul3A_1121 : vector<16xf32>
      %slice3A_1123 = vector.extract_strided_slice %get3A_1078 {offsets = [9], sizes = [1], strides = [1]} : vector<16xf32> to vector<1xf32>
      %squeeze3A_1124 = vector.extract %slice3A_1123[0] : f32 from vector<1xf32>
      %mul3A_1125 = vector.broadcast %squeeze3A_1124 : f32 to vector<16xf32>
      %mul3A_1126 = arith.mulf %unpack3A_46, %mul3A_1125 : vector<16xf32>
      %add3A_1127 = arith.addf %add3A_1122, %mul3A_1126 : vector<16xf32>
      %slice3A_1128 = vector.extract_strided_slice %get3A_1078 {offsets = [10], sizes = [1], strides = [1]} : vector<16xf32> to vector<1xf32>
      %squeeze3A_1129 = vector.extract %slice3A_1128[0] : f32 from vector<1xf32>
      %mul3A_1130 = vector.broadcast %squeeze3A_1129 : f32 to vector<16xf32>
      %mul3A_1131 = arith.mulf %unpack3A_47, %mul3A_1130 : vector<16xf32>
      %add3A_1132 = arith.addf %add3A_1127, %mul3A_1131 : vector<16xf32>
      %slice3A_1133 = vector.extract_strided_slice %get3A_1078 {offsets = [11], sizes = [1], strides = [1]} : vector<16xf32> to vector<1xf32>
      %squeeze3A_1134 = vector.extract %slice3A_1133[0] : f32 from vector<1xf32>
      %mul3A_1135 = vector.broadcast %squeeze3A_1134 : f32 to vector<16xf32>
      %mul3A_1136 = arith.mulf %unpack3A_48, %mul3A_1135 : vector<16xf32>
      %add3A_1137 = arith.addf %add3A_1132, %mul3A_1136 : vector<16xf32>
      %slice3A_1138 = vector.extract_strided_slice %get3A_1078 {offsets = [12], sizes = [1], strides = [1]} : vector<16xf32> to vector<1xf32>
      %squeeze3A_1139 = vector.extract %slice3A_1138[0] : f32 from vector<1xf32>
      %mul3A_1140 = vector.broadcast %squeeze3A_1139 : f32 to vector<16xf32>
      %mul3A_1141 = arith.mulf %unpack3A_49, %mul3A_1140 : vector<16xf32>
      %add3A_1142 = arith.addf %add3A_1137, %mul3A_1141 : vector<16xf32>
      %slice3A_1143 = vector.extract_strided_slice %get3A_1078 {offsets = [13], sizes = [1], strides = [1]} : vector<16xf32> to vector<1xf32>
      %squeeze3A_1144 = vector.extract %slice3A_1143[0] : f32 from vector<1xf32>
      %mul3A_1145 = vector.broadcast %squeeze3A_1144 : f32 to vector<16xf32>
      %mul3A_1146 = arith.mulf %unpack3A_50, %mul3A_1145 : vector<16xf32>
      %add3A_1147 = arith.addf %add3A_1142, %mul3A_1146 : vector<16xf32>
      %slice3A_1148 = vector.extract_strided_slice %get3A_1078 {offsets = [14], sizes = [1], strides = [1]} : vector<16xf32> to vector<1xf32>
      %squeeze3A_1149 = vector.extract %slice3A_1148[0] : f32 from vector<1xf32>
      %mul3A_1150 = vector.broadcast %squeeze3A_1149 : f32 to vector<16xf32>
      %mul3A_1151 = arith.mulf %unpack3A_51, %mul3A_1150 : vector<16xf32>
      %add3A_1152 = arith.addf %add3A_1147, %mul3A_1151 : vector<16xf32>
      %slice3A_1153 = vector.extract_strided_slice %get3A_1078 {offsets = [15], sizes = [1], strides = [1]} : vector<16xf32> to vector<1xf32>
      %squeeze3A_1154 = vector.extract %slice3A_1153[0] : f32 from vector<1xf32>
      %mul3A_1155 = vector.broadcast %squeeze3A_1154 : f32 to vector<16xf32>
      %mul3A_1156 = arith.mulf %unpack3A_52, %mul3A_1155 : vector<16xf32>
      %add3A_1157 = arith.addf %add3A_1152, %mul3A_1156 : vector<16xf32>
      %slice3A_1158 = vector.extract_strided_slice %get3A_53 {offsets = [11], sizes = [1], strides = [1]} : vector<16xf32> to vector<1xf32>
      %squeeze3A_1159 = vector.extract %slice3A_1158[0] : f32 from vector<1xf32>
      %add3A_1160 = vector.broadcast %squeeze3A_1159 : f32 to vector<16xf32>
      %add3A_1161 = arith.addf %add3A_1157, %add3A_1160 : vector<16xf32>
      %max3A_1162 = arith.constant 0.000000e+00 : f32
      %max3A_1163 = vector.broadcast %max3A_1162 : f32 to vector<16xf32>
      %max3A_1164 = arith.maximumf %add3A_1161, %max3A_1163 : vector<16xf32>
      %slice3A_1165 = vector.extract_strided_slice %get3A_55 {offsets = [11], sizes = [1], strides = [1]} : vector<16xf32> to vector<1xf32>
      %squeeze3A_1166 = vector.extract %slice3A_1165[0] : f32 from vector<1xf32>
      %mul3A_1167 = vector.broadcast %squeeze3A_1166 : f32 to vector<16xf32>
      %mul3A_1168 = arith.mulf %max3A_1164, %mul3A_1167 : vector<16xf32>
      %add3A_1169 = arith.addf %add3A_1076, %mul3A_1168 : vector<16xf32>
      %get3A_1170 = arith.constant 192 : index
      %get3A_1171 = tpu.vector_load %arg9[%get3A_1170] {strides = array<i32>} : memref<304xf32, #tpu.memory_space<vmem>>, vector<16xf32>,
      %slice3A_1172 = vector.extract_strided_slice %get3A_1171 {offsets = [0], sizes = [1], strides = [1]} : vector<16xf32> to vector<1xf32>
      %squeeze3A_1173 = vector.extract %slice3A_1172[0] : f32 from vector<1xf32>
      %mul3A_1174 = vector.broadcast %squeeze3A_1173 : f32 to vector<16xf32>
      %mul3A_1175 = arith.mulf %unpack3A, %mul3A_1174 : vector<16xf32>
      %slice3A_1176 = vector.extract_strided_slice %get3A_1171 {offsets = [1], sizes = [1], strides = [1]} : vector<16xf32> to vector<1xf32>
      %squeeze3A_1177 = vector.extract %slice3A_1176[0] : f32 from vector<1xf32>
      %mul3A_1178 = vector.broadcast %squeeze3A_1177 : f32 to vector<16xf32>
      %mul3A_1179 = arith.mulf %unpack3A_38, %mul3A_1178 : vector<16xf32>
      %add3A_1180 = arith.addf %mul3A_1175, %mul3A_1179 : vector<16xf32>
      %slice3A_1181 = vector.extract_strided_slice %get3A_1171 {offsets = [2], sizes = [1], strides = [1]} : vector<16xf32> to vector<1xf32>
      %squeeze3A_1182 = vector.extract %slice3A_1181[0] : f32 from vector<1xf32>
      %mul3A_1183 = vector.broadcast %squeeze3A_1182 : f32 to vector<16xf32>
      %mul3A_1184 = arith.mulf %unpack3A_39, %mul3A_1183 : vector<16xf32>
      %add3A_1185 = arith.addf %add3A_1180, %mul3A_1184 : vector<16xf32>
      %slice3A_1186 = vector.extract_strided_slice %get3A_1171 {offsets = [3], sizes = [1], strides = [1]} : vector<16xf32> to vector<1xf32>
      %squeeze3A_1187 = vector.extract %slice3A_1186[0] : f32 from vector<1xf32>
      %mul3A_1188 = vector.broadcast %squeeze3A_1187 : f32 to vector<16xf32>
      %mul3A_1189 = arith.mulf %unpack3A_40, %mul3A_1188 : vector<16xf32>
      %add3A_1190 = arith.addf %add3A_1185, %mul3A_1189 : vector<16xf32>
      %slice3A_1191 = vector.extract_strided_slice %get3A_1171 {offsets = [4], sizes = [1], strides = [1]} : vector<16xf32> to vector<1xf32>
      %squeeze3A_1192 = vector.extract %slice3A_1191[0] : f32 from vector<1xf32>
      %mul3A_1193 = vector.broadcast %squeeze3A_1192 : f32 to vector<16xf32>
      %mul3A_1194 = arith.mulf %unpack3A_41, %mul3A_1193 : vector<16xf32>
      %add3A_1195 = arith.addf %add3A_1190, %mul3A_1194 : vector<16xf32>
      %slice3A_1196 = vector.extract_strided_slice %get3A_1171 {offsets = [5], sizes = [1], strides = [1]} : vector<16xf32> to vector<1xf32>
      %squeeze3A_1197 = vector.extract %slice3A_1196[0] : f32 from vector<1xf32>
      %mul3A_1198 = vector.broadcast %squeeze3A_1197 : f32 to vector<16xf32>
      %mul3A_1199 = arith.mulf %unpack3A_42, %mul3A_1198 : vector<16xf32>
      %add3A_1200 = arith.addf %add3A_1195, %mul3A_1199 : vector<16xf32>
      %slice3A_1201 = vector.extract_strided_slice %get3A_1171 {offsets = [6], sizes = [1], strides = [1]} : vector<16xf32> to vector<1xf32>
      %squeeze3A_1202 = vector.extract %slice3A_1201[0] : f32 from vector<1xf32>
      %mul3A_1203 = vector.broadcast %squeeze3A_1202 : f32 to vector<16xf32>
      %mul3A_1204 = arith.mulf %unpack3A_43, %mul3A_1203 : vector<16xf32>
      %add3A_1205 = arith.addf %add3A_1200, %mul3A_1204 : vector<16xf32>
      %slice3A_1206 = vector.extract_strided_slice %get3A_1171 {offsets = [7], sizes = [1], strides = [1]} : vector<16xf32> to vector<1xf32>
      %squeeze3A_1207 = vector.extract %slice3A_1206[0] : f32 from vector<1xf32>
      %mul3A_1208 = vector.broadcast %squeeze3A_1207 : f32 to vector<16xf32>
      %mul3A_1209 = arith.mulf %unpack3A_44, %mul3A_1208 : vector<16xf32>
      %add3A_1210 = arith.addf %add3A_1205, %mul3A_1209 : vector<16xf32>
      %slice3A_1211 = vector.extract_strided_slice %get3A_1171 {offsets = [8], sizes = [1], strides = [1]} : vector<16xf32> to vector<1xf32>
      %squeeze3A_1212 = vector.extract %slice3A_1211[0] : f32 from vector<1xf32>
      %mul3A_1213 = vector.broadcast %squeeze3A_1212 : f32 to vector<16xf32>
      %mul3A_1214 = arith.mulf %unpack3A_45, %mul3A_1213 : vector<16xf32>
      %add3A_1215 = arith.addf %add3A_1210, %mul3A_1214 : vector<16xf32>
      %slice3A_1216 = vector.extract_strided_slice %get3A_1171 {offsets = [9], sizes = [1], strides = [1]} : vector<16xf32> to vector<1xf32>
      %squeeze3A_1217 = vector.extract %slice3A_1216[0] : f32 from vector<1xf32>
      %mul3A_1218 = vector.broadcast %squeeze3A_1217 : f32 to vector<16xf32>
      %mul3A_1219 = arith.mulf %unpack3A_46, %mul3A_1218 : vector<16xf32>
      %add3A_1220 = arith.addf %add3A_1215, %mul3A_1219 : vector<16xf32>
      %slice3A_1221 = vector.extract_strided_slice %get3A_1171 {offsets = [10], sizes = [1], strides = [1]} : vector<16xf32> to vector<1xf32>
      %squeeze3A_1222 = vector.extract %slice3A_1221[0] : f32 from vector<1xf32>
      %mul3A_1223 = vector.broadcast %squeeze3A_1222 : f32 to vector<16xf32>
      %mul3A_1224 = arith.mulf %unpack3A_47, %mul3A_1223 : vector<16xf32>
      %add3A_1225 = arith.addf %add3A_1220, %mul3A_1224 : vector<16xf32>
      %slice3A_1226 = vector.extract_strided_slice %get3A_1171 {offsets = [11], sizes = [1], strides = [1]} : vector<16xf32> to vector<1xf32>
      %squeeze3A_1227 = vector.extract %slice3A_1226[0] : f32 from vector<1xf32>
      %mul3A_1228 = vector.broadcast %squeeze3A_1227 : f32 to vector<16xf32>
      %mul3A_1229 = arith.mulf %unpack3A_48, %mul3A_1228 : vector<16xf32>
      %add3A_1230 = arith.addf %add3A_1225, %mul3A_1229 : vector<16xf32>
      %slice3A_1231 = vector.extract_strided_slice %get3A_1171 {offsets = [12], sizes = [1], strides = [1]} : vector<16xf32> to vector<1xf32>
      %squeeze3A_1232 = vector.extract %slice3A_1231[0] : f32 from vector<1xf32>
      %mul3A_1233 = vector.broadcast %squeeze3A_1232 : f32 to vector<16xf32>
      %mul3A_1234 = arith.mulf %unpack3A_49, %mul3A_1233 : vector<16xf32>
      %add3A_1235 = arith.addf %add3A_1230, %mul3A_1234 : vector<16xf32>
      %slice3A_1236 = vector.extract_strided_slice %get3A_1171 {offsets = [13], sizes = [1], strides = [1]} : vector<16xf32> to vector<1xf32>
      %squeeze3A_1237 = vector.extract %slice3A_1236[0] : f32 from vector<1xf32>
      %mul3A_1238 = vector.broadcast %squeeze3A_1237 : f32 to vector<16xf32>
      %mul3A_1239 = arith.mulf %unpack3A_50, %mul3A_1238 : vector<16xf32>
      %add3A_1240 = arith.addf %add3A_1235, %mul3A_1239 : vector<16xf32>
      %slice3A_1241 = vector.extract_strided_slice %get3A_1171 {offsets = [14], sizes = [1], strides = [1]} : vector<16xf32> to vector<1xf32>
      %squeeze3A_1242 = vector.extract %slice3A_1241[0] : f32 from vector<1xf32>
      %mul3A_1243 = vector.broadcast %squeeze3A_1242 : f32 to vector<16xf32>
      %mul3A_1244 = arith.mulf %unpack3A_51, %mul3A_1243 : vector<16xf32>
      %add3A_1245 = arith.addf %add3A_1240, %mul3A_1244 : vector<16xf32>
      %slice3A_1246 = vector.extract_strided_slice %get3A_1171 {offsets = [15], sizes = [1], strides = [1]} : vector<16xf32> to vector<1xf32>
      %squeeze3A_1247 = vector.extract %slice3A_1246[0] : f32 from vector<1xf32>
      %mul3A_1248 = vector.broadcast %squeeze3A_1247 : f32 to vector<16xf32>
      %mul3A_1249 = arith.mulf %unpack3A_52, %mul3A_1248 : vector<16xf32>
      %add3A_1250 = arith.addf %add3A_1245, %mul3A_1249 : vector<16xf32>
      %slice3A_1251 = vector.extract_strided_slice %get3A_53 {offsets = [12], sizes = [1], strides = [1]} : vector<16xf32> to vector<1xf32>
      %squeeze3A_1252 = vector.extract %slice3A_1251[0] : f32 from vector<1xf32>
      %add3A_1253 = vector.broadcast %squeeze3A_1252 : f32 to vector<16xf32>
      %add3A_1254 = arith.addf %add3A_1250, %add3A_1253 : vector<16xf32>
      %max3A_1255 = arith.constant 0.000000e+00 : f32
      %max3A_1256 = vector.broadcast %max3A_1255 : f32 to vector<16xf32>
      %max3A_1257 = arith.maximumf %add3A_1254, %max3A_1256 : vector<16xf32>
      %slice3A_1258 = vector.extract_strided_slice %get3A_55 {offsets = [12], sizes = [1], strides = [1]} : vector<16xf32> to vector<1xf32>
      %squeeze3A_1259 = vector.extract %slice3A_1258[0] : f32 from vector<1xf32>
      %mul3A_1260 = vector.broadcast %squeeze3A_1259 : f32 to vector<16xf32>
      %mul3A_1261 = arith.mulf %max3A_1257, %mul3A_1260 : vector<16xf32>
      %add3A_1262 = arith.addf %add3A_1169, %mul3A_1261 : vector<16xf32>
      %get3A_1263 = arith.constant 208 : index
      %get3A_1264 = tpu.vector_load %arg9[%get3A_1263] {strides = array<i32>} : memref<304xf32, #tpu.memory_space<vmem>>, vector<16xf32>,
      %slice3A_1265 = vector.extract_strided_slice %get3A_1264 {offsets = [0], sizes = [1], strides = [1]} : vector<16xf32> to vector<1xf32>
      %squeeze3A_1266 = vector.extract %slice3A_1265[0] : f32 from vector<1xf32>
      %mul3A_1267 = vector.broadcast %squeeze3A_1266 : f32 to vector<16xf32>
      %mul3A_1268 = arith.mulf %unpack3A, %mul3A_1267 : vector<16xf32>
      %slice3A_1269 = vector.extract_strided_slice %get3A_1264 {offsets = [1], sizes = [1], strides = [1]} : vector<16xf32> to vector<1xf32>
      %squeeze3A_1270 = vector.extract %slice3A_1269[0] : f32 from vector<1xf32>
      %mul3A_1271 = vector.broadcast %squeeze3A_1270 : f32 to vector<16xf32>
      %mul3A_1272 = arith.mulf %unpack3A_38, %mul3A_1271 : vector<16xf32>
      %add3A_1273 = arith.addf %mul3A_1268, %mul3A_1272 : vector<16xf32>
      %slice3A_1274 = vector.extract_strided_slice %get3A_1264 {offsets = [2], sizes = [1], strides = [1]} : vector<16xf32> to vector<1xf32>
      %squeeze3A_1275 = vector.extract %slice3A_1274[0] : f32 from vector<1xf32>
      %mul3A_1276 = vector.broadcast %squeeze3A_1275 : f32 to vector<16xf32>
      %mul3A_1277 = arith.mulf %unpack3A_39, %mul3A_1276 : vector<16xf32>
      %add3A_1278 = arith.addf %add3A_1273, %mul3A_1277 : vector<16xf32>
      %slice3A_1279 = vector.extract_strided_slice %get3A_1264 {offsets = [3], sizes = [1], strides = [1]} : vector<16xf32> to vector<1xf32>
      %squeeze3A_1280 = vector.extract %slice3A_1279[0] : f32 from vector<1xf32>
      %mul3A_1281 = vector.broadcast %squeeze3A_1280 : f32 to vector<16xf32>
      %mul3A_1282 = arith.mulf %unpack3A_40, %mul3A_1281 : vector<16xf32>
      %add3A_1283 = arith.addf %add3A_1278, %mul3A_1282 : vector<16xf32>
      %slice3A_1284 = vector.extract_strided_slice %get3A_1264 {offsets = [4], sizes = [1], strides = [1]} : vector<16xf32> to vector<1xf32>
      %squeeze3A_1285 = vector.extract %slice3A_1284[0] : f32 from vector<1xf32>
      %mul3A_1286 = vector.broadcast %squeeze3A_1285 : f32 to vector<16xf32>
      %mul3A_1287 = arith.mulf %unpack3A_41, %mul3A_1286 : vector<16xf32>
      %add3A_1288 = arith.addf %add3A_1283, %mul3A_1287 : vector<16xf32>
      %slice3A_1289 = vector.extract_strided_slice %get3A_1264 {offsets = [5], sizes = [1], strides = [1]} : vector<16xf32> to vector<1xf32>
      %squeeze3A_1290 = vector.extract %slice3A_1289[0] : f32 from vector<1xf32>
      %mul3A_1291 = vector.broadcast %squeeze3A_1290 : f32 to vector<16xf32>
      %mul3A_1292 = arith.mulf %unpack3A_42, %mul3A_1291 : vector<16xf32>
      %add3A_1293 = arith.addf %add3A_1288, %mul3A_1292 : vector<16xf32>
      %slice3A_1294 = vector.extract_strided_slice %get3A_1264 {offsets = [6], sizes = [1], strides = [1]} : vector<16xf32> to vector<1xf32>
      %squeeze3A_1295 = vector.extract %slice3A_1294[0] : f32 from vector<1xf32>
      %mul3A_1296 = vector.broadcast %squeeze3A_1295 : f32 to vector<16xf32>
      %mul3A_1297 = arith.mulf %unpack3A_43, %mul3A_1296 : vector<16xf32>
      %add3A_1298 = arith.addf %add3A_1293, %mul3A_1297 : vector<16xf32>
      %slice3A_1299 = vector.extract_strided_slice %get3A_1264 {offsets = [7], sizes = [1], strides = [1]} : vector<16xf32> to vector<1xf32>
      %squeeze3A_1300 = vector.extract %slice3A_1299[0] : f32 from vector<1xf32>
      %mul3A_1301 = vector.broadcast %squeeze3A_1300 : f32 to vector<16xf32>
      %mul3A_1302 = arith.mulf %unpack3A_44, %mul3A_1301 : vector<16xf32>
      %add3A_1303 = arith.addf %add3A_1298, %mul3A_1302 : vector<16xf32>
      %slice3A_1304 = vector.extract_strided_slice %get3A_1264 {offsets = [8], sizes = [1], strides = [1]} : vector<16xf32> to vector<1xf32>
      %squeeze3A_1305 = vector.extract %slice3A_1304[0] : f32 from vector<1xf32>
      %mul3A_1306 = vector.broadcast %squeeze3A_1305 : f32 to vector<16xf32>
      %mul3A_1307 = arith.mulf %unpack3A_45, %mul3A_1306 : vector<16xf32>
      %add3A_1308 = arith.addf %add3A_1303, %mul3A_1307 : vector<16xf32>
      %slice3A_1309 = vector.extract_strided_slice %get3A_1264 {offsets = [9], sizes = [1], strides = [1]} : vector<16xf32> to vector<1xf32>
      %squeeze3A_1310 = vector.extract %slice3A_1309[0] : f32 from vector<1xf32>
      %mul3A_1311 = vector.broadcast %squeeze3A_1310 : f32 to vector<16xf32>
      %mul3A_1312 = arith.mulf %unpack3A_46, %mul3A_1311 : vector<16xf32>
      %add3A_1313 = arith.addf %add3A_1308, %mul3A_1312 : vector<16xf32>
      %slice3A_1314 = vector.extract_strided_slice %get3A_1264 {offsets = [10], sizes = [1], strides = [1]} : vector<16xf32> to vector<1xf32>
      %squeeze3A_1315 = vector.extract %slice3A_1314[0] : f32 from vector<1xf32>
      %mul3A_1316 = vector.broadcast %squeeze3A_1315 : f32 to vector<16xf32>
      %mul3A_1317 = arith.mulf %unpack3A_47, %mul3A_1316 : vector<16xf32>
      %add3A_1318 = arith.addf %add3A_1313, %mul3A_1317 : vector<16xf32>
      %slice3A_1319 = vector.extract_strided_slice %get3A_1264 {offsets = [11], sizes = [1], strides = [1]} : vector<16xf32> to vector<1xf32>
      %squeeze3A_1320 = vector.extract %slice3A_1319[0] : f32 from vector<1xf32>
      %mul3A_1321 = vector.broadcast %squeeze3A_1320 : f32 to vector<16xf32>
      %mul3A_1322 = arith.mulf %unpack3A_48, %mul3A_1321 : vector<16xf32>
      %add3A_1323 = arith.addf %add3A_1318, %mul3A_1322 : vector<16xf32>
      %slice3A_1324 = vector.extract_strided_slice %get3A_1264 {offsets = [12], sizes = [1], strides = [1]} : vector<16xf32> to vector<1xf32>
      %squeeze3A_1325 = vector.extract %slice3A_1324[0] : f32 from vector<1xf32>
      %mul3A_1326 = vector.broadcast %squeeze3A_1325 : f32 to vector<16xf32>
      %mul3A_1327 = arith.mulf %unpack3A_49, %mul3A_1326 : vector<16xf32>
      %add3A_1328 = arith.addf %add3A_1323, %mul3A_1327 : vector<16xf32>
      %slice3A_1329 = vector.extract_strided_slice %get3A_1264 {offsets = [13], sizes = [1], strides = [1]} : vector<16xf32> to vector<1xf32>
      %squeeze3A_1330 = vector.extract %slice3A_1329[0] : f32 from vector<1xf32>
      %mul3A_1331 = vector.broadcast %squeeze3A_1330 : f32 to vector<16xf32>
      %mul3A_1332 = arith.mulf %unpack3A_50, %mul3A_1331 : vector<16xf32>
      %add3A_1333 = arith.addf %add3A_1328, %mul3A_1332 : vector<16xf32>
      %slice3A_1334 = vector.extract_strided_slice %get3A_1264 {offsets = [14], sizes = [1], strides = [1]} : vector<16xf32> to vector<1xf32>
      %squeeze3A_1335 = vector.extract %slice3A_1334[0] : f32 from vector<1xf32>
      %mul3A_1336 = vector.broadcast %squeeze3A_1335 : f32 to vector<16xf32>
      %mul3A_1337 = arith.mulf %unpack3A_51, %mul3A_1336 : vector<16xf32>
      %add3A_1338 = arith.addf %add3A_1333, %mul3A_1337 : vector<16xf32>
      %slice3A_1339 = vector.extract_strided_slice %get3A_1264 {offsets = [15], sizes = [1], strides = [1]} : vector<16xf32> to vector<1xf32>
      %squeeze3A_1340 = vector.extract %slice3A_1339[0] : f32 from vector<1xf32>
      %mul3A_1341 = vector.broadcast %squeeze3A_1340 : f32 to vector<16xf32>
      %mul3A_1342 = arith.mulf %unpack3A_52, %mul3A_1341 : vector<16xf32>
      %add3A_1343 = arith.addf %add3A_1338, %mul3A_1342 : vector<16xf32>
      %slice3A_1344 = vector.extract_strided_slice %get3A_53 {offsets = [13], sizes = [1], strides = [1]} : vector<16xf32> to vector<1xf32>
      %squeeze3A_1345 = vector.extract %slice3A_1344[0] : f32 from vector<1xf32>
      %add3A_1346 = vector.broadcast %squeeze3A_1345 : f32 to vector<16xf32>
      %add3A_1347 = arith.addf %add3A_1343, %add3A_1346 : vector<16xf32>
      %max3A_1348 = arith.constant 0.000000e+00 : f32
      %max3A_1349 = vector.broadcast %max3A_1348 : f32 to vector<16xf32>
      %max3A_1350 = arith.maximumf %add3A_1347, %max3A_1349 : vector<16xf32>
      %slice3A_1351 = vector.extract_strided_slice %get3A_55 {offsets = [13], sizes = [1], strides = [1]} : vector<16xf32> to vector<1xf32>
      %squeeze3A_1352 = vector.extract %slice3A_1351[0] : f32 from vector<1xf32>
      %mul3A_1353 = vector.broadcast %squeeze3A_1352 : f32 to vector<16xf32>
      %mul3A_1354 = arith.mulf %max3A_1350, %mul3A_1353 : vector<16xf32>
      %add3A_1355 = arith.addf %add3A_1262, %mul3A_1354 : vector<16xf32>
      %get3A_1356 = arith.constant 224 : index
      %get3A_1357 = tpu.vector_load %arg9[%get3A_1356] {strides = array<i32>} : memref<304xf32, #tpu.memory_space<vmem>>, vector<16xf32>,
      %slice3A_1358 = vector.extract_strided_slice %get3A_1357 {offsets = [0], sizes = [1], strides = [1]} : vector<16xf32> to vector<1xf32>
      %squeeze3A_1359 = vector.extract %slice3A_1358[0] : f32 from vector<1xf32>
      %mul3A_1360 = vector.broadcast %squeeze3A_1359 : f32 to vector<16xf32>
      %mul3A_1361 = arith.mulf %unpack3A, %mul3A_1360 : vector<16xf32>
      %slice3A_1362 = vector.extract_strided_slice %get3A_1357 {offsets = [1], sizes = [1], strides = [1]} : vector<16xf32> to vector<1xf32>
      %squeeze3A_1363 = vector.extract %slice3A_1362[0] : f32 from vector<1xf32>
      %mul3A_1364 = vector.broadcast %squeeze3A_1363 : f32 to vector<16xf32>
      %mul3A_1365 = arith.mulf %unpack3A_38, %mul3A_1364 : vector<16xf32>
      %add3A_1366 = arith.addf %mul3A_1361, %mul3A_1365 : vector<16xf32>
      %slice3A_1367 = vector.extract_strided_slice %get3A_1357 {offsets = [2], sizes = [1], strides = [1]} : vector<16xf32> to vector<1xf32>
      %squeeze3A_1368 = vector.extract %slice3A_1367[0] : f32 from vector<1xf32>
      %mul3A_1369 = vector.broadcast %squeeze3A_1368 : f32 to vector<16xf32>
      %mul3A_1370 = arith.mulf %unpack3A_39, %mul3A_1369 : vector<16xf32>
      %add3A_1371 = arith.addf %add3A_1366, %mul3A_1370 : vector<16xf32>
      %slice3A_1372 = vector.extract_strided_slice %get3A_1357 {offsets = [3], sizes = [1], strides = [1]} : vector<16xf32> to vector<1xf32>
      %squeeze3A_1373 = vector.extract %slice3A_1372[0] : f32 from vector<1xf32>
      %mul3A_1374 = vector.broadcast %squeeze3A_1373 : f32 to vector<16xf32>
      %mul3A_1375 = arith.mulf %unpack3A_40, %mul3A_1374 : vector<16xf32>
      %add3A_1376 = arith.addf %add3A_1371, %mul3A_1375 : vector<16xf32>
      %slice3A_1377 = vector.extract_strided_slice %get3A_1357 {offsets = [4], sizes = [1], strides = [1]} : vector<16xf32> to vector<1xf32>
      %squeeze3A_1378 = vector.extract %slice3A_1377[0] : f32 from vector<1xf32>
      %mul3A_1379 = vector.broadcast %squeeze3A_1378 : f32 to vector<16xf32>
      %mul3A_1380 = arith.mulf %unpack3A_41, %mul3A_1379 : vector<16xf32>
      %add3A_1381 = arith.addf %add3A_1376, %mul3A_1380 : vector<16xf32>
      %slice3A_1382 = vector.extract_strided_slice %get3A_1357 {offsets = [5], sizes = [1], strides = [1]} : vector<16xf32> to vector<1xf32>
      %squeeze3A_1383 = vector.extract %slice3A_1382[0] : f32 from vector<1xf32>
      %mul3A_1384 = vector.broadcast %squeeze3A_1383 : f32 to vector<16xf32>
      %mul3A_1385 = arith.mulf %unpack3A_42, %mul3A_1384 : vector<16xf32>
      %add3A_1386 = arith.addf %add3A_1381, %mul3A_1385 : vector<16xf32>
      %slice3A_1387 = vector.extract_strided_slice %get3A_1357 {offsets = [6], sizes = [1], strides = [1]} : vector<16xf32> to vector<1xf32>
      %squeeze3A_1388 = vector.extract %slice3A_1387[0] : f32 from vector<1xf32>
      %mul3A_1389 = vector.broadcast %squeeze3A_1388 : f32 to vector<16xf32>
      %mul3A_1390 = arith.mulf %unpack3A_43, %mul3A_1389 : vector<16xf32>
      %add3A_1391 = arith.addf %add3A_1386, %mul3A_1390 : vector<16xf32>
      %slice3A_1392 = vector.extract_strided_slice %get3A_1357 {offsets = [7], sizes = [1], strides = [1]} : vector<16xf32> to vector<1xf32>
      %squeeze3A_1393 = vector.extract %slice3A_1392[0] : f32 from vector<1xf32>
      %mul3A_1394 = vector.broadcast %squeeze3A_1393 : f32 to vector<16xf32>
      %mul3A_1395 = arith.mulf %unpack3A_44, %mul3A_1394 : vector<16xf32>
      %add3A_1396 = arith.addf %add3A_1391, %mul3A_1395 : vector<16xf32>
      %slice3A_1397 = vector.extract_strided_slice %get3A_1357 {offsets = [8], sizes = [1], strides = [1]} : vector<16xf32> to vector<1xf32>
      %squeeze3A_1398 = vector.extract %slice3A_1397[0] : f32 from vector<1xf32>
      %mul3A_1399 = vector.broadcast %squeeze3A_1398 : f32 to vector<16xf32>
      %mul3A_1400 = arith.mulf %unpack3A_45, %mul3A_1399 : vector<16xf32>
      %add3A_1401 = arith.addf %add3A_1396, %mul3A_1400 : vector<16xf32>
      %slice3A_1402 = vector.extract_strided_slice %get3A_1357 {offsets = [9], sizes = [1], strides = [1]} : vector<16xf32> to vector<1xf32>
      %squeeze3A_1403 = vector.extract %slice3A_1402[0] : f32 from vector<1xf32>
      %mul3A_1404 = vector.broadcast %squeeze3A_1403 : f32 to vector<16xf32>
      %mul3A_1405 = arith.mulf %unpack3A_46, %mul3A_1404 : vector<16xf32>
      %add3A_1406 = arith.addf %add3A_1401, %mul3A_1405 : vector<16xf32>
      %slice3A_1407 = vector.extract_strided_slice %get3A_1357 {offsets = [10], sizes = [1], strides = [1]} : vector<16xf32> to vector<1xf32>
      %squeeze3A_1408 = vector.extract %slice3A_1407[0] : f32 from vector<1xf32>
      %mul3A_1409 = vector.broadcast %squeeze3A_1408 : f32 to vector<16xf32>
      %mul3A_1410 = arith.mulf %unpack3A_47, %mul3A_1409 : vector<16xf32>
      %add3A_1411 = arith.addf %add3A_1406, %mul3A_1410 : vector<16xf32>
      %slice3A_1412 = vector.extract_strided_slice %get3A_1357 {offsets = [11], sizes = [1], strides = [1]} : vector<16xf32> to vector<1xf32>
      %squeeze3A_1413 = vector.extract %slice3A_1412[0] : f32 from vector<1xf32>
      %mul3A_1414 = vector.broadcast %squeeze3A_1413 : f32 to vector<16xf32>
      %mul3A_1415 = arith.mulf %unpack3A_48, %mul3A_1414 : vector<16xf32>
      %add3A_1416 = arith.addf %add3A_1411, %mul3A_1415 : vector<16xf32>
      %slice3A_1417 = vector.extract_strided_slice %get3A_1357 {offsets = [12], sizes = [1], strides = [1]} : vector<16xf32> to vector<1xf32>
      %squeeze3A_1418 = vector.extract %slice3A_1417[0] : f32 from vector<1xf32>
      %mul3A_1419 = vector.broadcast %squeeze3A_1418 : f32 to vector<16xf32>
      %mul3A_1420 = arith.mulf %unpack3A_49, %mul3A_1419 : vector<16xf32>
      %add3A_1421 = arith.addf %add3A_1416, %mul3A_1420 : vector<16xf32>
      %slice3A_1422 = vector.extract_strided_slice %get3A_1357 {offsets = [13], sizes = [1], strides = [1]} : vector<16xf32> to vector<1xf32>
      %squeeze3A_1423 = vector.extract %slice3A_1422[0] : f32 from vector<1xf32>
      %mul3A_1424 = vector.broadcast %squeeze3A_1423 : f32 to vector<16xf32>
      %mul3A_1425 = arith.mulf %unpack3A_50, %mul3A_1424 : vector<16xf32>
      %add3A_1426 = arith.addf %add3A_1421, %mul3A_1425 : vector<16xf32>
      %slice3A_1427 = vector.extract_strided_slice %get3A_1357 {offsets = [14], sizes = [1], strides = [1]} : vector<16xf32> to vector<1xf32>
      %squeeze3A_1428 = vector.extract %slice3A_1427[0] : f32 from vector<1xf32>
      %mul3A_1429 = vector.broadcast %squeeze3A_1428 : f32 to vector<16xf32>
      %mul3A_1430 = arith.mulf %unpack3A_51, %mul3A_1429 : vector<16xf32>
      %add3A_1431 = arith.addf %add3A_1426, %mul3A_1430 : vector<16xf32>
      %slice3A_1432 = vector.extract_strided_slice %get3A_1357 {offsets = [15], sizes = [1], strides = [1]} : vector<16xf32> to vector<1xf32>
      %squeeze3A_1433 = vector.extract %slice3A_1432[0] : f32 from vector<1xf32>
      %mul3A_1434 = vector.broadcast %squeeze3A_1433 : f32 to vector<16xf32>
      %mul3A_1435 = arith.mulf %unpack3A_52, %mul3A_1434 : vector<16xf32>
      %add3A_1436 = arith.addf %add3A_1431, %mul3A_1435 : vector<16xf32>
      %slice3A_1437 = vector.extract_strided_slice %get3A_53 {offsets = [14], sizes = [1], strides = [1]} : vector<16xf32> to vector<1xf32>
      %squeeze3A_1438 = vector.extract %slice3A_1437[0] : f32 from vector<1xf32>
      %add3A_1439 = vector.broadcast %squeeze3A_1438 : f32 to vector<16xf32>
      %add3A_1440 = arith.addf %add3A_1436, %add3A_1439 : vector<16xf32>
      %max3A_1441 = arith.constant 0.000000e+00 : f32
      %max3A_1442 = vector.broadcast %max3A_1441 : f32 to vector<16xf32>
      %max3A_1443 = arith.maximumf %add3A_1440, %max3A_1442 : vector<16xf32>
      %slice3A_1444 = vector.extract_strided_slice %get3A_55 {offsets = [14], sizes = [1], strides = [1]} : vector<16xf32> to vector<1xf32>
      %squeeze3A_1445 = vector.extract %slice3A_1444[0] : f32 from vector<1xf32>
      %mul3A_1446 = vector.broadcast %squeeze3A_1445 : f32 to vector<16xf32>
      %mul3A_1447 = arith.mulf %max3A_1443, %mul3A_1446 : vector<16xf32>
      %add3A_1448 = arith.addf %add3A_1355, %mul3A_1447 : vector<16xf32>
      %get3A_1449 = arith.constant 240 : index
      %get3A_1450 = tpu.vector_load %arg9[%get3A_1449] {strides = array<i32>} : memref<304xf32, #tpu.memory_space<vmem>>, vector<16xf32>,
      %slice3A_1451 = vector.extract_strided_slice %get3A_1450 {offsets = [0], sizes = [1], strides = [1]} : vector<16xf32> to vector<1xf32>
      %squeeze3A_1452 = vector.extract %slice3A_1451[0] : f32 from vector<1xf32>
      %mul3A_1453 = vector.broadcast %squeeze3A_1452 : f32 to vector<16xf32>
      %mul3A_1454 = arith.mulf %unpack3A, %mul3A_1453 : vector<16xf32>
      %slice3A_1455 = vector.extract_strided_slice %get3A_1450 {offsets = [1], sizes = [1], strides = [1]} : vector<16xf32> to vector<1xf32>
      %squeeze3A_1456 = vector.extract %slice3A_1455[0] : f32 from vector<1xf32>
      %mul3A_1457 = vector.broadcast %squeeze3A_1456 : f32 to vector<16xf32>
      %mul3A_1458 = arith.mulf %unpack3A_38, %mul3A_1457 : vector<16xf32>
      %add3A_1459 = arith.addf %mul3A_1454, %mul3A_1458 : vector<16xf32>
      %slice3A_1460 = vector.extract_strided_slice %get3A_1450 {offsets = [2], sizes = [1], strides = [1]} : vector<16xf32> to vector<1xf32>
      %squeeze3A_1461 = vector.extract %slice3A_1460[0] : f32 from vector<1xf32>
      %mul3A_1462 = vector.broadcast %squeeze3A_1461 : f32 to vector<16xf32>
      %mul3A_1463 = arith.mulf %unpack3A_39, %mul3A_1462 : vector<16xf32>
      %add3A_1464 = arith.addf %add3A_1459, %mul3A_1463 : vector<16xf32>
      %slice3A_1465 = vector.extract_strided_slice %get3A_1450 {offsets = [3], sizes = [1], strides = [1]} : vector<16xf32> to vector<1xf32>
      %squeeze3A_1466 = vector.extract %slice3A_1465[0] : f32 from vector<1xf32>
      %mul3A_1467 = vector.broadcast %squeeze3A_1466 : f32 to vector<16xf32>
      %mul3A_1468 = arith.mulf %unpack3A_40, %mul3A_1467 : vector<16xf32>
      %add3A_1469 = arith.addf %add3A_1464, %mul3A_1468 : vector<16xf32>
      %slice3A_1470 = vector.extract_strided_slice %get3A_1450 {offsets = [4], sizes = [1], strides = [1]} : vector<16xf32> to vector<1xf32>
      %squeeze3A_1471 = vector.extract %slice3A_1470[0] : f32 from vector<1xf32>
      %mul3A_1472 = vector.broadcast %squeeze3A_1471 : f32 to vector<16xf32>
      %mul3A_1473 = arith.mulf %unpack3A_41, %mul3A_1472 : vector<16xf32>
      %add3A_1474 = arith.addf %add3A_1469, %mul3A_1473 : vector<16xf32>
      %slice3A_1475 = vector.extract_strided_slice %get3A_1450 {offsets = [5], sizes = [1], strides = [1]} : vector<16xf32> to vector<1xf32>
      %squeeze3A_1476 = vector.extract %slice3A_1475[0] : f32 from vector<1xf32>
      %mul3A_1477 = vector.broadcast %squeeze3A_1476 : f32 to vector<16xf32>
      %mul3A_1478 = arith.mulf %unpack3A_42, %mul3A_1477 : vector<16xf32>
      %add3A_1479 = arith.addf %add3A_1474, %mul3A_1478 : vector<16xf32>
      %slice3A_1480 = vector.extract_strided_slice %get3A_1450 {offsets = [6], sizes = [1], strides = [1]} : vector<16xf32> to vector<1xf32>
      %squeeze3A_1481 = vector.extract %slice3A_1480[0] : f32 from vector<1xf32>
      %mul3A_1482 = vector.broadcast %squeeze3A_1481 : f32 to vector<16xf32>
      %mul3A_1483 = arith.mulf %unpack3A_43, %mul3A_1482 : vector<16xf32>
      %add3A_1484 = arith.addf %add3A_1479, %mul3A_1483 : vector<16xf32>
      %slice3A_1485 = vector.extract_strided_slice %get3A_1450 {offsets = [7], sizes = [1], strides = [1]} : vector<16xf32> to vector<1xf32>
      %squeeze3A_1486 = vector.extract %slice3A_1485[0] : f32 from vector<1xf32>
      %mul3A_1487 = vector.broadcast %squeeze3A_1486 : f32 to vector<16xf32>
      %mul3A_1488 = arith.mulf %unpack3A_44, %mul3A_1487 : vector<16xf32>
      %add3A_1489 = arith.addf %add3A_1484, %mul3A_1488 : vector<16xf32>
      %slice3A_1490 = vector.extract_strided_slice %get3A_1450 {offsets = [8], sizes = [1], strides = [1]} : vector<16xf32> to vector<1xf32>
      %squeeze3A_1491 = vector.extract %slice3A_1490[0] : f32 from vector<1xf32>
      %mul3A_1492 = vector.broadcast %squeeze3A_1491 : f32 to vector<16xf32>
      %mul3A_1493 = arith.mulf %unpack3A_45, %mul3A_1492 : vector<16xf32>
      %add3A_1494 = arith.addf %add3A_1489, %mul3A_1493 : vector<16xf32>
      %slice3A_1495 = vector.extract_strided_slice %get3A_1450 {offsets = [9], sizes = [1], strides = [1]} : vector<16xf32> to vector<1xf32>
      %squeeze3A_1496 = vector.extract %slice3A_1495[0] : f32 from vector<1xf32>
      %mul3A_1497 = vector.broadcast %squeeze3A_1496 : f32 to vector<16xf32>
      %mul3A_1498 = arith.mulf %unpack3A_46, %mul3A_1497 : vector<16xf32>
      %add3A_1499 = arith.addf %add3A_1494, %mul3A_1498 : vector<16xf32>
      %slice3A_1500 = vector.extract_strided_slice %get3A_1450 {offsets = [10], sizes = [1], strides = [1]} : vector<16xf32> to vector<1xf32>
      %squeeze3A_1501 = vector.extract %slice3A_1500[0] : f32 from vector<1xf32>
      %mul3A_1502 = vector.broadcast %squeeze3A_1501 : f32 to vector<16xf32>
      %mul3A_1503 = arith.mulf %unpack3A_47, %mul3A_1502 : vector<16xf32>
      %add3A_1504 = arith.addf %add3A_1499, %mul3A_1503 : vector<16xf32>
      %slice3A_1505 = vector.extract_strided_slice %get3A_1450 {offsets = [11], sizes = [1], strides = [1]} : vector<16xf32> to vector<1xf32>
      %squeeze3A_1506 = vector.extract %slice3A_1505[0] : f32 from vector<1xf32>
      %mul3A_1507 = vector.broadcast %squeeze3A_1506 : f32 to vector<16xf32>
      %mul3A_1508 = arith.mulf %unpack3A_48, %mul3A_1507 : vector<16xf32>
      %add3A_1509 = arith.addf %add3A_1504, %mul3A_1508 : vector<16xf32>
      %slice3A_1510 = vector.extract_strided_slice %get3A_1450 {offsets = [12], sizes = [1], strides = [1]} : vector<16xf32> to vector<1xf32>
      %squeeze3A_1511 = vector.extract %slice3A_1510[0] : f32 from vector<1xf32>
      %mul3A_1512 = vector.broadcast %squeeze3A_1511 : f32 to vector<16xf32>
      %mul3A_1513 = arith.mulf %unpack3A_49, %mul3A_1512 : vector<16xf32>
      %add3A_1514 = arith.addf %add3A_1509, %mul3A_1513 : vector<16xf32>
      %slice3A_1515 = vector.extract_strided_slice %get3A_1450 {offsets = [13], sizes = [1], strides = [1]} : vector<16xf32> to vector<1xf32>
      %squeeze3A_1516 = vector.extract %slice3A_1515[0] : f32 from vector<1xf32>
      %mul3A_1517 = vector.broadcast %squeeze3A_1516 : f32 to vector<16xf32>
      %mul3A_1518 = arith.mulf %unpack3A_50, %mul3A_1517 : vector<16xf32>
      %add3A_1519 = arith.addf %add3A_1514, %mul3A_1518 : vector<16xf32>
      %slice3A_1520 = vector.extract_strided_slice %get3A_1450 {offsets = [14], sizes = [1], strides = [1]} : vector<16xf32> to vector<1xf32>
      %squeeze3A_1521 = vector.extract %slice3A_1520[0] : f32 from vector<1xf32>
      %mul3A_1522 = vector.broadcast %squeeze3A_1521 : f32 to vector<16xf32>
      %mul3A_1523 = arith.mulf %unpack3A_51, %mul3A_1522 : vector<16xf32>
      %add3A_1524 = arith.addf %add3A_1519, %mul3A_1523 : vector<16xf32>
      %slice3A_1525 = vector.extract_strided_slice %get3A_1450 {offsets = [15], sizes = [1], strides = [1]} : vector<16xf32> to vector<1xf32>
      %squeeze3A_1526 = vector.extract %slice3A_1525[0] : f32 from vector<1xf32>
      %mul3A_1527 = vector.broadcast %squeeze3A_1526 : f32 to vector<16xf32>
      %mul3A_1528 = arith.mulf %unpack3A_52, %mul3A_1527 : vector<16xf32>
      %add3A_1529 = arith.addf %add3A_1524, %mul3A_1528 : vector<16xf32>
      %slice3A_1530 = vector.extract_strided_slice %get3A_53 {offsets = [15], sizes = [1], strides = [1]} : vector<16xf32> to vector<1xf32>
      %squeeze3A_1531 = vector.extract %slice3A_1530[0] : f32 from vector<1xf32>
      %add3A_1532 = vector.broadcast %squeeze3A_1531 : f32 to vector<16xf32>
      %add3A_1533 = arith.addf %add3A_1529, %add3A_1532 : vector<16xf32>
      %max3A_1534 = arith.constant 0.000000e+00 : f32
      %max3A_1535 = vector.broadcast %max3A_1534 : f32 to vector<16xf32>
      %max3A_1536 = arith.maximumf %add3A_1533, %max3A_1535 : vector<16xf32>
      %slice3A_1537 = vector.extract_strided_slice %get3A_55 {offsets = [15], sizes = [1], strides = [1]} : vector<16xf32> to vector<1xf32>
      %squeeze3A_1538 = vector.extract %slice3A_1537[0] : f32 from vector<1xf32>
      %mul3A_1539 = vector.broadcast %squeeze3A_1538 : f32 to vector<16xf32>
      %mul3A_1540 = arith.mulf %max3A_1536, %mul3A_1539 : vector<16xf32>
      %add3A_1541 = arith.addf %add3A_1448, %mul3A_1540 : vector<16xf32>
      %slice3A_1542 = vector.extract_strided_slice %get3A_57 {offsets = [0], sizes = [1], strides = [1]} : vector<16xf32> to vector<1xf32>
      %squeeze3A_1543 = vector.extract %slice3A_1542[0] : f32 from vector<1xf32>
      %add3A_1544 = vector.broadcast %squeeze3A_1543 : f32 to vector<16xf32>
      %add3A_1545 = arith.addf %add3A_1541, %add3A_1544 : vector<16xf32>
      %neg3A = arith.constant 0.000000e+00 : f32
      %neg3A_1546 = vector.broadcast %neg3A : f32 to vector<16xf32>
      %neg3A_1547 = arith.subf %neg3A_1546, %add3A_1545 : vector<16xf32>
      %exp3A = math.exp %neg3A_1547 : vector<16xf32>
      %add3A_1548 = arith.constant 1.000000e+00 : f32
      %add3A_1549 = vector.broadcast %add3A_1548 : f32 to vector<16xf32>
      %add3A_1550 = arith.addf %add3A_1549, %exp3A : vector<16xf32>
      %div3A = arith.constant 1.000000e+00 : f32
      %div3A_1551 = vector.broadcast %div3A : f32 to vector<16xf32>
      %div3A_1552 = arith.divf %div3A_1551, %add3A_1550 : vector<16xf32>
      %mul3A_1553 = arith.constant 16 : i32
      %mul3A_1554 = arith.muli %add3A_20, %mul3A_1553 : i32
      %swap3A = arith.index_cast %mul3A_1554 : i32 to index
      %swap3A_1555 = tpu.vector_load %arg10[%swap3A] {strides = array<i32>} : memref<512xf32, #tpu.memory_space<vmem>>, vector<16xf32>,
      tpu.vector_store %arg10[%swap3A], %div3A_1552 {strides = array<i32>} : memref<512xf32, #tpu.memory_space<vmem>>, vector<16xf32>,
      %add3A_1556 = arith.constant 1 : i32
      %add3A_1557 = arith.addi %add3A_18, %add3A_1556 : i32
      %dma_wait3A_1558 = arith.constant 0 : i32
      %dma_wait3A_1559 = tpu.memref_slice %arg2[%dma_wait3A_1558] : memref<3276800xi32, #tpu.memory_space<hbm>> -> memref<3200xi32, #tpu.memory_space<hbm>>
      %dma_wait3A_1560 = arith.constant 0 : i32
      %dma_wait3A_1561 = tpu.memref_slice %arg2[%dma_wait3A_1560] : memref<3276800xi32, #tpu.memory_space<hbm>> -> memref<3200xi32, #tpu.memory_space<hbm>>
      tpu.wait_dma2 semaphore(%arg11 : memref<!tpu.dma_semaphore, #tpu.memory_space<semaphore_mem>>) src(%dma_wait3A_1561 : memref<3200xi32, #tpu.memory_space<hbm>>) dst(%arg8 : memref<3200xi32, #tpu.memory_space<vmem>>)
      %add3A_1562 = arith.constant 1 : i32
      %add3A_1563 = arith.addi %add3A_1557, %add3A_1562 : i32
      %lt3A_1564 = arith.constant 32 : i32
      %lt3A_1565 = arith.cmpi slt, %add3A_1563, %lt3A_1564 : i32
      %convert_element_type3A_1566 = arith.extui %lt3A_1565 : i1 to i32
      %cond3A_1567 = arith.constant 0 : i32
      %cond3A_1568 = arith.cmpi ne, %convert_element_type3A_1566, %cond3A_1567 : i32
      scf.if %cond3A_1568 {
        %add3A_3108 = arith.constant 1 : i32
        %add3A_3109 = arith.addi %add3A_1557, %add3A_3108 : i32
        %add3A_3110 = arith.addi %mul3A_2, %add3A_3109 : i32
        %mul3A_3111 = arith.constant 3200 : i32
        %mul3A_3112 = arith.muli %add3A_3110, %mul3A_3111 : i32
        %dma_start3A_3113 = tpu.memref_slice %arg2[%mul3A_3112] : memref<3276800xi32, #tpu.memory_space<hbm>> -> memref<3200xi32, #tpu.memory_space<hbm>>
        %dma_start3A_3114 = tpu.memref_slice %arg2[%mul3A_3112] : memref<3276800xi32, #tpu.memory_space<hbm>> -> memref<3200xi32, #tpu.memory_space<hbm>>
        tpu.enqueue_dma source(%dma_start3A_3114 : memref<3200xi32, #tpu.memory_space<hbm>>) target(%arg7 : memref<3200xi32, #tpu.memory_space<vmem>>) target_semaphore(%arg11 : memref<!tpu.dma_semaphore, #tpu.memory_space<semaphore_mem>>)
      } else {
      }
      %iota3A_1569 = tpu.iota {dimensions = array<i32: 0>} : vector<16xi32>
      %mul3A_1570 = arith.constant 200 : i32
      %mul3A_1571 = vector.broadcast %mul3A_1570 : i32 to vector<16xi32>
      %mul3A_1572 = arith.muli %iota3A_1569, %mul3A_1571 : vector<16xi32>
      %broadcast_in_dim3A_1573 = arith.constant 0.000000e+00 : bf16
      %broadcast_in_dim3A_1574 = vector.broadcast %broadcast_in_dim3A_1573 : bf16 to vector<32xbf16>
      %scan3A_1575 = arith.constant 0 : i32
      %scan3A_1576 = arith.constant 100 : i32
      %scan3A_1577 = arith.addi %scan3A_1575, %scan3A_1576 : i32
      %scan3A_1578 = arith.constant 1 : i32
      %scan3A_1579:8 = scf.for %scan3A_3108 = %scan3A_1575 to %scan3A_1577 step %scan3A_1578 iter_args(%scan3A_3109 = %broadcast_in_dim3A_1574, %scan3A_3110 = %broadcast_in_dim3A_1574, %scan3A_3111 = %broadcast_in_dim3A_1574, %scan3A_3112 = %broadcast_in_dim3A_1574, %scan3A_3113 = %broadcast_in_dim3A_1574, %scan3A_3114 = %broadcast_in_dim3A_1574, %scan3A_3115 = %broadcast_in_dim3A_1574, %scan3A_3116 = %broadcast_in_dim3A_1574) -> (vector<32xbf16>, vector<32xbf16>, vector<32xbf16>, vector<32xbf16>, vector<32xbf16>, vector<32xbf16>, vector<32xbf16>, vector<32xbf16>)  : i32 {
        %mul3A_3117 = arith.constant 2 : i32
        %mul3A_3118 = arith.muli %mul3A_3117, %scan3A_3108 : i32
        %add3A_3119 = arith.constant 0 : i32
        %add3A_3120 = arith.addi %mul3A_3118, %add3A_3119 : i32
        %add3A_3121 = vector.broadcast %add3A_3120 : i32 to vector<16xi32>
        %add3A_3122 = arith.addi %mul3A_1572, %add3A_3121 : vector<16xi32>
        %gather3A = tpu.vector_load_idx %arg8[%add3A_3122] : memref<3200xi32, #tpu.memory_space<vmem>>[vector<16xi32>], vector<16xi32>,
        %mul3A_3123 = arith.constant 9 : i32
        %mul3A_3124 = vector.broadcast %mul3A_3123 : i32 to vector<16xi32>
        %mul3A_3125 = arith.muli %gather3A, %mul3A_3124 : vector<16xi32>
        %gather3A_3126 = tpu.vector_load_idx %arg6[%mul3A_3125] : memref<90000xi32, #tpu.memory_space<vmem>>[vector<16xi32>], vector<16xi32>,
        %bitcast3A = vector.bitcast %gather3A_3126 : vector<16xi32> to vector<32xbf16>
        %add3A_3127 = arith.addf %scan3A_3109, %bitcast3A : vector<32xbf16>
        %add3A_3128 = arith.constant 1 : i32
        %add3A_3129 = vector.broadcast %add3A_3128 : i32 to vector<16xi32>
        %add3A_3130 = arith.addi %mul3A_3125, %add3A_3129 : vector<16xi32>
        %gather3A_3131 = tpu.vector_load_idx %arg6[%add3A_3130] : memref<90000xi32, #tpu.memory_space<vmem>>[vector<16xi32>], vector<16xi32>,
        %bitcast3A_3132 = vector.bitcast %gather3A_3131 : vector<16xi32> to vector<32xbf16>
        %add3A_3133 = arith.addf %scan3A_3110, %bitcast3A_3132 : vector<32xbf16>
        %add3A_3134 = arith.constant 2 : i32
        %add3A_3135 = vector.broadcast %add3A_3134 : i32 to vector<16xi32>
        %add3A_3136 = arith.addi %mul3A_3125, %add3A_3135 : vector<16xi32>
        %gather3A_3137 = tpu.vector_load_idx %arg6[%add3A_3136] : memref<90000xi32, #tpu.memory_space<vmem>>[vector<16xi32>], vector<16xi32>,
        %bitcast3A_3138 = vector.bitcast %gather3A_3137 : vector<16xi32> to vector<32xbf16>
        %add3A_3139 = arith.addf %scan3A_3111, %bitcast3A_3138 : vector<32xbf16>
        %add3A_3140 = arith.constant 3 : i32
        %add3A_3141 = vector.broadcast %add3A_3140 : i32 to vector<16xi32>
        %add3A_3142 = arith.addi %mul3A_3125, %add3A_3141 : vector<16xi32>
        %gather3A_3143 = tpu.vector_load_idx %arg6[%add3A_3142] : memref<90000xi32, #tpu.memory_space<vmem>>[vector<16xi32>], vector<16xi32>,
        %bitcast3A_3144 = vector.bitcast %gather3A_3143 : vector<16xi32> to vector<32xbf16>
        %add3A_3145 = arith.addf %scan3A_3112, %bitcast3A_3144 : vector<32xbf16>
        %add3A_3146 = arith.constant 4 : i32
        %add3A_3147 = vector.broadcast %add3A_3146 : i32 to vector<16xi32>
        %add3A_3148 = arith.addi %mul3A_3125, %add3A_3147 : vector<16xi32>
        %gather3A_3149 = tpu.vector_load_idx %arg6[%add3A_3148] : memref<90000xi32, #tpu.memory_space<vmem>>[vector<16xi32>], vector<16xi32>,
        %bitcast3A_3150 = vector.bitcast %gather3A_3149 : vector<16xi32> to vector<32xbf16>
        %add3A_3151 = arith.addf %scan3A_3113, %bitcast3A_3150 : vector<32xbf16>
        %add3A_3152 = arith.constant 5 : i32
        %add3A_3153 = vector.broadcast %add3A_3152 : i32 to vector<16xi32>
        %add3A_3154 = arith.addi %mul3A_3125, %add3A_3153 : vector<16xi32>
        %gather3A_3155 = tpu.vector_load_idx %arg6[%add3A_3154] : memref<90000xi32, #tpu.memory_space<vmem>>[vector<16xi32>], vector<16xi32>,
        %bitcast3A_3156 = vector.bitcast %gather3A_3155 : vector<16xi32> to vector<32xbf16>
        %add3A_3157 = arith.addf %scan3A_3114, %bitcast3A_3156 : vector<32xbf16>
        %add3A_3158 = arith.constant 6 : i32
        %add3A_3159 = vector.broadcast %add3A_3158 : i32 to vector<16xi32>
        %add3A_3160 = arith.addi %mul3A_3125, %add3A_3159 : vector<16xi32>
        %gather3A_3161 = tpu.vector_load_idx %arg6[%add3A_3160] : memref<90000xi32, #tpu.memory_space<vmem>>[vector<16xi32>], vector<16xi32>,
        %bitcast3A_3162 = vector.bitcast %gather3A_3161 : vector<16xi32> to vector<32xbf16>
        %add3A_3163 = arith.addf %scan3A_3115, %bitcast3A_3162 : vector<32xbf16>
        %add3A_3164 = arith.constant 7 : i32
        %add3A_3165 = vector.broadcast %add3A_3164 : i32 to vector<16xi32>
        %add3A_3166 = arith.addi %mul3A_3125, %add3A_3165 : vector<16xi32>
        %gather3A_3167 = tpu.vector_load_idx %arg6[%add3A_3166] : memref<90000xi32, #tpu.memory_space<vmem>>[vector<16xi32>], vector<16xi32>,
        %bitcast3A_3168 = vector.bitcast %gather3A_3167 : vector<16xi32> to vector<32xbf16>
        %add3A_3169 = arith.addf %scan3A_3116, %bitcast3A_3168 : vector<32xbf16>
        %mul3A_3170 = arith.constant 2 : i32
        %mul3A_3171 = arith.muli %mul3A_3170, %scan3A_3108 : i32
        %add3A_3172 = arith.constant 1 : i32
        %add3A_3173 = arith.addi %mul3A_3171, %add3A_3172 : i32
        %add3A_3174 = vector.broadcast %add3A_3173 : i32 to vector<16xi32>
        %add3A_3175 = arith.addi %mul3A_1572, %add3A_3174 : vector<16xi32>
        %gather3A_3176 = tpu.vector_load_idx %arg8[%add3A_3175] : memref<3200xi32, #tpu.memory_space<vmem>>[vector<16xi32>], vector<16xi32>,
        %mul3A_3177 = arith.constant 9 : i32
        %mul3A_3178 = vector.broadcast %mul3A_3177 : i32 to vector<16xi32>
        %mul3A_3179 = arith.muli %gather3A_3176, %mul3A_3178 : vector<16xi32>
        %gather3A_3180 = tpu.vector_load_idx %arg6[%mul3A_3179] : memref<90000xi32, #tpu.memory_space<vmem>>[vector<16xi32>], vector<16xi32>,
        %bitcast3A_3181 = vector.bitcast %gather3A_3180 : vector<16xi32> to vector<32xbf16>
        %add3A_3182 = arith.addf %add3A_3127, %bitcast3A_3181 : vector<32xbf16>
        %add3A_3183 = arith.constant 1 : i32
        %add3A_3184 = vector.broadcast %add3A_3183 : i32 to vector<16xi32>
        %add3A_3185 = arith.addi %mul3A_3179, %add3A_3184 : vector<16xi32>
        %gather3A_3186 = tpu.vector_load_idx %arg6[%add3A_3185] : memref<90000xi32, #tpu.memory_space<vmem>>[vector<16xi32>], vector<16xi32>,
        %bitcast3A_3187 = vector.bitcast %gather3A_3186 : vector<16xi32> to vector<32xbf16>
        %add3A_3188 = arith.addf %add3A_3133, %bitcast3A_3187 : vector<32xbf16>
        %add3A_3189 = arith.constant 2 : i32
        %add3A_3190 = vector.broadcast %add3A_3189 : i32 to vector<16xi32>
        %add3A_3191 = arith.addi %mul3A_3179, %add3A_3190 : vector<16xi32>
        %gather3A_3192 = tpu.vector_load_idx %arg6[%add3A_3191] : memref<90000xi32, #tpu.memory_space<vmem>>[vector<16xi32>], vector<16xi32>,
        %bitcast3A_3193 = vector.bitcast %gather3A_3192 : vector<16xi32> to vector<32xbf16>
        %add3A_3194 = arith.addf %add3A_3139, %bitcast3A_3193 : vector<32xbf16>
        %add3A_3195 = arith.constant 3 : i32
        %add3A_3196 = vector.broadcast %add3A_3195 : i32 to vector<16xi32>
        %add3A_3197 = arith.addi %mul3A_3179, %add3A_3196 : vector<16xi32>
        %gather3A_3198 = tpu.vector_load_idx %arg6[%add3A_3197] : memref<90000xi32, #tpu.memory_space<vmem>>[vector<16xi32>], vector<16xi32>,
        %bitcast3A_3199 = vector.bitcast %gather3A_3198 : vector<16xi32> to vector<32xbf16>
        %add3A_3200 = arith.addf %add3A_3145, %bitcast3A_3199 : vector<32xbf16>
        %add3A_3201 = arith.constant 4 : i32
        %add3A_3202 = vector.broadcast %add3A_3201 : i32 to vector<16xi32>
        %add3A_3203 = arith.addi %mul3A_3179, %add3A_3202 : vector<16xi32>
        %gather3A_3204 = tpu.vector_load_idx %arg6[%add3A_3203] : memref<90000xi32, #tpu.memory_space<vmem>>[vector<16xi32>], vector<16xi32>,
        %bitcast3A_3205 = vector.bitcast %gather3A_3204 : vector<16xi32> to vector<32xbf16>
        %add3A_3206 = arith.addf %add3A_3151, %bitcast3A_3205 : vector<32xbf16>
        %add3A_3207 = arith.constant 5 : i32
        %add3A_3208 = vector.broadcast %add3A_3207 : i32 to vector<16xi32>
        %add3A_3209 = arith.addi %mul3A_3179, %add3A_3208 : vector<16xi32>
        %gather3A_3210 = tpu.vector_load_idx %arg6[%add3A_3209] : memref<90000xi32, #tpu.memory_space<vmem>>[vector<16xi32>], vector<16xi32>,
        %bitcast3A_3211 = vector.bitcast %gather3A_3210 : vector<16xi32> to vector<32xbf16>
        %add3A_3212 = arith.addf %add3A_3157, %bitcast3A_3211 : vector<32xbf16>
        %add3A_3213 = arith.constant 6 : i32
        %add3A_3214 = vector.broadcast %add3A_3213 : i32 to vector<16xi32>
        %add3A_3215 = arith.addi %mul3A_3179, %add3A_3214 : vector<16xi32>
        %gather3A_3216 = tpu.vector_load_idx %arg6[%add3A_3215] : memref<90000xi32, #tpu.memory_space<vmem>>[vector<16xi32>], vector<16xi32>,
        %bitcast3A_3217 = vector.bitcast %gather3A_3216 : vector<16xi32> to vector<32xbf16>
        %add3A_3218 = arith.addf %add3A_3163, %bitcast3A_3217 : vector<32xbf16>
        %add3A_3219 = arith.constant 7 : i32
        %add3A_3220 = vector.broadcast %add3A_3219 : i32 to vector<16xi32>
        %add3A_3221 = arith.addi %mul3A_3179, %add3A_3220 : vector<16xi32>
        %gather3A_3222 = tpu.vector_load_idx %arg6[%add3A_3221] : memref<90000xi32, #tpu.memory_space<vmem>>[vector<16xi32>], vector<16xi32>,
        %bitcast3A_3223 = vector.bitcast %gather3A_3222 : vector<16xi32> to vector<32xbf16>
        %add3A_3224 = arith.addf %add3A_3169, %bitcast3A_3223 : vector<32xbf16>
        scf.yield %add3A_3182, %add3A_3188, %add3A_3194, %add3A_3200, %add3A_3206, %add3A_3212, %add3A_3218, %add3A_3224 : vector<32xbf16>, vector<32xbf16>, vector<32xbf16>, vector<32xbf16>, vector<32xbf16>, vector<32xbf16>, vector<32xbf16>, vector<32xbf16>
      }
      %scan3A_1580 = arith.constant 100 : i32
      %unpack3A_1581 = tpu.unpack_subelements %scan3A_1579#0, 0 {pack_format = #tpu.pack_format<interleaved>} : vector<32xbf16> -> vector<16xf32>
      %unpack3A_1582 = tpu.unpack_subelements %scan3A_1579#0, 1 {pack_format = #tpu.pack_format<interleaved>} : vector<32xbf16> -> vector<16xf32>
      %unpack3A_1583 = tpu.unpack_subelements %scan3A_1579#1, 0 {pack_format = #tpu.pack_format<interleaved>} : vector<32xbf16> -> vector<16xf32>
      %unpack3A_1584 = tpu.unpack_subelements %scan3A_1579#1, 1 {pack_format = #tpu.pack_format<interleaved>} : vector<32xbf16> -> vector<16xf32>
      %unpack3A_1585 = tpu.unpack_subelements %scan3A_1579#2, 0 {pack_format = #tpu.pack_format<interleaved>} : vector<32xbf16> -> vector<16xf32>
      %unpack3A_1586 = tpu.unpack_subelements %scan3A_1579#2, 1 {pack_format = #tpu.pack_format<interleaved>} : vector<32xbf16> -> vector<16xf32>
      %unpack3A_1587 = tpu.unpack_subelements %scan3A_1579#3, 0 {pack_format = #tpu.pack_format<interleaved>} : vector<32xbf16> -> vector<16xf32>
      %unpack3A_1588 = tpu.unpack_subelements %scan3A_1579#3, 1 {pack_format = #tpu.pack_format<interleaved>} : vector<32xbf16> -> vector<16xf32>
      %unpack3A_1589 = tpu.unpack_subelements %scan3A_1579#4, 0 {pack_format = #tpu.pack_format<interleaved>} : vector<32xbf16> -> vector<16xf32>
      %unpack3A_1590 = tpu.unpack_subelements %scan3A_1579#4, 1 {pack_format = #tpu.pack_format<interleaved>} : vector<32xbf16> -> vector<16xf32>
      %unpack3A_1591 = tpu.unpack_subelements %scan3A_1579#5, 0 {pack_format = #tpu.pack_format<interleaved>} : vector<32xbf16> -> vector<16xf32>
      %unpack3A_1592 = tpu.unpack_subelements %scan3A_1579#5, 1 {pack_format = #tpu.pack_format<interleaved>} : vector<32xbf16> -> vector<16xf32>
      %unpack3A_1593 = tpu.unpack_subelements %scan3A_1579#6, 0 {pack_format = #tpu.pack_format<interleaved>} : vector<32xbf16> -> vector<16xf32>
      %unpack3A_1594 = tpu.unpack_subelements %scan3A_1579#6, 1 {pack_format = #tpu.pack_format<interleaved>} : vector<32xbf16> -> vector<16xf32>
      %unpack3A_1595 = tpu.unpack_subelements %scan3A_1579#7, 0 {pack_format = #tpu.pack_format<interleaved>} : vector<32xbf16> -> vector<16xf32>
      %unpack3A_1596 = tpu.unpack_subelements %scan3A_1579#7, 1 {pack_format = #tpu.pack_format<interleaved>} : vector<32xbf16> -> vector<16xf32>
      %get3A_1597 = arith.constant 256 : index
      %get3A_1598 = tpu.vector_load %arg9[%get3A_1597] {strides = array<i32>} : memref<304xf32, #tpu.memory_space<vmem>>, vector<16xf32>,
      %get3A_1599 = arith.constant 272 : index
      %get3A_1600 = tpu.vector_load %arg9[%get3A_1599] {strides = array<i32>} : memref<304xf32, #tpu.memory_space<vmem>>, vector<16xf32>,
      %get3A_1601 = arith.constant 288 : index
      %get3A_1602 = tpu.vector_load %arg9[%get3A_1601] {strides = array<i32>} : memref<304xf32, #tpu.memory_space<vmem>>, vector<16xf32>,
      %get3A_1603 = arith.constant 0 : index
      %get3A_1604 = tpu.vector_load %arg9[%get3A_1603] {strides = array<i32>} : memref<304xf32, #tpu.memory_space<vmem>>, vector<16xf32>,
      %slice3A_1605 = vector.extract_strided_slice %get3A_1604 {offsets = [0], sizes = [1], strides = [1]} : vector<16xf32> to vector<1xf32>
      %squeeze3A_1606 = vector.extract %slice3A_1605[0] : f32 from vector<1xf32>
      %mul3A_1607 = vector.broadcast %squeeze3A_1606 : f32 to vector<16xf32>
      %mul3A_1608 = arith.mulf %unpack3A_1581, %mul3A_1607 : vector<16xf32>
      %slice3A_1609 = vector.extract_strided_slice %get3A_1604 {offsets = [1], sizes = [1], strides = [1]} : vector<16xf32> to vector<1xf32>
      %squeeze3A_1610 = vector.extract %slice3A_1609[0] : f32 from vector<1xf32>
      %mul3A_1611 = vector.broadcast %squeeze3A_1610 : f32 to vector<16xf32>
      %mul3A_1612 = arith.mulf %unpack3A_1582, %mul3A_1611 : vector<16xf32>
      %add3A_1613 = arith.addf %mul3A_1608, %mul3A_1612 : vector<16xf32>
      %slice3A_1614 = vector.extract_strided_slice %get3A_1604 {offsets = [2], sizes = [1], strides = [1]} : vector<16xf32> to vector<1xf32>
      %squeeze3A_1615 = vector.extract %slice3A_1614[0] : f32 from vector<1xf32>
      %mul3A_1616 = vector.broadcast %squeeze3A_1615 : f32 to vector<16xf32>
      %mul3A_1617 = arith.mulf %unpack3A_1583, %mul3A_1616 : vector<16xf32>
      %add3A_1618 = arith.addf %add3A_1613, %mul3A_1617 : vector<16xf32>
      %slice3A_1619 = vector.extract_strided_slice %get3A_1604 {offsets = [3], sizes = [1], strides = [1]} : vector<16xf32> to vector<1xf32>
      %squeeze3A_1620 = vector.extract %slice3A_1619[0] : f32 from vector<1xf32>
      %mul3A_1621 = vector.broadcast %squeeze3A_1620 : f32 to vector<16xf32>
      %mul3A_1622 = arith.mulf %unpack3A_1584, %mul3A_1621 : vector<16xf32>
      %add3A_1623 = arith.addf %add3A_1618, %mul3A_1622 : vector<16xf32>
      %slice3A_1624 = vector.extract_strided_slice %get3A_1604 {offsets = [4], sizes = [1], strides = [1]} : vector<16xf32> to vector<1xf32>
      %squeeze3A_1625 = vector.extract %slice3A_1624[0] : f32 from vector<1xf32>
      %mul3A_1626 = vector.broadcast %squeeze3A_1625 : f32 to vector<16xf32>
      %mul3A_1627 = arith.mulf %unpack3A_1585, %mul3A_1626 : vector<16xf32>
      %add3A_1628 = arith.addf %add3A_1623, %mul3A_1627 : vector<16xf32>
      %slice3A_1629 = vector.extract_strided_slice %get3A_1604 {offsets = [5], sizes = [1], strides = [1]} : vector<16xf32> to vector<1xf32>
      %squeeze3A_1630 = vector.extract %slice3A_1629[0] : f32 from vector<1xf32>
      %mul3A_1631 = vector.broadcast %squeeze3A_1630 : f32 to vector<16xf32>
      %mul3A_1632 = arith.mulf %unpack3A_1586, %mul3A_1631 : vector<16xf32>
      %add3A_1633 = arith.addf %add3A_1628, %mul3A_1632 : vector<16xf32>
      %slice3A_1634 = vector.extract_strided_slice %get3A_1604 {offsets = [6], sizes = [1], strides = [1]} : vector<16xf32> to vector<1xf32>
      %squeeze3A_1635 = vector.extract %slice3A_1634[0] : f32 from vector<1xf32>
      %mul3A_1636 = vector.broadcast %squeeze3A_1635 : f32 to vector<16xf32>
      %mul3A_1637 = arith.mulf %unpack3A_1587, %mul3A_1636 : vector<16xf32>
      %add3A_1638 = arith.addf %add3A_1633, %mul3A_1637 : vector<16xf32>
      %slice3A_1639 = vector.extract_strided_slice %get3A_1604 {offsets = [7], sizes = [1], strides = [1]} : vector<16xf32> to vector<1xf32>
      %squeeze3A_1640 = vector.extract %slice3A_1639[0] : f32 from vector<1xf32>
      %mul3A_1641 = vector.broadcast %squeeze3A_1640 : f32 to vector<16xf32>
      %mul3A_1642 = arith.mulf %unpack3A_1588, %mul3A_1641 : vector<16xf32>
      %add3A_1643 = arith.addf %add3A_1638, %mul3A_1642 : vector<16xf32>
      %slice3A_1644 = vector.extract_strided_slice %get3A_1604 {offsets = [8], sizes = [1], strides = [1]} : vector<16xf32> to vector<1xf32>
      %squeeze3A_1645 = vector.extract %slice3A_1644[0] : f32 from vector<1xf32>
      %mul3A_1646 = vector.broadcast %squeeze3A_1645 : f32 to vector<16xf32>
      %mul3A_1647 = arith.mulf %unpack3A_1589, %mul3A_1646 : vector<16xf32>
      %add3A_1648 = arith.addf %add3A_1643, %mul3A_1647 : vector<16xf32>
      %slice3A_1649 = vector.extract_strided_slice %get3A_1604 {offsets = [9], sizes = [1], strides = [1]} : vector<16xf32> to vector<1xf32>
      %squeeze3A_1650 = vector.extract %slice3A_1649[0] : f32 from vector<1xf32>
      %mul3A_1651 = vector.broadcast %squeeze3A_1650 : f32 to vector<16xf32>
      %mul3A_1652 = arith.mulf %unpack3A_1590, %mul3A_1651 : vector<16xf32>
      %add3A_1653 = arith.addf %add3A_1648, %mul3A_1652 : vector<16xf32>
      %slice3A_1654 = vector.extract_strided_slice %get3A_1604 {offsets = [10], sizes = [1], strides = [1]} : vector<16xf32> to vector<1xf32>
      %squeeze3A_1655 = vector.extract %slice3A_1654[0] : f32 from vector<1xf32>
      %mul3A_1656 = vector.broadcast %squeeze3A_1655 : f32 to vector<16xf32>
      %mul3A_1657 = arith.mulf %unpack3A_1591, %mul3A_1656 : vector<16xf32>
      %add3A_1658 = arith.addf %add3A_1653, %mul3A_1657 : vector<16xf32>
      %slice3A_1659 = vector.extract_strided_slice %get3A_1604 {offsets = [11], sizes = [1], strides = [1]} : vector<16xf32> to vector<1xf32>
      %squeeze3A_1660 = vector.extract %slice3A_1659[0] : f32 from vector<1xf32>
      %mul3A_1661 = vector.broadcast %squeeze3A_1660 : f32 to vector<16xf32>
      %mul3A_1662 = arith.mulf %unpack3A_1592, %mul3A_1661 : vector<16xf32>
      %add3A_1663 = arith.addf %add3A_1658, %mul3A_1662 : vector<16xf32>
      %slice3A_1664 = vector.extract_strided_slice %get3A_1604 {offsets = [12], sizes = [1], strides = [1]} : vector<16xf32> to vector<1xf32>
      %squeeze3A_1665 = vector.extract %slice3A_1664[0] : f32 from vector<1xf32>
      %mul3A_1666 = vector.broadcast %squeeze3A_1665 : f32 to vector<16xf32>
      %mul3A_1667 = arith.mulf %unpack3A_1593, %mul3A_1666 : vector<16xf32>
      %add3A_1668 = arith.addf %add3A_1663, %mul3A_1667 : vector<16xf32>
      %slice3A_1669 = vector.extract_strided_slice %get3A_1604 {offsets = [13], sizes = [1], strides = [1]} : vector<16xf32> to vector<1xf32>
      %squeeze3A_1670 = vector.extract %slice3A_1669[0] : f32 from vector<1xf32>
      %mul3A_1671 = vector.broadcast %squeeze3A_1670 : f32 to vector<16xf32>
      %mul3A_1672 = arith.mulf %unpack3A_1594, %mul3A_1671 : vector<16xf32>
      %add3A_1673 = arith.addf %add3A_1668, %mul3A_1672 : vector<16xf32>
      %slice3A_1674 = vector.extract_strided_slice %get3A_1604 {offsets = [14], sizes = [1], strides = [1]} : vector<16xf32> to vector<1xf32>
      %squeeze3A_1675 = vector.extract %slice3A_1674[0] : f32 from vector<1xf32>
      %mul3A_1676 = vector.broadcast %squeeze3A_1675 : f32 to vector<16xf32>
      %mul3A_1677 = arith.mulf %unpack3A_1595, %mul3A_1676 : vector<16xf32>
      %add3A_1678 = arith.addf %add3A_1673, %mul3A_1677 : vector<16xf32>
      %slice3A_1679 = vector.extract_strided_slice %get3A_1604 {offsets = [15], sizes = [1], strides = [1]} : vector<16xf32> to vector<1xf32>
      %squeeze3A_1680 = vector.extract %slice3A_1679[0] : f32 from vector<1xf32>
      %mul3A_1681 = vector.broadcast %squeeze3A_1680 : f32 to vector<16xf32>
      %mul3A_1682 = arith.mulf %unpack3A_1596, %mul3A_1681 : vector<16xf32>
      %add3A_1683 = arith.addf %add3A_1678, %mul3A_1682 : vector<16xf32>
      %slice3A_1684 = vector.extract_strided_slice %get3A_1598 {offsets = [0], sizes = [1], strides = [1]} : vector<16xf32> to vector<1xf32>
      %squeeze3A_1685 = vector.extract %slice3A_1684[0] : f32 from vector<1xf32>
      %add3A_1686 = vector.broadcast %squeeze3A_1685 : f32 to vector<16xf32>
      %add3A_1687 = arith.addf %add3A_1683, %add3A_1686 : vector<16xf32>
      %max3A_1688 = arith.constant 0.000000e+00 : f32
      %max3A_1689 = vector.broadcast %max3A_1688 : f32 to vector<16xf32>
      %max3A_1690 = arith.maximumf %add3A_1687, %max3A_1689 : vector<16xf32>
      %slice3A_1691 = vector.extract_strided_slice %get3A_1600 {offsets = [0], sizes = [1], strides = [1]} : vector<16xf32> to vector<1xf32>
      %squeeze3A_1692 = vector.extract %slice3A_1691[0] : f32 from vector<1xf32>
      %mul3A_1693 = vector.broadcast %squeeze3A_1692 : f32 to vector<16xf32>
      %mul3A_1694 = arith.mulf %max3A_1690, %mul3A_1693 : vector<16xf32>
      %get3A_1695 = arith.constant 16 : index
      %get3A_1696 = tpu.vector_load %arg9[%get3A_1695] {strides = array<i32>} : memref<304xf32, #tpu.memory_space<vmem>>, vector<16xf32>,
      %slice3A_1697 = vector.extract_strided_slice %get3A_1696 {offsets = [0], sizes = [1], strides = [1]} : vector<16xf32> to vector<1xf32>
      %squeeze3A_1698 = vector.extract %slice3A_1697[0] : f32 from vector<1xf32>
      %mul3A_1699 = vector.broadcast %squeeze3A_1698 : f32 to vector<16xf32>
      %mul3A_1700 = arith.mulf %unpack3A_1581, %mul3A_1699 : vector<16xf32>
      %slice3A_1701 = vector.extract_strided_slice %get3A_1696 {offsets = [1], sizes = [1], strides = [1]} : vector<16xf32> to vector<1xf32>
      %squeeze3A_1702 = vector.extract %slice3A_1701[0] : f32 from vector<1xf32>
      %mul3A_1703 = vector.broadcast %squeeze3A_1702 : f32 to vector<16xf32>
      %mul3A_1704 = arith.mulf %unpack3A_1582, %mul3A_1703 : vector<16xf32>
      %add3A_1705 = arith.addf %mul3A_1700, %mul3A_1704 : vector<16xf32>
      %slice3A_1706 = vector.extract_strided_slice %get3A_1696 {offsets = [2], sizes = [1], strides = [1]} : vector<16xf32> to vector<1xf32>
      %squeeze3A_1707 = vector.extract %slice3A_1706[0] : f32 from vector<1xf32>
      %mul3A_1708 = vector.broadcast %squeeze3A_1707 : f32 to vector<16xf32>
      %mul3A_1709 = arith.mulf %unpack3A_1583, %mul3A_1708 : vector<16xf32>
      %add3A_1710 = arith.addf %add3A_1705, %mul3A_1709 : vector<16xf32>
      %slice3A_1711 = vector.extract_strided_slice %get3A_1696 {offsets = [3], sizes = [1], strides = [1]} : vector<16xf32> to vector<1xf32>
      %squeeze3A_1712 = vector.extract %slice3A_1711[0] : f32 from vector<1xf32>
      %mul3A_1713 = vector.broadcast %squeeze3A_1712 : f32 to vector<16xf32>
      %mul3A_1714 = arith.mulf %unpack3A_1584, %mul3A_1713 : vector<16xf32>
      %add3A_1715 = arith.addf %add3A_1710, %mul3A_1714 : vector<16xf32>
      %slice3A_1716 = vector.extract_strided_slice %get3A_1696 {offsets = [4], sizes = [1], strides = [1]} : vector<16xf32> to vector<1xf32>
      %squeeze3A_1717 = vector.extract %slice3A_1716[0] : f32 from vector<1xf32>
      %mul3A_1718 = vector.broadcast %squeeze3A_1717 : f32 to vector<16xf32>
      %mul3A_1719 = arith.mulf %unpack3A_1585, %mul3A_1718 : vector<16xf32>
      %add3A_1720 = arith.addf %add3A_1715, %mul3A_1719 : vector<16xf32>
      %slice3A_1721 = vector.extract_strided_slice %get3A_1696 {offsets = [5], sizes = [1], strides = [1]} : vector<16xf32> to vector<1xf32>
      %squeeze3A_1722 = vector.extract %slice3A_1721[0] : f32 from vector<1xf32>
      %mul3A_1723 = vector.broadcast %squeeze3A_1722 : f32 to vector<16xf32>
      %mul3A_1724 = arith.mulf %unpack3A_1586, %mul3A_1723 : vector<16xf32>
      %add3A_1725 = arith.addf %add3A_1720, %mul3A_1724 : vector<16xf32>
      %slice3A_1726 = vector.extract_strided_slice %get3A_1696 {offsets = [6], sizes = [1], strides = [1]} : vector<16xf32> to vector<1xf32>
      %squeeze3A_1727 = vector.extract %slice3A_1726[0] : f32 from vector<1xf32>
      %mul3A_1728 = vector.broadcast %squeeze3A_1727 : f32 to vector<16xf32>
      %mul3A_1729 = arith.mulf %unpack3A_1587, %mul3A_1728 : vector<16xf32>
      %add3A_1730 = arith.addf %add3A_1725, %mul3A_1729 : vector<16xf32>
      %slice3A_1731 = vector.extract_strided_slice %get3A_1696 {offsets = [7], sizes = [1], strides = [1]} : vector<16xf32> to vector<1xf32>
      %squeeze3A_1732 = vector.extract %slice3A_1731[0] : f32 from vector<1xf32>
      %mul3A_1733 = vector.broadcast %squeeze3A_1732 : f32 to vector<16xf32>
      %mul3A_1734 = arith.mulf %unpack3A_1588, %mul3A_1733 : vector<16xf32>
      %add3A_1735 = arith.addf %add3A_1730, %mul3A_1734 : vector<16xf32>
      %slice3A_1736 = vector.extract_strided_slice %get3A_1696 {offsets = [8], sizes = [1], strides = [1]} : vector<16xf32> to vector<1xf32>
      %squeeze3A_1737 = vector.extract %slice3A_1736[0] : f32 from vector<1xf32>
      %mul3A_1738 = vector.broadcast %squeeze3A_1737 : f32 to vector<16xf32>
      %mul3A_1739 = arith.mulf %unpack3A_1589, %mul3A_1738 : vector<16xf32>
      %add3A_1740 = arith.addf %add3A_1735, %mul3A_1739 : vector<16xf32>
      %slice3A_1741 = vector.extract_strided_slice %get3A_1696 {offsets = [9], sizes = [1], strides = [1]} : vector<16xf32> to vector<1xf32>
      %squeeze3A_1742 = vector.extract %slice3A_1741[0] : f32 from vector<1xf32>
      %mul3A_1743 = vector.broadcast %squeeze3A_1742 : f32 to vector<16xf32>
      %mul3A_1744 = arith.mulf %unpack3A_1590, %mul3A_1743 : vector<16xf32>
      %add3A_1745 = arith.addf %add3A_1740, %mul3A_1744 : vector<16xf32>
      %slice3A_1746 = vector.extract_strided_slice %get3A_1696 {offsets = [10], sizes = [1], strides = [1]} : vector<16xf32> to vector<1xf32>
      %squeeze3A_1747 = vector.extract %slice3A_1746[0] : f32 from vector<1xf32>
      %mul3A_1748 = vector.broadcast %squeeze3A_1747 : f32 to vector<16xf32>
      %mul3A_1749 = arith.mulf %unpack3A_1591, %mul3A_1748 : vector<16xf32>
      %add3A_1750 = arith.addf %add3A_1745, %mul3A_1749 : vector<16xf32>
      %slice3A_1751 = vector.extract_strided_slice %get3A_1696 {offsets = [11], sizes = [1], strides = [1]} : vector<16xf32> to vector<1xf32>
      %squeeze3A_1752 = vector.extract %slice3A_1751[0] : f32 from vector<1xf32>
      %mul3A_1753 = vector.broadcast %squeeze3A_1752 : f32 to vector<16xf32>
      %mul3A_1754 = arith.mulf %unpack3A_1592, %mul3A_1753 : vector<16xf32>
      %add3A_1755 = arith.addf %add3A_1750, %mul3A_1754 : vector<16xf32>
      %slice3A_1756 = vector.extract_strided_slice %get3A_1696 {offsets = [12], sizes = [1], strides = [1]} : vector<16xf32> to vector<1xf32>
      %squeeze3A_1757 = vector.extract %slice3A_1756[0] : f32 from vector<1xf32>
      %mul3A_1758 = vector.broadcast %squeeze3A_1757 : f32 to vector<16xf32>
      %mul3A_1759 = arith.mulf %unpack3A_1593, %mul3A_1758 : vector<16xf32>
      %add3A_1760 = arith.addf %add3A_1755, %mul3A_1759 : vector<16xf32>
      %slice3A_1761 = vector.extract_strided_slice %get3A_1696 {offsets = [13], sizes = [1], strides = [1]} : vector<16xf32> to vector<1xf32>
      %squeeze3A_1762 = vector.extract %slice3A_1761[0] : f32 from vector<1xf32>
      %mul3A_1763 = vector.broadcast %squeeze3A_1762 : f32 to vector<16xf32>
      %mul3A_1764 = arith.mulf %unpack3A_1594, %mul3A_1763 : vector<16xf32>
      %add3A_1765 = arith.addf %add3A_1760, %mul3A_1764 : vector<16xf32>
      %slice3A_1766 = vector.extract_strided_slice %get3A_1696 {offsets = [14], sizes = [1], strides = [1]} : vector<16xf32> to vector<1xf32>
      %squeeze3A_1767 = vector.extract %slice3A_1766[0] : f32 from vector<1xf32>
      %mul3A_1768 = vector.broadcast %squeeze3A_1767 : f32 to vector<16xf32>
      %mul3A_1769 = arith.mulf %unpack3A_1595, %mul3A_1768 : vector<16xf32>
      %add3A_1770 = arith.addf %add3A_1765, %mul3A_1769 : vector<16xf32>
      %slice3A_1771 = vector.extract_strided_slice %get3A_1696 {offsets = [15], sizes = [1], strides = [1]} : vector<16xf32> to vector<1xf32>
      %squeeze3A_1772 = vector.extract %slice3A_1771[0] : f32 from vector<1xf32>
      %mul3A_1773 = vector.broadcast %squeeze3A_1772 : f32 to vector<16xf32>
      %mul3A_1774 = arith.mulf %unpack3A_1596, %mul3A_1773 : vector<16xf32>
      %add3A_1775 = arith.addf %add3A_1770, %mul3A_1774 : vector<16xf32>
      %slice3A_1776 = vector.extract_strided_slice %get3A_1598 {offsets = [1], sizes = [1], strides = [1]} : vector<16xf32> to vector<1xf32>
      %squeeze3A_1777 = vector.extract %slice3A_1776[0] : f32 from vector<1xf32>
      %add3A_1778 = vector.broadcast %squeeze3A_1777 : f32 to vector<16xf32>
      %add3A_1779 = arith.addf %add3A_1775, %add3A_1778 : vector<16xf32>
      %max3A_1780 = arith.constant 0.000000e+00 : f32
      %max3A_1781 = vector.broadcast %max3A_1780 : f32 to vector<16xf32>
      %max3A_1782 = arith.maximumf %add3A_1779, %max3A_1781 : vector<16xf32>
      %slice3A_1783 = vector.extract_strided_slice %get3A_1600 {offsets = [1], sizes = [1], strides = [1]} : vector<16xf32> to vector<1xf32>
      %squeeze3A_1784 = vector.extract %slice3A_1783[0] : f32 from vector<1xf32>
      %mul3A_1785 = vector.broadcast %squeeze3A_1784 : f32 to vector<16xf32>
      %mul3A_1786 = arith.mulf %max3A_1782, %mul3A_1785 : vector<16xf32>
      %add3A_1787 = arith.addf %mul3A_1694, %mul3A_1786 : vector<16xf32>
      %get3A_1788 = arith.constant 32 : index
      %get3A_1789 = tpu.vector_load %arg9[%get3A_1788] {strides = array<i32>} : memref<304xf32, #tpu.memory_space<vmem>>, vector<16xf32>,
      %slice3A_1790 = vector.extract_strided_slice %get3A_1789 {offsets = [0], sizes = [1], strides = [1]} : vector<16xf32> to vector<1xf32>
      %squeeze3A_1791 = vector.extract %slice3A_1790[0] : f32 from vector<1xf32>
      %mul3A_1792 = vector.broadcast %squeeze3A_1791 : f32 to vector<16xf32>
      %mul3A_1793 = arith.mulf %unpack3A_1581, %mul3A_1792 : vector<16xf32>
      %slice3A_1794 = vector.extract_strided_slice %get3A_1789 {offsets = [1], sizes = [1], strides = [1]} : vector<16xf32> to vector<1xf32>
      %squeeze3A_1795 = vector.extract %slice3A_1794[0] : f32 from vector<1xf32>
      %mul3A_1796 = vector.broadcast %squeeze3A_1795 : f32 to vector<16xf32>
      %mul3A_1797 = arith.mulf %unpack3A_1582, %mul3A_1796 : vector<16xf32>
      %add3A_1798 = arith.addf %mul3A_1793, %mul3A_1797 : vector<16xf32>
      %slice3A_1799 = vector.extract_strided_slice %get3A_1789 {offsets = [2], sizes = [1], strides = [1]} : vector<16xf32> to vector<1xf32>
      %squeeze3A_1800 = vector.extract %slice3A_1799[0] : f32 from vector<1xf32>
      %mul3A_1801 = vector.broadcast %squeeze3A_1800 : f32 to vector<16xf32>
      %mul3A_1802 = arith.mulf %unpack3A_1583, %mul3A_1801 : vector<16xf32>
      %add3A_1803 = arith.addf %add3A_1798, %mul3A_1802 : vector<16xf32>
      %slice3A_1804 = vector.extract_strided_slice %get3A_1789 {offsets = [3], sizes = [1], strides = [1]} : vector<16xf32> to vector<1xf32>
      %squeeze3A_1805 = vector.extract %slice3A_1804[0] : f32 from vector<1xf32>
      %mul3A_1806 = vector.broadcast %squeeze3A_1805 : f32 to vector<16xf32>
      %mul3A_1807 = arith.mulf %unpack3A_1584, %mul3A_1806 : vector<16xf32>
      %add3A_1808 = arith.addf %add3A_1803, %mul3A_1807 : vector<16xf32>
      %slice3A_1809 = vector.extract_strided_slice %get3A_1789 {offsets = [4], sizes = [1], strides = [1]} : vector<16xf32> to vector<1xf32>
      %squeeze3A_1810 = vector.extract %slice3A_1809[0] : f32 from vector<1xf32>
      %mul3A_1811 = vector.broadcast %squeeze3A_1810 : f32 to vector<16xf32>
      %mul3A_1812 = arith.mulf %unpack3A_1585, %mul3A_1811 : vector<16xf32>
      %add3A_1813 = arith.addf %add3A_1808, %mul3A_1812 : vector<16xf32>
      %slice3A_1814 = vector.extract_strided_slice %get3A_1789 {offsets = [5], sizes = [1], strides = [1]} : vector<16xf32> to vector<1xf32>
      %squeeze3A_1815 = vector.extract %slice3A_1814[0] : f32 from vector<1xf32>
      %mul3A_1816 = vector.broadcast %squeeze3A_1815 : f32 to vector<16xf32>
      %mul3A_1817 = arith.mulf %unpack3A_1586, %mul3A_1816 : vector<16xf32>
      %add3A_1818 = arith.addf %add3A_1813, %mul3A_1817 : vector<16xf32>
      %slice3A_1819 = vector.extract_strided_slice %get3A_1789 {offsets = [6], sizes = [1], strides = [1]} : vector<16xf32> to vector<1xf32>
      %squeeze3A_1820 = vector.extract %slice3A_1819[0] : f32 from vector<1xf32>
      %mul3A_1821 = vector.broadcast %squeeze3A_1820 : f32 to vector<16xf32>
      %mul3A_1822 = arith.mulf %unpack3A_1587, %mul3A_1821 : vector<16xf32>
      %add3A_1823 = arith.addf %add3A_1818, %mul3A_1822 : vector<16xf32>
      %slice3A_1824 = vector.extract_strided_slice %get3A_1789 {offsets = [7], sizes = [1], strides = [1]} : vector<16xf32> to vector<1xf32>
      %squeeze3A_1825 = vector.extract %slice3A_1824[0] : f32 from vector<1xf32>
      %mul3A_1826 = vector.broadcast %squeeze3A_1825 : f32 to vector<16xf32>
      %mul3A_1827 = arith.mulf %unpack3A_1588, %mul3A_1826 : vector<16xf32>
      %add3A_1828 = arith.addf %add3A_1823, %mul3A_1827 : vector<16xf32>
      %slice3A_1829 = vector.extract_strided_slice %get3A_1789 {offsets = [8], sizes = [1], strides = [1]} : vector<16xf32> to vector<1xf32>
      %squeeze3A_1830 = vector.extract %slice3A_1829[0] : f32 from vector<1xf32>
      %mul3A_1831 = vector.broadcast %squeeze3A_1830 : f32 to vector<16xf32>
      %mul3A_1832 = arith.mulf %unpack3A_1589, %mul3A_1831 : vector<16xf32>
      %add3A_1833 = arith.addf %add3A_1828, %mul3A_1832 : vector<16xf32>
      %slice3A_1834 = vector.extract_strided_slice %get3A_1789 {offsets = [9], sizes = [1], strides = [1]} : vector<16xf32> to vector<1xf32>
      %squeeze3A_1835 = vector.extract %slice3A_1834[0] : f32 from vector<1xf32>
      %mul3A_1836 = vector.broadcast %squeeze3A_1835 : f32 to vector<16xf32>
      %mul3A_1837 = arith.mulf %unpack3A_1590, %mul3A_1836 : vector<16xf32>
      %add3A_1838 = arith.addf %add3A_1833, %mul3A_1837 : vector<16xf32>
      %slice3A_1839 = vector.extract_strided_slice %get3A_1789 {offsets = [10], sizes = [1], strides = [1]} : vector<16xf32> to vector<1xf32>
      %squeeze3A_1840 = vector.extract %slice3A_1839[0] : f32 from vector<1xf32>
      %mul3A_1841 = vector.broadcast %squeeze3A_1840 : f32 to vector<16xf32>
      %mul3A_1842 = arith.mulf %unpack3A_1591, %mul3A_1841 : vector<16xf32>
      %add3A_1843 = arith.addf %add3A_1838, %mul3A_1842 : vector<16xf32>
      %slice3A_1844 = vector.extract_strided_slice %get3A_1789 {offsets = [11], sizes = [1], strides = [1]} : vector<16xf32> to vector<1xf32>
      %squeeze3A_1845 = vector.extract %slice3A_1844[0] : f32 from vector<1xf32>
      %mul3A_1846 = vector.broadcast %squeeze3A_1845 : f32 to vector<16xf32>
      %mul3A_1847 = arith.mulf %unpack3A_1592, %mul3A_1846 : vector<16xf32>
      %add3A_1848 = arith.addf %add3A_1843, %mul3A_1847 : vector<16xf32>
      %slice3A_1849 = vector.extract_strided_slice %get3A_1789 {offsets = [12], sizes = [1], strides = [1]} : vector<16xf32> to vector<1xf32>
      %squeeze3A_1850 = vector.extract %slice3A_1849[0] : f32 from vector<1xf32>
      %mul3A_1851 = vector.broadcast %squeeze3A_1850 : f32 to vector<16xf32>
      %mul3A_1852 = arith.mulf %unpack3A_1593, %mul3A_1851 : vector<16xf32>
      %add3A_1853 = arith.addf %add3A_1848, %mul3A_1852 : vector<16xf32>
      %slice3A_1854 = vector.extract_strided_slice %get3A_1789 {offsets = [13], sizes = [1], strides = [1]} : vector<16xf32> to vector<1xf32>
      %squeeze3A_1855 = vector.extract %slice3A_1854[0] : f32 from vector<1xf32>
      %mul3A_1856 = vector.broadcast %squeeze3A_1855 : f32 to vector<16xf32>
      %mul3A_1857 = arith.mulf %unpack3A_1594, %mul3A_1856 : vector<16xf32>
      %add3A_1858 = arith.addf %add3A_1853, %mul3A_1857 : vector<16xf32>
      %slice3A_1859 = vector.extract_strided_slice %get3A_1789 {offsets = [14], sizes = [1], strides = [1]} : vector<16xf32> to vector<1xf32>
      %squeeze3A_1860 = vector.extract %slice3A_1859[0] : f32 from vector<1xf32>
      %mul3A_1861 = vector.broadcast %squeeze3A_1860 : f32 to vector<16xf32>
      %mul3A_1862 = arith.mulf %unpack3A_1595, %mul3A_1861 : vector<16xf32>
      %add3A_1863 = arith.addf %add3A_1858, %mul3A_1862 : vector<16xf32>
      %slice3A_1864 = vector.extract_strided_slice %get3A_1789 {offsets = [15], sizes = [1], strides = [1]} : vector<16xf32> to vector<1xf32>
      %squeeze3A_1865 = vector.extract %slice3A_1864[0] : f32 from vector<1xf32>
      %mul3A_1866 = vector.broadcast %squeeze3A_1865 : f32 to vector<16xf32>
      %mul3A_1867 = arith.mulf %unpack3A_1596, %mul3A_1866 : vector<16xf32>
      %add3A_1868 = arith.addf %add3A_1863, %mul3A_1867 : vector<16xf32>
      %slice3A_1869 = vector.extract_strided_slice %get3A_1598 {offsets = [2], sizes = [1], strides = [1]} : vector<16xf32> to vector<1xf32>
      %squeeze3A_1870 = vector.extract %slice3A_1869[0] : f32 from vector<1xf32>
      %add3A_1871 = vector.broadcast %squeeze3A_1870 : f32 to vector<16xf32>
      %add3A_1872 = arith.addf %add3A_1868, %add3A_1871 : vector<16xf32>
      %max3A_1873 = arith.constant 0.000000e+00 : f32
      %max3A_1874 = vector.broadcast %max3A_1873 : f32 to vector<16xf32>
      %max3A_1875 = arith.maximumf %add3A_1872, %max3A_1874 : vector<16xf32>
      %slice3A_1876 = vector.extract_strided_slice %get3A_1600 {offsets = [2], sizes = [1], strides = [1]} : vector<16xf32> to vector<1xf32>
      %squeeze3A_1877 = vector.extract %slice3A_1876[0] : f32 from vector<1xf32>
      %mul3A_1878 = vector.broadcast %squeeze3A_1877 : f32 to vector<16xf32>
      %mul3A_1879 = arith.mulf %max3A_1875, %mul3A_1878 : vector<16xf32>
      %add3A_1880 = arith.addf %add3A_1787, %mul3A_1879 : vector<16xf32>
      %get3A_1881 = arith.constant 48 : index
      %get3A_1882 = tpu.vector_load %arg9[%get3A_1881] {strides = array<i32>} : memref<304xf32, #tpu.memory_space<vmem>>, vector<16xf32>,
      %slice3A_1883 = vector.extract_strided_slice %get3A_1882 {offsets = [0], sizes = [1], strides = [1]} : vector<16xf32> to vector<1xf32>
      %squeeze3A_1884 = vector.extract %slice3A_1883[0] : f32 from vector<1xf32>
      %mul3A_1885 = vector.broadcast %squeeze3A_1884 : f32 to vector<16xf32>
      %mul3A_1886 = arith.mulf %unpack3A_1581, %mul3A_1885 : vector<16xf32>
      %slice3A_1887 = vector.extract_strided_slice %get3A_1882 {offsets = [1], sizes = [1], strides = [1]} : vector<16xf32> to vector<1xf32>
      %squeeze3A_1888 = vector.extract %slice3A_1887[0] : f32 from vector<1xf32>
      %mul3A_1889 = vector.broadcast %squeeze3A_1888 : f32 to vector<16xf32>
      %mul3A_1890 = arith.mulf %unpack3A_1582, %mul3A_1889 : vector<16xf32>
      %add3A_1891 = arith.addf %mul3A_1886, %mul3A_1890 : vector<16xf32>
      %slice3A_1892 = vector.extract_strided_slice %get3A_1882 {offsets = [2], sizes = [1], strides = [1]} : vector<16xf32> to vector<1xf32>
      %squeeze3A_1893 = vector.extract %slice3A_1892[0] : f32 from vector<1xf32>
      %mul3A_1894 = vector.broadcast %squeeze3A_1893 : f32 to vector<16xf32>
      %mul3A_1895 = arith.mulf %unpack3A_1583, %mul3A_1894 : vector<16xf32>
      %add3A_1896 = arith.addf %add3A_1891, %mul3A_1895 : vector<16xf32>
      %slice3A_1897 = vector.extract_strided_slice %get3A_1882 {offsets = [3], sizes = [1], strides = [1]} : vector<16xf32> to vector<1xf32>
      %squeeze3A_1898 = vector.extract %slice3A_1897[0] : f32 from vector<1xf32>
      %mul3A_1899 = vector.broadcast %squeeze3A_1898 : f32 to vector<16xf32>
      %mul3A_1900 = arith.mulf %unpack3A_1584, %mul3A_1899 : vector<16xf32>
      %add3A_1901 = arith.addf %add3A_1896, %mul3A_1900 : vector<16xf32>
      %slice3A_1902 = vector.extract_strided_slice %get3A_1882 {offsets = [4], sizes = [1], strides = [1]} : vector<16xf32> to vector<1xf32>
      %squeeze3A_1903 = vector.extract %slice3A_1902[0] : f32 from vector<1xf32>
      %mul3A_1904 = vector.broadcast %squeeze3A_1903 : f32 to vector<16xf32>
      %mul3A_1905 = arith.mulf %unpack3A_1585, %mul3A_1904 : vector<16xf32>
      %add3A_1906 = arith.addf %add3A_1901, %mul3A_1905 : vector<16xf32>
      %slice3A_1907 = vector.extract_strided_slice %get3A_1882 {offsets = [5], sizes = [1], strides = [1]} : vector<16xf32> to vector<1xf32>
      %squeeze3A_1908 = vector.extract %slice3A_1907[0] : f32 from vector<1xf32>
      %mul3A_1909 = vector.broadcast %squeeze3A_1908 : f32 to vector<16xf32>
      %mul3A_1910 = arith.mulf %unpack3A_1586, %mul3A_1909 : vector<16xf32>
      %add3A_1911 = arith.addf %add3A_1906, %mul3A_1910 : vector<16xf32>
      %slice3A_1912 = vector.extract_strided_slice %get3A_1882 {offsets = [6], sizes = [1], strides = [1]} : vector<16xf32> to vector<1xf32>
      %squeeze3A_1913 = vector.extract %slice3A_1912[0] : f32 from vector<1xf32>
      %mul3A_1914 = vector.broadcast %squeeze3A_1913 : f32 to vector<16xf32>
      %mul3A_1915 = arith.mulf %unpack3A_1587, %mul3A_1914 : vector<16xf32>
      %add3A_1916 = arith.addf %add3A_1911, %mul3A_1915 : vector<16xf32>
      %slice3A_1917 = vector.extract_strided_slice %get3A_1882 {offsets = [7], sizes = [1], strides = [1]} : vector<16xf32> to vector<1xf32>
      %squeeze3A_1918 = vector.extract %slice3A_1917[0] : f32 from vector<1xf32>
      %mul3A_1919 = vector.broadcast %squeeze3A_1918 : f32 to vector<16xf32>
      %mul3A_1920 = arith.mulf %unpack3A_1588, %mul3A_1919 : vector<16xf32>
      %add3A_1921 = arith.addf %add3A_1916, %mul3A_1920 : vector<16xf32>
      %slice3A_1922 = vector.extract_strided_slice %get3A_1882 {offsets = [8], sizes = [1], strides = [1]} : vector<16xf32> to vector<1xf32>
      %squeeze3A_1923 = vector.extract %slice3A_1922[0] : f32 from vector<1xf32>
      %mul3A_1924 = vector.broadcast %squeeze3A_1923 : f32 to vector<16xf32>
      %mul3A_1925 = arith.mulf %unpack3A_1589, %mul3A_1924 : vector<16xf32>
      %add3A_1926 = arith.addf %add3A_1921, %mul3A_1925 : vector<16xf32>
      %slice3A_1927 = vector.extract_strided_slice %get3A_1882 {offsets = [9], sizes = [1], strides = [1]} : vector<16xf32> to vector<1xf32>
      %squeeze3A_1928 = vector.extract %slice3A_1927[0] : f32 from vector<1xf32>
      %mul3A_1929 = vector.broadcast %squeeze3A_1928 : f32 to vector<16xf32>
      %mul3A_1930 = arith.mulf %unpack3A_1590, %mul3A_1929 : vector<16xf32>
      %add3A_1931 = arith.addf %add3A_1926, %mul3A_1930 : vector<16xf32>
      %slice3A_1932 = vector.extract_strided_slice %get3A_1882 {offsets = [10], sizes = [1], strides = [1]} : vector<16xf32> to vector<1xf32>
      %squeeze3A_1933 = vector.extract %slice3A_1932[0] : f32 from vector<1xf32>
      %mul3A_1934 = vector.broadcast %squeeze3A_1933 : f32 to vector<16xf32>
      %mul3A_1935 = arith.mulf %unpack3A_1591, %mul3A_1934 : vector<16xf32>
      %add3A_1936 = arith.addf %add3A_1931, %mul3A_1935 : vector<16xf32>
      %slice3A_1937 = vector.extract_strided_slice %get3A_1882 {offsets = [11], sizes = [1], strides = [1]} : vector<16xf32> to vector<1xf32>
      %squeeze3A_1938 = vector.extract %slice3A_1937[0] : f32 from vector<1xf32>
      %mul3A_1939 = vector.broadcast %squeeze3A_1938 : f32 to vector<16xf32>
      %mul3A_1940 = arith.mulf %unpack3A_1592, %mul3A_1939 : vector<16xf32>
      %add3A_1941 = arith.addf %add3A_1936, %mul3A_1940 : vector<16xf32>
      %slice3A_1942 = vector.extract_strided_slice %get3A_1882 {offsets = [12], sizes = [1], strides = [1]} : vector<16xf32> to vector<1xf32>
      %squeeze3A_1943 = vector.extract %slice3A_1942[0] : f32 from vector<1xf32>
      %mul3A_1944 = vector.broadcast %squeeze3A_1943 : f32 to vector<16xf32>
      %mul3A_1945 = arith.mulf %unpack3A_1593, %mul3A_1944 : vector<16xf32>
      %add3A_1946 = arith.addf %add3A_1941, %mul3A_1945 : vector<16xf32>
      %slice3A_1947 = vector.extract_strided_slice %get3A_1882 {offsets = [13], sizes = [1], strides = [1]} : vector<16xf32> to vector<1xf32>
      %squeeze3A_1948 = vector.extract %slice3A_1947[0] : f32 from vector<1xf32>
      %mul3A_1949 = vector.broadcast %squeeze3A_1948 : f32 to vector<16xf32>
      %mul3A_1950 = arith.mulf %unpack3A_1594, %mul3A_1949 : vector<16xf32>
      %add3A_1951 = arith.addf %add3A_1946, %mul3A_1950 : vector<16xf32>
      %slice3A_1952 = vector.extract_strided_slice %get3A_1882 {offsets = [14], sizes = [1], strides = [1]} : vector<16xf32> to vector<1xf32>
      %squeeze3A_1953 = vector.extract %slice3A_1952[0] : f32 from vector<1xf32>
      %mul3A_1954 = vector.broadcast %squeeze3A_1953 : f32 to vector<16xf32>
      %mul3A_1955 = arith.mulf %unpack3A_1595, %mul3A_1954 : vector<16xf32>
      %add3A_1956 = arith.addf %add3A_1951, %mul3A_1955 : vector<16xf32>
      %slice3A_1957 = vector.extract_strided_slice %get3A_1882 {offsets = [15], sizes = [1], strides = [1]} : vector<16xf32> to vector<1xf32>
      %squeeze3A_1958 = vector.extract %slice3A_1957[0] : f32 from vector<1xf32>
      %mul3A_1959 = vector.broadcast %squeeze3A_1958 : f32 to vector<16xf32>
      %mul3A_1960 = arith.mulf %unpack3A_1596, %mul3A_1959 : vector<16xf32>
      %add3A_1961 = arith.addf %add3A_1956, %mul3A_1960 : vector<16xf32>
      %slice3A_1962 = vector.extract_strided_slice %get3A_1598 {offsets = [3], sizes = [1], strides = [1]} : vector<16xf32> to vector<1xf32>
      %squeeze3A_1963 = vector.extract %slice3A_1962[0] : f32 from vector<1xf32>
      %add3A_1964 = vector.broadcast %squeeze3A_1963 : f32 to vector<16xf32>
      %add3A_1965 = arith.addf %add3A_1961, %add3A_1964 : vector<16xf32>
      %max3A_1966 = arith.constant 0.000000e+00 : f32
      %max3A_1967 = vector.broadcast %max3A_1966 : f32 to vector<16xf32>
      %max3A_1968 = arith.maximumf %add3A_1965, %max3A_1967 : vector<16xf32>
      %slice3A_1969 = vector.extract_strided_slice %get3A_1600 {offsets = [3], sizes = [1], strides = [1]} : vector<16xf32> to vector<1xf32>
      %squeeze3A_1970 = vector.extract %slice3A_1969[0] : f32 from vector<1xf32>
      %mul3A_1971 = vector.broadcast %squeeze3A_1970 : f32 to vector<16xf32>
      %mul3A_1972 = arith.mulf %max3A_1968, %mul3A_1971 : vector<16xf32>
      %add3A_1973 = arith.addf %add3A_1880, %mul3A_1972 : vector<16xf32>
      %get3A_1974 = arith.constant 64 : index
      %get3A_1975 = tpu.vector_load %arg9[%get3A_1974] {strides = array<i32>} : memref<304xf32, #tpu.memory_space<vmem>>, vector<16xf32>,
      %slice3A_1976 = vector.extract_strided_slice %get3A_1975 {offsets = [0], sizes = [1], strides = [1]} : vector<16xf32> to vector<1xf32>
      %squeeze3A_1977 = vector.extract %slice3A_1976[0] : f32 from vector<1xf32>
      %mul3A_1978 = vector.broadcast %squeeze3A_1977 : f32 to vector<16xf32>
      %mul3A_1979 = arith.mulf %unpack3A_1581, %mul3A_1978 : vector<16xf32>
      %slice3A_1980 = vector.extract_strided_slice %get3A_1975 {offsets = [1], sizes = [1], strides = [1]} : vector<16xf32> to vector<1xf32>
      %squeeze3A_1981 = vector.extract %slice3A_1980[0] : f32 from vector<1xf32>
      %mul3A_1982 = vector.broadcast %squeeze3A_1981 : f32 to vector<16xf32>
      %mul3A_1983 = arith.mulf %unpack3A_1582, %mul3A_1982 : vector<16xf32>
      %add3A_1984 = arith.addf %mul3A_1979, %mul3A_1983 : vector<16xf32>
      %slice3A_1985 = vector.extract_strided_slice %get3A_1975 {offsets = [2], sizes = [1], strides = [1]} : vector<16xf32> to vector<1xf32>
      %squeeze3A_1986 = vector.extract %slice3A_1985[0] : f32 from vector<1xf32>
      %mul3A_1987 = vector.broadcast %squeeze3A_1986 : f32 to vector<16xf32>
      %mul3A_1988 = arith.mulf %unpack3A_1583, %mul3A_1987 : vector<16xf32>
      %add3A_1989 = arith.addf %add3A_1984, %mul3A_1988 : vector<16xf32>
      %slice3A_1990 = vector.extract_strided_slice %get3A_1975 {offsets = [3], sizes = [1], strides = [1]} : vector<16xf32> to vector<1xf32>
      %squeeze3A_1991 = vector.extract %slice3A_1990[0] : f32 from vector<1xf32>
      %mul3A_1992 = vector.broadcast %squeeze3A_1991 : f32 to vector<16xf32>
      %mul3A_1993 = arith.mulf %unpack3A_1584, %mul3A_1992 : vector<16xf32>
      %add3A_1994 = arith.addf %add3A_1989, %mul3A_1993 : vector<16xf32>
      %slice3A_1995 = vector.extract_strided_slice %get3A_1975 {offsets = [4], sizes = [1], strides = [1]} : vector<16xf32> to vector<1xf32>
      %squeeze3A_1996 = vector.extract %slice3A_1995[0] : f32 from vector<1xf32>
      %mul3A_1997 = vector.broadcast %squeeze3A_1996 : f32 to vector<16xf32>
      %mul3A_1998 = arith.mulf %unpack3A_1585, %mul3A_1997 : vector<16xf32>
      %add3A_1999 = arith.addf %add3A_1994, %mul3A_1998 : vector<16xf32>
      %slice3A_2000 = vector.extract_strided_slice %get3A_1975 {offsets = [5], sizes = [1], strides = [1]} : vector<16xf32> to vector<1xf32>
      %squeeze3A_2001 = vector.extract %slice3A_2000[0] : f32 from vector<1xf32>
      %mul3A_2002 = vector.broadcast %squeeze3A_2001 : f32 to vector<16xf32>
      %mul3A_2003 = arith.mulf %unpack3A_1586, %mul3A_2002 : vector<16xf32>
      %add3A_2004 = arith.addf %add3A_1999, %mul3A_2003 : vector<16xf32>
      %slice3A_2005 = vector.extract_strided_slice %get3A_1975 {offsets = [6], sizes = [1], strides = [1]} : vector<16xf32> to vector<1xf32>
      %squeeze3A_2006 = vector.extract %slice3A_2005[0] : f32 from vector<1xf32>
      %mul3A_2007 = vector.broadcast %squeeze3A_2006 : f32 to vector<16xf32>
      %mul3A_2008 = arith.mulf %unpack3A_1587, %mul3A_2007 : vector<16xf32>
      %add3A_2009 = arith.addf %add3A_2004, %mul3A_2008 : vector<16xf32>
      %slice3A_2010 = vector.extract_strided_slice %get3A_1975 {offsets = [7], sizes = [1], strides = [1]} : vector<16xf32> to vector<1xf32>
      %squeeze3A_2011 = vector.extract %slice3A_2010[0] : f32 from vector<1xf32>
      %mul3A_2012 = vector.broadcast %squeeze3A_2011 : f32 to vector<16xf32>
      %mul3A_2013 = arith.mulf %unpack3A_1588, %mul3A_2012 : vector<16xf32>
      %add3A_2014 = arith.addf %add3A_2009, %mul3A_2013 : vector<16xf32>
      %slice3A_2015 = vector.extract_strided_slice %get3A_1975 {offsets = [8], sizes = [1], strides = [1]} : vector<16xf32> to vector<1xf32>
      %squeeze3A_2016 = vector.extract %slice3A_2015[0] : f32 from vector<1xf32>
      %mul3A_2017 = vector.broadcast %squeeze3A_2016 : f32 to vector<16xf32>
      %mul3A_2018 = arith.mulf %unpack3A_1589, %mul3A_2017 : vector<16xf32>
      %add3A_2019 = arith.addf %add3A_2014, %mul3A_2018 : vector<16xf32>
      %slice3A_2020 = vector.extract_strided_slice %get3A_1975 {offsets = [9], sizes = [1], strides = [1]} : vector<16xf32> to vector<1xf32>
      %squeeze3A_2021 = vector.extract %slice3A_2020[0] : f32 from vector<1xf32>
      %mul3A_2022 = vector.broadcast %squeeze3A_2021 : f32 to vector<16xf32>
      %mul3A_2023 = arith.mulf %unpack3A_1590, %mul3A_2022 : vector<16xf32>
      %add3A_2024 = arith.addf %add3A_2019, %mul3A_2023 : vector<16xf32>
      %slice3A_2025 = vector.extract_strided_slice %get3A_1975 {offsets = [10], sizes = [1], strides = [1]} : vector<16xf32> to vector<1xf32>
      %squeeze3A_2026 = vector.extract %slice3A_2025[0] : f32 from vector<1xf32>
      %mul3A_2027 = vector.broadcast %squeeze3A_2026 : f32 to vector<16xf32>
      %mul3A_2028 = arith.mulf %unpack3A_1591, %mul3A_2027 : vector<16xf32>
      %add3A_2029 = arith.addf %add3A_2024, %mul3A_2028 : vector<16xf32>
      %slice3A_2030 = vector.extract_strided_slice %get3A_1975 {offsets = [11], sizes = [1], strides = [1]} : vector<16xf32> to vector<1xf32>
      %squeeze3A_2031 = vector.extract %slice3A_2030[0] : f32 from vector<1xf32>
      %mul3A_2032 = vector.broadcast %squeeze3A_2031 : f32 to vector<16xf32>
      %mul3A_2033 = arith.mulf %unpack3A_1592, %mul3A_2032 : vector<16xf32>
      %add3A_2034 = arith.addf %add3A_2029, %mul3A_2033 : vector<16xf32>
      %slice3A_2035 = vector.extract_strided_slice %get3A_1975 {offsets = [12], sizes = [1], strides = [1]} : vector<16xf32> to vector<1xf32>
      %squeeze3A_2036 = vector.extract %slice3A_2035[0] : f32 from vector<1xf32>
      %mul3A_2037 = vector.broadcast %squeeze3A_2036 : f32 to vector<16xf32>
      %mul3A_2038 = arith.mulf %unpack3A_1593, %mul3A_2037 : vector<16xf32>
      %add3A_2039 = arith.addf %add3A_2034, %mul3A_2038 : vector<16xf32>
      %slice3A_2040 = vector.extract_strided_slice %get3A_1975 {offsets = [13], sizes = [1], strides = [1]} : vector<16xf32> to vector<1xf32>
      %squeeze3A_2041 = vector.extract %slice3A_2040[0] : f32 from vector<1xf32>
      %mul3A_2042 = vector.broadcast %squeeze3A_2041 : f32 to vector<16xf32>
      %mul3A_2043 = arith.mulf %unpack3A_1594, %mul3A_2042 : vector<16xf32>
      %add3A_2044 = arith.addf %add3A_2039, %mul3A_2043 : vector<16xf32>
      %slice3A_2045 = vector.extract_strided_slice %get3A_1975 {offsets = [14], sizes = [1], strides = [1]} : vector<16xf32> to vector<1xf32>
      %squeeze3A_2046 = vector.extract %slice3A_2045[0] : f32 from vector<1xf32>
      %mul3A_2047 = vector.broadcast %squeeze3A_2046 : f32 to vector<16xf32>
      %mul3A_2048 = arith.mulf %unpack3A_1595, %mul3A_2047 : vector<16xf32>
      %add3A_2049 = arith.addf %add3A_2044, %mul3A_2048 : vector<16xf32>
      %slice3A_2050 = vector.extract_strided_slice %get3A_1975 {offsets = [15], sizes = [1], strides = [1]} : vector<16xf32> to vector<1xf32>
      %squeeze3A_2051 = vector.extract %slice3A_2050[0] : f32 from vector<1xf32>
      %mul3A_2052 = vector.broadcast %squeeze3A_2051 : f32 to vector<16xf32>
      %mul3A_2053 = arith.mulf %unpack3A_1596, %mul3A_2052 : vector<16xf32>
      %add3A_2054 = arith.addf %add3A_2049, %mul3A_2053 : vector<16xf32>
      %slice3A_2055 = vector.extract_strided_slice %get3A_1598 {offsets = [4], sizes = [1], strides = [1]} : vector<16xf32> to vector<1xf32>
      %squeeze3A_2056 = vector.extract %slice3A_2055[0] : f32 from vector<1xf32>
      %add3A_2057 = vector.broadcast %squeeze3A_2056 : f32 to vector<16xf32>
      %add3A_2058 = arith.addf %add3A_2054, %add3A_2057 : vector<16xf32>
      %max3A_2059 = arith.constant 0.000000e+00 : f32
      %max3A_2060 = vector.broadcast %max3A_2059 : f32 to vector<16xf32>
      %max3A_2061 = arith.maximumf %add3A_2058, %max3A_2060 : vector<16xf32>
      %slice3A_2062 = vector.extract_strided_slice %get3A_1600 {offsets = [4], sizes = [1], strides = [1]} : vector<16xf32> to vector<1xf32>
      %squeeze3A_2063 = vector.extract %slice3A_2062[0] : f32 from vector<1xf32>
      %mul3A_2064 = vector.broadcast %squeeze3A_2063 : f32 to vector<16xf32>
      %mul3A_2065 = arith.mulf %max3A_2061, %mul3A_2064 : vector<16xf32>
      %add3A_2066 = arith.addf %add3A_1973, %mul3A_2065 : vector<16xf32>
      %get3A_2067 = arith.constant 80 : index
      %get3A_2068 = tpu.vector_load %arg9[%get3A_2067] {strides = array<i32>} : memref<304xf32, #tpu.memory_space<vmem>>, vector<16xf32>,
      %slice3A_2069 = vector.extract_strided_slice %get3A_2068 {offsets = [0], sizes = [1], strides = [1]} : vector<16xf32> to vector<1xf32>
      %squeeze3A_2070 = vector.extract %slice3A_2069[0] : f32 from vector<1xf32>
      %mul3A_2071 = vector.broadcast %squeeze3A_2070 : f32 to vector<16xf32>
      %mul3A_2072 = arith.mulf %unpack3A_1581, %mul3A_2071 : vector<16xf32>
      %slice3A_2073 = vector.extract_strided_slice %get3A_2068 {offsets = [1], sizes = [1], strides = [1]} : vector<16xf32> to vector<1xf32>
      %squeeze3A_2074 = vector.extract %slice3A_2073[0] : f32 from vector<1xf32>
      %mul3A_2075 = vector.broadcast %squeeze3A_2074 : f32 to vector<16xf32>
      %mul3A_2076 = arith.mulf %unpack3A_1582, %mul3A_2075 : vector<16xf32>
      %add3A_2077 = arith.addf %mul3A_2072, %mul3A_2076 : vector<16xf32>
      %slice3A_2078 = vector.extract_strided_slice %get3A_2068 {offsets = [2], sizes = [1], strides = [1]} : vector<16xf32> to vector<1xf32>
      %squeeze3A_2079 = vector.extract %slice3A_2078[0] : f32 from vector<1xf32>
      %mul3A_2080 = vector.broadcast %squeeze3A_2079 : f32 to vector<16xf32>
      %mul3A_2081 = arith.mulf %unpack3A_1583, %mul3A_2080 : vector<16xf32>
      %add3A_2082 = arith.addf %add3A_2077, %mul3A_2081 : vector<16xf32>
      %slice3A_2083 = vector.extract_strided_slice %get3A_2068 {offsets = [3], sizes = [1], strides = [1]} : vector<16xf32> to vector<1xf32>
      %squeeze3A_2084 = vector.extract %slice3A_2083[0] : f32 from vector<1xf32>
      %mul3A_2085 = vector.broadcast %squeeze3A_2084 : f32 to vector<16xf32>
      %mul3A_2086 = arith.mulf %unpack3A_1584, %mul3A_2085 : vector<16xf32>
      %add3A_2087 = arith.addf %add3A_2082, %mul3A_2086 : vector<16xf32>
      %slice3A_2088 = vector.extract_strided_slice %get3A_2068 {offsets = [4], sizes = [1], strides = [1]} : vector<16xf32> to vector<1xf32>
      %squeeze3A_2089 = vector.extract %slice3A_2088[0] : f32 from vector<1xf32>
      %mul3A_2090 = vector.broadcast %squeeze3A_2089 : f32 to vector<16xf32>
      %mul3A_2091 = arith.mulf %unpack3A_1585, %mul3A_2090 : vector<16xf32>
      %add3A_2092 = arith.addf %add3A_2087, %mul3A_2091 : vector<16xf32>
      %slice3A_2093 = vector.extract_strided_slice %get3A_2068 {offsets = [5], sizes = [1], strides = [1]} : vector<16xf32> to vector<1xf32>
      %squeeze3A_2094 = vector.extract %slice3A_2093[0] : f32 from vector<1xf32>
      %mul3A_2095 = vector.broadcast %squeeze3A_2094 : f32 to vector<16xf32>
      %mul3A_2096 = arith.mulf %unpack3A_1586, %mul3A_2095 : vector<16xf32>
      %add3A_2097 = arith.addf %add3A_2092, %mul3A_2096 : vector<16xf32>
      %slice3A_2098 = vector.extract_strided_slice %get3A_2068 {offsets = [6], sizes = [1], strides = [1]} : vector<16xf32> to vector<1xf32>
      %squeeze3A_2099 = vector.extract %slice3A_2098[0] : f32 from vector<1xf32>
      %mul3A_2100 = vector.broadcast %squeeze3A_2099 : f32 to vector<16xf32>
      %mul3A_2101 = arith.mulf %unpack3A_1587, %mul3A_2100 : vector<16xf32>
      %add3A_2102 = arith.addf %add3A_2097, %mul3A_2101 : vector<16xf32>
      %slice3A_2103 = vector.extract_strided_slice %get3A_2068 {offsets = [7], sizes = [1], strides = [1]} : vector<16xf32> to vector<1xf32>
      %squeeze3A_2104 = vector.extract %slice3A_2103[0] : f32 from vector<1xf32>
      %mul3A_2105 = vector.broadcast %squeeze3A_2104 : f32 to vector<16xf32>
      %mul3A_2106 = arith.mulf %unpack3A_1588, %mul3A_2105 : vector<16xf32>
      %add3A_2107 = arith.addf %add3A_2102, %mul3A_2106 : vector<16xf32>
      %slice3A_2108 = vector.extract_strided_slice %get3A_2068 {offsets = [8], sizes = [1], strides = [1]} : vector<16xf32> to vector<1xf32>
      %squeeze3A_2109 = vector.extract %slice3A_2108[0] : f32 from vector<1xf32>
      %mul3A_2110 = vector.broadcast %squeeze3A_2109 : f32 to vector<16xf32>
      %mul3A_2111 = arith.mulf %unpack3A_1589, %mul3A_2110 : vector<16xf32>
      %add3A_2112 = arith.addf %add3A_2107, %mul3A_2111 : vector<16xf32>
      %slice3A_2113 = vector.extract_strided_slice %get3A_2068 {offsets = [9], sizes = [1], strides = [1]} : vector<16xf32> to vector<1xf32>
      %squeeze3A_2114 = vector.extract %slice3A_2113[0] : f32 from vector<1xf32>
      %mul3A_2115 = vector.broadcast %squeeze3A_2114 : f32 to vector<16xf32>
      %mul3A_2116 = arith.mulf %unpack3A_1590, %mul3A_2115 : vector<16xf32>
      %add3A_2117 = arith.addf %add3A_2112, %mul3A_2116 : vector<16xf32>
      %slice3A_2118 = vector.extract_strided_slice %get3A_2068 {offsets = [10], sizes = [1], strides = [1]} : vector<16xf32> to vector<1xf32>
      %squeeze3A_2119 = vector.extract %slice3A_2118[0] : f32 from vector<1xf32>
      %mul3A_2120 = vector.broadcast %squeeze3A_2119 : f32 to vector<16xf32>
      %mul3A_2121 = arith.mulf %unpack3A_1591, %mul3A_2120 : vector<16xf32>
      %add3A_2122 = arith.addf %add3A_2117, %mul3A_2121 : vector<16xf32>
      %slice3A_2123 = vector.extract_strided_slice %get3A_2068 {offsets = [11], sizes = [1], strides = [1]} : vector<16xf32> to vector<1xf32>
      %squeeze3A_2124 = vector.extract %slice3A_2123[0] : f32 from vector<1xf32>
      %mul3A_2125 = vector.broadcast %squeeze3A_2124 : f32 to vector<16xf32>
      %mul3A_2126 = arith.mulf %unpack3A_1592, %mul3A_2125 : vector<16xf32>
      %add3A_2127 = arith.addf %add3A_2122, %mul3A_2126 : vector<16xf32>
      %slice3A_2128 = vector.extract_strided_slice %get3A_2068 {offsets = [12], sizes = [1], strides = [1]} : vector<16xf32> to vector<1xf32>
      %squeeze3A_2129 = vector.extract %slice3A_2128[0] : f32 from vector<1xf32>
      %mul3A_2130 = vector.broadcast %squeeze3A_2129 : f32 to vector<16xf32>
      %mul3A_2131 = arith.mulf %unpack3A_1593, %mul3A_2130 : vector<16xf32>
      %add3A_2132 = arith.addf %add3A_2127, %mul3A_2131 : vector<16xf32>
      %slice3A_2133 = vector.extract_strided_slice %get3A_2068 {offsets = [13], sizes = [1], strides = [1]} : vector<16xf32> to vector<1xf32>
      %squeeze3A_2134 = vector.extract %slice3A_2133[0] : f32 from vector<1xf32>
      %mul3A_2135 = vector.broadcast %squeeze3A_2134 : f32 to vector<16xf32>
      %mul3A_2136 = arith.mulf %unpack3A_1594, %mul3A_2135 : vector<16xf32>
      %add3A_2137 = arith.addf %add3A_2132, %mul3A_2136 : vector<16xf32>
      %slice3A_2138 = vector.extract_strided_slice %get3A_2068 {offsets = [14], sizes = [1], strides = [1]} : vector<16xf32> to vector<1xf32>
      %squeeze3A_2139 = vector.extract %slice3A_2138[0] : f32 from vector<1xf32>
      %mul3A_2140 = vector.broadcast %squeeze3A_2139 : f32 to vector<16xf32>
      %mul3A_2141 = arith.mulf %unpack3A_1595, %mul3A_2140 : vector<16xf32>
      %add3A_2142 = arith.addf %add3A_2137, %mul3A_2141 : vector<16xf32>
      %slice3A_2143 = vector.extract_strided_slice %get3A_2068 {offsets = [15], sizes = [1], strides = [1]} : vector<16xf32> to vector<1xf32>
      %squeeze3A_2144 = vector.extract %slice3A_2143[0] : f32 from vector<1xf32>
      %mul3A_2145 = vector.broadcast %squeeze3A_2144 : f32 to vector<16xf32>
      %mul3A_2146 = arith.mulf %unpack3A_1596, %mul3A_2145 : vector<16xf32>
      %add3A_2147 = arith.addf %add3A_2142, %mul3A_2146 : vector<16xf32>
      %slice3A_2148 = vector.extract_strided_slice %get3A_1598 {offsets = [5], sizes = [1], strides = [1]} : vector<16xf32> to vector<1xf32>
      %squeeze3A_2149 = vector.extract %slice3A_2148[0] : f32 from vector<1xf32>
      %add3A_2150 = vector.broadcast %squeeze3A_2149 : f32 to vector<16xf32>
      %add3A_2151 = arith.addf %add3A_2147, %add3A_2150 : vector<16xf32>
      %max3A_2152 = arith.constant 0.000000e+00 : f32
      %max3A_2153 = vector.broadcast %max3A_2152 : f32 to vector<16xf32>
      %max3A_2154 = arith.maximumf %add3A_2151, %max3A_2153 : vector<16xf32>
      %slice3A_2155 = vector.extract_strided_slice %get3A_1600 {offsets = [5], sizes = [1], strides = [1]} : vector<16xf32> to vector<1xf32>
      %squeeze3A_2156 = vector.extract %slice3A_2155[0] : f32 from vector<1xf32>
      %mul3A_2157 = vector.broadcast %squeeze3A_2156 : f32 to vector<16xf32>
      %mul3A_2158 = arith.mulf %max3A_2154, %mul3A_2157 : vector<16xf32>
      %add3A_2159 = arith.addf %add3A_2066, %mul3A_2158 : vector<16xf32>
      %get3A_2160 = arith.constant 96 : index
      %get3A_2161 = tpu.vector_load %arg9[%get3A_2160] {strides = array<i32>} : memref<304xf32, #tpu.memory_space<vmem>>, vector<16xf32>,
      %slice3A_2162 = vector.extract_strided_slice %get3A_2161 {offsets = [0], sizes = [1], strides = [1]} : vector<16xf32> to vector<1xf32>
      %squeeze3A_2163 = vector.extract %slice3A_2162[0] : f32 from vector<1xf32>
      %mul3A_2164 = vector.broadcast %squeeze3A_2163 : f32 to vector<16xf32>
      %mul3A_2165 = arith.mulf %unpack3A_1581, %mul3A_2164 : vector<16xf32>
      %slice3A_2166 = vector.extract_strided_slice %get3A_2161 {offsets = [1], sizes = [1], strides = [1]} : vector<16xf32> to vector<1xf32>
      %squeeze3A_2167 = vector.extract %slice3A_2166[0] : f32 from vector<1xf32>
      %mul3A_2168 = vector.broadcast %squeeze3A_2167 : f32 to vector<16xf32>
      %mul3A_2169 = arith.mulf %unpack3A_1582, %mul3A_2168 : vector<16xf32>
      %add3A_2170 = arith.addf %mul3A_2165, %mul3A_2169 : vector<16xf32>
      %slice3A_2171 = vector.extract_strided_slice %get3A_2161 {offsets = [2], sizes = [1], strides = [1]} : vector<16xf32> to vector<1xf32>
      %squeeze3A_2172 = vector.extract %slice3A_2171[0] : f32 from vector<1xf32>
      %mul3A_2173 = vector.broadcast %squeeze3A_2172 : f32 to vector<16xf32>
      %mul3A_2174 = arith.mulf %unpack3A_1583, %mul3A_2173 : vector<16xf32>
      %add3A_2175 = arith.addf %add3A_2170, %mul3A_2174 : vector<16xf32>
      %slice3A_2176 = vector.extract_strided_slice %get3A_2161 {offsets = [3], sizes = [1], strides = [1]} : vector<16xf32> to vector<1xf32>
      %squeeze3A_2177 = vector.extract %slice3A_2176[0] : f32 from vector<1xf32>
      %mul3A_2178 = vector.broadcast %squeeze3A_2177 : f32 to vector<16xf32>
      %mul3A_2179 = arith.mulf %unpack3A_1584, %mul3A_2178 : vector<16xf32>
      %add3A_2180 = arith.addf %add3A_2175, %mul3A_2179 : vector<16xf32>
      %slice3A_2181 = vector.extract_strided_slice %get3A_2161 {offsets = [4], sizes = [1], strides = [1]} : vector<16xf32> to vector<1xf32>
      %squeeze3A_2182 = vector.extract %slice3A_2181[0] : f32 from vector<1xf32>
      %mul3A_2183 = vector.broadcast %squeeze3A_2182 : f32 to vector<16xf32>
      %mul3A_2184 = arith.mulf %unpack3A_1585, %mul3A_2183 : vector<16xf32>
      %add3A_2185 = arith.addf %add3A_2180, %mul3A_2184 : vector<16xf32>
      %slice3A_2186 = vector.extract_strided_slice %get3A_2161 {offsets = [5], sizes = [1], strides = [1]} : vector<16xf32> to vector<1xf32>
      %squeeze3A_2187 = vector.extract %slice3A_2186[0] : f32 from vector<1xf32>
      %mul3A_2188 = vector.broadcast %squeeze3A_2187 : f32 to vector<16xf32>
      %mul3A_2189 = arith.mulf %unpack3A_1586, %mul3A_2188 : vector<16xf32>
      %add3A_2190 = arith.addf %add3A_2185, %mul3A_2189 : vector<16xf32>
      %slice3A_2191 = vector.extract_strided_slice %get3A_2161 {offsets = [6], sizes = [1], strides = [1]} : vector<16xf32> to vector<1xf32>
      %squeeze3A_2192 = vector.extract %slice3A_2191[0] : f32 from vector<1xf32>
      %mul3A_2193 = vector.broadcast %squeeze3A_2192 : f32 to vector<16xf32>
      %mul3A_2194 = arith.mulf %unpack3A_1587, %mul3A_2193 : vector<16xf32>
      %add3A_2195 = arith.addf %add3A_2190, %mul3A_2194 : vector<16xf32>
      %slice3A_2196 = vector.extract_strided_slice %get3A_2161 {offsets = [7], sizes = [1], strides = [1]} : vector<16xf32> to vector<1xf32>
      %squeeze3A_2197 = vector.extract %slice3A_2196[0] : f32 from vector<1xf32>
      %mul3A_2198 = vector.broadcast %squeeze3A_2197 : f32 to vector<16xf32>
      %mul3A_2199 = arith.mulf %unpack3A_1588, %mul3A_2198 : vector<16xf32>
      %add3A_2200 = arith.addf %add3A_2195, %mul3A_2199 : vector<16xf32>
      %slice3A_2201 = vector.extract_strided_slice %get3A_2161 {offsets = [8], sizes = [1], strides = [1]} : vector<16xf32> to vector<1xf32>
      %squeeze3A_2202 = vector.extract %slice3A_2201[0] : f32 from vector<1xf32>
      %mul3A_2203 = vector.broadcast %squeeze3A_2202 : f32 to vector<16xf32>
      %mul3A_2204 = arith.mulf %unpack3A_1589, %mul3A_2203 : vector<16xf32>
      %add3A_2205 = arith.addf %add3A_2200, %mul3A_2204 : vector<16xf32>
      %slice3A_2206 = vector.extract_strided_slice %get3A_2161 {offsets = [9], sizes = [1], strides = [1]} : vector<16xf32> to vector<1xf32>
      %squeeze3A_2207 = vector.extract %slice3A_2206[0] : f32 from vector<1xf32>
      %mul3A_2208 = vector.broadcast %squeeze3A_2207 : f32 to vector<16xf32>
      %mul3A_2209 = arith.mulf %unpack3A_1590, %mul3A_2208 : vector<16xf32>
      %add3A_2210 = arith.addf %add3A_2205, %mul3A_2209 : vector<16xf32>
      %slice3A_2211 = vector.extract_strided_slice %get3A_2161 {offsets = [10], sizes = [1], strides = [1]} : vector<16xf32> to vector<1xf32>
      %squeeze3A_2212 = vector.extract %slice3A_2211[0] : f32 from vector<1xf32>
      %mul3A_2213 = vector.broadcast %squeeze3A_2212 : f32 to vector<16xf32>
      %mul3A_2214 = arith.mulf %unpack3A_1591, %mul3A_2213 : vector<16xf32>
      %add3A_2215 = arith.addf %add3A_2210, %mul3A_2214 : vector<16xf32>
      %slice3A_2216 = vector.extract_strided_slice %get3A_2161 {offsets = [11], sizes = [1], strides = [1]} : vector<16xf32> to vector<1xf32>
      %squeeze3A_2217 = vector.extract %slice3A_2216[0] : f32 from vector<1xf32>
      %mul3A_2218 = vector.broadcast %squeeze3A_2217 : f32 to vector<16xf32>
      %mul3A_2219 = arith.mulf %unpack3A_1592, %mul3A_2218 : vector<16xf32>
      %add3A_2220 = arith.addf %add3A_2215, %mul3A_2219 : vector<16xf32>
      %slice3A_2221 = vector.extract_strided_slice %get3A_2161 {offsets = [12], sizes = [1], strides = [1]} : vector<16xf32> to vector<1xf32>
      %squeeze3A_2222 = vector.extract %slice3A_2221[0] : f32 from vector<1xf32>
      %mul3A_2223 = vector.broadcast %squeeze3A_2222 : f32 to vector<16xf32>
      %mul3A_2224 = arith.mulf %unpack3A_1593, %mul3A_2223 : vector<16xf32>
      %add3A_2225 = arith.addf %add3A_2220, %mul3A_2224 : vector<16xf32>
      %slice3A_2226 = vector.extract_strided_slice %get3A_2161 {offsets = [13], sizes = [1], strides = [1]} : vector<16xf32> to vector<1xf32>
      %squeeze3A_2227 = vector.extract %slice3A_2226[0] : f32 from vector<1xf32>
      %mul3A_2228 = vector.broadcast %squeeze3A_2227 : f32 to vector<16xf32>
      %mul3A_2229 = arith.mulf %unpack3A_1594, %mul3A_2228 : vector<16xf32>
      %add3A_2230 = arith.addf %add3A_2225, %mul3A_2229 : vector<16xf32>
      %slice3A_2231 = vector.extract_strided_slice %get3A_2161 {offsets = [14], sizes = [1], strides = [1]} : vector<16xf32> to vector<1xf32>
      %squeeze3A_2232 = vector.extract %slice3A_2231[0] : f32 from vector<1xf32>
      %mul3A_2233 = vector.broadcast %squeeze3A_2232 : f32 to vector<16xf32>
      %mul3A_2234 = arith.mulf %unpack3A_1595, %mul3A_2233 : vector<16xf32>
      %add3A_2235 = arith.addf %add3A_2230, %mul3A_2234 : vector<16xf32>
      %slice3A_2236 = vector.extract_strided_slice %get3A_2161 {offsets = [15], sizes = [1], strides = [1]} : vector<16xf32> to vector<1xf32>
      %squeeze3A_2237 = vector.extract %slice3A_2236[0] : f32 from vector<1xf32>
      %mul3A_2238 = vector.broadcast %squeeze3A_2237 : f32 to vector<16xf32>
      %mul3A_2239 = arith.mulf %unpack3A_1596, %mul3A_2238 : vector<16xf32>
      %add3A_2240 = arith.addf %add3A_2235, %mul3A_2239 : vector<16xf32>
      %slice3A_2241 = vector.extract_strided_slice %get3A_1598 {offsets = [6], sizes = [1], strides = [1]} : vector<16xf32> to vector<1xf32>
      %squeeze3A_2242 = vector.extract %slice3A_2241[0] : f32 from vector<1xf32>
      %add3A_2243 = vector.broadcast %squeeze3A_2242 : f32 to vector<16xf32>
      %add3A_2244 = arith.addf %add3A_2240, %add3A_2243 : vector<16xf32>
      %max3A_2245 = arith.constant 0.000000e+00 : f32
      %max3A_2246 = vector.broadcast %max3A_2245 : f32 to vector<16xf32>
      %max3A_2247 = arith.maximumf %add3A_2244, %max3A_2246 : vector<16xf32>
      %slice3A_2248 = vector.extract_strided_slice %get3A_1600 {offsets = [6], sizes = [1], strides = [1]} : vector<16xf32> to vector<1xf32>
      %squeeze3A_2249 = vector.extract %slice3A_2248[0] : f32 from vector<1xf32>
      %mul3A_2250 = vector.broadcast %squeeze3A_2249 : f32 to vector<16xf32>
      %mul3A_2251 = arith.mulf %max3A_2247, %mul3A_2250 : vector<16xf32>
      %add3A_2252 = arith.addf %add3A_2159, %mul3A_2251 : vector<16xf32>
      %get3A_2253 = arith.constant 112 : index
      %get3A_2254 = tpu.vector_load %arg9[%get3A_2253] {strides = array<i32>} : memref<304xf32, #tpu.memory_space<vmem>>, vector<16xf32>,
      %slice3A_2255 = vector.extract_strided_slice %get3A_2254 {offsets = [0], sizes = [1], strides = [1]} : vector<16xf32> to vector<1xf32>
      %squeeze3A_2256 = vector.extract %slice3A_2255[0] : f32 from vector<1xf32>
      %mul3A_2257 = vector.broadcast %squeeze3A_2256 : f32 to vector<16xf32>
      %mul3A_2258 = arith.mulf %unpack3A_1581, %mul3A_2257 : vector<16xf32>
      %slice3A_2259 = vector.extract_strided_slice %get3A_2254 {offsets = [1], sizes = [1], strides = [1]} : vector<16xf32> to vector<1xf32>
      %squeeze3A_2260 = vector.extract %slice3A_2259[0] : f32 from vector<1xf32>
      %mul3A_2261 = vector.broadcast %squeeze3A_2260 : f32 to vector<16xf32>
      %mul3A_2262 = arith.mulf %unpack3A_1582, %mul3A_2261 : vector<16xf32>
      %add3A_2263 = arith.addf %mul3A_2258, %mul3A_2262 : vector<16xf32>
      %slice3A_2264 = vector.extract_strided_slice %get3A_2254 {offsets = [2], sizes = [1], strides = [1]} : vector<16xf32> to vector<1xf32>
      %squeeze3A_2265 = vector.extract %slice3A_2264[0] : f32 from vector<1xf32>
      %mul3A_2266 = vector.broadcast %squeeze3A_2265 : f32 to vector<16xf32>
      %mul3A_2267 = arith.mulf %unpack3A_1583, %mul3A_2266 : vector<16xf32>
      %add3A_2268 = arith.addf %add3A_2263, %mul3A_2267 : vector<16xf32>
      %slice3A_2269 = vector.extract_strided_slice %get3A_2254 {offsets = [3], sizes = [1], strides = [1]} : vector<16xf32> to vector<1xf32>
      %squeeze3A_2270 = vector.extract %slice3A_2269[0] : f32 from vector<1xf32>
      %mul3A_2271 = vector.broadcast %squeeze3A_2270 : f32 to vector<16xf32>
      %mul3A_2272 = arith.mulf %unpack3A_1584, %mul3A_2271 : vector<16xf32>
      %add3A_2273 = arith.addf %add3A_2268, %mul3A_2272 : vector<16xf32>
      %slice3A_2274 = vector.extract_strided_slice %get3A_2254 {offsets = [4], sizes = [1], strides = [1]} : vector<16xf32> to vector<1xf32>
      %squeeze3A_2275 = vector.extract %slice3A_2274[0] : f32 from vector<1xf32>
      %mul3A_2276 = vector.broadcast %squeeze3A_2275 : f32 to vector<16xf32>
      %mul3A_2277 = arith.mulf %unpack3A_1585, %mul3A_2276 : vector<16xf32>
      %add3A_2278 = arith.addf %add3A_2273, %mul3A_2277 : vector<16xf32>
      %slice3A_2279 = vector.extract_strided_slice %get3A_2254 {offsets = [5], sizes = [1], strides = [1]} : vector<16xf32> to vector<1xf32>
      %squeeze3A_2280 = vector.extract %slice3A_2279[0] : f32 from vector<1xf32>
      %mul3A_2281 = vector.broadcast %squeeze3A_2280 : f32 to vector<16xf32>
      %mul3A_2282 = arith.mulf %unpack3A_1586, %mul3A_2281 : vector<16xf32>
      %add3A_2283 = arith.addf %add3A_2278, %mul3A_2282 : vector<16xf32>
      %slice3A_2284 = vector.extract_strided_slice %get3A_2254 {offsets = [6], sizes = [1], strides = [1]} : vector<16xf32> to vector<1xf32>
      %squeeze3A_2285 = vector.extract %slice3A_2284[0] : f32 from vector<1xf32>
      %mul3A_2286 = vector.broadcast %squeeze3A_2285 : f32 to vector<16xf32>
      %mul3A_2287 = arith.mulf %unpack3A_1587, %mul3A_2286 : vector<16xf32>
      %add3A_2288 = arith.addf %add3A_2283, %mul3A_2287 : vector<16xf32>
      %slice3A_2289 = vector.extract_strided_slice %get3A_2254 {offsets = [7], sizes = [1], strides = [1]} : vector<16xf32> to vector<1xf32>
      %squeeze3A_2290 = vector.extract %slice3A_2289[0] : f32 from vector<1xf32>
      %mul3A_2291 = vector.broadcast %squeeze3A_2290 : f32 to vector<16xf32>
      %mul3A_2292 = arith.mulf %unpack3A_1588, %mul3A_2291 : vector<16xf32>
      %add3A_2293 = arith.addf %add3A_2288, %mul3A_2292 : vector<16xf32>
      %slice3A_2294 = vector.extract_strided_slice %get3A_2254 {offsets = [8], sizes = [1], strides = [1]} : vector<16xf32> to vector<1xf32>
      %squeeze3A_2295 = vector.extract %slice3A_2294[0] : f32 from vector<1xf32>
      %mul3A_2296 = vector.broadcast %squeeze3A_2295 : f32 to vector<16xf32>
      %mul3A_2297 = arith.mulf %unpack3A_1589, %mul3A_2296 : vector<16xf32>
      %add3A_2298 = arith.addf %add3A_2293, %mul3A_2297 : vector<16xf32>
      %slice3A_2299 = vector.extract_strided_slice %get3A_2254 {offsets = [9], sizes = [1], strides = [1]} : vector<16xf32> to vector<1xf32>
      %squeeze3A_2300 = vector.extract %slice3A_2299[0] : f32 from vector<1xf32>
      %mul3A_2301 = vector.broadcast %squeeze3A_2300 : f32 to vector<16xf32>
      %mul3A_2302 = arith.mulf %unpack3A_1590, %mul3A_2301 : vector<16xf32>
      %add3A_2303 = arith.addf %add3A_2298, %mul3A_2302 : vector<16xf32>
      %slice3A_2304 = vector.extract_strided_slice %get3A_2254 {offsets = [10], sizes = [1], strides = [1]} : vector<16xf32> to vector<1xf32>
      %squeeze3A_2305 = vector.extract %slice3A_2304[0] : f32 from vector<1xf32>
      %mul3A_2306 = vector.broadcast %squeeze3A_2305 : f32 to vector<16xf32>
      %mul3A_2307 = arith.mulf %unpack3A_1591, %mul3A_2306 : vector<16xf32>
      %add3A_2308 = arith.addf %add3A_2303, %mul3A_2307 : vector<16xf32>
      %slice3A_2309 = vector.extract_strided_slice %get3A_2254 {offsets = [11], sizes = [1], strides = [1]} : vector<16xf32> to vector<1xf32>
      %squeeze3A_2310 = vector.extract %slice3A_2309[0] : f32 from vector<1xf32>
      %mul3A_2311 = vector.broadcast %squeeze3A_2310 : f32 to vector<16xf32>
      %mul3A_2312 = arith.mulf %unpack3A_1592, %mul3A_2311 : vector<16xf32>
      %add3A_2313 = arith.addf %add3A_2308, %mul3A_2312 : vector<16xf32>
      %slice3A_2314 = vector.extract_strided_slice %get3A_2254 {offsets = [12], sizes = [1], strides = [1]} : vector<16xf32> to vector<1xf32>
      %squeeze3A_2315 = vector.extract %slice3A_2314[0] : f32 from vector<1xf32>
      %mul3A_2316 = vector.broadcast %squeeze3A_2315 : f32 to vector<16xf32>
      %mul3A_2317 = arith.mulf %unpack3A_1593, %mul3A_2316 : vector<16xf32>
      %add3A_2318 = arith.addf %add3A_2313, %mul3A_2317 : vector<16xf32>
      %slice3A_2319 = vector.extract_strided_slice %get3A_2254 {offsets = [13], sizes = [1], strides = [1]} : vector<16xf32> to vector<1xf32>
      %squeeze3A_2320 = vector.extract %slice3A_2319[0] : f32 from vector<1xf32>
      %mul3A_2321 = vector.broadcast %squeeze3A_2320 : f32 to vector<16xf32>
      %mul3A_2322 = arith.mulf %unpack3A_1594, %mul3A_2321 : vector<16xf32>
      %add3A_2323 = arith.addf %add3A_2318, %mul3A_2322 : vector<16xf32>
      %slice3A_2324 = vector.extract_strided_slice %get3A_2254 {offsets = [14], sizes = [1], strides = [1]} : vector<16xf32> to vector<1xf32>
      %squeeze3A_2325 = vector.extract %slice3A_2324[0] : f32 from vector<1xf32>
      %mul3A_2326 = vector.broadcast %squeeze3A_2325 : f32 to vector<16xf32>
      %mul3A_2327 = arith.mulf %unpack3A_1595, %mul3A_2326 : vector<16xf32>
      %add3A_2328 = arith.addf %add3A_2323, %mul3A_2327 : vector<16xf32>
      %slice3A_2329 = vector.extract_strided_slice %get3A_2254 {offsets = [15], sizes = [1], strides = [1]} : vector<16xf32> to vector<1xf32>
      %squeeze3A_2330 = vector.extract %slice3A_2329[0] : f32 from vector<1xf32>
      %mul3A_2331 = vector.broadcast %squeeze3A_2330 : f32 to vector<16xf32>
      %mul3A_2332 = arith.mulf %unpack3A_1596, %mul3A_2331 : vector<16xf32>
      %add3A_2333 = arith.addf %add3A_2328, %mul3A_2332 : vector<16xf32>
      %slice3A_2334 = vector.extract_strided_slice %get3A_1598 {offsets = [7], sizes = [1], strides = [1]} : vector<16xf32> to vector<1xf32>
      %squeeze3A_2335 = vector.extract %slice3A_2334[0] : f32 from vector<1xf32>
      %add3A_2336 = vector.broadcast %squeeze3A_2335 : f32 to vector<16xf32>
      %add3A_2337 = arith.addf %add3A_2333, %add3A_2336 : vector<16xf32>
      %max3A_2338 = arith.constant 0.000000e+00 : f32
      %max3A_2339 = vector.broadcast %max3A_2338 : f32 to vector<16xf32>
      %max3A_2340 = arith.maximumf %add3A_2337, %max3A_2339 : vector<16xf32>
      %slice3A_2341 = vector.extract_strided_slice %get3A_1600 {offsets = [7], sizes = [1], strides = [1]} : vector<16xf32> to vector<1xf32>
      %squeeze3A_2342 = vector.extract %slice3A_2341[0] : f32 from vector<1xf32>
      %mul3A_2343 = vector.broadcast %squeeze3A_2342 : f32 to vector<16xf32>
      %mul3A_2344 = arith.mulf %max3A_2340, %mul3A_2343 : vector<16xf32>
      %add3A_2345 = arith.addf %add3A_2252, %mul3A_2344 : vector<16xf32>
      %get3A_2346 = arith.constant 128 : index
      %get3A_2347 = tpu.vector_load %arg9[%get3A_2346] {strides = array<i32>} : memref<304xf32, #tpu.memory_space<vmem>>, vector<16xf32>,
      %slice3A_2348 = vector.extract_strided_slice %get3A_2347 {offsets = [0], sizes = [1], strides = [1]} : vector<16xf32> to vector<1xf32>
      %squeeze3A_2349 = vector.extract %slice3A_2348[0] : f32 from vector<1xf32>
      %mul3A_2350 = vector.broadcast %squeeze3A_2349 : f32 to vector<16xf32>
      %mul3A_2351 = arith.mulf %unpack3A_1581, %mul3A_2350 : vector<16xf32>
      %slice3A_2352 = vector.extract_strided_slice %get3A_2347 {offsets = [1], sizes = [1], strides = [1]} : vector<16xf32> to vector<1xf32>
      %squeeze3A_2353 = vector.extract %slice3A_2352[0] : f32 from vector<1xf32>
      %mul3A_2354 = vector.broadcast %squeeze3A_2353 : f32 to vector<16xf32>
      %mul3A_2355 = arith.mulf %unpack3A_1582, %mul3A_2354 : vector<16xf32>
      %add3A_2356 = arith.addf %mul3A_2351, %mul3A_2355 : vector<16xf32>
      %slice3A_2357 = vector.extract_strided_slice %get3A_2347 {offsets = [2], sizes = [1], strides = [1]} : vector<16xf32> to vector<1xf32>
      %squeeze3A_2358 = vector.extract %slice3A_2357[0] : f32 from vector<1xf32>
      %mul3A_2359 = vector.broadcast %squeeze3A_2358 : f32 to vector<16xf32>
      %mul3A_2360 = arith.mulf %unpack3A_1583, %mul3A_2359 : vector<16xf32>
      %add3A_2361 = arith.addf %add3A_2356, %mul3A_2360 : vector<16xf32>
      %slice3A_2362 = vector.extract_strided_slice %get3A_2347 {offsets = [3], sizes = [1], strides = [1]} : vector<16xf32> to vector<1xf32>
      %squeeze3A_2363 = vector.extract %slice3A_2362[0] : f32 from vector<1xf32>
      %mul3A_2364 = vector.broadcast %squeeze3A_2363 : f32 to vector<16xf32>
      %mul3A_2365 = arith.mulf %unpack3A_1584, %mul3A_2364 : vector<16xf32>
      %add3A_2366 = arith.addf %add3A_2361, %mul3A_2365 : vector<16xf32>
      %slice3A_2367 = vector.extract_strided_slice %get3A_2347 {offsets = [4], sizes = [1], strides = [1]} : vector<16xf32> to vector<1xf32>
      %squeeze3A_2368 = vector.extract %slice3A_2367[0] : f32 from vector<1xf32>
      %mul3A_2369 = vector.broadcast %squeeze3A_2368 : f32 to vector<16xf32>
      %mul3A_2370 = arith.mulf %unpack3A_1585, %mul3A_2369 : vector<16xf32>
      %add3A_2371 = arith.addf %add3A_2366, %mul3A_2370 : vector<16xf32>
      %slice3A_2372 = vector.extract_strided_slice %get3A_2347 {offsets = [5], sizes = [1], strides = [1]} : vector<16xf32> to vector<1xf32>
      %squeeze3A_2373 = vector.extract %slice3A_2372[0] : f32 from vector<1xf32>
      %mul3A_2374 = vector.broadcast %squeeze3A_2373 : f32 to vector<16xf32>
      %mul3A_2375 = arith.mulf %unpack3A_1586, %mul3A_2374 : vector<16xf32>
      %add3A_2376 = arith.addf %add3A_2371, %mul3A_2375 : vector<16xf32>
      %slice3A_2377 = vector.extract_strided_slice %get3A_2347 {offsets = [6], sizes = [1], strides = [1]} : vector<16xf32> to vector<1xf32>
      %squeeze3A_2378 = vector.extract %slice3A_2377[0] : f32 from vector<1xf32>
      %mul3A_2379 = vector.broadcast %squeeze3A_2378 : f32 to vector<16xf32>
      %mul3A_2380 = arith.mulf %unpack3A_1587, %mul3A_2379 : vector<16xf32>
      %add3A_2381 = arith.addf %add3A_2376, %mul3A_2380 : vector<16xf32>
      %slice3A_2382 = vector.extract_strided_slice %get3A_2347 {offsets = [7], sizes = [1], strides = [1]} : vector<16xf32> to vector<1xf32>
      %squeeze3A_2383 = vector.extract %slice3A_2382[0] : f32 from vector<1xf32>
      %mul3A_2384 = vector.broadcast %squeeze3A_2383 : f32 to vector<16xf32>
      %mul3A_2385 = arith.mulf %unpack3A_1588, %mul3A_2384 : vector<16xf32>
      %add3A_2386 = arith.addf %add3A_2381, %mul3A_2385 : vector<16xf32>
      %slice3A_2387 = vector.extract_strided_slice %get3A_2347 {offsets = [8], sizes = [1], strides = [1]} : vector<16xf32> to vector<1xf32>
      %squeeze3A_2388 = vector.extract %slice3A_2387[0] : f32 from vector<1xf32>
      %mul3A_2389 = vector.broadcast %squeeze3A_2388 : f32 to vector<16xf32>
      %mul3A_2390 = arith.mulf %unpack3A_1589, %mul3A_2389 : vector<16xf32>
      %add3A_2391 = arith.addf %add3A_2386, %mul3A_2390 : vector<16xf32>
      %slice3A_2392 = vector.extract_strided_slice %get3A_2347 {offsets = [9], sizes = [1], strides = [1]} : vector<16xf32> to vector<1xf32>
      %squeeze3A_2393 = vector.extract %slice3A_2392[0] : f32 from vector<1xf32>
      %mul3A_2394 = vector.broadcast %squeeze3A_2393 : f32 to vector<16xf32>
      %mul3A_2395 = arith.mulf %unpack3A_1590, %mul3A_2394 : vector<16xf32>
      %add3A_2396 = arith.addf %add3A_2391, %mul3A_2395 : vector<16xf32>
      %slice3A_2397 = vector.extract_strided_slice %get3A_2347 {offsets = [10], sizes = [1], strides = [1]} : vector<16xf32> to vector<1xf32>
      %squeeze3A_2398 = vector.extract %slice3A_2397[0] : f32 from vector<1xf32>
      %mul3A_2399 = vector.broadcast %squeeze3A_2398 : f32 to vector<16xf32>
      %mul3A_2400 = arith.mulf %unpack3A_1591, %mul3A_2399 : vector<16xf32>
      %add3A_2401 = arith.addf %add3A_2396, %mul3A_2400 : vector<16xf32>
      %slice3A_2402 = vector.extract_strided_slice %get3A_2347 {offsets = [11], sizes = [1], strides = [1]} : vector<16xf32> to vector<1xf32>
      %squeeze3A_2403 = vector.extract %slice3A_2402[0] : f32 from vector<1xf32>
      %mul3A_2404 = vector.broadcast %squeeze3A_2403 : f32 to vector<16xf32>
      %mul3A_2405 = arith.mulf %unpack3A_1592, %mul3A_2404 : vector<16xf32>
      %add3A_2406 = arith.addf %add3A_2401, %mul3A_2405 : vector<16xf32>
      %slice3A_2407 = vector.extract_strided_slice %get3A_2347 {offsets = [12], sizes = [1], strides = [1]} : vector<16xf32> to vector<1xf32>
      %squeeze3A_2408 = vector.extract %slice3A_2407[0] : f32 from vector<1xf32>
      %mul3A_2409 = vector.broadcast %squeeze3A_2408 : f32 to vector<16xf32>
      %mul3A_2410 = arith.mulf %unpack3A_1593, %mul3A_2409 : vector<16xf32>
      %add3A_2411 = arith.addf %add3A_2406, %mul3A_2410 : vector<16xf32>
      %slice3A_2412 = vector.extract_strided_slice %get3A_2347 {offsets = [13], sizes = [1], strides = [1]} : vector<16xf32> to vector<1xf32>
      %squeeze3A_2413 = vector.extract %slice3A_2412[0] : f32 from vector<1xf32>
      %mul3A_2414 = vector.broadcast %squeeze3A_2413 : f32 to vector<16xf32>
      %mul3A_2415 = arith.mulf %unpack3A_1594, %mul3A_2414 : vector<16xf32>
      %add3A_2416 = arith.addf %add3A_2411, %mul3A_2415 : vector<16xf32>
      %slice3A_2417 = vector.extract_strided_slice %get3A_2347 {offsets = [14], sizes = [1], strides = [1]} : vector<16xf32> to vector<1xf32>
      %squeeze3A_2418 = vector.extract %slice3A_2417[0] : f32 from vector<1xf32>
      %mul3A_2419 = vector.broadcast %squeeze3A_2418 : f32 to vector<16xf32>
      %mul3A_2420 = arith.mulf %unpack3A_1595, %mul3A_2419 : vector<16xf32>
      %add3A_2421 = arith.addf %add3A_2416, %mul3A_2420 : vector<16xf32>
      %slice3A_2422 = vector.extract_strided_slice %get3A_2347 {offsets = [15], sizes = [1], strides = [1]} : vector<16xf32> to vector<1xf32>
      %squeeze3A_2423 = vector.extract %slice3A_2422[0] : f32 from vector<1xf32>
      %mul3A_2424 = vector.broadcast %squeeze3A_2423 : f32 to vector<16xf32>
      %mul3A_2425 = arith.mulf %unpack3A_1596, %mul3A_2424 : vector<16xf32>
      %add3A_2426 = arith.addf %add3A_2421, %mul3A_2425 : vector<16xf32>
      %slice3A_2427 = vector.extract_strided_slice %get3A_1598 {offsets = [8], sizes = [1], strides = [1]} : vector<16xf32> to vector<1xf32>
      %squeeze3A_2428 = vector.extract %slice3A_2427[0] : f32 from vector<1xf32>
      %add3A_2429 = vector.broadcast %squeeze3A_2428 : f32 to vector<16xf32>
      %add3A_2430 = arith.addf %add3A_2426, %add3A_2429 : vector<16xf32>
      %max3A_2431 = arith.constant 0.000000e+00 : f32
      %max3A_2432 = vector.broadcast %max3A_2431 : f32 to vector<16xf32>
      %max3A_2433 = arith.maximumf %add3A_2430, %max3A_2432 : vector<16xf32>
      %slice3A_2434 = vector.extract_strided_slice %get3A_1600 {offsets = [8], sizes = [1], strides = [1]} : vector<16xf32> to vector<1xf32>
      %squeeze3A_2435 = vector.extract %slice3A_2434[0] : f32 from vector<1xf32>
      %mul3A_2436 = vector.broadcast %squeeze3A_2435 : f32 to vector<16xf32>
      %mul3A_2437 = arith.mulf %max3A_2433, %mul3A_2436 : vector<16xf32>
      %add3A_2438 = arith.addf %add3A_2345, %mul3A_2437 : vector<16xf32>
      %get3A_2439 = arith.constant 144 : index
      %get3A_2440 = tpu.vector_load %arg9[%get3A_2439] {strides = array<i32>} : memref<304xf32, #tpu.memory_space<vmem>>, vector<16xf32>,
      %slice3A_2441 = vector.extract_strided_slice %get3A_2440 {offsets = [0], sizes = [1], strides = [1]} : vector<16xf32> to vector<1xf32>
      %squeeze3A_2442 = vector.extract %slice3A_2441[0] : f32 from vector<1xf32>
      %mul3A_2443 = vector.broadcast %squeeze3A_2442 : f32 to vector<16xf32>
      %mul3A_2444 = arith.mulf %unpack3A_1581, %mul3A_2443 : vector<16xf32>
      %slice3A_2445 = vector.extract_strided_slice %get3A_2440 {offsets = [1], sizes = [1], strides = [1]} : vector<16xf32> to vector<1xf32>
      %squeeze3A_2446 = vector.extract %slice3A_2445[0] : f32 from vector<1xf32>
      %mul3A_2447 = vector.broadcast %squeeze3A_2446 : f32 to vector<16xf32>
      %mul3A_2448 = arith.mulf %unpack3A_1582, %mul3A_2447 : vector<16xf32>
      %add3A_2449 = arith.addf %mul3A_2444, %mul3A_2448 : vector<16xf32>
      %slice3A_2450 = vector.extract_strided_slice %get3A_2440 {offsets = [2], sizes = [1], strides = [1]} : vector<16xf32> to vector<1xf32>
      %squeeze3A_2451 = vector.extract %slice3A_2450[0] : f32 from vector<1xf32>
      %mul3A_2452 = vector.broadcast %squeeze3A_2451 : f32 to vector<16xf32>
      %mul3A_2453 = arith.mulf %unpack3A_1583, %mul3A_2452 : vector<16xf32>
      %add3A_2454 = arith.addf %add3A_2449, %mul3A_2453 : vector<16xf32>
      %slice3A_2455 = vector.extract_strided_slice %get3A_2440 {offsets = [3], sizes = [1], strides = [1]} : vector<16xf32> to vector<1xf32>
      %squeeze3A_2456 = vector.extract %slice3A_2455[0] : f32 from vector<1xf32>
      %mul3A_2457 = vector.broadcast %squeeze3A_2456 : f32 to vector<16xf32>
      %mul3A_2458 = arith.mulf %unpack3A_1584, %mul3A_2457 : vector<16xf32>
      %add3A_2459 = arith.addf %add3A_2454, %mul3A_2458 : vector<16xf32>
      %slice3A_2460 = vector.extract_strided_slice %get3A_2440 {offsets = [4], sizes = [1], strides = [1]} : vector<16xf32> to vector<1xf32>
      %squeeze3A_2461 = vector.extract %slice3A_2460[0] : f32 from vector<1xf32>
      %mul3A_2462 = vector.broadcast %squeeze3A_2461 : f32 to vector<16xf32>
      %mul3A_2463 = arith.mulf %unpack3A_1585, %mul3A_2462 : vector<16xf32>
      %add3A_2464 = arith.addf %add3A_2459, %mul3A_2463 : vector<16xf32>
      %slice3A_2465 = vector.extract_strided_slice %get3A_2440 {offsets = [5], sizes = [1], strides = [1]} : vector<16xf32> to vector<1xf32>
      %squeeze3A_2466 = vector.extract %slice3A_2465[0] : f32 from vector<1xf32>
      %mul3A_2467 = vector.broadcast %squeeze3A_2466 : f32 to vector<16xf32>
      %mul3A_2468 = arith.mulf %unpack3A_1586, %mul3A_2467 : vector<16xf32>
      %add3A_2469 = arith.addf %add3A_2464, %mul3A_2468 : vector<16xf32>
      %slice3A_2470 = vector.extract_strided_slice %get3A_2440 {offsets = [6], sizes = [1], strides = [1]} : vector<16xf32> to vector<1xf32>
      %squeeze3A_2471 = vector.extract %slice3A_2470[0] : f32 from vector<1xf32>
      %mul3A_2472 = vector.broadcast %squeeze3A_2471 : f32 to vector<16xf32>
      %mul3A_2473 = arith.mulf %unpack3A_1587, %mul3A_2472 : vector<16xf32>
      %add3A_2474 = arith.addf %add3A_2469, %mul3A_2473 : vector<16xf32>
      %slice3A_2475 = vector.extract_strided_slice %get3A_2440 {offsets = [7], sizes = [1], strides = [1]} : vector<16xf32> to vector<1xf32>
      %squeeze3A_2476 = vector.extract %slice3A_2475[0] : f32 from vector<1xf32>
      %mul3A_2477 = vector.broadcast %squeeze3A_2476 : f32 to vector<16xf32>
      %mul3A_2478 = arith.mulf %unpack3A_1588, %mul3A_2477 : vector<16xf32>
      %add3A_2479 = arith.addf %add3A_2474, %mul3A_2478 : vector<16xf32>
      %slice3A_2480 = vector.extract_strided_slice %get3A_2440 {offsets = [8], sizes = [1], strides = [1]} : vector<16xf32> to vector<1xf32>
      %squeeze3A_2481 = vector.extract %slice3A_2480[0] : f32 from vector<1xf32>
      %mul3A_2482 = vector.broadcast %squeeze3A_2481 : f32 to vector<16xf32>
      %mul3A_2483 = arith.mulf %unpack3A_1589, %mul3A_2482 : vector<16xf32>
      %add3A_2484 = arith.addf %add3A_2479, %mul3A_2483 : vector<16xf32>
      %slice3A_2485 = vector.extract_strided_slice %get3A_2440 {offsets = [9], sizes = [1], strides = [1]} : vector<16xf32> to vector<1xf32>
      %squeeze3A_2486 = vector.extract %slice3A_2485[0] : f32 from vector<1xf32>
      %mul3A_2487 = vector.broadcast %squeeze3A_2486 : f32 to vector<16xf32>
      %mul3A_2488 = arith.mulf %unpack3A_1590, %mul3A_2487 : vector<16xf32>
      %add3A_2489 = arith.addf %add3A_2484, %mul3A_2488 : vector<16xf32>
      %slice3A_2490 = vector.extract_strided_slice %get3A_2440 {offsets = [10], sizes = [1], strides = [1]} : vector<16xf32> to vector<1xf32>
      %squeeze3A_2491 = vector.extract %slice3A_2490[0] : f32 from vector<1xf32>
      %mul3A_2492 = vector.broadcast %squeeze3A_2491 : f32 to vector<16xf32>
      %mul3A_2493 = arith.mulf %unpack3A_1591, %mul3A_2492 : vector<16xf32>
      %add3A_2494 = arith.addf %add3A_2489, %mul3A_2493 : vector<16xf32>
      %slice3A_2495 = vector.extract_strided_slice %get3A_2440 {offsets = [11], sizes = [1], strides = [1]} : vector<16xf32> to vector<1xf32>
      %squeeze3A_2496 = vector.extract %slice3A_2495[0] : f32 from vector<1xf32>
      %mul3A_2497 = vector.broadcast %squeeze3A_2496 : f32 to vector<16xf32>
      %mul3A_2498 = arith.mulf %unpack3A_1592, %mul3A_2497 : vector<16xf32>
      %add3A_2499 = arith.addf %add3A_2494, %mul3A_2498 : vector<16xf32>
      %slice3A_2500 = vector.extract_strided_slice %get3A_2440 {offsets = [12], sizes = [1], strides = [1]} : vector<16xf32> to vector<1xf32>
      %squeeze3A_2501 = vector.extract %slice3A_2500[0] : f32 from vector<1xf32>
      %mul3A_2502 = vector.broadcast %squeeze3A_2501 : f32 to vector<16xf32>
      %mul3A_2503 = arith.mulf %unpack3A_1593, %mul3A_2502 : vector<16xf32>
      %add3A_2504 = arith.addf %add3A_2499, %mul3A_2503 : vector<16xf32>
      %slice3A_2505 = vector.extract_strided_slice %get3A_2440 {offsets = [13], sizes = [1], strides = [1]} : vector<16xf32> to vector<1xf32>
      %squeeze3A_2506 = vector.extract %slice3A_2505[0] : f32 from vector<1xf32>
      %mul3A_2507 = vector.broadcast %squeeze3A_2506 : f32 to vector<16xf32>
      %mul3A_2508 = arith.mulf %unpack3A_1594, %mul3A_2507 : vector<16xf32>
      %add3A_2509 = arith.addf %add3A_2504, %mul3A_2508 : vector<16xf32>
      %slice3A_2510 = vector.extract_strided_slice %get3A_2440 {offsets = [14], sizes = [1], strides = [1]} : vector<16xf32> to vector<1xf32>
      %squeeze3A_2511 = vector.extract %slice3A_2510[0] : f32 from vector<1xf32>
      %mul3A_2512 = vector.broadcast %squeeze3A_2511 : f32 to vector<16xf32>
      %mul3A_2513 = arith.mulf %unpack3A_1595, %mul3A_2512 : vector<16xf32>
      %add3A_2514 = arith.addf %add3A_2509, %mul3A_2513 : vector<16xf32>
      %slice3A_2515 = vector.extract_strided_slice %get3A_2440 {offsets = [15], sizes = [1], strides = [1]} : vector<16xf32> to vector<1xf32>
      %squeeze3A_2516 = vector.extract %slice3A_2515[0] : f32 from vector<1xf32>
      %mul3A_2517 = vector.broadcast %squeeze3A_2516 : f32 to vector<16xf32>
      %mul3A_2518 = arith.mulf %unpack3A_1596, %mul3A_2517 : vector<16xf32>
      %add3A_2519 = arith.addf %add3A_2514, %mul3A_2518 : vector<16xf32>
      %slice3A_2520 = vector.extract_strided_slice %get3A_1598 {offsets = [9], sizes = [1], strides = [1]} : vector<16xf32> to vector<1xf32>
      %squeeze3A_2521 = vector.extract %slice3A_2520[0] : f32 from vector<1xf32>
      %add3A_2522 = vector.broadcast %squeeze3A_2521 : f32 to vector<16xf32>
      %add3A_2523 = arith.addf %add3A_2519, %add3A_2522 : vector<16xf32>
      %max3A_2524 = arith.constant 0.000000e+00 : f32
      %max3A_2525 = vector.broadcast %max3A_2524 : f32 to vector<16xf32>
      %max3A_2526 = arith.maximumf %add3A_2523, %max3A_2525 : vector<16xf32>
      %slice3A_2527 = vector.extract_strided_slice %get3A_1600 {offsets = [9], sizes = [1], strides = [1]} : vector<16xf32> to vector<1xf32>
      %squeeze3A_2528 = vector.extract %slice3A_2527[0] : f32 from vector<1xf32>
      %mul3A_2529 = vector.broadcast %squeeze3A_2528 : f32 to vector<16xf32>
      %mul3A_2530 = arith.mulf %max3A_2526, %mul3A_2529 : vector<16xf32>
      %add3A_2531 = arith.addf %add3A_2438, %mul3A_2530 : vector<16xf32>
      %get3A_2532 = arith.constant 160 : index
      %get3A_2533 = tpu.vector_load %arg9[%get3A_2532] {strides = array<i32>} : memref<304xf32, #tpu.memory_space<vmem>>, vector<16xf32>,
      %slice3A_2534 = vector.extract_strided_slice %get3A_2533 {offsets = [0], sizes = [1], strides = [1]} : vector<16xf32> to vector<1xf32>
      %squeeze3A_2535 = vector.extract %slice3A_2534[0] : f32 from vector<1xf32>
      %mul3A_2536 = vector.broadcast %squeeze3A_2535 : f32 to vector<16xf32>
      %mul3A_2537 = arith.mulf %unpack3A_1581, %mul3A_2536 : vector<16xf32>
      %slice3A_2538 = vector.extract_strided_slice %get3A_2533 {offsets = [1], sizes = [1], strides = [1]} : vector<16xf32> to vector<1xf32>
      %squeeze3A_2539 = vector.extract %slice3A_2538[0] : f32 from vector<1xf32>
      %mul3A_2540 = vector.broadcast %squeeze3A_2539 : f32 to vector<16xf32>
      %mul3A_2541 = arith.mulf %unpack3A_1582, %mul3A_2540 : vector<16xf32>
      %add3A_2542 = arith.addf %mul3A_2537, %mul3A_2541 : vector<16xf32>
      %slice3A_2543 = vector.extract_strided_slice %get3A_2533 {offsets = [2], sizes = [1], strides = [1]} : vector<16xf32> to vector<1xf32>
      %squeeze3A_2544 = vector.extract %slice3A_2543[0] : f32 from vector<1xf32>
      %mul3A_2545 = vector.broadcast %squeeze3A_2544 : f32 to vector<16xf32>
      %mul3A_2546 = arith.mulf %unpack3A_1583, %mul3A_2545 : vector<16xf32>
      %add3A_2547 = arith.addf %add3A_2542, %mul3A_2546 : vector<16xf32>
      %slice3A_2548 = vector.extract_strided_slice %get3A_2533 {offsets = [3], sizes = [1], strides = [1]} : vector<16xf32> to vector<1xf32>
      %squeeze3A_2549 = vector.extract %slice3A_2548[0] : f32 from vector<1xf32>
      %mul3A_2550 = vector.broadcast %squeeze3A_2549 : f32 to vector<16xf32>
      %mul3A_2551 = arith.mulf %unpack3A_1584, %mul3A_2550 : vector<16xf32>
      %add3A_2552 = arith.addf %add3A_2547, %mul3A_2551 : vector<16xf32>
      %slice3A_2553 = vector.extract_strided_slice %get3A_2533 {offsets = [4], sizes = [1], strides = [1]} : vector<16xf32> to vector<1xf32>
      %squeeze3A_2554 = vector.extract %slice3A_2553[0] : f32 from vector<1xf32>
      %mul3A_2555 = vector.broadcast %squeeze3A_2554 : f32 to vector<16xf32>
      %mul3A_2556 = arith.mulf %unpack3A_1585, %mul3A_2555 : vector<16xf32>
      %add3A_2557 = arith.addf %add3A_2552, %mul3A_2556 : vector<16xf32>
      %slice3A_2558 = vector.extract_strided_slice %get3A_2533 {offsets = [5], sizes = [1], strides = [1]} : vector<16xf32> to vector<1xf32>
      %squeeze3A_2559 = vector.extract %slice3A_2558[0] : f32 from vector<1xf32>
      %mul3A_2560 = vector.broadcast %squeeze3A_2559 : f32 to vector<16xf32>
      %mul3A_2561 = arith.mulf %unpack3A_1586, %mul3A_2560 : vector<16xf32>
      %add3A_2562 = arith.addf %add3A_2557, %mul3A_2561 : vector<16xf32>
      %slice3A_2563 = vector.extract_strided_slice %get3A_2533 {offsets = [6], sizes = [1], strides = [1]} : vector<16xf32> to vector<1xf32>
      %squeeze3A_2564 = vector.extract %slice3A_2563[0] : f32 from vector<1xf32>
      %mul3A_2565 = vector.broadcast %squeeze3A_2564 : f32 to vector<16xf32>
      %mul3A_2566 = arith.mulf %unpack3A_1587, %mul3A_2565 : vector<16xf32>
      %add3A_2567 = arith.addf %add3A_2562, %mul3A_2566 : vector<16xf32>
      %slice3A_2568 = vector.extract_strided_slice %get3A_2533 {offsets = [7], sizes = [1], strides = [1]} : vector<16xf32> to vector<1xf32>
      %squeeze3A_2569 = vector.extract %slice3A_2568[0] : f32 from vector<1xf32>
      %mul3A_2570 = vector.broadcast %squeeze3A_2569 : f32 to vector<16xf32>
      %mul3A_2571 = arith.mulf %unpack3A_1588, %mul3A_2570 : vector<16xf32>
      %add3A_2572 = arith.addf %add3A_2567, %mul3A_2571 : vector<16xf32>
      %slice3A_2573 = vector.extract_strided_slice %get3A_2533 {offsets = [8], sizes = [1], strides = [1]} : vector<16xf32> to vector<1xf32>
      %squeeze3A_2574 = vector.extract %slice3A_2573[0] : f32 from vector<1xf32>
      %mul3A_2575 = vector.broadcast %squeeze3A_2574 : f32 to vector<16xf32>
      %mul3A_2576 = arith.mulf %unpack3A_1589, %mul3A_2575 : vector<16xf32>
      %add3A_2577 = arith.addf %add3A_2572, %mul3A_2576 : vector<16xf32>
      %slice3A_2578 = vector.extract_strided_slice %get3A_2533 {offsets = [9], sizes = [1], strides = [1]} : vector<16xf32> to vector<1xf32>
      %squeeze3A_2579 = vector.extract %slice3A_2578[0] : f32 from vector<1xf32>
      %mul3A_2580 = vector.broadcast %squeeze3A_2579 : f32 to vector<16xf32>
      %mul3A_2581 = arith.mulf %unpack3A_1590, %mul3A_2580 : vector<16xf32>
      %add3A_2582 = arith.addf %add3A_2577, %mul3A_2581 : vector<16xf32>
      %slice3A_2583 = vector.extract_strided_slice %get3A_2533 {offsets = [10], sizes = [1], strides = [1]} : vector<16xf32> to vector<1xf32>
      %squeeze3A_2584 = vector.extract %slice3A_2583[0] : f32 from vector<1xf32>
      %mul3A_2585 = vector.broadcast %squeeze3A_2584 : f32 to vector<16xf32>
      %mul3A_2586 = arith.mulf %unpack3A_1591, %mul3A_2585 : vector<16xf32>
      %add3A_2587 = arith.addf %add3A_2582, %mul3A_2586 : vector<16xf32>
      %slice3A_2588 = vector.extract_strided_slice %get3A_2533 {offsets = [11], sizes = [1], strides = [1]} : vector<16xf32> to vector<1xf32>
      %squeeze3A_2589 = vector.extract %slice3A_2588[0] : f32 from vector<1xf32>
      %mul3A_2590 = vector.broadcast %squeeze3A_2589 : f32 to vector<16xf32>
      %mul3A_2591 = arith.mulf %unpack3A_1592, %mul3A_2590 : vector<16xf32>
      %add3A_2592 = arith.addf %add3A_2587, %mul3A_2591 : vector<16xf32>
      %slice3A_2593 = vector.extract_strided_slice %get3A_2533 {offsets = [12], sizes = [1], strides = [1]} : vector<16xf32> to vector<1xf32>
      %squeeze3A_2594 = vector.extract %slice3A_2593[0] : f32 from vector<1xf32>
      %mul3A_2595 = vector.broadcast %squeeze3A_2594 : f32 to vector<16xf32>
      %mul3A_2596 = arith.mulf %unpack3A_1593, %mul3A_2595 : vector<16xf32>
      %add3A_2597 = arith.addf %add3A_2592, %mul3A_2596 : vector<16xf32>
      %slice3A_2598 = vector.extract_strided_slice %get3A_2533 {offsets = [13], sizes = [1], strides = [1]} : vector<16xf32> to vector<1xf32>
      %squeeze3A_2599 = vector.extract %slice3A_2598[0] : f32 from vector<1xf32>
      %mul3A_2600 = vector.broadcast %squeeze3A_2599 : f32 to vector<16xf32>
      %mul3A_2601 = arith.mulf %unpack3A_1594, %mul3A_2600 : vector<16xf32>
      %add3A_2602 = arith.addf %add3A_2597, %mul3A_2601 : vector<16xf32>
      %slice3A_2603 = vector.extract_strided_slice %get3A_2533 {offsets = [14], sizes = [1], strides = [1]} : vector<16xf32> to vector<1xf32>
      %squeeze3A_2604 = vector.extract %slice3A_2603[0] : f32 from vector<1xf32>
      %mul3A_2605 = vector.broadcast %squeeze3A_2604 : f32 to vector<16xf32>
      %mul3A_2606 = arith.mulf %unpack3A_1595, %mul3A_2605 : vector<16xf32>
      %add3A_2607 = arith.addf %add3A_2602, %mul3A_2606 : vector<16xf32>
      %slice3A_2608 = vector.extract_strided_slice %get3A_2533 {offsets = [15], sizes = [1], strides = [1]} : vector<16xf32> to vector<1xf32>
      %squeeze3A_2609 = vector.extract %slice3A_2608[0] : f32 from vector<1xf32>
      %mul3A_2610 = vector.broadcast %squeeze3A_2609 : f32 to vector<16xf32>
      %mul3A_2611 = arith.mulf %unpack3A_1596, %mul3A_2610 : vector<16xf32>
      %add3A_2612 = arith.addf %add3A_2607, %mul3A_2611 : vector<16xf32>
      %slice3A_2613 = vector.extract_strided_slice %get3A_1598 {offsets = [10], sizes = [1], strides = [1]} : vector<16xf32> to vector<1xf32>
      %squeeze3A_2614 = vector.extract %slice3A_2613[0] : f32 from vector<1xf32>
      %add3A_2615 = vector.broadcast %squeeze3A_2614 : f32 to vector<16xf32>
      %add3A_2616 = arith.addf %add3A_2612, %add3A_2615 : vector<16xf32>
      %max3A_2617 = arith.constant 0.000000e+00 : f32
      %max3A_2618 = vector.broadcast %max3A_2617 : f32 to vector<16xf32>
      %max3A_2619 = arith.maximumf %add3A_2616, %max3A_2618 : vector<16xf32>
      %slice3A_2620 = vector.extract_strided_slice %get3A_1600 {offsets = [10], sizes = [1], strides = [1]} : vector<16xf32> to vector<1xf32>
      %squeeze3A_2621 = vector.extract %slice3A_2620[0] : f32 from vector<1xf32>
      %mul3A_2622 = vector.broadcast %squeeze3A_2621 : f32 to vector<16xf32>
      %mul3A_2623 = arith.mulf %max3A_2619, %mul3A_2622 : vector<16xf32>
      %add3A_2624 = arith.addf %add3A_2531, %mul3A_2623 : vector<16xf32>
      %get3A_2625 = arith.constant 176 : index
      %get3A_2626 = tpu.vector_load %arg9[%get3A_2625] {strides = array<i32>} : memref<304xf32, #tpu.memory_space<vmem>>, vector<16xf32>,
      %slice3A_2627 = vector.extract_strided_slice %get3A_2626 {offsets = [0], sizes = [1], strides = [1]} : vector<16xf32> to vector<1xf32>
      %squeeze3A_2628 = vector.extract %slice3A_2627[0] : f32 from vector<1xf32>
      %mul3A_2629 = vector.broadcast %squeeze3A_2628 : f32 to vector<16xf32>
      %mul3A_2630 = arith.mulf %unpack3A_1581, %mul3A_2629 : vector<16xf32>
      %slice3A_2631 = vector.extract_strided_slice %get3A_2626 {offsets = [1], sizes = [1], strides = [1]} : vector<16xf32> to vector<1xf32>
      %squeeze3A_2632 = vector.extract %slice3A_2631[0] : f32 from vector<1xf32>
      %mul3A_2633 = vector.broadcast %squeeze3A_2632 : f32 to vector<16xf32>
      %mul3A_2634 = arith.mulf %unpack3A_1582, %mul3A_2633 : vector<16xf32>
      %add3A_2635 = arith.addf %mul3A_2630, %mul3A_2634 : vector<16xf32>
      %slice3A_2636 = vector.extract_strided_slice %get3A_2626 {offsets = [2], sizes = [1], strides = [1]} : vector<16xf32> to vector<1xf32>
      %squeeze3A_2637 = vector.extract %slice3A_2636[0] : f32 from vector<1xf32>
      %mul3A_2638 = vector.broadcast %squeeze3A_2637 : f32 to vector<16xf32>
      %mul3A_2639 = arith.mulf %unpack3A_1583, %mul3A_2638 : vector<16xf32>
      %add3A_2640 = arith.addf %add3A_2635, %mul3A_2639 : vector<16xf32>
      %slice3A_2641 = vector.extract_strided_slice %get3A_2626 {offsets = [3], sizes = [1], strides = [1]} : vector<16xf32> to vector<1xf32>
      %squeeze3A_2642 = vector.extract %slice3A_2641[0] : f32 from vector<1xf32>
      %mul3A_2643 = vector.broadcast %squeeze3A_2642 : f32 to vector<16xf32>
      %mul3A_2644 = arith.mulf %unpack3A_1584, %mul3A_2643 : vector<16xf32>
      %add3A_2645 = arith.addf %add3A_2640, %mul3A_2644 : vector<16xf32>
      %slice3A_2646 = vector.extract_strided_slice %get3A_2626 {offsets = [4], sizes = [1], strides = [1]} : vector<16xf32> to vector<1xf32>
      %squeeze3A_2647 = vector.extract %slice3A_2646[0] : f32 from vector<1xf32>
      %mul3A_2648 = vector.broadcast %squeeze3A_2647 : f32 to vector<16xf32>
      %mul3A_2649 = arith.mulf %unpack3A_1585, %mul3A_2648 : vector<16xf32>
      %add3A_2650 = arith.addf %add3A_2645, %mul3A_2649 : vector<16xf32>
      %slice3A_2651 = vector.extract_strided_slice %get3A_2626 {offsets = [5], sizes = [1], strides = [1]} : vector<16xf32> to vector<1xf32>
      %squeeze3A_2652 = vector.extract %slice3A_2651[0] : f32 from vector<1xf32>
      %mul3A_2653 = vector.broadcast %squeeze3A_2652 : f32 to vector<16xf32>
      %mul3A_2654 = arith.mulf %unpack3A_1586, %mul3A_2653 : vector<16xf32>
      %add3A_2655 = arith.addf %add3A_2650, %mul3A_2654 : vector<16xf32>
      %slice3A_2656 = vector.extract_strided_slice %get3A_2626 {offsets = [6], sizes = [1], strides = [1]} : vector<16xf32> to vector<1xf32>
      %squeeze3A_2657 = vector.extract %slice3A_2656[0] : f32 from vector<1xf32>
      %mul3A_2658 = vector.broadcast %squeeze3A_2657 : f32 to vector<16xf32>
      %mul3A_2659 = arith.mulf %unpack3A_1587, %mul3A_2658 : vector<16xf32>
      %add3A_2660 = arith.addf %add3A_2655, %mul3A_2659 : vector<16xf32>
      %slice3A_2661 = vector.extract_strided_slice %get3A_2626 {offsets = [7], sizes = [1], strides = [1]} : vector<16xf32> to vector<1xf32>
      %squeeze3A_2662 = vector.extract %slice3A_2661[0] : f32 from vector<1xf32>
      %mul3A_2663 = vector.broadcast %squeeze3A_2662 : f32 to vector<16xf32>
      %mul3A_2664 = arith.mulf %unpack3A_1588, %mul3A_2663 : vector<16xf32>
      %add3A_2665 = arith.addf %add3A_2660, %mul3A_2664 : vector<16xf32>
      %slice3A_2666 = vector.extract_strided_slice %get3A_2626 {offsets = [8], sizes = [1], strides = [1]} : vector<16xf32> to vector<1xf32>
      %squeeze3A_2667 = vector.extract %slice3A_2666[0] : f32 from vector<1xf32>
      %mul3A_2668 = vector.broadcast %squeeze3A_2667 : f32 to vector<16xf32>
      %mul3A_2669 = arith.mulf %unpack3A_1589, %mul3A_2668 : vector<16xf32>
      %add3A_2670 = arith.addf %add3A_2665, %mul3A_2669 : vector<16xf32>
      %slice3A_2671 = vector.extract_strided_slice %get3A_2626 {offsets = [9], sizes = [1], strides = [1]} : vector<16xf32> to vector<1xf32>
      %squeeze3A_2672 = vector.extract %slice3A_2671[0] : f32 from vector<1xf32>
      %mul3A_2673 = vector.broadcast %squeeze3A_2672 : f32 to vector<16xf32>
      %mul3A_2674 = arith.mulf %unpack3A_1590, %mul3A_2673 : vector<16xf32>
      %add3A_2675 = arith.addf %add3A_2670, %mul3A_2674 : vector<16xf32>
      %slice3A_2676 = vector.extract_strided_slice %get3A_2626 {offsets = [10], sizes = [1], strides = [1]} : vector<16xf32> to vector<1xf32>
      %squeeze3A_2677 = vector.extract %slice3A_2676[0] : f32 from vector<1xf32>
      %mul3A_2678 = vector.broadcast %squeeze3A_2677 : f32 to vector<16xf32>
      %mul3A_2679 = arith.mulf %unpack3A_1591, %mul3A_2678 : vector<16xf32>
      %add3A_2680 = arith.addf %add3A_2675, %mul3A_2679 : vector<16xf32>
      %slice3A_2681 = vector.extract_strided_slice %get3A_2626 {offsets = [11], sizes = [1], strides = [1]} : vector<16xf32> to vector<1xf32>
      %squeeze3A_2682 = vector.extract %slice3A_2681[0] : f32 from vector<1xf32>
      %mul3A_2683 = vector.broadcast %squeeze3A_2682 : f32 to vector<16xf32>
      %mul3A_2684 = arith.mulf %unpack3A_1592, %mul3A_2683 : vector<16xf32>
      %add3A_2685 = arith.addf %add3A_2680, %mul3A_2684 : vector<16xf32>
      %slice3A_2686 = vector.extract_strided_slice %get3A_2626 {offsets = [12], sizes = [1], strides = [1]} : vector<16xf32> to vector<1xf32>
      %squeeze3A_2687 = vector.extract %slice3A_2686[0] : f32 from vector<1xf32>
      %mul3A_2688 = vector.broadcast %squeeze3A_2687 : f32 to vector<16xf32>
      %mul3A_2689 = arith.mulf %unpack3A_1593, %mul3A_2688 : vector<16xf32>
      %add3A_2690 = arith.addf %add3A_2685, %mul3A_2689 : vector<16xf32>
      %slice3A_2691 = vector.extract_strided_slice %get3A_2626 {offsets = [13], sizes = [1], strides = [1]} : vector<16xf32> to vector<1xf32>
      %squeeze3A_2692 = vector.extract %slice3A_2691[0] : f32 from vector<1xf32>
      %mul3A_2693 = vector.broadcast %squeeze3A_2692 : f32 to vector<16xf32>
      %mul3A_2694 = arith.mulf %unpack3A_1594, %mul3A_2693 : vector<16xf32>
      %add3A_2695 = arith.addf %add3A_2690, %mul3A_2694 : vector<16xf32>
      %slice3A_2696 = vector.extract_strided_slice %get3A_2626 {offsets = [14], sizes = [1], strides = [1]} : vector<16xf32> to vector<1xf32>
      %squeeze3A_2697 = vector.extract %slice3A_2696[0] : f32 from vector<1xf32>
      %mul3A_2698 = vector.broadcast %squeeze3A_2697 : f32 to vector<16xf32>
      %mul3A_2699 = arith.mulf %unpack3A_1595, %mul3A_2698 : vector<16xf32>
      %add3A_2700 = arith.addf %add3A_2695, %mul3A_2699 : vector<16xf32>
      %slice3A_2701 = vector.extract_strided_slice %get3A_2626 {offsets = [15], sizes = [1], strides = [1]} : vector<16xf32> to vector<1xf32>
      %squeeze3A_2702 = vector.extract %slice3A_2701[0] : f32 from vector<1xf32>
      %mul3A_2703 = vector.broadcast %squeeze3A_2702 : f32 to vector<16xf32>
      %mul3A_2704 = arith.mulf %unpack3A_1596, %mul3A_2703 : vector<16xf32>
      %add3A_2705 = arith.addf %add3A_2700, %mul3A_2704 : vector<16xf32>
      %slice3A_2706 = vector.extract_strided_slice %get3A_1598 {offsets = [11], sizes = [1], strides = [1]} : vector<16xf32> to vector<1xf32>
      %squeeze3A_2707 = vector.extract %slice3A_2706[0] : f32 from vector<1xf32>
      %add3A_2708 = vector.broadcast %squeeze3A_2707 : f32 to vector<16xf32>
      %add3A_2709 = arith.addf %add3A_2705, %add3A_2708 : vector<16xf32>
      %max3A_2710 = arith.constant 0.000000e+00 : f32
      %max3A_2711 = vector.broadcast %max3A_2710 : f32 to vector<16xf32>
      %max3A_2712 = arith.maximumf %add3A_2709, %max3A_2711 : vector<16xf32>
      %slice3A_2713 = vector.extract_strided_slice %get3A_1600 {offsets = [11], sizes = [1], strides = [1]} : vector<16xf32> to vector<1xf32>
      %squeeze3A_2714 = vector.extract %slice3A_2713[0] : f32 from vector<1xf32>
      %mul3A_2715 = vector.broadcast %squeeze3A_2714 : f32 to vector<16xf32>
      %mul3A_2716 = arith.mulf %max3A_2712, %mul3A_2715 : vector<16xf32>
      %add3A_2717 = arith.addf %add3A_2624, %mul3A_2716 : vector<16xf32>
      %get3A_2718 = arith.constant 192 : index
      %get3A_2719 = tpu.vector_load %arg9[%get3A_2718] {strides = array<i32>} : memref<304xf32, #tpu.memory_space<vmem>>, vector<16xf32>,
      %slice3A_2720 = vector.extract_strided_slice %get3A_2719 {offsets = [0], sizes = [1], strides = [1]} : vector<16xf32> to vector<1xf32>
      %squeeze3A_2721 = vector.extract %slice3A_2720[0] : f32 from vector<1xf32>
      %mul3A_2722 = vector.broadcast %squeeze3A_2721 : f32 to vector<16xf32>
      %mul3A_2723 = arith.mulf %unpack3A_1581, %mul3A_2722 : vector<16xf32>
      %slice3A_2724 = vector.extract_strided_slice %get3A_2719 {offsets = [1], sizes = [1], strides = [1]} : vector<16xf32> to vector<1xf32>
      %squeeze3A_2725 = vector.extract %slice3A_2724[0] : f32 from vector<1xf32>
      %mul3A_2726 = vector.broadcast %squeeze3A_2725 : f32 to vector<16xf32>
      %mul3A_2727 = arith.mulf %unpack3A_1582, %mul3A_2726 : vector<16xf32>
      %add3A_2728 = arith.addf %mul3A_2723, %mul3A_2727 : vector<16xf32>
      %slice3A_2729 = vector.extract_strided_slice %get3A_2719 {offsets = [2], sizes = [1], strides = [1]} : vector<16xf32> to vector<1xf32>
      %squeeze3A_2730 = vector.extract %slice3A_2729[0] : f32 from vector<1xf32>
      %mul3A_2731 = vector.broadcast %squeeze3A_2730 : f32 to vector<16xf32>
      %mul3A_2732 = arith.mulf %unpack3A_1583, %mul3A_2731 : vector<16xf32>
      %add3A_2733 = arith.addf %add3A_2728, %mul3A_2732 : vector<16xf32>
      %slice3A_2734 = vector.extract_strided_slice %get3A_2719 {offsets = [3], sizes = [1], strides = [1]} : vector<16xf32> to vector<1xf32>
      %squeeze3A_2735 = vector.extract %slice3A_2734[0] : f32 from vector<1xf32>
      %mul3A_2736 = vector.broadcast %squeeze3A_2735 : f32 to vector<16xf32>
      %mul3A_2737 = arith.mulf %unpack3A_1584, %mul3A_2736 : vector<16xf32>
      %add3A_2738 = arith.addf %add3A_2733, %mul3A_2737 : vector<16xf32>
      %slice3A_2739 = vector.extract_strided_slice %get3A_2719 {offsets = [4], sizes = [1], strides = [1]} : vector<16xf32> to vector<1xf32>
      %squeeze3A_2740 = vector.extract %slice3A_2739[0] : f32 from vector<1xf32>
      %mul3A_2741 = vector.broadcast %squeeze3A_2740 : f32 to vector<16xf32>
      %mul3A_2742 = arith.mulf %unpack3A_1585, %mul3A_2741 : vector<16xf32>
      %add3A_2743 = arith.addf %add3A_2738, %mul3A_2742 : vector<16xf32>
      %slice3A_2744 = vector.extract_strided_slice %get3A_2719 {offsets = [5], sizes = [1], strides = [1]} : vector<16xf32> to vector<1xf32>
      %squeeze3A_2745 = vector.extract %slice3A_2744[0] : f32 from vector<1xf32>
      %mul3A_2746 = vector.broadcast %squeeze3A_2745 : f32 to vector<16xf32>
      %mul3A_2747 = arith.mulf %unpack3A_1586, %mul3A_2746 : vector<16xf32>
      %add3A_2748 = arith.addf %add3A_2743, %mul3A_2747 : vector<16xf32>
      %slice3A_2749 = vector.extract_strided_slice %get3A_2719 {offsets = [6], sizes = [1], strides = [1]} : vector<16xf32> to vector<1xf32>
      %squeeze3A_2750 = vector.extract %slice3A_2749[0] : f32 from vector<1xf32>
      %mul3A_2751 = vector.broadcast %squeeze3A_2750 : f32 to vector<16xf32>
      %mul3A_2752 = arith.mulf %unpack3A_1587, %mul3A_2751 : vector<16xf32>
      %add3A_2753 = arith.addf %add3A_2748, %mul3A_2752 : vector<16xf32>
      %slice3A_2754 = vector.extract_strided_slice %get3A_2719 {offsets = [7], sizes = [1], strides = [1]} : vector<16xf32> to vector<1xf32>
      %squeeze3A_2755 = vector.extract %slice3A_2754[0] : f32 from vector<1xf32>
      %mul3A_2756 = vector.broadcast %squeeze3A_2755 : f32 to vector<16xf32>
      %mul3A_2757 = arith.mulf %unpack3A_1588, %mul3A_2756 : vector<16xf32>
      %add3A_2758 = arith.addf %add3A_2753, %mul3A_2757 : vector<16xf32>
      %slice3A_2759 = vector.extract_strided_slice %get3A_2719 {offsets = [8], sizes = [1], strides = [1]} : vector<16xf32> to vector<1xf32>
      %squeeze3A_2760 = vector.extract %slice3A_2759[0] : f32 from vector<1xf32>
      %mul3A_2761 = vector.broadcast %squeeze3A_2760 : f32 to vector<16xf32>
      %mul3A_2762 = arith.mulf %unpack3A_1589, %mul3A_2761 : vector<16xf32>
      %add3A_2763 = arith.addf %add3A_2758, %mul3A_2762 : vector<16xf32>
      %slice3A_2764 = vector.extract_strided_slice %get3A_2719 {offsets = [9], sizes = [1], strides = [1]} : vector<16xf32> to vector<1xf32>
      %squeeze3A_2765 = vector.extract %slice3A_2764[0] : f32 from vector<1xf32>
      %mul3A_2766 = vector.broadcast %squeeze3A_2765 : f32 to vector<16xf32>
      %mul3A_2767 = arith.mulf %unpack3A_1590, %mul3A_2766 : vector<16xf32>
      %add3A_2768 = arith.addf %add3A_2763, %mul3A_2767 : vector<16xf32>
      %slice3A_2769 = vector.extract_strided_slice %get3A_2719 {offsets = [10], sizes = [1], strides = [1]} : vector<16xf32> to vector<1xf32>
      %squeeze3A_2770 = vector.extract %slice3A_2769[0] : f32 from vector<1xf32>
      %mul3A_2771 = vector.broadcast %squeeze3A_2770 : f32 to vector<16xf32>
      %mul3A_2772 = arith.mulf %unpack3A_1591, %mul3A_2771 : vector<16xf32>
      %add3A_2773 = arith.addf %add3A_2768, %mul3A_2772 : vector<16xf32>
      %slice3A_2774 = vector.extract_strided_slice %get3A_2719 {offsets = [11], sizes = [1], strides = [1]} : vector<16xf32> to vector<1xf32>
      %squeeze3A_2775 = vector.extract %slice3A_2774[0] : f32 from vector<1xf32>
      %mul3A_2776 = vector.broadcast %squeeze3A_2775 : f32 to vector<16xf32>
      %mul3A_2777 = arith.mulf %unpack3A_1592, %mul3A_2776 : vector<16xf32>
      %add3A_2778 = arith.addf %add3A_2773, %mul3A_2777 : vector<16xf32>
      %slice3A_2779 = vector.extract_strided_slice %get3A_2719 {offsets = [12], sizes = [1], strides = [1]} : vector<16xf32> to vector<1xf32>
      %squeeze3A_2780 = vector.extract %slice3A_2779[0] : f32 from vector<1xf32>
      %mul3A_2781 = vector.broadcast %squeeze3A_2780 : f32 to vector<16xf32>
      %mul3A_2782 = arith.mulf %unpack3A_1593, %mul3A_2781 : vector<16xf32>
      %add3A_2783 = arith.addf %add3A_2778, %mul3A_2782 : vector<16xf32>
      %slice3A_2784 = vector.extract_strided_slice %get3A_2719 {offsets = [13], sizes = [1], strides = [1]} : vector<16xf32> to vector<1xf32>
      %squeeze3A_2785 = vector.extract %slice3A_2784[0] : f32 from vector<1xf32>
      %mul3A_2786 = vector.broadcast %squeeze3A_2785 : f32 to vector<16xf32>
      %mul3A_2787 = arith.mulf %unpack3A_1594, %mul3A_2786 : vector<16xf32>
      %add3A_2788 = arith.addf %add3A_2783, %mul3A_2787 : vector<16xf32>
      %slice3A_2789 = vector.extract_strided_slice %get3A_2719 {offsets = [14], sizes = [1], strides = [1]} : vector<16xf32> to vector<1xf32>
      %squeeze3A_2790 = vector.extract %slice3A_2789[0] : f32 from vector<1xf32>
      %mul3A_2791 = vector.broadcast %squeeze3A_2790 : f32 to vector<16xf32>
      %mul3A_2792 = arith.mulf %unpack3A_1595, %mul3A_2791 : vector<16xf32>
      %add3A_2793 = arith.addf %add3A_2788, %mul3A_2792 : vector<16xf32>
      %slice3A_2794 = vector.extract_strided_slice %get3A_2719 {offsets = [15], sizes = [1], strides = [1]} : vector<16xf32> to vector<1xf32>
      %squeeze3A_2795 = vector.extract %slice3A_2794[0] : f32 from vector<1xf32>
      %mul3A_2796 = vector.broadcast %squeeze3A_2795 : f32 to vector<16xf32>
      %mul3A_2797 = arith.mulf %unpack3A_1596, %mul3A_2796 : vector<16xf32>
      %add3A_2798 = arith.addf %add3A_2793, %mul3A_2797 : vector<16xf32>
      %slice3A_2799 = vector.extract_strided_slice %get3A_1598 {offsets = [12], sizes = [1], strides = [1]} : vector<16xf32> to vector<1xf32>
      %squeeze3A_2800 = vector.extract %slice3A_2799[0] : f32 from vector<1xf32>
      %add3A_2801 = vector.broadcast %squeeze3A_2800 : f32 to vector<16xf32>
      %add3A_2802 = arith.addf %add3A_2798, %add3A_2801 : vector<16xf32>
      %max3A_2803 = arith.constant 0.000000e+00 : f32
      %max3A_2804 = vector.broadcast %max3A_2803 : f32 to vector<16xf32>
      %max3A_2805 = arith.maximumf %add3A_2802, %max3A_2804 : vector<16xf32>
      %slice3A_2806 = vector.extract_strided_slice %get3A_1600 {offsets = [12], sizes = [1], strides = [1]} : vector<16xf32> to vector<1xf32>
      %squeeze3A_2807 = vector.extract %slice3A_2806[0] : f32 from vector<1xf32>
      %mul3A_2808 = vector.broadcast %squeeze3A_2807 : f32 to vector<16xf32>
      %mul3A_2809 = arith.mulf %max3A_2805, %mul3A_2808 : vector<16xf32>
      %add3A_2810 = arith.addf %add3A_2717, %mul3A_2809 : vector<16xf32>
      %get3A_2811 = arith.constant 208 : index
      %get3A_2812 = tpu.vector_load %arg9[%get3A_2811] {strides = array<i32>} : memref<304xf32, #tpu.memory_space<vmem>>, vector<16xf32>,
      %slice3A_2813 = vector.extract_strided_slice %get3A_2812 {offsets = [0], sizes = [1], strides = [1]} : vector<16xf32> to vector<1xf32>
      %squeeze3A_2814 = vector.extract %slice3A_2813[0] : f32 from vector<1xf32>
      %mul3A_2815 = vector.broadcast %squeeze3A_2814 : f32 to vector<16xf32>
      %mul3A_2816 = arith.mulf %unpack3A_1581, %mul3A_2815 : vector<16xf32>
      %slice3A_2817 = vector.extract_strided_slice %get3A_2812 {offsets = [1], sizes = [1], strides = [1]} : vector<16xf32> to vector<1xf32>
      %squeeze3A_2818 = vector.extract %slice3A_2817[0] : f32 from vector<1xf32>
      %mul3A_2819 = vector.broadcast %squeeze3A_2818 : f32 to vector<16xf32>
      %mul3A_2820 = arith.mulf %unpack3A_1582, %mul3A_2819 : vector<16xf32>
      %add3A_2821 = arith.addf %mul3A_2816, %mul3A_2820 : vector<16xf32>
      %slice3A_2822 = vector.extract_strided_slice %get3A_2812 {offsets = [2], sizes = [1], strides = [1]} : vector<16xf32> to vector<1xf32>
      %squeeze3A_2823 = vector.extract %slice3A_2822[0] : f32 from vector<1xf32>
      %mul3A_2824 = vector.broadcast %squeeze3A_2823 : f32 to vector<16xf32>
      %mul3A_2825 = arith.mulf %unpack3A_1583, %mul3A_2824 : vector<16xf32>
      %add3A_2826 = arith.addf %add3A_2821, %mul3A_2825 : vector<16xf32>
      %slice3A_2827 = vector.extract_strided_slice %get3A_2812 {offsets = [3], sizes = [1], strides = [1]} : vector<16xf32> to vector<1xf32>
      %squeeze3A_2828 = vector.extract %slice3A_2827[0] : f32 from vector<1xf32>
      %mul3A_2829 = vector.broadcast %squeeze3A_2828 : f32 to vector<16xf32>
      %mul3A_2830 = arith.mulf %unpack3A_1584, %mul3A_2829 : vector<16xf32>
      %add3A_2831 = arith.addf %add3A_2826, %mul3A_2830 : vector<16xf32>
      %slice3A_2832 = vector.extract_strided_slice %get3A_2812 {offsets = [4], sizes = [1], strides = [1]} : vector<16xf32> to vector<1xf32>
      %squeeze3A_2833 = vector.extract %slice3A_2832[0] : f32 from vector<1xf32>
      %mul3A_2834 = vector.broadcast %squeeze3A_2833 : f32 to vector<16xf32>
      %mul3A_2835 = arith.mulf %unpack3A_1585, %mul3A_2834 : vector<16xf32>
      %add3A_2836 = arith.addf %add3A_2831, %mul3A_2835 : vector<16xf32>
      %slice3A_2837 = vector.extract_strided_slice %get3A_2812 {offsets = [5], sizes = [1], strides = [1]} : vector<16xf32> to vector<1xf32>
      %squeeze3A_2838 = vector.extract %slice3A_2837[0] : f32 from vector<1xf32>
      %mul3A_2839 = vector.broadcast %squeeze3A_2838 : f32 to vector<16xf32>
      %mul3A_2840 = arith.mulf %unpack3A_1586, %mul3A_2839 : vector<16xf32>
      %add3A_2841 = arith.addf %add3A_2836, %mul3A_2840 : vector<16xf32>
      %slice3A_2842 = vector.extract_strided_slice %get3A_2812 {offsets = [6], sizes = [1], strides = [1]} : vector<16xf32> to vector<1xf32>
      %squeeze3A_2843 = vector.extract %slice3A_2842[0] : f32 from vector<1xf32>
      %mul3A_2844 = vector.broadcast %squeeze3A_2843 : f32 to vector<16xf32>
      %mul3A_2845 = arith.mulf %unpack3A_1587, %mul3A_2844 : vector<16xf32>
      %add3A_2846 = arith.addf %add3A_2841, %mul3A_2845 : vector<16xf32>
      %slice3A_2847 = vector.extract_strided_slice %get3A_2812 {offsets = [7], sizes = [1], strides = [1]} : vector<16xf32> to vector<1xf32>
      %squeeze3A_2848 = vector.extract %slice3A_2847[0] : f32 from vector<1xf32>
      %mul3A_2849 = vector.broadcast %squeeze3A_2848 : f32 to vector<16xf32>
      %mul3A_2850 = arith.mulf %unpack3A_1588, %mul3A_2849 : vector<16xf32>
      %add3A_2851 = arith.addf %add3A_2846, %mul3A_2850 : vector<16xf32>
      %slice3A_2852 = vector.extract_strided_slice %get3A_2812 {offsets = [8], sizes = [1], strides = [1]} : vector<16xf32> to vector<1xf32>
      %squeeze3A_2853 = vector.extract %slice3A_2852[0] : f32 from vector<1xf32>
      %mul3A_2854 = vector.broadcast %squeeze3A_2853 : f32 to vector<16xf32>
      %mul3A_2855 = arith.mulf %unpack3A_1589, %mul3A_2854 : vector<16xf32>
      %add3A_2856 = arith.addf %add3A_2851, %mul3A_2855 : vector<16xf32>
      %slice3A_2857 = vector.extract_strided_slice %get3A_2812 {offsets = [9], sizes = [1], strides = [1]} : vector<16xf32> to vector<1xf32>
      %squeeze3A_2858 = vector.extract %slice3A_2857[0] : f32 from vector<1xf32>
      %mul3A_2859 = vector.broadcast %squeeze3A_2858 : f32 to vector<16xf32>
      %mul3A_2860 = arith.mulf %unpack3A_1590, %mul3A_2859 : vector<16xf32>
      %add3A_2861 = arith.addf %add3A_2856, %mul3A_2860 : vector<16xf32>
      %slice3A_2862 = vector.extract_strided_slice %get3A_2812 {offsets = [10], sizes = [1], strides = [1]} : vector<16xf32> to vector<1xf32>
      %squeeze3A_2863 = vector.extract %slice3A_2862[0] : f32 from vector<1xf32>
      %mul3A_2864 = vector.broadcast %squeeze3A_2863 : f32 to vector<16xf32>
      %mul3A_2865 = arith.mulf %unpack3A_1591, %mul3A_2864 : vector<16xf32>
      %add3A_2866 = arith.addf %add3A_2861, %mul3A_2865 : vector<16xf32>
      %slice3A_2867 = vector.extract_strided_slice %get3A_2812 {offsets = [11], sizes = [1], strides = [1]} : vector<16xf32> to vector<1xf32>
      %squeeze3A_2868 = vector.extract %slice3A_2867[0] : f32 from vector<1xf32>
      %mul3A_2869 = vector.broadcast %squeeze3A_2868 : f32 to vector<16xf32>
      %mul3A_2870 = arith.mulf %unpack3A_1592, %mul3A_2869 : vector<16xf32>
      %add3A_2871 = arith.addf %add3A_2866, %mul3A_2870 : vector<16xf32>
      %slice3A_2872 = vector.extract_strided_slice %get3A_2812 {offsets = [12], sizes = [1], strides = [1]} : vector<16xf32> to vector<1xf32>
      %squeeze3A_2873 = vector.extract %slice3A_2872[0] : f32 from vector<1xf32>
      %mul3A_2874 = vector.broadcast %squeeze3A_2873 : f32 to vector<16xf32>
      %mul3A_2875 = arith.mulf %unpack3A_1593, %mul3A_2874 : vector<16xf32>
      %add3A_2876 = arith.addf %add3A_2871, %mul3A_2875 : vector<16xf32>
      %slice3A_2877 = vector.extract_strided_slice %get3A_2812 {offsets = [13], sizes = [1], strides = [1]} : vector<16xf32> to vector<1xf32>
      %squeeze3A_2878 = vector.extract %slice3A_2877[0] : f32 from vector<1xf32>
      %mul3A_2879 = vector.broadcast %squeeze3A_2878 : f32 to vector<16xf32>
      %mul3A_2880 = arith.mulf %unpack3A_1594, %mul3A_2879 : vector<16xf32>
      %add3A_2881 = arith.addf %add3A_2876, %mul3A_2880 : vector<16xf32>
      %slice3A_2882 = vector.extract_strided_slice %get3A_2812 {offsets = [14], sizes = [1], strides = [1]} : vector<16xf32> to vector<1xf32>
      %squeeze3A_2883 = vector.extract %slice3A_2882[0] : f32 from vector<1xf32>
      %mul3A_2884 = vector.broadcast %squeeze3A_2883 : f32 to vector<16xf32>
      %mul3A_2885 = arith.mulf %unpack3A_1595, %mul3A_2884 : vector<16xf32>
      %add3A_2886 = arith.addf %add3A_2881, %mul3A_2885 : vector<16xf32>
      %slice3A_2887 = vector.extract_strided_slice %get3A_2812 {offsets = [15], sizes = [1], strides = [1]} : vector<16xf32> to vector<1xf32>
      %squeeze3A_2888 = vector.extract %slice3A_2887[0] : f32 from vector<1xf32>
      %mul3A_2889 = vector.broadcast %squeeze3A_2888 : f32 to vector<16xf32>
      %mul3A_2890 = arith.mulf %unpack3A_1596, %mul3A_2889 : vector<16xf32>
      %add3A_2891 = arith.addf %add3A_2886, %mul3A_2890 : vector<16xf32>
      %slice3A_2892 = vector.extract_strided_slice %get3A_1598 {offsets = [13], sizes = [1], strides = [1]} : vector<16xf32> to vector<1xf32>
      %squeeze3A_2893 = vector.extract %slice3A_2892[0] : f32 from vector<1xf32>
      %add3A_2894 = vector.broadcast %squeeze3A_2893 : f32 to vector<16xf32>
      %add3A_2895 = arith.addf %add3A_2891, %add3A_2894 : vector<16xf32>
      %max3A_2896 = arith.constant 0.000000e+00 : f32
      %max3A_2897 = vector.broadcast %max3A_2896 : f32 to vector<16xf32>
      %max3A_2898 = arith.maximumf %add3A_2895, %max3A_2897 : vector<16xf32>
      %slice3A_2899 = vector.extract_strided_slice %get3A_1600 {offsets = [13], sizes = [1], strides = [1]} : vector<16xf32> to vector<1xf32>
      %squeeze3A_2900 = vector.extract %slice3A_2899[0] : f32 from vector<1xf32>
      %mul3A_2901 = vector.broadcast %squeeze3A_2900 : f32 to vector<16xf32>
      %mul3A_2902 = arith.mulf %max3A_2898, %mul3A_2901 : vector<16xf32>
      %add3A_2903 = arith.addf %add3A_2810, %mul3A_2902 : vector<16xf32>
      %get3A_2904 = arith.constant 224 : index
      %get3A_2905 = tpu.vector_load %arg9[%get3A_2904] {strides = array<i32>} : memref<304xf32, #tpu.memory_space<vmem>>, vector<16xf32>,
      %slice3A_2906 = vector.extract_strided_slice %get3A_2905 {offsets = [0], sizes = [1], strides = [1]} : vector<16xf32> to vector<1xf32>
      %squeeze3A_2907 = vector.extract %slice3A_2906[0] : f32 from vector<1xf32>
      %mul3A_2908 = vector.broadcast %squeeze3A_2907 : f32 to vector<16xf32>
      %mul3A_2909 = arith.mulf %unpack3A_1581, %mul3A_2908 : vector<16xf32>
      %slice3A_2910 = vector.extract_strided_slice %get3A_2905 {offsets = [1], sizes = [1], strides = [1]} : vector<16xf32> to vector<1xf32>
      %squeeze3A_2911 = vector.extract %slice3A_2910[0] : f32 from vector<1xf32>
      %mul3A_2912 = vector.broadcast %squeeze3A_2911 : f32 to vector<16xf32>
      %mul3A_2913 = arith.mulf %unpack3A_1582, %mul3A_2912 : vector<16xf32>
      %add3A_2914 = arith.addf %mul3A_2909, %mul3A_2913 : vector<16xf32>
      %slice3A_2915 = vector.extract_strided_slice %get3A_2905 {offsets = [2], sizes = [1], strides = [1]} : vector<16xf32> to vector<1xf32>
      %squeeze3A_2916 = vector.extract %slice3A_2915[0] : f32 from vector<1xf32>
      %mul3A_2917 = vector.broadcast %squeeze3A_2916 : f32 to vector<16xf32>
      %mul3A_2918 = arith.mulf %unpack3A_1583, %mul3A_2917 : vector<16xf32>
      %add3A_2919 = arith.addf %add3A_2914, %mul3A_2918 : vector<16xf32>
      %slice3A_2920 = vector.extract_strided_slice %get3A_2905 {offsets = [3], sizes = [1], strides = [1]} : vector<16xf32> to vector<1xf32>
      %squeeze3A_2921 = vector.extract %slice3A_2920[0] : f32 from vector<1xf32>
      %mul3A_2922 = vector.broadcast %squeeze3A_2921 : f32 to vector<16xf32>
      %mul3A_2923 = arith.mulf %unpack3A_1584, %mul3A_2922 : vector<16xf32>
      %add3A_2924 = arith.addf %add3A_2919, %mul3A_2923 : vector<16xf32>
      %slice3A_2925 = vector.extract_strided_slice %get3A_2905 {offsets = [4], sizes = [1], strides = [1]} : vector<16xf32> to vector<1xf32>
      %squeeze3A_2926 = vector.extract %slice3A_2925[0] : f32 from vector<1xf32>
      %mul3A_2927 = vector.broadcast %squeeze3A_2926 : f32 to vector<16xf32>
      %mul3A_2928 = arith.mulf %unpack3A_1585, %mul3A_2927 : vector<16xf32>
      %add3A_2929 = arith.addf %add3A_2924, %mul3A_2928 : vector<16xf32>
      %slice3A_2930 = vector.extract_strided_slice %get3A_2905 {offsets = [5], sizes = [1], strides = [1]} : vector<16xf32> to vector<1xf32>
      %squeeze3A_2931 = vector.extract %slice3A_2930[0] : f32 from vector<1xf32>
      %mul3A_2932 = vector.broadcast %squeeze3A_2931 : f32 to vector<16xf32>
      %mul3A_2933 = arith.mulf %unpack3A_1586, %mul3A_2932 : vector<16xf32>
      %add3A_2934 = arith.addf %add3A_2929, %mul3A_2933 : vector<16xf32>
      %slice3A_2935 = vector.extract_strided_slice %get3A_2905 {offsets = [6], sizes = [1], strides = [1]} : vector<16xf32> to vector<1xf32>
      %squeeze3A_2936 = vector.extract %slice3A_2935[0] : f32 from vector<1xf32>
      %mul3A_2937 = vector.broadcast %squeeze3A_2936 : f32 to vector<16xf32>
      %mul3A_2938 = arith.mulf %unpack3A_1587, %mul3A_2937 : vector<16xf32>
      %add3A_2939 = arith.addf %add3A_2934, %mul3A_2938 : vector<16xf32>
      %slice3A_2940 = vector.extract_strided_slice %get3A_2905 {offsets = [7], sizes = [1], strides = [1]} : vector<16xf32> to vector<1xf32>
      %squeeze3A_2941 = vector.extract %slice3A_2940[0] : f32 from vector<1xf32>
      %mul3A_2942 = vector.broadcast %squeeze3A_2941 : f32 to vector<16xf32>
      %mul3A_2943 = arith.mulf %unpack3A_1588, %mul3A_2942 : vector<16xf32>
      %add3A_2944 = arith.addf %add3A_2939, %mul3A_2943 : vector<16xf32>
      %slice3A_2945 = vector.extract_strided_slice %get3A_2905 {offsets = [8], sizes = [1], strides = [1]} : vector<16xf32> to vector<1xf32>
      %squeeze3A_2946 = vector.extract %slice3A_2945[0] : f32 from vector<1xf32>
      %mul3A_2947 = vector.broadcast %squeeze3A_2946 : f32 to vector<16xf32>
      %mul3A_2948 = arith.mulf %unpack3A_1589, %mul3A_2947 : vector<16xf32>
      %add3A_2949 = arith.addf %add3A_2944, %mul3A_2948 : vector<16xf32>
      %slice3A_2950 = vector.extract_strided_slice %get3A_2905 {offsets = [9], sizes = [1], strides = [1]} : vector<16xf32> to vector<1xf32>
      %squeeze3A_2951 = vector.extract %slice3A_2950[0] : f32 from vector<1xf32>
      %mul3A_2952 = vector.broadcast %squeeze3A_2951 : f32 to vector<16xf32>
      %mul3A_2953 = arith.mulf %unpack3A_1590, %mul3A_2952 : vector<16xf32>
      %add3A_2954 = arith.addf %add3A_2949, %mul3A_2953 : vector<16xf32>
      %slice3A_2955 = vector.extract_strided_slice %get3A_2905 {offsets = [10], sizes = [1], strides = [1]} : vector<16xf32> to vector<1xf32>
      %squeeze3A_2956 = vector.extract %slice3A_2955[0] : f32 from vector<1xf32>
      %mul3A_2957 = vector.broadcast %squeeze3A_2956 : f32 to vector<16xf32>
      %mul3A_2958 = arith.mulf %unpack3A_1591, %mul3A_2957 : vector<16xf32>
      %add3A_2959 = arith.addf %add3A_2954, %mul3A_2958 : vector<16xf32>
      %slice3A_2960 = vector.extract_strided_slice %get3A_2905 {offsets = [11], sizes = [1], strides = [1]} : vector<16xf32> to vector<1xf32>
      %squeeze3A_2961 = vector.extract %slice3A_2960[0] : f32 from vector<1xf32>
      %mul3A_2962 = vector.broadcast %squeeze3A_2961 : f32 to vector<16xf32>
      %mul3A_2963 = arith.mulf %unpack3A_1592, %mul3A_2962 : vector<16xf32>
      %add3A_2964 = arith.addf %add3A_2959, %mul3A_2963 : vector<16xf32>
      %slice3A_2965 = vector.extract_strided_slice %get3A_2905 {offsets = [12], sizes = [1], strides = [1]} : vector<16xf32> to vector<1xf32>
      %squeeze3A_2966 = vector.extract %slice3A_2965[0] : f32 from vector<1xf32>
      %mul3A_2967 = vector.broadcast %squeeze3A_2966 : f32 to vector<16xf32>
      %mul3A_2968 = arith.mulf %unpack3A_1593, %mul3A_2967 : vector<16xf32>
      %add3A_2969 = arith.addf %add3A_2964, %mul3A_2968 : vector<16xf32>
      %slice3A_2970 = vector.extract_strided_slice %get3A_2905 {offsets = [13], sizes = [1], strides = [1]} : vector<16xf32> to vector<1xf32>
      %squeeze3A_2971 = vector.extract %slice3A_2970[0] : f32 from vector<1xf32>
      %mul3A_2972 = vector.broadcast %squeeze3A_2971 : f32 to vector<16xf32>
      %mul3A_2973 = arith.mulf %unpack3A_1594, %mul3A_2972 : vector<16xf32>
      %add3A_2974 = arith.addf %add3A_2969, %mul3A_2973 : vector<16xf32>
      %slice3A_2975 = vector.extract_strided_slice %get3A_2905 {offsets = [14], sizes = [1], strides = [1]} : vector<16xf32> to vector<1xf32>
      %squeeze3A_2976 = vector.extract %slice3A_2975[0] : f32 from vector<1xf32>
      %mul3A_2977 = vector.broadcast %squeeze3A_2976 : f32 to vector<16xf32>
      %mul3A_2978 = arith.mulf %unpack3A_1595, %mul3A_2977 : vector<16xf32>
      %add3A_2979 = arith.addf %add3A_2974, %mul3A_2978 : vector<16xf32>
      %slice3A_2980 = vector.extract_strided_slice %get3A_2905 {offsets = [15], sizes = [1], strides = [1]} : vector<16xf32> to vector<1xf32>
      %squeeze3A_2981 = vector.extract %slice3A_2980[0] : f32 from vector<1xf32>
      %mul3A_2982 = vector.broadcast %squeeze3A_2981 : f32 to vector<16xf32>
      %mul3A_2983 = arith.mulf %unpack3A_1596, %mul3A_2982 : vector<16xf32>
      %add3A_2984 = arith.addf %add3A_2979, %mul3A_2983 : vector<16xf32>
      %slice3A_2985 = vector.extract_strided_slice %get3A_1598 {offsets = [14], sizes = [1], strides = [1]} : vector<16xf32> to vector<1xf32>
      %squeeze3A_2986 = vector.extract %slice3A_2985[0] : f32 from vector<1xf32>
      %add3A_2987 = vector.broadcast %squeeze3A_2986 : f32 to vector<16xf32>
      %add3A_2988 = arith.addf %add3A_2984, %add3A_2987 : vector<16xf32>
      %max3A_2989 = arith.constant 0.000000e+00 : f32
      %max3A_2990 = vector.broadcast %max3A_2989 : f32 to vector<16xf32>
      %max3A_2991 = arith.maximumf %add3A_2988, %max3A_2990 : vector<16xf32>
      %slice3A_2992 = vector.extract_strided_slice %get3A_1600 {offsets = [14], sizes = [1], strides = [1]} : vector<16xf32> to vector<1xf32>
      %squeeze3A_2993 = vector.extract %slice3A_2992[0] : f32 from vector<1xf32>
      %mul3A_2994 = vector.broadcast %squeeze3A_2993 : f32 to vector<16xf32>
      %mul3A_2995 = arith.mulf %max3A_2991, %mul3A_2994 : vector<16xf32>
      %add3A_2996 = arith.addf %add3A_2903, %mul3A_2995 : vector<16xf32>
      %get3A_2997 = arith.constant 240 : index
      %get3A_2998 = tpu.vector_load %arg9[%get3A_2997] {strides = array<i32>} : memref<304xf32, #tpu.memory_space<vmem>>, vector<16xf32>,
      %slice3A_2999 = vector.extract_strided_slice %get3A_2998 {offsets = [0], sizes = [1], strides = [1]} : vector<16xf32> to vector<1xf32>
      %squeeze3A_3000 = vector.extract %slice3A_2999[0] : f32 from vector<1xf32>
      %mul3A_3001 = vector.broadcast %squeeze3A_3000 : f32 to vector<16xf32>
      %mul3A_3002 = arith.mulf %unpack3A_1581, %mul3A_3001 : vector<16xf32>
      %slice3A_3003 = vector.extract_strided_slice %get3A_2998 {offsets = [1], sizes = [1], strides = [1]} : vector<16xf32> to vector<1xf32>
      %squeeze3A_3004 = vector.extract %slice3A_3003[0] : f32 from vector<1xf32>
      %mul3A_3005 = vector.broadcast %squeeze3A_3004 : f32 to vector<16xf32>
      %mul3A_3006 = arith.mulf %unpack3A_1582, %mul3A_3005 : vector<16xf32>
      %add3A_3007 = arith.addf %mul3A_3002, %mul3A_3006 : vector<16xf32>
      %slice3A_3008 = vector.extract_strided_slice %get3A_2998 {offsets = [2], sizes = [1], strides = [1]} : vector<16xf32> to vector<1xf32>
      %squeeze3A_3009 = vector.extract %slice3A_3008[0] : f32 from vector<1xf32>
      %mul3A_3010 = vector.broadcast %squeeze3A_3009 : f32 to vector<16xf32>
      %mul3A_3011 = arith.mulf %unpack3A_1583, %mul3A_3010 : vector<16xf32>
      %add3A_3012 = arith.addf %add3A_3007, %mul3A_3011 : vector<16xf32>
      %slice3A_3013 = vector.extract_strided_slice %get3A_2998 {offsets = [3], sizes = [1], strides = [1]} : vector<16xf32> to vector<1xf32>
      %squeeze3A_3014 = vector.extract %slice3A_3013[0] : f32 from vector<1xf32>
      %mul3A_3015 = vector.broadcast %squeeze3A_3014 : f32 to vector<16xf32>
      %mul3A_3016 = arith.mulf %unpack3A_1584, %mul3A_3015 : vector<16xf32>
      %add3A_3017 = arith.addf %add3A_3012, %mul3A_3016 : vector<16xf32>
      %slice3A_3018 = vector.extract_strided_slice %get3A_2998 {offsets = [4], sizes = [1], strides = [1]} : vector<16xf32> to vector<1xf32>
      %squeeze3A_3019 = vector.extract %slice3A_3018[0] : f32 from vector<1xf32>
      %mul3A_3020 = vector.broadcast %squeeze3A_3019 : f32 to vector<16xf32>
      %mul3A_3021 = arith.mulf %unpack3A_1585, %mul3A_3020 : vector<16xf32>
      %add3A_3022 = arith.addf %add3A_3017, %mul3A_3021 : vector<16xf32>
      %slice3A_3023 = vector.extract_strided_slice %get3A_2998 {offsets = [5], sizes = [1], strides = [1]} : vector<16xf32> to vector<1xf32>
      %squeeze3A_3024 = vector.extract %slice3A_3023[0] : f32 from vector<1xf32>
      %mul3A_3025 = vector.broadcast %squeeze3A_3024 : f32 to vector<16xf32>
      %mul3A_3026 = arith.mulf %unpack3A_1586, %mul3A_3025 : vector<16xf32>
      %add3A_3027 = arith.addf %add3A_3022, %mul3A_3026 : vector<16xf32>
      %slice3A_3028 = vector.extract_strided_slice %get3A_2998 {offsets = [6], sizes = [1], strides = [1]} : vector<16xf32> to vector<1xf32>
      %squeeze3A_3029 = vector.extract %slice3A_3028[0] : f32 from vector<1xf32>
      %mul3A_3030 = vector.broadcast %squeeze3A_3029 : f32 to vector<16xf32>
      %mul3A_3031 = arith.mulf %unpack3A_1587, %mul3A_3030 : vector<16xf32>
      %add3A_3032 = arith.addf %add3A_3027, %mul3A_3031 : vector<16xf32>
      %slice3A_3033 = vector.extract_strided_slice %get3A_2998 {offsets = [7], sizes = [1], strides = [1]} : vector<16xf32> to vector<1xf32>
      %squeeze3A_3034 = vector.extract %slice3A_3033[0] : f32 from vector<1xf32>
      %mul3A_3035 = vector.broadcast %squeeze3A_3034 : f32 to vector<16xf32>
      %mul3A_3036 = arith.mulf %unpack3A_1588, %mul3A_3035 : vector<16xf32>
      %add3A_3037 = arith.addf %add3A_3032, %mul3A_3036 : vector<16xf32>
      %slice3A_3038 = vector.extract_strided_slice %get3A_2998 {offsets = [8], sizes = [1], strides = [1]} : vector<16xf32> to vector<1xf32>
      %squeeze3A_3039 = vector.extract %slice3A_3038[0] : f32 from vector<1xf32>
      %mul3A_3040 = vector.broadcast %squeeze3A_3039 : f32 to vector<16xf32>
      %mul3A_3041 = arith.mulf %unpack3A_1589, %mul3A_3040 : vector<16xf32>
      %add3A_3042 = arith.addf %add3A_3037, %mul3A_3041 : vector<16xf32>
      %slice3A_3043 = vector.extract_strided_slice %get3A_2998 {offsets = [9], sizes = [1], strides = [1]} : vector<16xf32> to vector<1xf32>
      %squeeze3A_3044 = vector.extract %slice3A_3043[0] : f32 from vector<1xf32>
      %mul3A_3045 = vector.broadcast %squeeze3A_3044 : f32 to vector<16xf32>
      %mul3A_3046 = arith.mulf %unpack3A_1590, %mul3A_3045 : vector<16xf32>
      %add3A_3047 = arith.addf %add3A_3042, %mul3A_3046 : vector<16xf32>
      %slice3A_3048 = vector.extract_strided_slice %get3A_2998 {offsets = [10], sizes = [1], strides = [1]} : vector<16xf32> to vector<1xf32>
      %squeeze3A_3049 = vector.extract %slice3A_3048[0] : f32 from vector<1xf32>
      %mul3A_3050 = vector.broadcast %squeeze3A_3049 : f32 to vector<16xf32>
      %mul3A_3051 = arith.mulf %unpack3A_1591, %mul3A_3050 : vector<16xf32>
      %add3A_3052 = arith.addf %add3A_3047, %mul3A_3051 : vector<16xf32>
      %slice3A_3053 = vector.extract_strided_slice %get3A_2998 {offsets = [11], sizes = [1], strides = [1]} : vector<16xf32> to vector<1xf32>
      %squeeze3A_3054 = vector.extract %slice3A_3053[0] : f32 from vector<1xf32>
      %mul3A_3055 = vector.broadcast %squeeze3A_3054 : f32 to vector<16xf32>
      %mul3A_3056 = arith.mulf %unpack3A_1592, %mul3A_3055 : vector<16xf32>
      %add3A_3057 = arith.addf %add3A_3052, %mul3A_3056 : vector<16xf32>
      %slice3A_3058 = vector.extract_strided_slice %get3A_2998 {offsets = [12], sizes = [1], strides = [1]} : vector<16xf32> to vector<1xf32>
      %squeeze3A_3059 = vector.extract %slice3A_3058[0] : f32 from vector<1xf32>
      %mul3A_3060 = vector.broadcast %squeeze3A_3059 : f32 to vector<16xf32>
      %mul3A_3061 = arith.mulf %unpack3A_1593, %mul3A_3060 : vector<16xf32>
      %add3A_3062 = arith.addf %add3A_3057, %mul3A_3061 : vector<16xf32>
      %slice3A_3063 = vector.extract_strided_slice %get3A_2998 {offsets = [13], sizes = [1], strides = [1]} : vector<16xf32> to vector<1xf32>
      %squeeze3A_3064 = vector.extract %slice3A_3063[0] : f32 from vector<1xf32>
      %mul3A_3065 = vector.broadcast %squeeze3A_3064 : f32 to vector<16xf32>
      %mul3A_3066 = arith.mulf %unpack3A_1594, %mul3A_3065 : vector<16xf32>
      %add3A_3067 = arith.addf %add3A_3062, %mul3A_3066 : vector<16xf32>
      %slice3A_3068 = vector.extract_strided_slice %get3A_2998 {offsets = [14], sizes = [1], strides = [1]} : vector<16xf32> to vector<1xf32>
      %squeeze3A_3069 = vector.extract %slice3A_3068[0] : f32 from vector<1xf32>
      %mul3A_3070 = vector.broadcast %squeeze3A_3069 : f32 to vector<16xf32>
      %mul3A_3071 = arith.mulf %unpack3A_1595, %mul3A_3070 : vector<16xf32>
      %add3A_3072 = arith.addf %add3A_3067, %mul3A_3071 : vector<16xf32>
      %slice3A_3073 = vector.extract_strided_slice %get3A_2998 {offsets = [15], sizes = [1], strides = [1]} : vector<16xf32> to vector<1xf32>
      %squeeze3A_3074 = vector.extract %slice3A_3073[0] : f32 from vector<1xf32>
      %mul3A_3075 = vector.broadcast %squeeze3A_3074 : f32 to vector<16xf32>
      %mul3A_3076 = arith.mulf %unpack3A_1596, %mul3A_3075 : vector<16xf32>
      %add3A_3077 = arith.addf %add3A_3072, %mul3A_3076 : vector<16xf32>
      %slice3A_3078 = vector.extract_strided_slice %get3A_1598 {offsets = [15], sizes = [1], strides = [1]} : vector<16xf32> to vector<1xf32>
      %squeeze3A_3079 = vector.extract %slice3A_3078[0] : f32 from vector<1xf32>
      %add3A_3080 = vector.broadcast %squeeze3A_3079 : f32 to vector<16xf32>
      %add3A_3081 = arith.addf %add3A_3077, %add3A_3080 : vector<16xf32>
      %max3A_3082 = arith.constant 0.000000e+00 : f32
      %max3A_3083 = vector.broadcast %max3A_3082 : f32 to vector<16xf32>
      %max3A_3084 = arith.maximumf %add3A_3081, %max3A_3083 : vector<16xf32>
      %slice3A_3085 = vector.extract_strided_slice %get3A_1600 {offsets = [15], sizes = [1], strides = [1]} : vector<16xf32> to vector<1xf32>
      %squeeze3A_3086 = vector.extract %slice3A_3085[0] : f32 from vector<1xf32>
      %mul3A_3087 = vector.broadcast %squeeze3A_3086 : f32 to vector<16xf32>
      %mul3A_3088 = arith.mulf %max3A_3084, %mul3A_3087 : vector<16xf32>
      %add3A_3089 = arith.addf %add3A_2996, %mul3A_3088 : vector<16xf32>
      %slice3A_3090 = vector.extract_strided_slice %get3A_1602 {offsets = [0], sizes = [1], strides = [1]} : vector<16xf32> to vector<1xf32>
      %squeeze3A_3091 = vector.extract %slice3A_3090[0] : f32 from vector<1xf32>
      %add3A_3092 = vector.broadcast %squeeze3A_3091 : f32 to vector<16xf32>
      %add3A_3093 = arith.addf %add3A_3089, %add3A_3092 : vector<16xf32>
      %neg3A_3094 = arith.constant 0.000000e+00 : f32
      %neg3A_3095 = vector.broadcast %neg3A_3094 : f32 to vector<16xf32>
      %neg3A_3096 = arith.subf %neg3A_3095, %add3A_3093 : vector<16xf32>
      %exp3A_3097 = math.exp %neg3A_3096 : vector<16xf32>
      %add3A_3098 = arith.constant 1.000000e+00 : f32
      %add3A_3099 = vector.broadcast %add3A_3098 : f32 to vector<16xf32>
      %add3A_3100 = arith.addf %add3A_3099, %exp3A_3097 : vector<16xf32>
      %div3A_3101 = arith.constant 1.000000e+00 : f32
      %div3A_3102 = vector.broadcast %div3A_3101 : f32 to vector<16xf32>
      %div3A_3103 = arith.divf %div3A_3102, %add3A_3100 : vector<16xf32>
      %mul3A_3104 = arith.constant 16 : i32
      %mul3A_3105 = arith.muli %add3A_1557, %mul3A_3104 : i32
      %swap3A_3106 = arith.index_cast %mul3A_3105 : i32 to index
      %swap3A_3107 = tpu.vector_load %arg10[%swap3A_3106] {strides = array<i32>} : memref<512xf32, #tpu.memory_space<vmem>>, vector<16xf32>,
      tpu.vector_store %arg10[%swap3A_3106], %div3A_3103 {strides = array<i32>} : memref<512xf32, #tpu.memory_space<vmem>>, vector<16xf32>,
    }
    %scan3A_11 = arith.constant 16 : i32
    %mul3A_12 = arith.constant 512 : i32
    %mul3A_13 = arith.muli %add3A, %mul3A_12 : i32
    "tpu.region"() ({
      %run_scoped3A = tpu.sem_alloc : memref<!tpu.dma_semaphore, #tpu.memory_space<semaphore_mem>>
      %dma_start3A_14 = tpu.memref_slice %arg5[%mul3A_13] : memref<16384xf32, #tpu.memory_space<hbm>> -> memref<512xf32, #tpu.memory_space<hbm>>
      %dma_start3A_15 = tpu.memref_slice %arg5[%mul3A_13] : memref<16384xf32, #tpu.memory_space<hbm>> -> memref<512xf32, #tpu.memory_space<hbm>>
      tpu.enqueue_dma source(%arg10 : memref<512xf32, #tpu.memory_space<vmem>>) target(%dma_start3A_15 : memref<512xf32, #tpu.memory_space<hbm>>) target_semaphore(%run_scoped3A : memref<!tpu.dma_semaphore, #tpu.memory_space<semaphore_mem>>)
      %dma_wait3A = tpu.memref_slice %arg5[%mul3A_13] : memref<16384xf32, #tpu.memory_space<hbm>> -> memref<512xf32, #tpu.memory_space<hbm>>
      %dma_wait3A_16 = tpu.memref_slice %arg5[%mul3A_13] : memref<16384xf32, #tpu.memory_space<hbm>> -> memref<512xf32, #tpu.memory_space<hbm>>
      tpu.wait_dma2 semaphore(%run_scoped3A : memref<!tpu.dma_semaphore, #tpu.memory_space<semaphore_mem>>) src(%arg10 : memref<512xf32, #tpu.memory_space<vmem>>) dst(%dma_wait3A_16 : memref<512xf32, #tpu.memory_space<hbm>>)
      tpu.yield
    }) : () -> ()
    return
  }
}

</mosaic_0001>

<sc_bundles>
// kernel: kernel.3.cloned.1.call-start
scs
__scs_entry_jumppad:
0x0: {  	(pc) =	sbr.rel $0x88, $3  }
0x1: {  	(tag) =	ssettag $0x0;
	lr =	simm.s32 $0x1  }
0x2: {  	[smem:$0x3F9B] =	sst lr;
	_ =	strace $0xD0000000  }
0x3: {  	_ = 	snop  }
0x4: {  	_ = 	snop  }
0x5: {  	_ = 	snop  }
0x6: {  	_ = 	snop  }
0x7: {  	_ = 	snop  }
__scs_overlays_trampoline_lowered:
0x8: {  	[smem:$0x3FAA] =	sst s0  }
0x9: {  	[smem:$0x3FAB] =	sst s1  }
0xa: {  	[smem:$0x3FAC] =	sst s2  }
0xb: {  	[smem:$0x3FAD] =	sst s3  }
0xc: {  	[smem:$0x3FAE] =	sst s4  }
0xd: {  	[smem:$0x3FAF] =	sst s5  }
0xe: {  	[smem:$0x3FB0] =	sst s6  }
0xf: {  	[smem:$0x3FB1] =	sst s7  }
0x10: {  	[smem:$0x3FB2] =	sst s8  }
0x11: {  	[smem:$0x3FB3] =	sst s9;
	s0 =	simm.s32 @!p0 $0x0  }
0x12: {  	s1 =	sld [smem:$0x3F99];
	s0 =	simm.s32 @p0 $0x1  }
0x13: {  	[smem:$0x3FB4] =	sst s0;
	s0 =	simm.s32 @!p1 $0x0  }
0x14: {  	s2 =	sld [smem:$0x3F98];
	s0 =	simm.s32 @p1 $0x1  }
0x15: {  	[smem:$0x3FB5] =	sst s0;
	s0 =	simm.s32 @!p2 $0x0  }
0x16: {  	s3 =	sld [smem:$0x3FDB];
	s0 =	simm.s32 @p2 $0x1  }
0x17: {  	s4 =	simm.s32 $0x1BF5;
	[smem:$0x3FB7] =	sst s0  }
0x18: {  	s0 =	sld [smem:$0x3F9A];
	_ =	swait.ge [sflag:s4], $0x0  }
0x19: {  	s7 =	sld [smem:$0x3F9B]  }
0x1a: {  	s8 =	sadd.s32 $0xFFFFE003, lr  }
0x1b: {  	s9 =	sadd.s32 $0xFFFFFEF7, lr;
	s5 =	simm.s32 $0xFFFFFFFF;
	p2 =	slt.u32 s8, $0xFFFFF086  }
0x1c: {  	p1 =	slt.u32 s9, $0xF7A;
	s5 =	simm.s32 @!p2 $0x0  }
0x1d: {  	s5 =	simm.s32 @p1 $0x1;
	p0 =	seq.s32 s7, s2  }
0x1e: {  	s7 =	smul.u32 @!p0 $0xF7A, s2;
	p2 =	seq.s32 @!p0 s5, $0x0  }
0x1f: {  	s9 =	smul.u32 $0xF7A, s1;
	s8 =	simm.s32 @!p0 $0x1BF5;
	p2 =	por !p2, p0  }
0x20: {  	[sflag:s8] =	ssyncset.s32 @!p0 $0xFFFFF086;
	s6 =	sadd.s32 @!p0 s3, s7;
	s7 =	simm.s32 @!p0 $0x108  }
0x21: {  	s3 =	sadd.s32 s3, s9;
	s6 =	sadd.s32 @!p0 $0x88, s6;
	s7 =	simm.s32 @p2 $0x1082  }
0x22: {  	[simem:s7], [sflag:s8] =	dma.local @!p0 [hbm:s6], $0xF7A  }
0x23: {  	s9 =	sor.u32 $0xD0000000, s2;
	s6 =	simm.s32 $0x108;
	_ =	swait.ge @!p0 [sflag:s8], $0x0  }
0x24: {  	s3 =	sadd.s32 $0x88, s3;
	s6 =	simm.s32 @!p1 $0x1082;
	[sflag:s4] =	ssyncset.s32 $0xFFFFF086  }
0x25: {  	[simem:s6], [sflag:s4] =	dma.local [hbm:s3], $0xF7A  }
0x26: {  	[smem:$0x3F9B] =	sst s1;
	(tag) =	ssettag s2;
	_ =	strace s9  }
0x27: {  	s1 =	sld [smem:$0x3FAB]  }
0x28: {  	s2 =	sld [smem:$0x3FAC]  }
0x29: {  	s4 =	sld [smem:$0x3FAE]  }
0x2a: {  	p0 =	seq.s32 s5, $0x0;
	s5 =	sld [smem:$0x3FAF]  }
0x2b: {  	s6 =	sld [smem:$0x3FB0]  }
0x2c: {  	s7 =	sld [smem:$0x3FB1]  }
0x2d: {  	s3 =	simm.s32 $0x108;
	s8 =	sld [smem:$0x3FB2]  }
0x2e: {  	s3 =	simm.s32 @!p0 $0x1082;
	s9 =	sld [smem:$0x3FB3]  }
0x2f: {  	lr =	sadd.s32 s0, s3;
	s0 =	sld [smem:$0x3FAA]  }
0x30: {  	s3 =	sld [smem:$0x3FAD]  }
0x31: {  	[smem:$0x3FB6] =	sst s10  }
0x32: {  	s10 =	sld [smem:$0x3FB4];
	_ =	sdelay $0x3  }
0x33: {  	p0 =	seq.s32 s10, $0x1;
	s10 =	sld [smem:$0x3FB6];
	_ =	sdelay $0x3  }
0x34: {  	[smem:$0x3FB6] =	sst s10  }
0x35: {  	s10 =	sld [smem:$0x3FB5];
	_ =	sdelay $0x3  }
0x36: {  	p1 =	seq.s32 s10, $0x1;
	s10 =	sld [smem:$0x3FB6];
	_ =	sdelay $0x3  }
0x37: {  	[smem:$0x3FB6] =	sst s10  }
0x38: {  	s10 =	sld [smem:$0x3FB7]  }
0x39: {  	_ = 	snop;
	(pc) =	sbr.ind lr, $3  }
0x3a: {  	_ = 	snop  }
0x3b: {  	_ = 	snop  }
0x3c: {  	p2 =	seq.s32 s10, $0x1;
	s10 =	sld [smem:$0x3FB6]  }
0x3d: {  	_ =	shalt  }
0x3e: {  	_ =	shalt  }
0x3f: {  	_ =	shalt  }
0x40: {  	_ =	shalt  }
0x41: {  	_ =	shalt  }
0x42: {  	_ =	shalt  }
0x43: {  	_ =	shalt  }
0x44: {  	_ =	shalt  }
0x45: {  	_ =	shalt  }
0x46: {  	_ =	shalt  }
0x47: {  	_ =	shalt  }
0x48: {  	_ =	shalt  }
0x49: {  	_ =	shalt  }
0x4a: {  	_ =	shalt  }
0x4b: {  	_ =	shalt  }
0x4c: {  	_ =	shalt  }
0x4d: {  	_ =	shalt  }
0x4e: {  	_ =	shalt  }
0x4f: {  	_ =	shalt  }
0x50: {  	_ =	shalt  }
0x51: {  	_ =	shalt  }
0x52: {  	_ =	shalt  }
0x53: {  	_ =	shalt  }
0x54: {  	_ =	shalt  }
0x55: {  	_ =	shalt  }
0x56: {  	_ =	shalt  }
0x57: {  	_ =	shalt  }
0x58: {  	_ =	shalt  }
0x59: {  	_ =	shalt  }
0x5a: {  	_ =	shalt  }
0x5b: {  	_ =	shalt  }
0x5c: {  	_ =	shalt  }
0x5d: {  	_ =	shalt  }
0x5e: {  	_ =	shalt  }
0x5f: {  	_ =	shalt  }
0x60: {  	_ =	shalt  }
0x61: {  	_ =	shalt  }
0x62: {  	_ =	shalt  }
0x63: {  	_ =	shalt  }
0x64: {  	_ =	shalt  }
0x65: {  	_ =	shalt  }
0x66: {  	_ =	shalt  }
0x67: {  	_ =	shalt  }
0x68: {  	_ =	shalt  }
0x69: {  	_ =	shalt  }
0x6a: {  	_ =	shalt  }
0x6b: {  	_ =	shalt  }
0x6c: {  	_ =	shalt  }
0x6d: {  	_ =	shalt  }
0x6e: {  	_ =	shalt  }
0x6f: {  	_ =	shalt  }
0x70: {  	_ =	shalt  }
0x71: {  	_ =	shalt  }
0x72: {  	_ =	shalt  }
0x73: {  	_ =	shalt  }
0x74: {  	_ =	shalt  }
0x75: {  	_ =	shalt  }
0x76: {  	_ =	shalt  }
0x77: {  	_ =	shalt  }
0x78: {  	_ =	shalt  }
0x79: {  	_ =	shalt  }
0x7a: {  	_ =	shalt  }
0x7b: {  	_ =	shalt  }
0x7c: {  	_ =	shalt  }
0x7d: {  	_ =	shalt  }
0x7e: {  	_ =	shalt  }
0x7f: {  	_ =	shalt  }
0x80: {  	_ =	shalt  }
0x81: {  	_ =	shalt  }
0x82: {  	_ =	shalt  }
0x83: {  	_ =	shalt  }
0x84: {  	_ =	shalt  }
0x85: {  	_ =	shalt  }
0x86: {  	_ =	shalt  }
0x87: {  	_ =	shalt  }
.Lfunc_end0:
.L_simem_size_0:
called_computation_lowered:
.L_overlay_start_0:
0x88: {  	s2 =	sld [smem:$0x3FD9]  }
0x89: {  	s3 =	sld [smem:$0x3FFE];
	_ =	sdelay $0x1  }
0x8a: {  	s1 =	srdreg.scid  }
0x8b: {  	s0 =	sand.u32 $0x1, s1  }
0x8c: {  	s17 =	sshll.u32 s0, $0xA;
	s2 =	sadd.s32 s3, s2  }
0x8d: {  	s2 =	sadd.s32 s2, s17  }
0x8e: {  	[smem:$0x3FC2] =	sst s2  }
0x8f: {  	_ = 	snop  }
0x90: {  	s2 =	sld [smem:$0x3FD0];
	(tm) =	ssettm $0x1  }
0x91: {  	s18 =	sld [smem:$0x3FFB];
	_ =	sdelay $0x3  }
0x92: {  	_ =	strace s18  }
0x93: {  	s3 =	sld [smem:$0x3FFC];
	_ =	sdelay $0x3  }
0x94: {  	_ =	strace s3  }
0x95: {  	s3 =	sld [smem:$0x3FFD];
	_ =	sdelay $0x3  }
0x96: {  	_ =	strace s3  }
0x97: {  	_ =	strace $0x8FFFFFFF  }
0x98: {  	s19 =	sld [smem:$0x3FDB];
	_ =	sdelay $0x1  }
0x99: {  	s4 =	simm.s32 $_scs_section_size  }
0x9a: {  	s5 =	simm.s32 $_size__tile_overlayer_lowered;
	s6 =	simm.s32 $_tile_overlayer_lowered  }
0x9b: {  	s22 =	simm.s32 $0x1BFF;
	s21 =	sshll.u32 s6, $0x1;
	s3 =	sadd.s32 s4, s19  }
0x9c: {  	s7 =	simm.s32 $0x0;
	s20 =	sshll.u32 s5, $0x1;
	s5 =	sadd.s32 s21, s3  }
0x9d: {  	[timem:s7], [sflag:s22] =	dma.local [hbm:s5], s20  }
0x9e: {  	_ =	swait.ge [sflag:s22], s20  }
0x9f: {  	s4 =	ssub.s32 $0x0, s20;
	[sflag:s22] =	ssyncset.done $0x0  }
0xa0: {  	[sflag:s22] =	ssyncadd.s32 s4;
	_ =	sdelay $0x1  }
0xa1: {  	s23 =	simm.s32 $0x1B8B  }
0xa2: {  	_ =	swait.ge [sflag:s23], $0x1  }
0xa3: {  	[sflag:s23] =	ssyncset.done $0x0  }
0xa4: {  	s25 =	simm.s32 $0x1B8E;
	s24 =	sld [smem:$0x3FFE];
	[sflag:s23] =	ssyncadd.s32 $0xFFFFFFFF  }
0xa5: {  	s26 =	simm.s32 $execute0_lowered;
	[smem:$0x3FD2] =	sst s25  }
0xa6: {  	s5 =	sshll.u32 s26, $0x1;
	_ =	strace $0x80000046;
	[dreg:$0x1] =	wrdreg $0xFFFFFFFF  }
0xa7: {  	s28 =	simm.s32 $_size_execute0_lowered;
	s3 =	sadd.s32 s3, s5;
	[dreg:$0x0] =	wrdreg $0x0  }
0xa8: {  	s5 =	sshll.u32 s28, $0x1;
	[dreg:$0x2] =	wrdreg s3  }
0xa9: {  	[dreg:$0x3] =	wrdreg s5  }
0xaa: {  	[dreg:$0x4] =	wrdreg $0xC0  }
0xab: {  	_ =	task [dreg:s7], $0x5FFFF  }
0xac: {  	[dreg:$0x1] =	wrdreg $0xFFFFFFFF  }
0xad: {  	[dreg:$0x0] =	wrdreg $0x60  }
0xae: {  	[dreg:$0x2] =	wrdreg s24  }
0xaf: {  	[dreg:$0x3] =	wrdreg s2  }
0xb0: {  	[dreg:$0x4] =	wrdreg $0x9  }
0xb1: {  	_ =	task.clear_ibuf [dreg:s7], $0x5FFFF;
	_ =	strace $0x90000046  }
0xb2: {  	s29 =	simm.s32 $0x9;
	_ =	strace $0x80000048  }
0xb3: {  	_ =	swait.ge [sflag:s29], $0x1  }
0xb4: {  	[sflag:s29] =	ssyncadd.s32 $0xFFFFFFFF  }
0xb5: {  	_ =	strace $0x90000048  }
0xb6: {  	_ =	sfence  }
0xb7: {  	s30 =	sld [smem:$0x0];
	_ =	sdelay $0x2  }
0xb8: {  	s31 =	sshll.u32 s1, $0xD;
	s1 =	sshrl.u32 s1, $0x2  }
0xb9: {  	s3 =	sand.u32 $0x4000, s31;
	s1 =	sadd.s32 s1, s30  }
0xba: {  	s0 =	sor.u32 s3, s0;
	s1 =	sshll.u32 s1, $0x11  }
0xbb: {  	s0 =	sor.u32 s1, s0  }
0xbc: {  	s0 =	sadd.s32 $0x8F2B, s0  }
0xbd: {  	[sflag:s0] =	ssyncadd.remote.s32 $0x1  }
0xbe: {  	_ =	sfence.sel $0xFFFF  }
0xbf: {  	[dreg:$0x0] =	wrdreg $0xFFFFFFFF;
	(pc) =	sbr.abs _section_cstart, $3  }
0xc0: {  	[dreg:$0x1] =	wrdreg $0xFFFFFFFF  }
0xc1: {  	_ =	task.clear_ibuf [dreg:s7], $0x2FFFF;
	_ =	strace $0x9FFFFFFF  }
0xc2: {  	(tm) =	ssettm $0x7FFFFFFF  }
0xc3: {  	_ =	shalt  }
tec
execute0_lowered:
.L_overlay_start_1:
0x0: {  	(tag) =	ssettag $0x1  }
0x1: {  	s5 =	rddreg [dreg:$0x0]  }
0x2: {  	s9 =	rddreg [dreg:$0x1]  }
0x3: {  	s0 =	rddreg [dreg:$0x2];
	s2 =	simm.s32 $0x0  }
0x4: {  	s3 =	srdreg.scid;
	s1 =	stileid.u32;
	s12 =	simm.s32 $0x17890  }
0x5: {  	s13 =	simm.s32 $0x15F90;
	s14 =	simm.s32 $0x16C10;
	s15 =	simm.s32 $0x1  }
0x6: {  	s16 =	simm.s32 $0x179C0;
	s17 =	simm.s32 $0x0;
	[smem:$0x7FF] =	sst s2  }
0x7: {  	s4 =	sand.u32 $0x1, s3;
	s6 =	sshll.u32 s1, $0x1;
	s3 =	sadd.s32 $0x800, s5  }
0x8: {  	_ =	strace $0x80000047;
	s7 =	ssub.s32 $0x2, s4;
	s10 =	sor.u32 s4, s6  }
0x9: {  	s4 =	sadd.s32 $0x64800, s5;
	s5 =	sadd.s32 $0x67400, s5;
	s8 =	smul.u32 $0x3200, s10  }
0xa: {  	s31 =	sshrl.u32 s7, $0x1;
	s6 =	sshll.u32 s10, $0x5;
	s10 =	sshll.u32 s10, $0x6  }
0xb: {  	v0 =	vlaneseq.u32;
	s11 =	ssub.s32 s7, s31;
	s9 =	sadd.s32 s9, s10;
	s7 =	sadd.s32 s3, s8  }
0xc: {  	v0 =	vmul.u32 $0xC8, v0;
	s8 =	sor.u32 $0x2, s6;
	s10 =	smax.u32 s11, $0x1;
	s11 =	simm.s32 $0x2  }
.LBB2_1:
0xd: {  	[tilespmem:s2], [sflag:$0x2] =	stream.linear.gather [hbm4b:s4+s2], $0x15F90, $0x38;
	[tilespmem:$0x17BC0] =	vst v63  }
0xe: {  	_ =	swait.ge [sflag:s11], $0x15F90  }
0xf: {  	[sflag:s11] =	ssyncset.done $0x0  }
0x10: {  	[sflag:s11] =	ssyncadd.s32 $0xFFFEA070  }
0x11: {  	[tilespmem:s12], [sflag:$0x2] =	stream.linear.gather [hbm4b:s5+s2], $0x130, $0x38;
	[tilespmem:$0x17BC0] =	vst v63  }
0x12: {  	_ =	swait.ge [sflag:s11], $0x130  }
0x13: {  	[sflag:s11] =	ssyncset.done $0x0  }
0x14: {  	s18 =	simm.s32 $0x0;
	[sflag:s11] =	ssyncadd.s32 $0xFFFFFED0  }
0x15: {  	[tilespmem:s13], [sflag:$0x1] =	stream.linear.gather [hbm4b:s7+s2], $0xC80, $0x38;
	[tilespmem:$0x17BC0] =	vst v63  }
.LBB2_2:
0x16: {  	s19 =	simm.s32 $0x0  }
0x17: {  	v1 =	vmov s19;
	v2 =	vadd.s32 s19, v0  }
0x18: {  	s19 =	sshllo.u32 s18, $0x1;
	v2 =	vand.u32 $0x1FF8, v2;
	v1 =	vand.u32 $0x6, v1  }
0x19: {  	s20 =	simm.s32 $0x1;
	s21 =	sadd.s32 s6, s19;
	v1 =	vor.u32 v1, v2  }
0x1a: {  	_ =	swait.ge [sflag:s20], $0xC80;
	s21 =	smul.u32 $0x190, s21;
	v2 =	vadd.s32 s20, v0  }
0x1b: {  	[sflag:s20] =	ssyncset.done $0x0  }
0x1c: {  	[sflag:s20] =	ssyncadd.s32 $0xFFFFF380;
	s21 =	sadd.s32 s3, s21  }
0x1d: {  	[tilespmem:s14], [sflag:$0x1] =	stream.linear.gather [hbm4b:s21+s2], $0xC80, $0x38;
	[tilespmem:$0x17BC0] =	vst v63  }
0x1e: {  	v1 =	vld.idx.msk [tilespmem:v1+s13+$0x0], $0xffff  }
0x1f: {  	v2 =	vld.idx.msk [tilespmem:v2+s13+$0x0], $0xffff  }
0x20: {  	s30 =	simm.s32 $0x2  }
0x21: {  	s31 =	simm.s32 $0x3;
	v6 =	vmov s30;
	v7 =	vadd.s32 s30, v0  }
0x22: {  	v11 =	vadd.s32 s31, v0;
	v7 =	vand.u32 $0x1FF8, v7;
	v6 =	vand.u32 $0x6, v6  }
0x23: {  	v6 =	vor.u32 v6, v7;
	v3 =	vmul.u32 $0x9, v1  }
0x24: {  	v2 =	vmul.u32 $0x9, v2;
	_ =	sdelay $0x1  }
0x25: {  	v1 =	vadd.s32 $0x6, v3  }
0x26: {  	v11 =	vld.idx.msk [tilespmem:v11+s13+$0x0], $0xffff;
	v4 =	vadd.s32 $0x5, v3  }
0x27: {  	v21 =	vld.idx.msk [tilespmem:v6+s13+$0x0], $0xffff;
	v8 =	vadd.s32 $0x7, v2  }
0x28: {  	v5 =	vadd.s32 $0x2, v3;
	v10 =	vld.idx.msk [tilespmem:v3+s2+$0x0], $0xffff  }
0x29: {  	v9 =	vadd.s32 $0x6, v2;
	v19 =	vld.idx.msk [tilespmem:v2+s2+$0x0], $0xffff  }
0x2a: {  	v12 =	vadd.s32 $0x4, v3;
	v7 =	vld.idx.msk [tilespmem:v1+s2+$0x0], $0xffff  }
0x2b: {  	v16 =	vadd.s32 $0x1, v3;
	v15 =	vld.idx.msk [tilespmem:v4+s2+$0x0], $0xffff  }
0x2c: {  	v1 =	vld.idx.msk [tilespmem:v8+s2+$0x0], $0xffff;
	v8 =	vadd.s32 $0x3, v2  }
0x2d: {  	v23 =	vadd.s32 $0x7, v3;
	v4 =	vld.idx.msk [tilespmem:v5+s2+$0x0], $0xffff  }
0x2e: {  	v22 =	vadd.s32 $0x3, v3;
	v14 =	vld.idx.msk [tilespmem:v9+s2+$0x0], $0xffff  }
0x2f: {  	v11 =	vmul.u32 $0x9, v11;
	v6 =	vadd.s32 $0x5, v2;
	v17 =	vadd.s32 $0x4, v2;
	v9 =	vld.idx.msk [tilespmem:v12+s2+$0x0], $0xffff  }
0x30: {  	v20 =	vadd.s32 $0x1, v2;
	v3 =	vadd.s32 $0x2, v2;
	v5 =	vimm.bf16 $0.0e+00;
	v18 =	vld.idx.msk [tilespmem:v16+s2+$0x0], $0xffff  }
0x31: {  	v12 =	vmul.u32 $0x9, v21;
	v21 =	vadd.bf16 v10, v5;
	v7 =	vadd.bf16 v7, v5;
	v13 =	vld.idx.msk [tilespmem:v8+s2+$0x0], $0xffff  }
0x32: {  	v16 =	vimm.bf16 $0.0e+00;
	v4 =	vadd.bf16 v4, v5;
	v10 =	vadd.bf16 v15, v5;
	v15 =	vld.idx.msk [tilespmem:v23+s2+$0x0], $0xffff  }
0x33: {  	s20 =	sshll.u32 s18, $0x1;
	s21 =	simm.s32 $0x5;
	v8 =	vimm.bf16 $0.0e+00;
	v2 =	vadd.bf16 v14, v7;
	v14 =	vld.idx.msk [tilespmem:v22+s2+$0x0], $0xffff;
	v7 =	vimm.bf16 $0.0e+00  }
.LBB2_3:
0x34: {  	s22 =	sadd.s32 $0xFFFFFFFF, s21  }
0x35: {  	p0 =	sne.s32 s21, $0xC7;
	v22 =	vadd.s32 $0x2, v12;
	v23 =	vadd.s32 $0x5, v12;
	v24 =	vadd.s32 $0x6, v12;
	v17 =	vld.idx.msk [tilespmem:v17+s2+$0x0], $0xffff;
	s23 =	smov.u32 s21;
	s21 =	sadd.s32 $0x2, s21  }
0x36: {  	v25 =	vmov s22;
	v26 =	vadd.s32 s22, v0;
	v21 =	vadd.bf16 v19, v21;
	v19 =	vld.idx.msk [tilespmem:v20+s2+$0x0], $0xffff  }
0x37: {  	v20 =	vand.u32 $0x1FF8, v26;
	v25 =	vand.u32 $0x6, v25;
	v26 =	vadd.s32 $0x7, v11;
	v27 =	vld.idx.msk [tilespmem:v6+s2+$0x0], $0xffff  }
0x38: {  	v20 =	vor.u32 v25, v20;
	v25 =	vadd.s32 $0x3, v11;
	v28 =	vld.idx.msk [tilespmem:v3+s2+$0x0], $0xffff;
	v3 =	vadd.s32 $0x2, v11  }
0x39: {  	v30 =	vadd.s32 $0x1, v12;
	v31 =	vadd.s32 $0x6, v11;
	v6 =	vadd.s32 $0x5, v11;
	v29 =	vld.idx.msk [tilespmem:v12+s2+$0x0], $0xffff  }
0x3a: {  	v7 =	vadd.bf16 v9, v7;
	v5 =	vadd.bf16 v14, v5;
	v24 =	vld.idx.msk [tilespmem:v24+s2+$0x0], $0xffff  }
0x3b: {  	v9 =	vadd.s32 s23, v0;
	v14 =	vadd.bf16 v18, v16;
	v8 =	vadd.bf16 v15, v8;
	v23 =	vld.idx.msk [tilespmem:v23+s2+$0x0], $0xffff  }
0x3c: {  	v5 =	vadd.bf16 v13, v5;
	v7 =	vadd.bf16 v17, v7;
	v15 =	vld.idx.msk [tilespmem:v22+s2+$0x0], $0xffff  }
0x3d: {  	v13 =	vadd.s32 $0x4, v12;
	v8 =	vadd.bf16 v1, v8;
	v10 =	vadd.bf16 v27, v10;
	v1 =	vld.idx.msk [tilespmem:v26+s2+$0x0], $0xffff  }
0x3e: {  	v16 =	vadd.bf16 v19, v14;
	v4 =	vadd.bf16 v28, v4;
	v22 =	vld.idx.msk [tilespmem:v31+s2+$0x0], $0xffff  }
0x3f: {  	v14 =	vld.idx.msk [tilespmem:v20+s13+$0x0], $0xffff  }
0x40: {  	v27 =	vadd.s32 $0x3, v12;
	v26 =	vld.idx.msk [tilespmem:v9+s13+$0x0], $0xffff  }
0x41: {  	v28 =	vadd.s32 $0x7, v12;
	v19 =	vld.idx.msk [tilespmem:v11+s2+$0x0], $0xffff  }
.Ltmp0:
0x42: {  	v17 =	vadd.s32 $0x4, v11;
	v2 =	vadd.bf16 v24, v2;
	v9 =	vld.idx.msk [tilespmem:v13+s2+$0x0], $0xffff;
	(pc) =	sbr.rel @p0 .LBB2_3-.Ltmp0, $4  }
0x43: {  	v20 =	vadd.s32 $0x1, v11;
	v13 =	vld.idx.msk [tilespmem:v25+s2+$0x0], $0xffff  }
0x44: {  	v2 =	vadd.bf16 v22, v2;
	v18 =	vld.idx.msk [tilespmem:v30+s2+$0x0], $0xffff  }
0x45: {  	v4 =	vadd.bf16 v15, v4;
	v12 =	vmul.u32 $0x9, v14;
	v14 =	vld.idx.msk [tilespmem:v27+s2+$0x0], $0xffff  }
0x46: {  	v21 =	vadd.bf16 v29, v21;
	v10 =	vadd.bf16 v23, v10;
	v11 =	vmul.u32 $0x9, v26;
	v15 =	vld.idx.msk [tilespmem:v28+s2+$0x0], $0xffff  }
0x47: {  	_ =	sdelay $0x2  }
0x48: {  	v22 =	vadd.s32 $0x1, v12  }
0x49: {  	v20 =	vld.idx.msk [tilespmem:v20+s2+$0x0], $0xffff  }
0x4a: {  	v23 =	vld.idx.msk [tilespmem:v12+s2+$0x0], $0xffff;
	v24 =	vadd.s32 $0x1, v11  }
0x4b: {  	v25 =	vld.idx.msk [tilespmem:v11+s2+$0x0], $0xffff  }
0x4c: {  	v26 =	vadd.s32 $0x2, v12;
	v19 =	vadd.bf16 v19, v21;
	v21 =	vld [tilespmem:$0x17890]  }
0x4d: {  	v22 =	vld.idx.msk [tilespmem:v22+s2+$0x0], $0xffff  }
0x4e: {  	v3 =	vld.idx.msk [tilespmem:v3+s2+$0x0], $0xffff;
	v27 =	vadd.s32 $0x2, v11;
	v16 =	vadd.bf16 v18, v16  }
0x4f: {  	v28 =	vadd.s32 $0x6, v12;
	v49 =	vadd.s32 $0x4, v12;
	v19 =	vadd.bf16 v23, v19;
	v23 =	vld.idx.msk [tilespmem:v24+s2+$0x0], $0xffff  }
0x50: {  	v9 =	vadd.bf16 v9, v7;
	v16 =	vadd.bf16 v20, v16;
	v20 =	vadd.s32 $0x3, v12  }
0x51: {  	v48 =	vadd.s32 $0x3, v11;
	v29 =	vadd.s32 $0x5, v11;
	v26 =	vld.idx.msk [tilespmem:v26+s2+$0x0], $0xffff;
	v19 =	vadd.bf16 v25, v19  }
0x52: {  	v50 =	vadd.s32 $0x4, v11;
	v16 =	vadd.bf16 v22, v16;
	v22 =	vbroadcast v21, $0x0  }
0x53: {  	v31 =	vadd.bf16 v3, v4;
	v27 =	vld.idx.msk [tilespmem:v27+s2+$0x0], $0xffff;
	v32 =	vbroadcast v21, $0x1;
	v3 =	vunpack.i.l.bf16.f32 v19  }
0x54: {  	v4 =	vunpack.i.u.bf16.f32 v19;
	v16 =	vadd.bf16 v23, v16;
	v19 =	vmul.f32 v22, v3  }
0x55: {  	v18 =	vadd.s32 $0x5, v12;
	v20 =	vld.idx.msk [tilespmem:v20+s2+$0x0], $0xffff;
	v22 =	vmul.f32 v32, v4;
	v23 =	vbroadcast v21, $0x2  }
0x56: {  	v17 =	vld.idx.msk [tilespmem:v17+s2+$0x0], $0xffff;
	v14 =	vadd.bf16 v14, v5;
	v26 =	vadd.bf16 v26, v31;
	v5 =	vunpack.i.l.bf16.f32 v16  }
0x57: {  	v24 =	vld.idx.msk [tilespmem:v48+s2+$0x0], $0xffff;
	v19 =	vadd.f32 v22, v19;
	v22 =	vmul.f32 v23, v5;
	v23 =	vbroadcast v21, $0x3  }
0x58: {  	v51 =	vld.idx.msk [tilespmem:v6+s2+$0x0], $0xffff;
	v13 =	vadd.bf16 v13, v14;
	v14 =	vadd.bf16 v27, v26;
	v6 =	vunpack.i.u.bf16.f32 v16  }
0x59: {  	v16 =	vld.idx.msk [tilespmem:v49+s2+$0x0], $0xffff;
	v19 =	vadd.f32 v19, v22;
	v22 =	vmul.f32 v23, v6;
	v23 =	vbroadcast v21, $0x4  }
0x5a: {  	v30 =	vadd.s32 $0x6, v11;
	v7 =	vunpack.i.l.bf16.f32 v14;
	v13 =	vadd.bf16 v20, v13  }
0x5b: {  	v20 =	vld.idx.msk [tilespmem:v50+s2+$0x0], $0xffff;
	v19 =	vadd.f32 v19, v22;
	v22 =	vmul.f32 v23, v7;
	v23 =	vbroadcast v21, $0x5  }
0x5c: {  	v17 =	vadd.bf16 v17, v9;
	v9 =	vunpack.i.u.bf16.f32 v14;
	v13 =	vadd.bf16 v24, v13  }
0x5d: {  	v14 =	vld.idx.msk [tilespmem:v18+s2+$0x0], $0xffff;
	v18 =	vadd.f32 v19, v22;
	v19 =	vmul.f32 v23, v9;
	v22 =	vbroadcast v21, $0x6  }
0x5e: {  	v16 =	vadd.bf16 v16, v17;
	v23 =	vadd.bf16 v51, v10;
	v10 =	vunpack.i.l.bf16.f32 v13  }
0x5f: {  	v17 =	vld.idx.msk [tilespmem:v29+s2+$0x0], $0xffff;
	v18 =	vadd.f32 v18, v19;
	v19 =	vmul.f32 v22, v10;
	v22 =	vbroadcast v21, $0x7  }
0x60: {  	v52 =	vadd.s32 $0x7, v12;
	v12 =	vunpack.i.u.bf16.f32 v13;
	v16 =	vadd.bf16 v20, v16  }
0x61: {  	v20 =	vld.idx.msk [tilespmem:v28+s2+$0x0], $0xffff;
	v13 =	vadd.f32 v18, v19;
	v18 =	vmul.f32 v22, v12;
	v19 =	vbroadcast v21, $0x8  }
0x62: {  	v11 =	vadd.s32 $0x7, v11;
	v22 =	vadd.bf16 v14, v23;
	v14 =	vunpack.i.l.bf16.f32 v16  }
0x63: {  	v53 =	vbroadcast v21, $0x9;
	v23 =	vld.idx.msk [tilespmem:v30+s2+$0x0], $0xffff;
	v18 =	vadd.f32 v13, v18;
	v19 =	vmul.f32 v19, v14  }
0x64: {  	v17 =	vadd.bf16 v17, v22;
	v13 =	vunpack.i.u.bf16.f32 v16  }
0x65: {  	v54 =	vbroadcast v21, $0xA;
	v22 =	vld.idx.msk [tilespmem:v52+s2+$0x0], $0xffff;
	v18 =	vadd.f32 v18, v19;
	v19 =	vmul.f32 v53, v13  }
0x66: {  	v8 =	vadd.bf16 v15, v8;
	v2 =	vadd.bf16 v20, v2;
	v16 =	vunpack.i.l.bf16.f32 v17  }
0x67: {  	v11 =	vld.idx.msk [tilespmem:v11+s2+$0x0], $0xffff;
	v20 =	vbroadcast v21, $0xB;
	v15 =	vadd.f32 v18, v19;
	v19 =	vmul.f32 v54, v16  }
0x68: {  	v1 =	vadd.bf16 v1, v8;
	v2 =	vadd.bf16 v23, v2;
	v18 =	vunpack.i.u.bf16.f32 v17  }
0x69: {  	v8 =	vadd.f32 v15, v19;
	v15 =	vmul.f32 v20, v18;
	v19 =	vbroadcast v21, $0xC  }
0x6a: {  	v1 =	vadd.bf16 v22, v1;
	v17 =	vunpack.i.l.bf16.f32 v2  }
0x6b: {  	v20 =	vbroadcast v21, $0xD;
	v8 =	vadd.f32 v8, v15;
	v19 =	vmul.f32 v19, v17  }
0x6c: {  	v1 =	vadd.bf16 v11, v1;
	v15 =	vunpack.i.u.bf16.f32 v2  }
0x6d: {  	v8 =	vadd.f32 v8, v19;
	v19 =	vmul.f32 v20, v15;
	v20 =	vbroadcast v21, $0xE  }
0x6e: {  	v2 =	vld [tilespmem:$0x17990];
	v11 =	vunpack.i.l.bf16.f32 v1  }
0x6f: {  	v21 =	vbroadcast v21, $0xF;
	v19 =	vadd.f32 v8, v19;
	v20 =	vmul.f32 v20, v11  }
0x70: {  	v8 =	vunpack.i.u.bf16.f32 v1;
	v1 =	vld [tilespmem:$0x179A0]  }
0x71: {  	v19 =	vadd.f32 v19, v20;
	v20 =	vmul.f32 v21, v8;
	v21 =	vld [tilespmem:$0x178A0];
	_ =	sdelay $0x1  }
0x72: {  	v19 =	vadd.f32 v19, v20;
	v20 =	vbroadcast v2, $0x0;
	_ =	sdelay $0x1  }
0x73: {  	v19 =	vadd.f32 v19, v20;
	v20 =	vbroadcast v1, $0x0  }
0x74: {  	v22 =	vbroadcast v21, $0x0;
	v23 =	vbroadcast v21, $0x1  }
0x75: {  	v55 =	vbroadcast v21, $0x2;
	v56 =	vbroadcast v21, $0x3  }
0x76: {  	v57 =	vbroadcast v21, $0x4;
	v58 =	vbroadcast v21, $0x5  }
0x77: {  	v60 =	vbroadcast v21, $0x6;
	v62 =	vbroadcast v21, $0x7  }
0x78: {  	v35 =	vbroadcast v21, $0x9;
	v41 =	vbroadcast v21, $0xA  }
0x79: {  	v42 =	vbroadcast v21, $0xB;
	v48 =	vbroadcast v21, $0xC;
	v19 =	vmax.f32 v19, $0.0e+00  }
0x7a: {  	v29 =	vld [tilespmem:$0x178C0];
	v49 =	vbroadcast v21, $0xD;
	v19 =	vmul.f32 v19, v20  }
0x7b: {  	v20 =	vmul.f32 v22, v3;
	v23 =	vmul.f32 v23, v4  }
0x7c: {  	v25 =	vmul.f32 v56, v6;
	v26 =	vmul.f32 v57, v7  }
0x7d: {  	v22 =	vld [tilespmem:$0x178B0];
	v32 =	vmul.f32 v60, v10;
	v38 =	vmul.f32 v35, v13  }
0x7e: {  	v45 =	vmul.f32 v42, v18;
	v52 =	vmul.f32 v49, v15  }
0x7f: {  	v60 =	vbroadcast v2, $0x1;
	v35 =	vbroadcast v29, $0x1  }
0x80: {  	v20 =	vadd.f32 v23, v20;
	v23 =	vmul.f32 v55, v5;
	v55 =	vbroadcast v21, $0xE  }
0x81: {  	v30 =	vmul.f32 v35, v4;
	v35 =	vbroadcast v29, $0xA  }
0x82: {  	v20 =	vadd.f32 v20, v23;
	v23 =	vmul.f32 v58, v9;
	v59 =	vbroadcast v22, $0x0  }
0x83: {  	v61 =	vbroadcast v22, $0x1;
	v63 =	vbroadcast v22, $0x2  }
0x84: {  	v34 =	vbroadcast v22, $0x3;
	v37 =	vbroadcast v22, $0x4  }
0x85: {  	v40 =	vbroadcast v22, $0x5;
	v44 =	vbroadcast v22, $0x6  }
0x86: {  	v47 =	vbroadcast v22, $0x7;
	v51 =	vbroadcast v22, $0x8  }
0x87: {  	v54 =	vbroadcast v22, $0x9;
	v57 =	vbroadcast v22, $0xA  }
0x88: {  	v20 =	vadd.f32 v20, v25;
	v25 =	vmul.f32 v62, v12;
	v62 =	vbroadcast v22, $0xC  }
0x89: {  	v24 =	vmul.f32 v59, v3;
	v28 =	vmul.f32 v61, v4  }
0x8a: {  	v33 =	vmul.f32 v63, v5;
	v36 =	vmul.f32 v34, v6  }
0x8b: {  	v39 =	vmul.f32 v37, v7;
	v43 =	vmul.f32 v40, v9  }
0x8c: {  	v27 =	vld [tilespmem:$0x178D0];
	v46 =	vmul.f32 v44, v10;
	v50 =	vmul.f32 v47, v12  }
0x8d: {  	v53 =	vmul.f32 v51, v14;
	v56 =	vmul.f32 v54, v13  }
0x8e: {  	v58 =	vmul.f32 v57, v16;
	v59 =	vbroadcast v22, $0xB  }
0x8f: {  	v63 =	vbroadcast v22, $0xE;
	v34 =	vbroadcast v29, $0x0  }
0x90: {  	v37 =	vbroadcast v29, $0x2;
	v40 =	vbroadcast v29, $0x3;
	v20 =	vadd.f32 v20, v26  }
0x91: {  	v44 =	vbroadcast v27, $0x3;
	v54 =	vbroadcast v29, $0x7;
	v24 =	vadd.f32 v28, v24  }
0x92: {  	v26 =	vbroadcast v2, $0x2;
	v28 =	vbroadcast v1, $0x1;
	v20 =	vadd.f32 v20, v23  }
0x93: {  	v61 =	vmul.f32 v59, v18;
	v42 =	vmul.f32 v40, v6;
	v24 =	vadd.f32 v24, v33  }
0x94: {  	v47 =	vmul.f32 v44, v6;
	v23 =	vbroadcast v21, $0x8;
	v20 =	vadd.f32 v20, v32  }
0x95: {  	v21 =	vbroadcast v21, $0xF;
	v33 =	vmul.f32 v62, v17;
	v24 =	vadd.f32 v24, v36  }
0x96: {  	v62 =	vbroadcast v29, $0x9;
	v23 =	vmul.f32 v23, v14;
	v20 =	vadd.f32 v20, v25  }
0x97: {  	v57 =	vmul.f32 v54, v12;
	v21 =	vmul.f32 v21, v8;
	v24 =	vadd.f32 v24, v39  }
0x98: {  	v36 =	vmul.f32 v34, v3;
	v34 =	vmul.f32 v62, v13;
	v20 =	vadd.f32 v20, v23  }
0x99: {  	v23 =	vmul.f32 v41, v16;
	v41 =	vbroadcast v27, $0x2;
	v24 =	vadd.f32 v24, v43  }
0x9a: {  	v39 =	vbroadcast v27, $0x1;
	v43 =	vbroadcast v29, $0x4;
	v20 =	vadd.f32 v20, v38  }
0x9b: {  	v38 =	vbroadcast v27, $0x0;
	v25 =	vmul.f32 v41, v5;
	v24 =	vadd.f32 v24, v46  }
0x9c: {  	v41 =	vbroadcast v27, $0xA;
	v46 =	vbroadcast v29, $0x5  }
0x9d: {  	v20 =	vadd.f32 v20, v23;
	v23 =	vmul.f32 v48, v17;
	v24 =	vadd.f32 v24, v50  }
0x9e: {  	v31 =	vmul.f32 v38, v3;
	v48 =	vbroadcast v27, $0x4  }
0x9f: {  	v38 =	vmul.f32 v35, v16;
	v20 =	vadd.f32 v20, v45;
	v24 =	vadd.f32 v24, v53  }
0xa0: {  	v44 =	vmul.f32 v41, v16;
	v49 =	vmul.f32 v46, v9  }
0xa1: {  	v50 =	vbroadcast v29, $0x6;
	v20 =	vadd.f32 v20, v23;
	v24 =	vadd.f32 v24, v56  }
0xa2: {  	v45 =	vmul.f32 v43, v7;
	v51 =	vmul.f32 v48, v7  }
0xa3: {  	v23 =	vmul.f32 v55, v11;
	v20 =	vadd.f32 v20, v52;
	v24 =	vadd.f32 v24, v58  }
0xa4: {  	v43 =	vbroadcast v29, $0xC;
	v53 =	vmul.f32 v50, v10  }
0xa5: {  	v20 =	vadd.f32 v20, v23;
	v23 =	vbroadcast v22, $0xD;
	v24 =	vadd.f32 v24, v61  }
0xa6: {  	v46 =	vmul.f32 v43, v17;
	v56 =	vbroadcast v27, $0x6  }
0xa7: {  	v20 =	vadd.f32 v20, v21;
	v21 =	vmul.f32 v23, v15;
	v24 =	vadd.f32 v24, v33  }
0xa8: {  	v52 =	vbroadcast v27, $0x5;
	v58 =	vbroadcast v29, $0x8  }
0xa9: {  	v22 =	vbroadcast v22, $0xF;
	v23 =	vmul.f32 v63, v11;
	v21 =	vadd.f32 v24, v21  }
0xaa: {  	v59 =	vmul.f32 v56, v10;
	v56 =	vbroadcast v27, $0xE  }
0xab: {  	v55 =	vmul.f32 v52, v9;
	v22 =	vmul.f32 v22, v8;
	v21 =	vadd.f32 v21, v23  }
0xac: {  	v61 =	vmul.f32 v58, v14;
	v24 =	vadd.f32 v30, v36;
	v23 =	vmul.f32 v37, v5  }
0xad: {  	v33 =	vbroadcast v27, $0x8;
	v21 =	vadd.f32 v21, v22;
	v22 =	vmul.f32 v39, v4  }
0xae: {  	v58 =	vmul.f32 v56, v11;
	v20 =	vadd.f32 v20, v60;
	v23 =	vadd.f32 v24, v23  }
0xaf: {  	v60 =	vbroadcast v27, $0x7;
	v36 =	vmul.f32 v33, v14;
	v22 =	vadd.f32 v22, v31  }
0xb0: {  	v33 =	vbroadcast v2, $0x4;
	v20 =	vmax.f32 v20, $0.0e+00;
	v23 =	vadd.f32 v23, v42  }
0xb1: {  	v63 =	vmul.f32 v60, v12;
	v37 =	vbroadcast v27, $0x9;
	v22 =	vadd.f32 v22, v25  }
0xb2: {  	v60 =	vbroadcast v1, $0x2;
	v39 =	vbroadcast v29, $0xB;
	v23 =	vadd.f32 v23, v45  }
0xb3: {  	v40 =	vmul.f32 v37, v13;
	v21 =	vadd.f32 v21, v26;
	v22 =	vadd.f32 v22, v47  }
0xb4: {  	v42 =	vmul.f32 v39, v18;
	v45 =	vbroadcast v27, $0xB;
	v23 =	vadd.f32 v23, v49  }
0xb5: {  	v21 =	vmax.f32 v21, $0.0e+00;
	v47 =	vbroadcast v29, $0xD;
	v22 =	vadd.f32 v22, v51  }
0xb6: {  	v23 =	vadd.f32 v23, v53;
	v51 =	vbroadcast v29, $0xE;
	v29 =	vbroadcast v29, $0xF  }
0xb7: {  	v48 =	vmul.f32 v45, v18;
	v49 =	vbroadcast v27, $0xC;
	v22 =	vadd.f32 v22, v55  }
0xb8: {  	v50 =	vmul.f32 v47, v15;
	v23 =	vadd.f32 v23, v57;
	v57 =	vmul.f32 v29, v8;
	v29 =	vld [tilespmem:$0x178F0]  }
0xb9: {  	v53 =	vbroadcast v27, $0xD;
	v22 =	vadd.f32 v22, v59;
	v59 =	vbroadcast v27, $0xF;
	v27 =	vld [tilespmem:$0x178E0]  }
0xba: {  	v52 =	vmul.f32 v49, v17;
	v54 =	vmul.f32 v51, v11;
	v23 =	vadd.f32 v23, v61  }
0xbb: {  	v55 =	vmul.f32 v53, v15;
	v61 =	vbroadcast v2, $0x3;
	v22 =	vadd.f32 v22, v63  }
0xbc: {  	v23 =	vadd.f32 v23, v34;
	v62 =	vmul.f32 v59, v8;
	v63 =	vmul.f32 v20, v28  }
0xbd: {  	v20 =	vmul.f32 v21, v60;
	v47 =	vbroadcast v29, $0x1  }
0xbe: {  	v23 =	vadd.f32 v23, v38;
	v38 =	vbroadcast v1, $0x4;
	v34 =	vbroadcast v27, $0x0  }
0xbf: {  	v35 =	vbroadcast v27, $0x1;
	v39 =	vbroadcast v27, $0x3  }
0xc0: {  	v41 =	vbroadcast v27, $0x5;
	v45 =	vbroadcast v27, $0x7;
	v23 =	vadd.f32 v23, v42  }
0xc1: {  	v22 =	vadd.f32 v22, v36;
	v49 =	vmul.f32 v47, v4;
	v51 =	vbroadcast v27, $0x8  }
0xc2: {  	v59 =	vbroadcast v27, $0xB;
	v47 =	vbroadcast v29, $0x9;
	v23 =	vadd.f32 v23, v46  }
0xc3: {  	v22 =	vadd.f32 v22, v40;
	v40 =	vbroadcast v27, $0x4;
	v36 =	vmul.f32 v34, v3  }
0xc4: {  	v37 =	vmul.f32 v35, v4;
	v42 =	vmul.f32 v39, v6;
	v23 =	vadd.f32 v23, v50  }
0xc5: {  	v28 =	vmul.f32 v41, v9;
	v34 =	vbroadcast v29, $0xE;
	v22 =	vadd.f32 v22, v44  }
0xc6: {  	v43 =	vmul.f32 v40, v7;
	v44 =	vbroadcast v27, $0x6;
	v23 =	vadd.f32 v23, v54  }
0xc7: {  	v46 =	vbroadcast v29, $0x0;
	v40 =	vbroadcast v29, $0x7  }
0xc8: {  	v24 =	vadd.f32 v37, v36;
	v36 =	vbroadcast v29, $0x6;
	v23 =	vadd.f32 v23, v57  }
0xc9: {  	v32 =	vld [tilespmem:$0x17900];
	v37 =	vbroadcast v27, $0xC;
	v22 =	vadd.f32 v22, v48;
	v30 =	vmul.f32 v44, v10  }
0xca: {  	v48 =	vmul.f32 v46, v3;
	v50 =	vbroadcast v29, $0x2;
	v21 =	vadd.f32 v23, v61  }
0xcb: {  	v44 =	vbroadcast v29, $0x8;
	v23 =	vbroadcast v1, $0x3  }
0xcc: {  	v39 =	vmul.f32 v36, v10;
	v41 =	vmul.f32 v37, v17;
	v21 =	vmax.f32 v21, $0.0e+00  }
0xcd: {  	v21 =	vmul.f32 v21, v23;
	v23 =	vbroadcast v27, $0x2  }
0xce: {  	v36 =	vbroadcast v32, $0x4;
	v37 =	vmul.f32 v34, v11  }
0xcf: {  	v22 =	vadd.f32 v22, v52;
	v52 =	vbroadcast v27, $0x9;
	v23 =	vmul.f32 v23, v5  }
0xd0: {  	v25 =	vadd.f32 v49, v48;
	v53 =	vmul.f32 v50, v5;
	v54 =	vbroadcast v29, $0x3  }
0xd1: {  	v46 =	vmul.f32 v44, v14;
	v49 =	vmul.f32 v47, v13;
	v23 =	vadd.f32 v24, v23  }
0xd2: {  	v50 =	vbroadcast v29, $0xA;
	v44 =	vbroadcast v32, $0x6  }
0xd3: {  	v22 =	vadd.f32 v22, v55;
	v55 =	vmul.f32 v52, v13;
	v23 =	vadd.f32 v23, v42  }
0xd4: {  	v25 =	vadd.f32 v25, v53;
	v56 =	vmul.f32 v54, v6;
	v57 =	vbroadcast v29, $0x4  }
0xd5: {  	v52 =	vbroadcast v29, $0xB;
	v53 =	vmul.f32 v50, v16;
	v23 =	vadd.f32 v23, v43  }
0xd6: {  	v19 =	vadd.f32 v63, v19;
	v54 =	vbroadcast v32, $0x0;
	v47 =	vmul.f32 v44, v10  }
0xd7: {  	v22 =	vadd.f32 v22, v58;
	v58 =	vbroadcast v27, $0xA;
	v23 =	vadd.f32 v23, v28  }
0xd8: {  	v25 =	vadd.f32 v25, v56;
	v60 =	vmul.f32 v57, v7;
	v61 =	vbroadcast v29, $0x5  }
0xd9: {  	v56 =	vbroadcast v32, $0x1;
	v24 =	vmul.f32 v45, v12;
	v23 =	vadd.f32 v23, v30  }
0xda: {  	v57 =	vbroadcast v29, $0xC;
	v22 =	vadd.f32 v22, v62;
	v62 =	vmul.f32 v59, v18  }
0xdb: {  	v63 =	vmul.f32 v61, v9;
	v28 =	vmul.f32 v51, v14;
	v23 =	vadd.f32 v23, v24  }
0xdc: {  	v25 =	vadd.f32 v25, v60;
	v59 =	vbroadcast v32, $0x2;
	v60 =	vmul.f32 v57, v17  }
0xdd: {  	v61 =	vbroadcast v29, $0xD;
	v57 =	vbroadcast v32, $0xC;
	v23 =	vadd.f32 v23, v28  }
0xde: {  	v22 =	vadd.f32 v22, v33;
	v25 =	vadd.f32 v25, v63;
	v63 =	vbroadcast v32, $0x3  }
0xdf: {  	v33 =	vmul.f32 v61, v15;
	v24 =	vmul.f32 v58, v16;
	v23 =	vadd.f32 v23, v55  }
0xe0: {  	v22 =	vmax.f32 v22, $0.0e+00;
	v25 =	vadd.f32 v25, v39;
	v35 =	vmul.f32 v63, v6  }
0xe1: {  	v39 =	vmul.f32 v36, v7;
	v22 =	vmul.f32 v22, v38;
	v23 =	vadd.f32 v23, v24  }
0xe2: {  	v19 =	vadd.f32 v20, v19;
	v38 =	vbroadcast v27, $0xD;
	v45 =	vbroadcast v27, $0xE  }
0xe3: {  	v63 =	vbroadcast v32, $0xE;
	v27 =	vbroadcast v27, $0xF;
	v23 =	vadd.f32 v23, v62  }
0xe4: {  	v19 =	vadd.f32 v21, v19;
	v42 =	vmul.f32 v38, v15;
	v48 =	vmul.f32 v45, v11  }
0xe5: {  	v27 =	vmul.f32 v27, v8;
	v38 =	vbroadcast v29, $0xF;
	v29 =	vld [tilespmem:$0x17910];
	v23 =	vadd.f32 v23, v41  }
0xe6: {  	v45 =	vbroadcast v1, $0x5;
	v43 =	vmul.f32 v40, v12  }
0xe7: {  	v19 =	vadd.f32 v22, v19;
	v22 =	vmul.f32 v57, v17;
	v23 =	vadd.f32 v23, v42  }
0xe8: {  	v40 =	vbroadcast v32, $0x5;
	v25 =	vadd.f32 v25, v43;
	v51 =	vbroadcast v2, $0x5  }
0xe9: {  	v58 =	vmul.f32 v56, v4;
	v28 =	vmul.f32 v54, v3;
	v23 =	vadd.f32 v23, v48  }
0xea: {  	v43 =	vmul.f32 v40, v9;
	v34 =	vbroadcast v29, $0x3;
	v25 =	vadd.f32 v25, v46  }
0xeb: {  	v30 =	vld [tilespmem:$0x17920];
	v62 =	vmul.f32 v59, v5;
	v23 =	vadd.f32 v23, v27;
	v27 =	vadd.f32 v58, v28  }
0xec: {  	v57 =	vbroadcast v29, $0xB;
	v46 =	vbroadcast v2, $0x6;
	v25 =	vadd.f32 v25, v49  }
0xed: {  	v36 =	vmul.f32 v34, v6;
	v34 =	vbroadcast v29, $0xE;
	v27 =	vadd.f32 v27, v62  }
0xee: {  	v49 =	vbroadcast v32, $0x8;
	v25 =	vadd.f32 v25, v53;
	v55 =	vmul.f32 v52, v18  }
0xef: {  	v53 =	vbroadcast v32, $0xA;
	v54 =	vbroadcast v32, $0xB;
	v27 =	vadd.f32 v27, v35  }
0xf0: {  	v40 =	vbroadcast v30, $0x0;
	v44 =	vbroadcast v30, $0x2;
	v24 =	vadd.f32 v25, v55  }
0xf1: {  	v52 =	vbroadcast v32, $0x9;
	v56 =	vmul.f32 v53, v16;
	v42 =	vadd.f32 v27, v39  }
0xf2: {  	v21 =	vmul.f32 v54, v18;
	v53 =	vbroadcast v30, $0x5;
	v24 =	vadd.f32 v24, v60  }
0xf3: {  	v54 =	vbroadcast v29, $0xA;
	v48 =	vbroadcast v32, $0x7;
	v26 =	vadd.f32 v42, v43  }
0xf4: {  	v25 =	vmul.f32 v49, v14;
	v55 =	vmul.f32 v52, v13;
	v24 =	vadd.f32 v24, v33  }
0xf5: {  	v59 =	vbroadcast v29, $0x0;
	v50 =	vmul.f32 v48, v12;
	v26 =	vadd.f32 v26, v47  }
0xf6: {  	v60 =	vbroadcast v29, $0x1;
	v41 =	vmul.f32 v38, v8;
	v24 =	vadd.f32 v24, v37  }
0xf7: {  	v61 =	vmul.f32 v59, v3;
	v33 =	vbroadcast v32, $0xF;
	v26 =	vadd.f32 v26, v50  }
0xf8: {  	v38 =	vbroadcast v29, $0x5;
	v24 =	vadd.f32 v24, v41;
	v23 =	vadd.f32 v23, v51  }
0xf9: {  	v59 =	vbroadcast v30, $0x7;
	v37 =	vbroadcast v29, $0x4;
	v25 =	vadd.f32 v26, v25  }
0xfa: {  	v41 =	vbroadcast v30, $0x1;
	v24 =	vadd.f32 v24, v46;
	v23 =	vmax.f32 v23, $0.0e+00  }
0xfb: {  	v58 =	vbroadcast v32, $0xD;
	v23 =	vmul.f32 v23, v45;
	v25 =	vadd.f32 v25, v55  }
0xfc: {  	v24 =	vmax.f32 v24, $0.0e+00;
	v51 =	vbroadcast v1, $0x6;
	v62 =	vbroadcast v29, $0x2  }
0xfd: {  	v19 =	vadd.f32 v23, v19;
	v23 =	vmul.f32 v60, v4;
	v25 =	vadd.f32 v25, v56  }
0xfe: {  	v46 =	vmul.f32 v44, v5;
	v20 =	vmul.f32 v24, v51  }
0xff: {  	v24 =	vmul.f32 v62, v5;
	v23 =	vadd.f32 v23, v61;
	v21 =	vadd.f32 v25, v21  }
0x100: {  	v48 =	vbroadcast v29, $0x8;
	v44 =	vbroadcast v30, $0xD  }
0x101: {  	v23 =	vadd.f32 v23, v24;
	v26 =	vmul.f32 v58, v15;
	v21 =	vadd.f32 v21, v22  }
0x102: {  	v35 =	vmul.f32 v33, v8;
	v39 =	vmul.f32 v37, v7  }
0x103: {  	v23 =	vadd.f32 v23, v36;
	v22 =	vmul.f32 v63, v11;
	v21 =	vadd.f32 v21, v26  }
0x104: {  	v51 =	vbroadcast v29, $0x9;
	v42 =	vbroadcast v29, $0x6  }
0x105: {  	v23 =	vadd.f32 v23, v39;
	v21 =	vadd.f32 v21, v22;
	v22 =	vmul.f32 v38, v9  }
0x106: {  	v27 =	vmul.f32 v40, v3;
	v43 =	vmul.f32 v41, v4  }
0x107: {  	v45 =	vbroadcast v29, $0x7;
	v22 =	vadd.f32 v23, v22;
	v23 =	vmul.f32 v42, v10  }
0x108: {  	v62 =	vbroadcast v30, $0x8;
	v47 =	vbroadcast v30, $0x3;
	v25 =	vadd.f32 v43, v27  }
0x109: {  	v33 =	vbroadcast v30, $0x9;
	v22 =	vadd.f32 v22, v23;
	v23 =	vmul.f32 v45, v12  }
0x10a: {  	v49 =	vmul.f32 v47, v6;
	v50 =	vbroadcast v30, $0x4;
	v25 =	vadd.f32 v25, v46  }
0x10b: {  	v32 =	vmul.f32 v62, v14;
	v22 =	vadd.f32 v22, v23;
	v23 =	vmul.f32 v48, v14  }
0x10c: {  	v37 =	vbroadcast v29, $0xF;
	v52 =	vmul.f32 v50, v7;
	v25 =	vadd.f32 v25, v49  }
0x10d: {  	v60 =	vbroadcast v29, $0xC;
	v22 =	vadd.f32 v22, v23;
	v23 =	vmul.f32 v51, v13  }
0x10e: {  	v55 =	vmul.f32 v53, v9;
	v56 =	vbroadcast v30, $0x6;
	v25 =	vadd.f32 v25, v52  }
0x10f: {  	v61 =	vmul.f32 v59, v12;
	v22 =	vadd.f32 v22, v23;
	v23 =	vmul.f32 v54, v16  }
0x110: {  	v19 =	vadd.f32 v20, v19;
	v58 =	vmul.f32 v56, v10;
	v25 =	vadd.f32 v25, v55  }
0x111: {  	v47 =	vbroadcast v30, $0xE;
	v22 =	vadd.f32 v22, v23;
	v23 =	vmul.f32 v57, v18  }
0x112: {  	v36 =	vbroadcast v30, $0xA;
	v39 =	vbroadcast v30, $0xB;
	v25 =	vadd.f32 v25, v58  }
0x113: {  	v27 =	vld [tilespmem:$0x17930];
	v63 =	vbroadcast v29, $0xD;
	v22 =	vadd.f32 v22, v23;
	v23 =	vmul.f32 v60, v17  }
0x114: {  	v41 =	vmul.f32 v39, v18;
	v46 =	vmul.f32 v44, v15;
	v25 =	vadd.f32 v25, v61  }
0x115: {  	v29 =	vld [tilespmem:$0x17940];
	v26 =	vbroadcast v2, $0x7;
	v22 =	vadd.f32 v22, v23;
	v23 =	vmul.f32 v63, v15  }
0x116: {  	v21 =	vadd.f32 v21, v35;
	v35 =	vmul.f32 v33, v13;
	v25 =	vadd.f32 v25, v32  }
0x117: {  	v49 =	vmul.f32 v47, v11;
	v22 =	vadd.f32 v22, v23;
	v23 =	vmul.f32 v34, v11  }
0x118: {  	v50 =	vbroadcast v27, $0x0;
	v38 =	vmul.f32 v36, v16;
	v25 =	vadd.f32 v25, v35  }
0x119: {  	v52 =	vbroadcast v27, $0x1;
	v22 =	vadd.f32 v22, v23;
	v23 =	vmul.f32 v37, v8  }
0x11a: {  	v53 =	vbroadcast v29, $0x0;
	v42 =	vbroadcast v30, $0xC;
	v40 =	vadd.f32 v25, v38  }
0x11b: {  	v56 =	vbroadcast v29, $0x2;
	v22 =	vadd.f32 v22, v23;
	v23 =	vbroadcast v2, $0x8  }
0x11c: {  	v21 =	vadd.f32 v21, v26;
	v43 =	vmul.f32 v42, v17;
	v24 =	vadd.f32 v40, v41  }
0x11d: {  	v62 =	vbroadcast v29, $0x5;
	v45 =	vbroadcast v1, $0x7;
	v22 =	vadd.f32 v22, v23  }
0x11e: {  	v21 =	vmax.f32 v21, $0.0e+00;
	v24 =	vadd.f32 v24, v43;
	v23 =	vbroadcast v1, $0x8  }
0x11f: {  	v28 =	vbroadcast v29, $0x6;
	v21 =	vmul.f32 v21, v45;
	v22 =	vmax.f32 v22, $0.0e+00  }
0x120: {  	v48 =	vbroadcast v30, $0xF;
	v22 =	vmul.f32 v22, v23;
	v23 =	vadd.f32 v24, v46  }
0x121: {  	v31 =	vbroadcast v29, $0x7;
	v39 =	vbroadcast v29, $0xB;
	v19 =	vadd.f32 v21, v19  }
0x122: {  	v33 =	vbroadcast v29, $0x8;
	v20 =	vmul.f32 v48, v8;
	v23 =	vadd.f32 v23, v49  }
0x123: {  	v21 =	vmul.f32 v50, v3;
	v54 =	vbroadcast v29, $0x1;
	v19 =	vadd.f32 v22, v19  }
0x124: {  	v22 =	vbroadcast v27, $0x2;
	v20 =	vadd.f32 v23, v20;
	v23 =	vmul.f32 v52, v4  }
0x125: {  	v25 =	vmul.f32 v53, v3;
	v55 =	vmul.f32 v54, v4  }
0x126: {  	v22 =	vmul.f32 v22, v5;
	v21 =	vadd.f32 v23, v21;
	v23 =	vbroadcast v27, $0x3  }
0x127: {  	v58 =	vbroadcast v29, $0x3;
	v57 =	vmul.f32 v56, v5;
	v24 =	vadd.f32 v55, v25  }
0x128: {  	v21 =	vadd.f32 v21, v22;
	v22 =	vmul.f32 v23, v6;
	v23 =	vbroadcast v27, $0x4  }
0x129: {  	v59 =	vmul.f32 v58, v6;
	v60 =	vbroadcast v29, $0x4;
	v24 =	vadd.f32 v24, v57  }
0x12a: {  	v21 =	vadd.f32 v21, v22;
	v22 =	vmul.f32 v23, v7;
	v23 =	vbroadcast v27, $0x5  }
0x12b: {  	v30 =	vmul.f32 v28, v10;
	v61 =	vmul.f32 v60, v7;
	v24 =	vadd.f32 v24, v59  }
0x12c: {  	v21 =	vadd.f32 v21, v22;
	v22 =	vmul.f32 v23, v9;
	v23 =	vbroadcast v27, $0x6  }
0x12d: {  	v45 =	vbroadcast v29, $0xE;
	v63 =	vmul.f32 v62, v9;
	v24 =	vadd.f32 v24, v61  }
0x12e: {  	v21 =	vadd.f32 v21, v22;
	v22 =	vmul.f32 v23, v10;
	v23 =	vbroadcast v27, $0x7  }
0x12f: {  	v51 =	vbroadcast v2, $0x9;
	v32 =	vmul.f32 v31, v12;
	v24 =	vadd.f32 v24, v63  }
0x130: {  	v21 =	vadd.f32 v21, v22;
	v22 =	vmul.f32 v23, v12;
	v23 =	vbroadcast v27, $0x8  }
0x131: {  	v48 =	vbroadcast v29, $0xF;
	v47 =	vmul.f32 v45, v11;
	v24 =	vadd.f32 v24, v30  }
0x132: {  	v21 =	vadd.f32 v21, v22;
	v22 =	vmul.f32 v23, v14;
	v23 =	vbroadcast v27, $0x9  }
0x133: {  	v35 =	vbroadcast v29, $0x9;
	v34 =	vmul.f32 v33, v14;
	v24 =	vadd.f32 v24, v32  }
0x134: {  	v21 =	vadd.f32 v21, v22;
	v22 =	vmul.f32 v23, v13;
	v23 =	vbroadcast v27, $0xA  }
0x135: {  	v36 =	vmul.f32 v35, v13;
	v37 =	vbroadcast v29, $0xA;
	v24 =	vadd.f32 v24, v34  }
0x136: {  	v21 =	vadd.f32 v21, v22;
	v22 =	vmul.f32 v23, v16;
	v23 =	vbroadcast v27, $0xB  }
0x137: {  	v50 =	vmul.f32 v48, v8;
	v38 =	vmul.f32 v37, v16;
	v24 =	vadd.f32 v24, v36  }
0x138: {  	v21 =	vadd.f32 v21, v22;
	v22 =	vmul.f32 v23, v18;
	v23 =	vbroadcast v27, $0xC  }
0x139: {  	v40 =	vmul.f32 v39, v18;
	v41 =	vbroadcast v29, $0xC;
	v24 =	vadd.f32 v24, v38  }
0x13a: {  	v46 =	vld [tilespmem:$0x17950];
	v21 =	vadd.f32 v21, v22;
	v22 =	vmul.f32 v23, v17;
	v23 =	vbroadcast v27, $0xD  }
0x13b: {  	v42 =	vmul.f32 v41, v17;
	v43 =	vbroadcast v29, $0xD;
	v24 =	vadd.f32 v24, v40  }
0x13c: {  	v21 =	vadd.f32 v21, v22;
	v22 =	vmul.f32 v23, v15;
	v23 =	vbroadcast v27, $0xE  }
0x13d: {  	v54 =	vbroadcast v1, $0xB;
	v44 =	vmul.f32 v43, v15;
	v55 =	vld [tilespmem:$0x17960];
	v24 =	vadd.f32 v24, v42  }
0x13e: {  	v21 =	vadd.f32 v21, v22;
	v22 =	vmul.f32 v23, v11;
	v23 =	vbroadcast v27, $0xF  }
0x13f: {  	v49 =	vbroadcast v1, $0x9;
	v52 =	vbroadcast v46, $0x0;
	v24 =	vadd.f32 v24, v44  }
0x140: {  	v53 =	vbroadcast v46, $0x1;
	v21 =	vadd.f32 v21, v22;
	v22 =	vmul.f32 v23, v8  }
0x141: {  	v56 =	vbroadcast v46, $0x2;
	v59 =	vbroadcast v46, $0x5;
	v23 =	vadd.f32 v24, v47  }
0x142: {  	v60 =	vbroadcast v55, $0x0;
	v21 =	vadd.f32 v21, v22;
	v22 =	vbroadcast v2, $0xA  }
0x143: {  	v20 =	vadd.f32 v20, v51;
	v51 =	vbroadcast v2, $0xB;
	v23 =	vadd.f32 v23, v50  }
0x144: {  	v29 =	vbroadcast v55, $0x3;
	v31 =	vbroadcast v55, $0x4;
	v21 =	vadd.f32 v21, v22  }
0x145: {  	v20 =	vmax.f32 v20, $0.0e+00;
	v22 =	vbroadcast v1, $0xA;
	v23 =	vadd.f32 v23, v51  }
0x146: {  	v33 =	vbroadcast v55, $0x5;
	v20 =	vmul.f32 v20, v49;
	v21 =	vmax.f32 v21, $0.0e+00  }
0x147: {  	v21 =	vmul.f32 v21, v22;
	v22 =	vmax.f32 v23, $0.0e+00;
	v23 =	vbroadcast v46, $0x3  }
0x148: {  	v25 =	vmul.f32 v52, v3;
	v26 =	vmul.f32 v53, v4  }
0x149: {  	v19 =	vadd.f32 v20, v19;
	v20 =	vmul.f32 v23, v6;
	v23 =	vbroadcast v46, $0x4  }
0x14a: {  	v58 =	vmul.f32 v56, v5;
	v57 =	vadd.f32 v26, v25;
	v22 =	vmul.f32 v22, v54  }
0x14b: {  	v19 =	vadd.f32 v21, v19;
	v21 =	vmul.f32 v23, v7;
	v23 =	vbroadcast v55, $0x1  }
0x14c: {  	v35 =	vbroadcast v55, $0x6;
	v62 =	vmul.f32 v60, v3;
	v24 =	vadd.f32 v57, v58  }
0x14d: {  	v19 =	vadd.f32 v22, v19;
	v22 =	vmul.f32 v23, v4;
	v23 =	vbroadcast v55, $0x2  }
0x14e: {  	v37 =	vbroadcast v55, $0x7;
	v39 =	vbroadcast v55, $0x8;
	v20 =	vadd.f32 v24, v20  }
0x14f: {  	v41 =	vbroadcast v55, $0x9;
	v22 =	vadd.f32 v22, v62;
	v23 =	vmul.f32 v23, v5  }
0x150: {  	v61 =	vmul.f32 v59, v9;
	v20 =	vadd.f32 v20, v21;
	v21 =	vbroadcast v46, $0x6  }
0x151: {  	v43 =	vbroadcast v55, $0xA;
	v22 =	vadd.f32 v22, v23;
	v23 =	vmul.f32 v29, v6  }
0x152: {  	v63 =	vbroadcast v46, $0x7;
	v20 =	vadd.f32 v20, v61;
	v21 =	vmul.f32 v21, v10  }
0x153: {  	v45 =	vbroadcast v55, $0xB;
	v22 =	vadd.f32 v22, v23;
	v23 =	vmul.f32 v31, v7  }
0x154: {  	v30 =	vmul.f32 v63, v12;
	v20 =	vadd.f32 v20, v21;
	v21 =	vbroadcast v46, $0x8  }
0x155: {  	v48 =	vbroadcast v55, $0xC;
	v22 =	vadd.f32 v22, v23;
	v23 =	vmul.f32 v33, v9  }
0x156: {  	v32 =	vbroadcast v46, $0x9;
	v20 =	vadd.f32 v20, v30;
	v21 =	vmul.f32 v21, v14  }
0x157: {  	v53 =	vbroadcast v55, $0xF;
	v22 =	vadd.f32 v22, v23;
	v23 =	vmul.f32 v35, v10  }
0x158: {  	v34 =	vmul.f32 v32, v13;
	v20 =	vadd.f32 v20, v21;
	v21 =	vbroadcast v46, $0xA  }
0x159: {  	v36 =	vbroadcast v46, $0xB;
	v22 =	vadd.f32 v22, v23;
	v23 =	vmul.f32 v37, v12  }
0x15a: {  	v49 =	vbroadcast v55, $0xD;
	v20 =	vadd.f32 v20, v34;
	v21 =	vmul.f32 v21, v16  }
0x15b: {  	v38 =	vmul.f32 v36, v18;
	v47 =	vld [tilespmem:$0x17970];
	v22 =	vadd.f32 v22, v23;
	v23 =	vmul.f32 v39, v14  }
0x15c: {  	v40 =	vbroadcast v46, $0xD;
	v20 =	vadd.f32 v20, v21;
	v21 =	vbroadcast v46, $0xC  }
0x15d: {  	v52 =	vmul.f32 v49, v15;
	v22 =	vadd.f32 v22, v23;
	v23 =	vmul.f32 v41, v13  }
0x15e: {  	v42 =	vmul.f32 v40, v15;
	v20 =	vadd.f32 v20, v38;
	v21 =	vmul.f32 v21, v17  }
0x15f: {  	v44 =	vbroadcast v46, $0xF;
	v51 =	vld [tilespmem:$0x17980];
	v22 =	vadd.f32 v22, v23;
	v23 =	vmul.f32 v43, v16  }
0x160: {  	v50 =	vbroadcast v55, $0xE;
	v57 =	vbroadcast v47, $0x2;
	v20 =	vadd.f32 v20, v21  }
0x161: {  	v21 =	vbroadcast v46, $0xE;
	v22 =	vadd.f32 v22, v23;
	v23 =	vmul.f32 v45, v18  }
0x162: {  	v60 =	vbroadcast v47, $0x3;
	v54 =	vbroadcast v47, $0x0;
	v20 =	vadd.f32 v20, v42  }
0x163: {  	v21 =	vmul.f32 v21, v11;
	v22 =	vadd.f32 v22, v23;
	v23 =	vmul.f32 v48, v17  }
0x164: {  	v58 =	vbroadcast v51, $0x0;
	v59 =	vbroadcast v51, $0x1  }
0x165: {  	v46 =	vmul.f32 v44, v8;
	v20 =	vadd.f32 v20, v21;
	v22 =	vadd.f32 v22, v23  }
0x166: {  	v55 =	vbroadcast v47, $0x1;
	v21 =	vbroadcast v2, $0xC  }
0x167: {  	v20 =	vadd.f32 v20, v46;
	v23 =	vmul.f32 v50, v11;
	v22 =	vadd.f32 v22, v52  }
0x168: {  	v56 =	vmul.f32 v54, v3;
	v27 =	vmul.f32 v55, v4  }
0x169: {  	v20 =	vadd.f32 v20, v21;
	v21 =	vmul.f32 v53, v8;
	v22 =	vadd.f32 v22, v23  }
0x16a: {  	v3 =	vmul.f32 v58, v3;
	v24 =	vadd.f32 v27, v56;
	v23 =	vmul.f32 v57, v5  }
0x16b: {  	v4 =	vmul.f32 v59, v4;
	v21 =	vadd.f32 v22, v21;
	v22 =	vbroadcast v51, $0x2  }
0x16c: {  	v61 =	vmul.f32 v60, v6;
	v62 =	vbroadcast v47, $0x4;
	v23 =	vadd.f32 v24, v23  }
0x16d: {  	v3 =	vadd.f32 v4, v3;
	v4 =	vmul.f32 v22, v5;
	v5 =	vbroadcast v51, $0x3  }
0x16e: {  	v63 =	vbroadcast v47, $0x5;
	v22 =	vadd.f32 v23, v61;
	v23 =	vmul.f32 v62, v7  }
0x16f: {  	v3 =	vadd.f32 v3, v4;
	v4 =	vmul.f32 v5, v6;
	v5 =	vbroadcast v51, $0x4  }
0x170: {  	v6 =	vadd.f32 v22, v23;
	v22 =	vmul.f32 v63, v9;
	v23 =	vbroadcast v47, $0x6  }
0x171: {  	v3 =	vadd.f32 v3, v4;
	v4 =	vmul.f32 v5, v7;
	v5 =	vbroadcast v51, $0x5  }
0x172: {  	v6 =	vadd.f32 v6, v22;
	v7 =	vmul.f32 v23, v10;
	v22 =	vbroadcast v47, $0x7  }
0x173: {  	v3 =	vadd.f32 v3, v4;
	v4 =	vmul.f32 v5, v9;
	v5 =	vbroadcast v51, $0x6  }
0x174: {  	v6 =	vadd.f32 v6, v7;
	v7 =	vmul.f32 v22, v12;
	v9 =	vbroadcast v47, $0x8  }
0x175: {  	v3 =	vadd.f32 v3, v4;
	v4 =	vmul.f32 v5, v10  }
0x176: {  	v5 =	vbroadcast v51, $0x7;
	v6 =	vadd.f32 v6, v7;
	v7 =	vmul.f32 v9, v14  }
0x177: {  	v20 =	vmax.f32 v20, $0.0e+00;
	v9 =	vbroadcast v47, $0x9;
	v10 =	vbroadcast v2, $0xD  }
0x178: {  	v3 =	vadd.f32 v3, v4;
	v4 =	vmul.f32 v5, v12;
	v5 =	vbroadcast v51, $0x8  }
0x179: {  	v6 =	vadd.f32 v6, v7;
	v7 =	vmul.f32 v9, v13;
	v9 =	vbroadcast v47, $0xA  }
0x17a: {  	v3 =	vadd.f32 v3, v4;
	v4 =	vmul.f32 v5, v14;
	v5 =	vbroadcast v51, $0x9  }
0x17b: {  	v6 =	vadd.f32 v6, v7;
	v7 =	vmul.f32 v9, v16;
	v9 =	vbroadcast v47, $0xB  }
0x17c: {  	v3 =	vadd.f32 v3, v4;
	v4 =	vmul.f32 v5, v13;
	v5 =	vbroadcast v51, $0xA  }
0x17d: {  	v6 =	vadd.f32 v6, v7;
	v7 =	vmul.f32 v9, v18;
	v9 =	vbroadcast v47, $0xC  }
0x17e: {  	v3 =	vadd.f32 v3, v4;
	v4 =	vmul.f32 v5, v16;
	v5 =	vbroadcast v51, $0xB  }
0x17f: {  	v6 =	vadd.f32 v6, v7;
	v7 =	vmul.f32 v9, v17;
	v9 =	vbroadcast v47, $0xD  }
0x180: {  	v3 =	vadd.f32 v3, v4;
	v4 =	vmul.f32 v5, v18;
	v5 =	vbroadcast v51, $0xC  }
0x181: {  	v6 =	vadd.f32 v6, v7;
	v7 =	vmul.f32 v9, v15;
	v9 =	vbroadcast v47, $0xE  }
0x182: {  	v3 =	vadd.f32 v3, v4;
	v4 =	vmul.f32 v5, v17;
	v5 =	vbroadcast v51, $0xD  }
0x183: {  	v6 =	vadd.f32 v6, v7;
	v7 =	vmul.f32 v9, v11;
	v9 =	vbroadcast v47, $0xF  }
0x184: {  	v3 =	vadd.f32 v3, v4;
	v4 =	vmul.f32 v5, v15;
	v5 =	vbroadcast v51, $0xE  }
0x185: {  	v10 =	vadd.f32 v21, v10;
	v6 =	vadd.f32 v6, v7;
	v7 =	vmul.f32 v9, v8  }
0x186: {  	v3 =	vadd.f32 v3, v4;
	v4 =	vmul.f32 v5, v11;
	v5 =	vbroadcast v51, $0xF  }
0x187: {  	v9 =	vbroadcast v1, $0xC;
	v6 =	vadd.f32 v6, v7;
	v7 =	vbroadcast v2, $0xE  }
0x188: {  	v2 =	vbroadcast v2, $0xF;
	v3 =	vadd.f32 v3, v4;
	v4 =	vmul.f32 v5, v8  }
0x189: {  	v5 =	vmul.f32 v20, v9;
	v9 =	vbroadcast v1, $0xD  }
0x18a: {  	v8 =	vmax.f32 v10, $0.0e+00;
	v6 =	vadd.f32 v6, v7;
	v3 =	vadd.f32 v3, v4  }
0x18b: {  	v7 =	vbroadcast v1, $0xE;
	v4 =	vadd.f32 v5, v19;
	v5 =	vmul.f32 v8, v9  }
0x18c: {  	v6 =	vmax.f32 v6, $0.0e+00;
	v2 =	vadd.f32 v3, v2  }
0x18d: {  	v1 =	vbroadcast v1, $0xF;
	v3 =	vadd.f32 v5, v4;
	v4 =	vmul.f32 v6, v7  }
0x18e: {  	v5 =	vld.msk [tilespmem:$0x179B0 ss:$0x0], $0xffff;
	v2 =	vmax.f32 v2, $0.0e+00  }
0x18f: {  	v3 =	vadd.f32 v4, v3;
	v1 =	vmul.f32 v2, v1;
	_ =	sdelay $0x1  }
0x190: {  	v1 =	vadd.f32 v1, v3;
	_ =	sdelay $0x1  }
0x191: {  	v1 =	vadd.f32 v1, v5;
	_ =	sdelay $0x1  }
0x192: {  	v1 =	vsub.f32 $0.0e+00, v1;
	_ =	sdelay $0x1  }
0x193: {  	v1 =	vmul.f32 $1.442695020e+00, v1;
	_ =	sdelay $0x1  }
0x194: {  	(erf) = vpow2.f32 v1;
	_ =	sdelay $0x8  }
0x195: {  	v1 =	vpop (erf)  }
0x196: {  	v1 =	vadd.f32 $1.000000000e+00, v1;
	_ =	sdelay $0x1  }
0x197: {  	(erf) = vrcp.f32 v1;
	_ =	sdelay $0x7  }
0x198: {  	s21 =	sshll.u32 s18, $0x5;
	s22 =	simm.s32 $0x0  }
0x199: {  	p0 =	seq.s32 s18, $0xF;
	s21 =	sand.u32 $0x3FFFFFE0, s21;
	v2 =	vmov s22;
	v3 =	vadd.s32 s22, v0;
	v1 =	vpop (erf)  }
0x19a: {  	s20 =	sadd.s32 @!p0 s20, s8;
	v2 =	vand.u32 $0x6, v2;
	[tilespmem:s21+$0x179C0] =	vst v1;
	v1 =	vand.u32 $0x1FF8, v3  }
0x19b: {  	s29 =	simm.s32 $0x1;
	s20 =	smul.u32 @!p0 $0x190, s20;
	v1 =	vor.u32 v2, v1  }
0x19c: {  	_ =	swait.ge [sflag:s15], $0xC80;
	v2 =	vadd.s32 s29, v0  }
0x19d: {  	s20 =	sadd.s32 @!p0 s3, s20;
	[sflag:s15] =	ssyncset.done $0x0  }
0x19e: {  	s22 =	simm.s32 @!p0 $0x0;
	s21 =	simm.s32 @!p0 $0x15F90;
	[sflag:s15] =	ssyncadd.s32 $0xFFFFF380  }
0x19f: {  	[tilespmem:s21], [sflag:$0x1] =	stream.linear.gather @!p0 [hbm4b:s20+s22], $0xC80, $0x38;
	[tilespmem:$0x17BC0] =	vst v63  }
0x1a0: {  	v1 =	vld.idx.msk [tilespmem:v1+s14+$0x0], $0xffff  }
0x1a1: {  	s30 =	simm.s32 $0x2;
	v2 =	vld.idx.msk [tilespmem:v2+s14+$0x0], $0xffff  }
0x1a2: {  	v6 =	vmov s30;
	v7 =	vadd.s32 s30, v0  }
0x1a3: {  	v7 =	vand.u32 $0x1FF8, v7;
	v6 =	vand.u32 $0x6, v6  }
0x1a4: {  	s31 =	simm.s32 $0x3;
	v6 =	vor.u32 v6, v7  }
0x1a5: {  	v11 =	vadd.s32 s31, v0;
	v3 =	vmul.u32 $0x9, v1  }
0x1a6: {  	v2 =	vmul.u32 $0x9, v2;
	_ =	sdelay $0x1  }
0x1a7: {  	v1 =	vadd.s32 $0x6, v3  }
0x1a8: {  	v21 =	vld.idx.msk [tilespmem:v6+s14+$0x0], $0xffff;
	v4 =	vadd.s32 $0x5, v3  }
0x1a9: {  	v11 =	vld.idx.msk [tilespmem:v11+s14+$0x0], $0xffff;
	v8 =	vadd.s32 $0x7, v2  }
0x1aa: {  	v5 =	vadd.s32 $0x2, v3;
	v10 =	vld.idx.msk [tilespmem:v3+s2+$0x0], $0xffff  }
0x1ab: {  	v9 =	vadd.s32 $0x6, v2;
	v19 =	vld.idx.msk [tilespmem:v2+s2+$0x0], $0xffff  }
0x1ac: {  	v12 =	vadd.s32 $0x4, v3;
	v7 =	vld.idx.msk [tilespmem:v1+s2+$0x0], $0xffff  }
0x1ad: {  	v16 =	vadd.s32 $0x1, v3;
	v15 =	vld.idx.msk [tilespmem:v4+s2+$0x0], $0xffff  }
0x1ae: {  	v1 =	vld.idx.msk [tilespmem:v8+s2+$0x0], $0xffff;
	v8 =	vadd.s32 $0x3, v2  }
0x1af: {  	v23 =	vadd.s32 $0x7, v3;
	v4 =	vld.idx.msk [tilespmem:v5+s2+$0x0], $0xffff  }
0x1b0: {  	v22 =	vadd.s32 $0x3, v3;
	v14 =	vld.idx.msk [tilespmem:v9+s2+$0x0], $0xffff  }
0x1b1: {  	v11 =	vmul.u32 $0x9, v11;
	v6 =	vadd.s32 $0x5, v2;
	v17 =	vadd.s32 $0x4, v2;
	v9 =	vld.idx.msk [tilespmem:v12+s2+$0x0], $0xffff  }
0x1b2: {  	v20 =	vadd.s32 $0x1, v2;
	v3 =	vadd.s32 $0x2, v2;
	v5 =	vimm.bf16 $0.0e+00;
	v18 =	vld.idx.msk [tilespmem:v16+s2+$0x0], $0xffff  }
0x1b3: {  	v12 =	vmul.u32 $0x9, v21;
	v21 =	vadd.bf16 v10, v5;
	v7 =	vadd.bf16 v7, v5;
	v13 =	vld.idx.msk [tilespmem:v8+s2+$0x0], $0xffff  }
0x1b4: {  	v16 =	vimm.bf16 $0.0e+00;
	v4 =	vadd.bf16 v4, v5;
	v10 =	vadd.bf16 v15, v5;
	v15 =	vld.idx.msk [tilespmem:v23+s2+$0x0], $0xffff  }
0x1b5: {  	s20 =	simm.s32 $0x5;
	v8 =	vimm.bf16 $0.0e+00;
	v2 =	vadd.bf16 v14, v7;
	v14 =	vld.idx.msk [tilespmem:v22+s2+$0x0], $0xffff;
	v7 =	vimm.bf16 $0.0e+00  }
.LBB2_5:
0x1b6: {  	s21 =	sadd.s32 $0xFFFFFFFF, s20  }
0x1b7: {  	p0 =	sne.s32 s20, $0xC7;
	v22 =	vadd.s32 $0x2, v12;
	v23 =	vadd.s32 $0x5, v12;
	v24 =	vadd.s32 $0x6, v12;
	v17 =	vld.idx.msk [tilespmem:v17+s2+$0x0], $0xffff;
	s22 =	smov.u32 s20;
	s20 =	sadd.s32 $0x2, s20  }
0x1b8: {  	v25 =	vmov s21;
	v26 =	vadd.s32 s21, v0;
	v21 =	vadd.bf16 v19, v21;
	v19 =	vld.idx.msk [tilespmem:v20+s2+$0x0], $0xffff  }
0x1b9: {  	v20 =	vand.u32 $0x1FF8, v26;
	v25 =	vand.u32 $0x6, v25;
	v26 =	vadd.s32 $0x7, v11;
	v27 =	vld.idx.msk [tilespmem:v6+s2+$0x0], $0xffff  }
0x1ba: {  	v20 =	vor.u32 v25, v20;
	v25 =	vadd.s32 $0x3, v11;
	v28 =	vld.idx.msk [tilespmem:v3+s2+$0x0], $0xffff;
	v3 =	vadd.s32 $0x2, v11  }
0x1bb: {  	v30 =	vadd.s32 $0x1, v12;
	v31 =	vadd.s32 $0x6, v11;
	v6 =	vadd.s32 $0x5, v11;
	v29 =	vld.idx.msk [tilespmem:v12+s2+$0x0], $0xffff  }
0x1bc: {  	v7 =	vadd.bf16 v9, v7;
	v5 =	vadd.bf16 v14, v5;
	v24 =	vld.idx.msk [tilespmem:v24+s2+$0x0], $0xffff  }
0x1bd: {  	v9 =	vadd.s32 s22, v0;
	v14 =	vadd.bf16 v18, v16;
	v8 =	vadd.bf16 v15, v8;
	v23 =	vld.idx.msk [tilespmem:v23+s2+$0x0], $0xffff  }
0x1be: {  	v5 =	vadd.bf16 v13, v5;
	v7 =	vadd.bf16 v17, v7;
	v15 =	vld.idx.msk [tilespmem:v22+s2+$0x0], $0xffff  }
0x1bf: {  	v13 =	vadd.s32 $0x4, v12;
	v8 =	vadd.bf16 v1, v8;
	v10 =	vadd.bf16 v27, v10;
	v1 =	vld.idx.msk [tilespmem:v26+s2+$0x0], $0xffff  }
0x1c0: {  	v16 =	vadd.bf16 v19, v14;
	v4 =	vadd.bf16 v28, v4;
	v22 =	vld.idx.msk [tilespmem:v31+s2+$0x0], $0xffff  }
0x1c1: {  	v14 =	vld.idx.msk [tilespmem:v20+s14+$0x0], $0xffff  }
0x1c2: {  	v27 =	vadd.s32 $0x3, v12;
	v26 =	vld.idx.msk [tilespmem:v9+s14+$0x0], $0xffff  }
0x1c3: {  	v28 =	vadd.s32 $0x7, v12;
	v19 =	vld.idx.msk [tilespmem:v11+s2+$0x0], $0xffff  }
.Ltmp1:
0x1c4: {  	v17 =	vadd.s32 $0x4, v11;
	v2 =	vadd.bf16 v24, v2;
	v9 =	vld.idx.msk [tilespmem:v13+s2+$0x0], $0xffff;
	(pc) =	sbr.rel @p0 .LBB2_5-.Ltmp1, $4  }
0x1c5: {  	v20 =	vadd.s32 $0x1, v11;
	v13 =	vld.idx.msk [tilespmem:v25+s2+$0x0], $0xffff  }
0x1c6: {  	v2 =	vadd.bf16 v22, v2;
	v18 =	vld.idx.msk [tilespmem:v30+s2+$0x0], $0xffff  }
0x1c7: {  	v4 =	vadd.bf16 v15, v4;
	v12 =	vmul.u32 $0x9, v14;
	v14 =	vld.idx.msk [tilespmem:v27+s2+$0x0], $0xffff  }
0x1c8: {  	v21 =	vadd.bf16 v29, v21;
	v10 =	vadd.bf16 v23, v10;
	v11 =	vmul.u32 $0x9, v26;
	v15 =	vld.idx.msk [tilespmem:v28+s2+$0x0], $0xffff  }
0x1c9: {  	_ =	sdelay $0x3  }
0x1ca: {  	v20 =	vld.idx.msk [tilespmem:v20+s2+$0x0], $0xffff  }
0x1cb: {  	v23 =	vld.idx.msk [tilespmem:v12+s2+$0x0], $0xffff  }
0x1cc: {  	v22 =	vadd.s32 $0x1, v12;
	v3 =	vld.idx.msk [tilespmem:v3+s2+$0x0], $0xffff  }
0x1cd: {  	v26 =	vadd.s32 $0x2, v12;
	v54 =	vadd.s32 $0x5, v12;
	v28 =	vadd.s32 $0x6, v12;
	v17 =	vld.idx.msk [tilespmem:v17+s2+$0x0], $0xffff  }
0x1ce: {  	v57 =	vadd.s32 $0x3, v12;
	v58 =	vadd.s32 $0x4, v12;
	v19 =	vadd.bf16 v19, v21;
	v21 =	vld [tilespmem:$0x17890]  }
0x1cf: {  	v36 =	vld.idx.msk [tilespmem:v6+s2+$0x0], $0xffff;
	v9 =	vadd.bf16 v9, v7;
	v52 =	vadd.s32 $0x7, v12;
	v24 =	vadd.s32 $0x1, v11  }
0x1d0: {  	v25 =	vld.idx.msk [tilespmem:v11+s2+$0x0], $0xffff;
	v27 =	vadd.s32 $0x2, v11;
	v56 =	vadd.s32 $0x3, v11;
	v29 =	vadd.s32 $0x5, v11  }
0x1d1: {  	v30 =	vadd.s32 $0x6, v11;
	v16 =	vadd.bf16 v18, v16;
	v14 =	vadd.bf16 v14, v5;
	v22 =	vld.idx.msk [tilespmem:v22+s2+$0x0], $0xffff  }
0x1d2: {  	v63 =	vadd.s32 $0x4, v11;
	v8 =	vadd.bf16 v15, v8;
	v19 =	vadd.bf16 v23, v19;
	v26 =	vld.idx.msk [tilespmem:v26+s2+$0x0], $0xffff  }
0x1d3: {  	v16 =	vadd.bf16 v20, v16;
	v20 =	vld.idx.msk [tilespmem:v57+s2+$0x0], $0xffff;
	v59 =	vbroadcast v21, $0x0;
	v32 =	vbroadcast v21, $0x1  }
0x1d4: {  	v31 =	vadd.bf16 v3, v4;
	v55 =	vld.idx.msk [tilespmem:v24+s2+$0x0], $0xffff;
	v62 =	vbroadcast v21, $0x2;
	v35 =	vbroadcast v21, $0x3  }
0x1d5: {  	v13 =	vadd.bf16 v13, v14;
	v27 =	vld.idx.msk [tilespmem:v27+s2+$0x0], $0xffff;
	v40 =	vbroadcast v21, $0x4;
	v43 =	vbroadcast v21, $0x5  }
0x1d6: {  	v17 =	vadd.bf16 v17, v9;
	v24 =	vld.idx.msk [tilespmem:v56+s2+$0x0], $0xffff;
	v47 =	vbroadcast v21, $0x6;
	v51 =	vbroadcast v21, $0x7  }
0x1d7: {  	v41 =	vld.idx.msk [tilespmem:v63+s2+$0x0], $0xffff;
	v56 =	vbroadcast v21, $0x8;
	v19 =	vadd.bf16 v25, v19;
	v16 =	vadd.bf16 v22, v16  }
0x1d8: {  	v48 =	vadd.bf16 v36, v10;
	v49 =	vld.idx.msk [tilespmem:v29+s2+$0x0], $0xffff;
	v63 =	vbroadcast v21, $0xA;
	v29 =	vbroadcast v21, $0xB  }
0x1d9: {  	v44 =	vld.idx.msk [tilespmem:v54+s2+$0x0], $0xffff;
	v3 =	vunpack.i.l.bf16.f32 v19;
	v4 =	vunpack.i.u.bf16.f32 v19;
	v16 =	vadd.bf16 v55, v16  }
0x1da: {  	v53 =	vld.idx.msk [tilespmem:v28+s2+$0x0], $0xffff;
	v57 =	vadd.s32 $0x7, v11;
	v60 =	vmul.f32 v59, v3;
	v61 =	vmul.f32 v32, v4  }
0x1db: {  	v1 =	vadd.bf16 v1, v8;
	v26 =	vadd.bf16 v26, v31;
	v5 =	vunpack.i.l.bf16.f32 v16  }
0x1dc: {  	v38 =	vld.idx.msk [tilespmem:v58+s2+$0x0], $0xffff;
	v33 =	vbroadcast v21, $0xD;
	v19 =	vadd.f32 v61, v60;
	v34 =	vmul.f32 v62, v5  }
0x1dd: {  	v13 =	vadd.bf16 v20, v13;
	v37 =	vadd.bf16 v27, v26;
	v6 =	vunpack.i.u.bf16.f32 v16  }
0x1de: {  	v58 =	vadd.bf16 v44, v48;
	v39 =	vmul.f32 v35, v6;
	v19 =	vadd.f32 v19, v34  }
0x1df: {  	v59 =	vld.idx.msk [tilespmem:v30+s2+$0x0], $0xffff;
	v2 =	vadd.bf16 v53, v2;
	v32 =	vbroadcast v21, $0xC;
	v7 =	vunpack.i.l.bf16.f32 v37  }
0x1e0: {  	v13 =	vadd.bf16 v24, v13;
	v42 =	vmul.f32 v40, v7;
	v19 =	vadd.f32 v19, v39  }
0x1e1: {  	v22 =	vld [tilespmem:$0x178B0];
	v60 =	vbroadcast v21, $0x9;
	v9 =	vunpack.i.u.bf16.f32 v37;
	v16 =	vadd.bf16 v38, v17  }
0x1e2: {  	v61 =	vld.idx.msk [tilespmem:v52+s2+$0x0], $0xffff;
	v10 =	vunpack.i.l.bf16.f32 v13;
	v46 =	vmul.f32 v43, v9;
	v45 =	vadd.f32 v19, v42  }
0x1e3: {  	v12 =	vunpack.i.u.bf16.f32 v13;
	v17 =	vadd.bf16 v49, v58;
	v50 =	vmul.f32 v47, v10  }
0x1e4: {  	v11 =	vld.idx.msk [tilespmem:v57+s2+$0x0], $0xffff;
	v55 =	vmul.f32 v51, v12;
	v2 =	vadd.bf16 v59, v2;
	v18 =	vadd.f32 v45, v46  }
0x1e5: {  	v35 =	vbroadcast v21, $0xE;
	v21 =	vbroadcast v21, $0xF;
	v16 =	vadd.bf16 v41, v16  }
0x1e6: {  	v48 =	vbroadcast v22, $0x0;
	v52 =	vbroadcast v22, $0x2;
	v54 =	vadd.f32 v18, v50  }
0x1e7: {  	v59 =	vbroadcast v22, $0x4;
	v1 =	vadd.bf16 v61, v1;
	v14 =	vunpack.i.l.bf16.f32 v16  }
0x1e8: {  	v15 =	vunpack.i.u.bf16.f32 v2;
	v19 =	vmul.f32 v56, v14;
	v18 =	vadd.f32 v54, v55  }
0x1e9: {  	v24 =	vmul.f32 v48, v3;
	v13 =	vunpack.i.u.bf16.f32 v16;
	v1 =	vadd.bf16 v11, v1  }
0x1ea: {  	v61 =	vmul.f32 v59, v7;
	v62 =	vmul.f32 v60, v13;
	v18 =	vadd.f32 v18, v19  }
0x1eb: {  	v16 =	vunpack.i.l.bf16.f32 v17;
	v34 =	vmul.f32 v33, v15;
	v11 =	vunpack.i.l.bf16.f32 v1  }
0x1ec: {  	v28 =	vmul.f32 v63, v16;
	v20 =	vmul.f32 v35, v11;
	v27 =	vadd.f32 v18, v62  }
0x1ed: {  	v50 =	vbroadcast v22, $0x1;
	v54 =	vmul.f32 v52, v5;
	v18 =	vunpack.i.u.bf16.f32 v17  }
0x1ee: {  	v17 =	vunpack.i.l.bf16.f32 v2;
	v2 =	vld [tilespmem:$0x17990];
	v31 =	vmul.f32 v29, v18;
	v30 =	vadd.f32 v27, v28  }
0x1ef: {  	v55 =	vbroadcast v22, $0x3;
	v29 =	vld [tilespmem:$0x178C0];
	v28 =	vmul.f32 v50, v4  }
0x1f0: {  	v62 =	vbroadcast v22, $0x5;
	v19 =	vmul.f32 v32, v17;
	v8 =	vadd.f32 v30, v31  }
0x1f1: {  	v52 =	vbroadcast v22, $0xB;
	v58 =	vmul.f32 v55, v6;
	v24 =	vadd.f32 v28, v24  }
0x1f2: {  	v55 =	vbroadcast v22, $0xC;
	v33 =	vmul.f32 v62, v9;
	v8 =	vadd.f32 v8, v19  }
0x1f3: {  	v27 =	vld [tilespmem:$0x178D0];
	v37 =	vbroadcast v2, $0x0;
	v24 =	vadd.f32 v24, v54;
	v54 =	vmul.f32 v52, v18  }
0x1f4: {  	v62 =	vbroadcast v29, $0x1;
	v19 =	vadd.f32 v8, v34;
	v8 =	vunpack.i.u.bf16.f32 v1;
	v1 =	vld [tilespmem:$0x179A0]  }
0x1f5: {  	v52 =	vbroadcast v29, $0x7;
	v24 =	vadd.f32 v24, v58;
	v36 =	vmul.f32 v21, v8;
	v21 =	vld [tilespmem:$0x178A0]  }
0x1f6: {  	v34 =	vbroadcast v22, $0x6;
	v58 =	vmul.f32 v55, v17  }
0x1f7: {  	v30 =	vmul.f32 v62, v4;
	v55 =	vmul.f32 v52, v12;
	v24 =	vadd.f32 v24, v61  }
0x1f8: {  	v62 =	vbroadcast v27, $0x8;
	v61 =	vbroadcast v29, $0x0  }
0x1f9: {  	v24 =	vadd.f32 v24, v33;
	v33 =	vbroadcast v29, $0x2;
	v38 =	vbroadcast v1, $0x0  }
0x1fa: {  	v28 =	vbroadcast v1, $0x1;
	v39 =	vbroadcast v21, $0x0  }
0x1fb: {  	v40 =	vbroadcast v21, $0x1;
	v42 =	vbroadcast v21, $0x2  }
0x1fc: {  	v19 =	vadd.f32 v19, v20;
	v43 =	vbroadcast v21, $0x3;
	v44 =	vbroadcast v21, $0x4  }
0x1fd: {  	v46 =	vbroadcast v21, $0x5;
	v49 =	vbroadcast v21, $0x6  }
0x1fe: {  	v19 =	vadd.f32 v19, v36;
	v51 =	vbroadcast v21, $0x7;
	v56 =	vbroadcast v21, $0x8  }
0x1ff: {  	v57 =	vbroadcast v21, $0x9;
	v63 =	vbroadcast v21, $0xA  }
0x200: {  	v19 =	vadd.f32 v19, v37;
	v32 =	vbroadcast v21, $0xB;
	v37 =	vmul.f32 v34, v10  }
0x201: {  	v34 =	vbroadcast v27, $0x0;
	v41 =	vmul.f32 v39, v3  }
0x202: {  	v23 =	vmul.f32 v40, v4;
	v45 =	vmul.f32 v42, v5  }
0x203: {  	v25 =	vmul.f32 v43, v6;
	v26 =	vmul.f32 v44, v7  }
0x204: {  	v47 =	vmul.f32 v46, v9;
	v53 =	vmul.f32 v49, v10  }
0x205: {  	v60 =	vmul.f32 v57, v13;
	v35 =	vmul.f32 v63, v16  }
0x206: {  	v36 =	vmul.f32 v32, v18;
	v39 =	vbroadcast v21, $0xC  }
0x207: {  	v40 =	vbroadcast v21, $0xD;
	v42 =	vbroadcast v22, $0x8  }
0x208: {  	v46 =	vbroadcast v22, $0x9;
	v49 =	vbroadcast v22, $0xA  }
0x209: {  	v19 =	vmax.f32 v19, $0.0e+00;
	v57 =	vbroadcast v22, $0xE;
	v63 =	vmul.f32 v61, v3  }
0x20a: {  	v24 =	vadd.f32 v24, v37;
	v37 =	vbroadcast v29, $0x3;
	v31 =	vmul.f32 v34, v3  }
0x20b: {  	v34 =	vmul.f32 v62, v14;
	v32 =	vbroadcast v2, $0x4;
	v20 =	vadd.f32 v23, v41  }
0x20c: {  	v19 =	vmul.f32 v19, v38;
	v38 =	vbroadcast v22, $0x7  }
0x20d: {  	v23 =	vmul.f32 v56, v14;
	v43 =	vmul.f32 v39, v17;
	v20 =	vadd.f32 v20, v45  }
0x20e: {  	v44 =	vmul.f32 v40, v15;
	v48 =	vmul.f32 v46, v13  }
0x20f: {  	v56 =	vbroadcast v22, $0xD;
	v22 =	vbroadcast v22, $0xF;
	v20 =	vadd.f32 v20, v25  }
0x210: {  	v39 =	vbroadcast v27, $0x2;
	v40 =	vmul.f32 v37, v6  }
0x211: {  	v46 =	vbroadcast v27, $0x4;
	v37 =	vbroadcast v29, $0xB;
	v20 =	vadd.f32 v20, v26  }
0x212: {  	v41 =	vmul.f32 v38, v12;
	v45 =	vmul.f32 v42, v14  }
0x213: {  	v59 =	vmul.f32 v56, v15;
	v22 =	vmul.f32 v22, v8;
	v20 =	vadd.f32 v20, v47  }
0x214: {  	v42 =	vbroadcast v27, $0x3;
	v56 =	vbroadcast v29, $0x8  }
0x215: {  	v24 =	vadd.f32 v24, v41;
	v25 =	vmul.f32 v51, v12;
	v20 =	vadd.f32 v20, v53  }
0x216: {  	v41 =	vbroadcast v29, $0x4;
	v51 =	vmul.f32 v49, v16  }
0x217: {  	v49 =	vmul.f32 v46, v7;
	v24 =	vadd.f32 v24, v45;
	v20 =	vadd.f32 v20, v25  }
0x218: {  	v45 =	vmul.f32 v42, v6;
	v26 =	vbroadcast v2, $0x2  }
0x219: {  	v24 =	vadd.f32 v24, v48;
	v48 =	vbroadcast v29, $0x6;
	v20 =	vadd.f32 v20, v23  }
0x21a: {  	v47 =	vbroadcast v21, $0xE;
	v21 =	vbroadcast v21, $0xF  }
0x21b: {  	v24 =	vadd.f32 v24, v51;
	v51 =	vmul.f32 v48, v10;
	v20 =	vadd.f32 v20, v60  }
0x21c: {  	v50 =	vmul.f32 v47, v11;
	v21 =	vmul.f32 v21, v8  }
0x21d: {  	v53 =	vbroadcast v2, $0x1;
	v24 =	vadd.f32 v24, v54;
	v20 =	vadd.f32 v20, v35  }
0x21e: {  	v25 =	vmul.f32 v39, v5;
	v39 =	vbroadcast v27, $0xA  }
0x21f: {  	v24 =	vadd.f32 v24, v58;
	v58 =	vbroadcast v27, $0x7;
	v20 =	vadd.f32 v20, v36  }
0x220: {  	v54 =	vbroadcast v27, $0x6;
	v42 =	vmul.f32 v39, v16  }
0x221: {  	v61 =	vmul.f32 v58, v12;
	v58 =	vbroadcast v1, $0x2;
	v20 =	vadd.f32 v20, v43  }
0x222: {  	v60 =	vmul.f32 v57, v11;
	v57 =	vmul.f32 v54, v10  }
0x223: {  	v54 =	vbroadcast v27, $0xE;
	v36 =	vbroadcast v27, $0x1;
	v20 =	vadd.f32 v20, v44  }
0x224: {  	v35 =	vmul.f32 v33, v5;
	v33 =	vbroadcast v29, $0xA  }
0x225: {  	v38 =	vmul.f32 v36, v4;
	v43 =	vmul.f32 v41, v7;
	v20 =	vadd.f32 v20, v50  }
0x226: {  	v36 =	vmul.f32 v33, v16;
	v44 =	vbroadcast v29, $0x5  }
0x227: {  	v41 =	vbroadcast v29, $0xC;
	v20 =	vadd.f32 v20, v21;
	v21 =	vadd.f32 v24, v59  }
0x228: {  	v47 =	vmul.f32 v44, v9;
	v50 =	vbroadcast v27, $0x5;
	v24 =	vadd.f32 v30, v63  }
0x229: {  	v44 =	vmul.f32 v41, v17;
	v59 =	vmul.f32 v56, v14;
	v21 =	vadd.f32 v21, v60  }
0x22a: {  	v56 =	vmul.f32 v54, v11;
	v20 =	vadd.f32 v20, v53;
	v23 =	vadd.f32 v24, v35  }
0x22b: {  	v60 =	vbroadcast v29, $0x9;
	v21 =	vadd.f32 v21, v22;
	v22 =	vadd.f32 v38, v31  }
0x22c: {  	v53 =	vmul.f32 v50, v9;
	v35 =	vbroadcast v27, $0x9;
	v23 =	vadd.f32 v23, v40  }
0x22d: {  	v20 =	vmax.f32 v20, $0.0e+00;
	v63 =	vmul.f32 v60, v13;
	v22 =	vadd.f32 v22, v25  }
0x22e: {  	v38 =	vmul.f32 v35, v13;
	v23 =	vadd.f32 v23, v43;
	v43 =	vbroadcast v27, $0xB  }
0x22f: {  	v40 =	vmul.f32 v37, v18;
	v21 =	vadd.f32 v21, v26;
	v22 =	vadd.f32 v22, v45  }
0x230: {  	v23 =	vadd.f32 v23, v47;
	v45 =	vbroadcast v29, $0xD;
	v46 =	vmul.f32 v43, v18  }
0x231: {  	v47 =	vbroadcast v27, $0xC;
	v21 =	vmax.f32 v21, $0.0e+00;
	v22 =	vadd.f32 v22, v49  }
0x232: {  	v23 =	vadd.f32 v23, v51;
	v49 =	vbroadcast v29, $0xE;
	v29 =	vbroadcast v29, $0xF  }
0x233: {  	v48 =	vmul.f32 v45, v15;
	v50 =	vmul.f32 v47, v17;
	v22 =	vadd.f32 v22, v53  }
0x234: {  	v51 =	vbroadcast v27, $0xD;
	v23 =	vadd.f32 v23, v55;
	v55 =	vmul.f32 v29, v8;
	v29 =	vld [tilespmem:$0x178F0]  }
0x235: {  	v52 =	vmul.f32 v49, v11;
	v22 =	vadd.f32 v22, v57;
	v57 =	vbroadcast v27, $0xF  }
0x236: {  	v53 =	vmul.f32 v51, v15;
	v23 =	vadd.f32 v23, v59;
	v27 =	vld [tilespmem:$0x178E0];
	v59 =	vbroadcast v2, $0x3  }
0x237: {  	v22 =	vadd.f32 v22, v61;
	v60 =	vmul.f32 v57, v8;
	v61 =	vmul.f32 v20, v28  }
0x238: {  	v23 =	vadd.f32 v23, v63;
	v20 =	vmul.f32 v21, v58;
	v63 =	vbroadcast v1, $0x3  }
0x239: {  	v47 =	vbroadcast v29, $0x1;
	v54 =	vbroadcast v29, $0x3  }
0x23a: {  	v57 =	vbroadcast v29, $0x4;
	v19 =	vadd.f32 v61, v19;
	v61 =	vbroadcast v29, $0x5  }
0x23b: {  	v22 =	vadd.f32 v22, v34;
	v33 =	vbroadcast v27, $0x0;
	v34 =	vbroadcast v27, $0x1  }
0x23c: {  	v35 =	vbroadcast v27, $0x2;
	v39 =	vbroadcast v27, $0x3  }
0x23d: {  	v41 =	vbroadcast v27, $0x5;
	v45 =	vbroadcast v27, $0x7  }
0x23e: {  	v23 =	vadd.f32 v23, v36;
	v49 =	vmul.f32 v47, v4;
	v51 =	vbroadcast v27, $0x8  }
0x23f: {  	v58 =	vbroadcast v27, $0xA;
	v47 =	vbroadcast v29, $0x9;
	v22 =	vadd.f32 v22, v38  }
0x240: {  	v23 =	vadd.f32 v23, v40;
	v38 =	vbroadcast v1, $0x4;
	v40 =	vbroadcast v27, $0x4  }
0x241: {  	v36 =	vmul.f32 v33, v3;
	v37 =	vmul.f32 v34, v4  }
0x242: {  	v28 =	vmul.f32 v41, v9;
	v34 =	vbroadcast v29, $0xE  }
0x243: {  	v22 =	vadd.f32 v22, v42;
	v42 =	vmul.f32 v39, v6;
	v43 =	vmul.f32 v40, v7  }
0x244: {  	v23 =	vadd.f32 v23, v44;
	v44 =	vbroadcast v27, $0x6;
	v40 =	vbroadcast v29, $0x7  }
0x245: {  	v24 =	vadd.f32 v37, v36;
	v36 =	vbroadcast v29, $0x6;
	v37 =	vbroadcast v27, $0xC  }
0x246: {  	v22 =	vadd.f32 v22, v46;
	v46 =	vbroadcast v29, $0x0;
	v30 =	vmul.f32 v44, v10  }
0x247: {  	v23 =	vadd.f32 v23, v48;
	v44 =	vbroadcast v29, $0x8;
	v39 =	vmul.f32 v36, v10  }
0x248: {  	v41 =	vmul.f32 v37, v17;
	v37 =	vmul.f32 v34, v11;
	v22 =	vadd.f32 v22, v50  }
0x249: {  	v23 =	vadd.f32 v23, v52;
	v48 =	vmul.f32 v46, v3;
	v50 =	vbroadcast v29, $0x2  }
0x24a: {  	v52 =	vbroadcast v27, $0x9;
	v46 =	vmul.f32 v44, v14  }
0x24b: {  	v22 =	vadd.f32 v22, v53;
	v23 =	vadd.f32 v23, v55;
	v53 =	vmul.f32 v50, v5  }
0x24c: {  	v25 =	vadd.f32 v49, v48;
	v55 =	vmul.f32 v52, v13;
	v49 =	vmul.f32 v47, v13  }
0x24d: {  	v50 =	vbroadcast v29, $0xA;
	v52 =	vbroadcast v29, $0xB;
	v22 =	vadd.f32 v22, v56  }
0x24e: {  	v62 =	vadd.f32 v23, v59;
	v23 =	vmul.f32 v35, v5;
	v56 =	vmul.f32 v54, v6  }
0x24f: {  	v25 =	vadd.f32 v25, v53;
	v59 =	vbroadcast v27, $0xB;
	v53 =	vmul.f32 v50, v16  }
0x250: {  	v22 =	vadd.f32 v22, v60;
	v23 =	vadd.f32 v24, v23;
	v24 =	vmul.f32 v45, v12  }
0x251: {  	v21 =	vmax.f32 v62, $0.0e+00;
	v60 =	vmul.f32 v57, v7;
	v62 =	vmul.f32 v59, v18  }
0x252: {  	v45 =	vbroadcast v27, $0xE;
	v57 =	vbroadcast v29, $0xC  }
0x253: {  	v25 =	vadd.f32 v25, v56;
	v21 =	vmul.f32 v21, v63;
	v63 =	vmul.f32 v61, v9  }
0x254: {  	v61 =	vbroadcast v29, $0xD;
	v22 =	vadd.f32 v22, v32;
	v23 =	vadd.f32 v23, v42  }
0x255: {  	v25 =	vadd.f32 v25, v60;
	v48 =	vmul.f32 v45, v11;
	v60 =	vmul.f32 v57, v17  }
0x256: {  	v32 =	vld [tilespmem:$0x17900];
	v45 =	vbroadcast v1, $0x5;
	v33 =	vmul.f32 v61, v15;
	v22 =	vmax.f32 v22, $0.0e+00  }
0x257: {  	v23 =	vadd.f32 v23, v43;
	v43 =	vmul.f32 v40, v12;
	v22 =	vmul.f32 v22, v38  }
0x258: {  	v38 =	vbroadcast v27, $0xD;
	v27 =	vbroadcast v27, $0xF  }
0x259: {  	v23 =	vadd.f32 v23, v28;
	v28 =	vmul.f32 v51, v14;
	v51 =	vbroadcast v2, $0x5  }
0x25a: {  	v25 =	vadd.f32 v25, v63;
	v42 =	vmul.f32 v38, v15;
	v27 =	vmul.f32 v27, v8  }
0x25b: {  	v19 =	vadd.f32 v20, v19;
	v54 =	vbroadcast v32, $0x0;
	v56 =	vbroadcast v32, $0x1  }
0x25c: {  	v25 =	vadd.f32 v25, v39;
	v59 =	vbroadcast v32, $0x2;
	v63 =	vbroadcast v32, $0x3  }
0x25d: {  	v36 =	vbroadcast v32, $0x4;
	v38 =	vbroadcast v29, $0xF;
	v23 =	vadd.f32 v23, v30  }
0x25e: {  	v40 =	vbroadcast v32, $0x5;
	v44 =	vbroadcast v32, $0x6;
	v25 =	vadd.f32 v25, v43  }
0x25f: {  	v29 =	vld [tilespmem:$0x17910];
	v35 =	vmul.f32 v63, v6;
	v39 =	vmul.f32 v36, v7;
	v23 =	vadd.f32 v23, v24  }
0x260: {  	v30 =	vld [tilespmem:$0x17920];
	v43 =	vmul.f32 v40, v9;
	v47 =	vmul.f32 v44, v10;
	v25 =	vadd.f32 v25, v46  }
0x261: {  	v36 =	vbroadcast v32, $0xF;
	v24 =	vmul.f32 v58, v16;
	v23 =	vadd.f32 v23, v28  }
0x262: {  	v58 =	vmul.f32 v56, v4;
	v46 =	vbroadcast v2, $0x6;
	v25 =	vadd.f32 v25, v49  }
0x263: {  	v28 =	vmul.f32 v54, v3;
	v49 =	vbroadcast v32, $0x8;
	v23 =	vadd.f32 v23, v55  }
0x264: {  	v54 =	vbroadcast v32, $0xB;
	v55 =	vmul.f32 v52, v18;
	v25 =	vadd.f32 v25, v53  }
0x265: {  	v34 =	vbroadcast v29, $0x2;
	v44 =	vbroadcast v30, $0x0;
	v23 =	vadd.f32 v23, v24  }
0x266: {  	v52 =	vbroadcast v32, $0x9;
	v53 =	vbroadcast v32, $0xA;
	v24 =	vadd.f32 v25, v55  }
0x267: {  	v57 =	vmul.f32 v54, v18;
	v25 =	vmul.f32 v49, v14;
	v23 =	vadd.f32 v23, v62  }
0x268: {  	v55 =	vmul.f32 v52, v13;
	v56 =	vmul.f32 v53, v16;
	v24 =	vadd.f32 v24, v60  }
0x269: {  	v49 =	vbroadcast v30, $0x2;
	v53 =	vbroadcast v30, $0x3;
	v23 =	vadd.f32 v23, v41  }
0x26a: {  	v62 =	vmul.f32 v59, v5;
	v59 =	vbroadcast v32, $0xD;
	v24 =	vadd.f32 v24, v33  }
0x26b: {  	v60 =	vbroadcast v29, $0x0;
	v52 =	vmul.f32 v49, v5;
	v23 =	vadd.f32 v23, v42  }
0x26c: {  	v41 =	vmul.f32 v38, v8;
	v24 =	vadd.f32 v24, v37;
	v37 =	vbroadcast v29, $0x3  }
0x26d: {  	v49 =	vbroadcast v30, $0xA;
	v63 =	vmul.f32 v60, v3;
	v23 =	vadd.f32 v23, v48  }
0x26e: {  	v24 =	vadd.f32 v24, v41;
	v48 =	vbroadcast v32, $0x7;
	v40 =	vmul.f32 v37, v6  }
0x26f: {  	v41 =	vbroadcast v29, $0x4;
	v23 =	vadd.f32 v23, v27;
	v27 =	vadd.f32 v58, v28  }
0x270: {  	v37 =	vbroadcast v30, $0x7;
	v24 =	vadd.f32 v24, v46;
	v50 =	vmul.f32 v48, v12  }
0x271: {  	v58 =	vbroadcast v32, $0xC;
	v46 =	vbroadcast v30, $0x1;
	v27 =	vadd.f32 v27, v62  }
0x272: {  	v23 =	vadd.f32 v23, v51;
	v51 =	vbroadcast v1, $0x6;
	v62 =	vbroadcast v29, $0x1  }
0x273: {  	v24 =	vmax.f32 v24, $0.0e+00;
	v61 =	vmul.f32 v58, v17;
	v48 =	vmul.f32 v46, v4  }
0x274: {  	v27 =	vadd.f32 v27, v35;
	v20 =	vmul.f32 v24, v51;
	v33 =	vmul.f32 v62, v4  }
0x275: {  	v23 =	vmax.f32 v23, $0.0e+00;
	v35 =	vbroadcast v32, $0xE;
	v24 =	vmul.f32 v34, v5  }
0x276: {  	v19 =	vadd.f32 v21, v19;
	v51 =	vbroadcast v29, $0x7;
	v23 =	vmul.f32 v23, v45  }
0x277: {  	v42 =	vadd.f32 v27, v39;
	v38 =	vmul.f32 v35, v11;
	v39 =	vmul.f32 v36, v8  }
0x278: {  	v19 =	vadd.f32 v22, v19;
	v27 =	vmul.f32 v44, v3;
	v54 =	vmul.f32 v51, v12  }
0x279: {  	v35 =	vbroadcast v29, $0xB;
	v51 =	vbroadcast v29, $0xF  }
0x27a: {  	v19 =	vadd.f32 v23, v19;
	v23 =	vadd.f32 v33, v63;
	v63 =	vbroadcast v29, $0xA  }
0x27b: {  	v33 =	vbroadcast v30, $0x6;
	v26 =	vadd.f32 v42, v43;
	v42 =	vbroadcast v29, $0x5  }
0x27c: {  	v43 =	vmul.f32 v41, v7;
	v41 =	vbroadcast v30, $0x8;
	v23 =	vadd.f32 v23, v24  }
0x27d: {  	v34 =	vmul.f32 v63, v16;
	v36 =	vmul.f32 v33, v10;
	v26 =	vadd.f32 v26, v47  }
0x27e: {  	v33 =	vbroadcast v30, $0xF;
	v47 =	vbroadcast v29, $0x6;
	v23 =	vadd.f32 v23, v40  }
0x27f: {  	v45 =	vmul.f32 v42, v9;
	v44 =	vmul.f32 v41, v14;
	v26 =	vadd.f32 v26, v50  }
0x280: {  	v40 =	vmul.f32 v37, v12;
	v50 =	vmul.f32 v47, v10;
	v23 =	vadd.f32 v23, v43  }
0x281: {  	v47 =	vbroadcast v29, $0xE;
	v43 =	vbroadcast v29, $0xD;
	v25 =	vadd.f32 v26, v25  }
0x282: {  	v26 =	vmul.f32 v59, v15;
	v59 =	vbroadcast v29, $0x9;
	v22 =	vadd.f32 v23, v45  }
0x283: {  	v45 =	vbroadcast v30, $0x9;
	v46 =	vmul.f32 v43, v15;
	v25 =	vadd.f32 v25, v55  }
0x284: {  	v55 =	vbroadcast v29, $0x8;
	v62 =	vmul.f32 v59, v13;
	v22 =	vadd.f32 v22, v50  }
0x285: {  	v50 =	vmul.f32 v47, v11;
	v25 =	vadd.f32 v25, v56;
	v56 =	vmul.f32 v53, v6  }
0x286: {  	v58 =	vmul.f32 v55, v14;
	v53 =	vbroadcast v30, $0xB  }
0x287: {  	v22 =	vadd.f32 v22, v54;
	v54 =	vmul.f32 v51, v8;
	v21 =	vadd.f32 v25, v57  }
0x288: {  	v25 =	vadd.f32 v48, v27;
	v57 =	vbroadcast v30, $0x4;
	v48 =	vmul.f32 v45, v13  }
0x289: {  	v22 =	vadd.f32 v22, v58;
	v58 =	vbroadcast v2, $0x8;
	v21 =	vadd.f32 v21, v61  }
0x28a: {  	v27 =	vld [tilespmem:$0x17930];
	v25 =	vadd.f32 v25, v52;
	v60 =	vmul.f32 v57, v7;
	v61 =	vbroadcast v30, $0x5  }
0x28b: {  	v52 =	vmul.f32 v49, v16;
	v57 =	vbroadcast v30, $0xC;
	v22 =	vadd.f32 v22, v62  }
0x28c: {  	v62 =	vbroadcast v1, $0x8;
	v21 =	vadd.f32 v21, v26;
	v26 =	vbroadcast v2, $0x7  }
0x28d: {  	v25 =	vadd.f32 v25, v56;
	v32 =	vmul.f32 v61, v9;
	v56 =	vmul.f32 v53, v18  }
0x28e: {  	v59 =	vmul.f32 v57, v17;
	v61 =	vbroadcast v1, $0x7  }
0x28f: {  	v37 =	vbroadcast v27, $0x0;
	v47 =	vbroadcast v27, $0x3  }
0x290: {  	v51 =	vbroadcast v27, $0x4;
	v21 =	vadd.f32 v21, v38;
	v25 =	vadd.f32 v25, v60  }
0x291: {  	v22 =	vadd.f32 v22, v34;
	v38 =	vmul.f32 v35, v18;
	v60 =	vbroadcast v30, $0xD  }
0x292: {  	v21 =	vadd.f32 v21, v39;
	v25 =	vadd.f32 v25, v32;
	v39 =	vbroadcast v29, $0xC  }
0x293: {  	v22 =	vadd.f32 v22, v38;
	v63 =	vmul.f32 v60, v15;
	v32 =	vbroadcast v30, $0xE  }
0x294: {  	v29 =	vld [tilespmem:$0x17940];
	v38 =	vbroadcast v2, $0x9;
	v25 =	vadd.f32 v25, v36;
	v42 =	vmul.f32 v39, v17  }
0x295: {  	v21 =	vadd.f32 v21, v26;
	v35 =	vmul.f32 v32, v11;
	v36 =	vmul.f32 v33, v8  }
0x296: {  	v39 =	vbroadcast v27, $0x1;
	v32 =	vbroadcast v27, $0x8  }
0x297: {  	v25 =	vadd.f32 v25, v40;
	v21 =	vmax.f32 v21, $0.0e+00;
	v40 =	vmul.f32 v37, v3  }
0x298: {  	v22 =	vadd.f32 v22, v42;
	v42 =	vmul.f32 v39, v4;
	v21 =	vmul.f32 v21, v61  }
0x299: {  	v41 =	vbroadcast v29, $0x0;
	v43 =	vbroadcast v29, $0x1  }
0x29a: {  	v49 =	vbroadcast v29, $0x3;
	v53 =	vbroadcast v29, $0x4  }
0x29b: {  	v19 =	vadd.f32 v20, v19;
	v57 =	vbroadcast v29, $0x5;
	v61 =	vbroadcast v29, $0x6  }
0x29c: {  	v30 =	vbroadcast v29, $0x7;
	v25 =	vadd.f32 v25, v44;
	v22 =	vadd.f32 v22, v46  }
0x29d: {  	v44 =	vbroadcast v27, $0x2;
	v46 =	vbroadcast v29, $0x2;
	v19 =	vadd.f32 v21, v19  }
0x29e: {  	v45 =	vmul.f32 v43, v4;
	v21 =	vadd.f32 v42, v40;
	v60 =	vmul.f32 v57, v9  }
0x29f: {  	v28 =	vmul.f32 v61, v10;
	v33 =	vmul.f32 v30, v12;
	v25 =	vadd.f32 v25, v48  }
0x2a0: {  	v40 =	vbroadcast v27, $0xA;
	v42 =	vbroadcast v29, $0xA;
	v22 =	vadd.f32 v22, v50  }
0x2a1: {  	v48 =	vmul.f32 v46, v5;
	v50 =	vmul.f32 v47, v6;
	v55 =	vadd.f32 v25, v52  }
0x2a2: {  	v46 =	vbroadcast v29, $0xB;
	v43 =	vmul.f32 v40, v16;
	v22 =	vadd.f32 v22, v54  }
0x2a3: {  	v40 =	vbroadcast v1, $0xB;
	v25 =	vmul.f32 v41, v3;
	v24 =	vadd.f32 v55, v56  }
0x2a4: {  	v52 =	vmul.f32 v49, v6;
	v54 =	vmul.f32 v51, v7;
	v22 =	vadd.f32 v22, v58  }
0x2a5: {  	v49 =	vmul.f32 v46, v18;
	v55 =	vbroadcast v27, $0x5;
	v24 =	vadd.f32 v24, v59  }
0x2a6: {  	v56 =	vmul.f32 v53, v7;
	v22 =	vmax.f32 v22, $0.0e+00;
	v59 =	vbroadcast v27, $0x6  }
0x2a7: {  	v58 =	vmul.f32 v55, v9;
	v22 =	vmul.f32 v22, v62;
	v34 =	vadd.f32 v24, v63  }
0x2a8: {  	v24 =	vadd.f32 v45, v25;
	v62 =	vmul.f32 v59, v10;
	v63 =	vbroadcast v27, $0x7  }
0x2a9: {  	v45 =	vmul.f32 v42, v16;
	v19 =	vadd.f32 v22, v19;
	v22 =	vmul.f32 v44, v5  }
0x2aa: {  	v44 =	vbroadcast v27, $0xB;
	v31 =	vmul.f32 v63, v12  }
0x2ab: {  	v23 =	vadd.f32 v34, v35;
	v34 =	vbroadcast v29, $0x8;
	v35 =	vmul.f32 v32, v14  }
0x2ac: {  	v24 =	vadd.f32 v24, v48;
	v48 =	vbroadcast v27, $0xC;
	v63 =	vbroadcast v1, $0x9  }
0x2ad: {  	v21 =	vadd.f32 v21, v22;
	v47 =	vmul.f32 v44, v18;
	v20 =	vadd.f32 v23, v36  }
0x2ae: {  	v24 =	vadd.f32 v24, v52;
	v36 =	vbroadcast v27, $0x9;
	v37 =	vmul.f32 v34, v14  }
0x2af: {  	v51 =	vmul.f32 v48, v17;
	v52 =	vbroadcast v27, $0xD;
	v21 =	vadd.f32 v21, v50  }
0x2b0: {  	v50 =	vbroadcast v29, $0xC;
	v20 =	vadd.f32 v20, v38;
	v38 =	vbroadcast v29, $0x9  }
0x2b1: {  	v39 =	vmul.f32 v36, v13;
	v55 =	vmul.f32 v52, v15  }
0x2b2: {  	v24 =	vadd.f32 v24, v56;
	v56 =	vbroadcast v27, $0xE;
	v36 =	vbroadcast v2, $0xB  }
0x2b3: {  	v21 =	vadd.f32 v21, v54;
	v53 =	vmul.f32 v50, v17;
	v54 =	vbroadcast v29, $0xD  }
0x2b4: {  	v24 =	vadd.f32 v24, v60;
	v41 =	vmul.f32 v38, v13;
	v59 =	vmul.f32 v56, v11  }
0x2b5: {  	v60 =	vbroadcast v27, $0xF;
	v27 =	vld [tilespmem:$0x17950];
	v38 =	vbroadcast v1, $0xA;
	v21 =	vadd.f32 v21, v58  }
0x2b6: {  	v20 =	vmax.f32 v20, $0.0e+00;
	v57 =	vmul.f32 v54, v15;
	v58 =	vbroadcast v29, $0xE  }
0x2b7: {  	v24 =	vadd.f32 v24, v28;
	v21 =	vadd.f32 v21, v62;
	v62 =	vbroadcast v29, $0xF  }
0x2b8: {  	v20 =	vmul.f32 v20, v63;
	v32 =	vmul.f32 v60, v8;
	v28 =	vld [tilespmem:$0x17960]  }
0x2b9: {  	v61 =	vmul.f32 v58, v11;
	v24 =	vadd.f32 v24, v33;
	v34 =	vmul.f32 v62, v8  }
0x2ba: {  	v21 =	vadd.f32 v21, v31;
	v48 =	vbroadcast v27, $0x5;
	v56 =	vbroadcast v27, $0x6  }
0x2bb: {  	v62 =	vbroadcast v27, $0x8;
	v63 =	vbroadcast v27, $0x9;
	v24 =	vadd.f32 v24, v37  }
0x2bc: {  	v37 =	vbroadcast v27, $0x0;
	v21 =	vadd.f32 v21, v35;
	v35 =	vbroadcast v2, $0xA  }
0x2bd: {  	v52 =	vmul.f32 v48, v9;
	v58 =	vbroadcast v28, $0x3  }
0x2be: {  	v30 =	vbroadcast v28, $0x5;
	v31 =	vmul.f32 v63, v13  }
0x2bf: {  	v48 =	vbroadcast v27, $0xE;
	v25 =	vmul.f32 v37, v3  }
0x2c0: {  	v24 =	vadd.f32 v24, v41;
	v41 =	vbroadcast v27, $0x2;
	v37 =	vbroadcast v28, $0x7  }
0x2c1: {  	v21 =	vadd.f32 v21, v39;
	v39 =	vbroadcast v27, $0x1;
	v60 =	vmul.f32 v58, v6  }
0x2c2: {  	v58 =	vbroadcast v28, $0xE;
	v24 =	vadd.f32 v24, v45;
	v45 =	vmul.f32 v41, v5  }
0x2c3: {  	v41 =	vbroadcast v27, $0xC;
	v21 =	vadd.f32 v21, v43;
	v26 =	vmul.f32 v39, v4  }
0x2c4: {  	v19 =	vadd.f32 v20, v19;
	v43 =	vbroadcast v27, $0x3;
	v39 =	vmul.f32 v37, v12  }
0x2c5: {  	v24 =	vadd.f32 v24, v49;
	v49 =	vbroadcast v28, $0x0;
	v21 =	vadd.f32 v21, v47  }
0x2c6: {  	v44 =	vadd.f32 v26, v25;
	v46 =	vmul.f32 v43, v6;
	v47 =	vbroadcast v27, $0x4  }
0x2c7: {  	v24 =	vadd.f32 v24, v53;
	v53 =	vmul.f32 v49, v3;
	v49 =	vbroadcast v27, $0xF  }
0x2c8: {  	v21 =	vadd.f32 v21, v51;
	v50 =	vmul.f32 v47, v7;
	v51 =	vbroadcast v28, $0x1  }
0x2c9: {  	v47 =	vbroadcast v28, $0xA;
	v24 =	vadd.f32 v24, v57;
	v57 =	vbroadcast v27, $0x7  }
0x2ca: {  	v21 =	vadd.f32 v21, v55;
	v54 =	vmul.f32 v51, v4;
	v55 =	vbroadcast v28, $0x2  }
0x2cb: {  	v26 =	vld [tilespmem:$0x17970];
	v51 =	vbroadcast v28, $0xB;
	v33 =	vadd.f32 v24, v61;
	v61 =	vbroadcast v28, $0x4  }
0x2cc: {  	v24 =	vadd.f32 v44, v45;
	v44 =	vbroadcast v28, $0x9;
	v21 =	vadd.f32 v21, v59  }
0x2cd: {  	v59 =	vmul.f32 v57, v12;
	v23 =	vadd.f32 v33, v34;
	v29 =	vmul.f32 v61, v7  }
0x2ce: {  	v20 =	vadd.f32 v24, v46;
	v33 =	vbroadcast v28, $0x6;
	v34 =	vbroadcast v27, $0xA  }
0x2cf: {  	v46 =	vmul.f32 v44, v13;
	v61 =	vmul.f32 v58, v11;
	v21 =	vadd.f32 v21, v32  }
0x2d0: {  	v32 =	vmul.f32 v30, v9;
	v30 =	vbroadcast v26, $0xB  }
0x2d1: {  	v23 =	vadd.f32 v23, v36;
	v36 =	vmul.f32 v33, v10;
	v21 =	vadd.f32 v21, v35  }
0x2d2: {  	v20 =	vadd.f32 v20, v50;
	v50 =	vmul.f32 v47, v16;
	v35 =	vbroadcast v27, $0xB  }
0x2d3: {  	v42 =	vmax.f32 v23, $0.0e+00;
	v23 =	vmul.f32 v55, v5;
	v21 =	vmax.f32 v21, $0.0e+00  }
0x2d4: {  	v20 =	vadd.f32 v20, v52;
	v52 =	vmul.f32 v49, v8;
	v21 =	vmul.f32 v21, v38  }
0x2d5: {  	v55 =	vbroadcast v2, $0xC;
	v22 =	vmul.f32 v42, v40  }
0x2d6: {  	v40 =	vbroadcast v28, $0x8;
	v42 =	vbroadcast v27, $0xD;
	v19 =	vadd.f32 v21, v19  }
0x2d7: {  	v38 =	vmul.f32 v35, v18;
	v21 =	vmul.f32 v56, v10  }
0x2d8: {  	v43 =	vmul.f32 v40, v14;
	v19 =	vadd.f32 v22, v19;
	v22 =	vadd.f32 v54, v53  }
0x2d9: {  	v45 =	vmul.f32 v42, v15;
	v56 =	vbroadcast v28, $0xD;
	v20 =	vadd.f32 v20, v21  }
0x2da: {  	v21 =	vmul.f32 v62, v14;
	v54 =	vbroadcast v28, $0xC;
	v22 =	vadd.f32 v22, v23  }
0x2db: {  	v53 =	vmul.f32 v51, v18;
	v62 =	vbroadcast v26, $0x0;
	v20 =	vadd.f32 v20, v59  }
0x2dc: {  	v51 =	vbroadcast v26, $0x6;
	v57 =	vmul.f32 v54, v17;
	v22 =	vadd.f32 v22, v60  }
0x2dd: {  	v59 =	vmul.f32 v56, v15;
	v33 =	vmul.f32 v62, v3;
	v20 =	vadd.f32 v20, v21  }
0x2de: {  	v54 =	vmul.f32 v51, v10;
	v60 =	vbroadcast v28, $0xF;
	v22 =	vadd.f32 v22, v29  }
0x2df: {  	v21 =	vmul.f32 v34, v16;
	v34 =	vbroadcast v26, $0x2;
	v20 =	vadd.f32 v20, v31;
	v29 =	vld [tilespmem:$0x17980]  }
0x2e0: {  	v63 =	vmul.f32 v60, v8;
	v22 =	vadd.f32 v22, v32;
	v32 =	vbroadcast v26, $0x1  }
0x2e1: {  	v20 =	vadd.f32 v20, v21;
	v21 =	vmul.f32 v41, v17;
	v41 =	vbroadcast v26, $0x4  }
0x2e2: {  	v22 =	vadd.f32 v22, v36;
	v27 =	vmul.f32 v32, v4;
	v36 =	vmul.f32 v34, v5  }
0x2e3: {  	v20 =	vadd.f32 v20, v38;
	v38 =	vbroadcast v26, $0x3;
	v34 =	vbroadcast v26, $0xC  }
0x2e4: {  	v35 =	vbroadcast v29, $0x0;
	v37 =	vbroadcast v29, $0x1  }
0x2e5: {  	v32 =	vbroadcast v29, $0xA;
	v20 =	vadd.f32 v20, v21;
	v21 =	vmul.f32 v48, v11  }
0x2e6: {  	v22 =	vadd.f32 v22, v39;
	v39 =	vbroadcast v29, $0x2;
	v40 =	vmul.f32 v38, v6  }
0x2e7: {  	v24 =	vadd.f32 v27, v33;
	v48 =	vbroadcast v29, $0x4;
	v27 =	vbroadcast v29, $0x9  }
0x2e8: {  	v33 =	vmul.f32 v30, v18;
	v38 =	vbroadcast v26, $0xD;
	v22 =	vadd.f32 v22, v43  }
0x2e9: {  	v3 =	vmul.f32 v35, v3;
	v4 =	vmul.f32 v37, v4;
	v20 =	vadd.f32 v20, v45  }
0x2ea: {  	v35 =	vmul.f32 v32, v16;
	v23 =	vadd.f32 v24, v36;
	v22 =	vadd.f32 v22, v46  }
0x2eb: {  	v42 =	vmul.f32 v39, v5;
	v43 =	vbroadcast v29, $0x3;
	v3 =	vadd.f32 v4, v3  }
0x2ec: {  	v45 =	vmul.f32 v41, v7;
	v20 =	vadd.f32 v20, v21;
	v22 =	vadd.f32 v22, v50  }
0x2ed: {  	v44 =	vadd.f32 v23, v40;
	v46 =	vbroadcast v26, $0x5;
	v3 =	vadd.f32 v3, v42  }
0x2ee: {  	v47 =	vmul.f32 v43, v6;
	v20 =	vadd.f32 v20, v52;
	v22 =	vadd.f32 v22, v53  }
0x2ef: {  	v49 =	vadd.f32 v44, v45;
	v50 =	vmul.f32 v46, v9;
	v52 =	vmul.f32 v48, v7  }
0x2f0: {  	v3 =	vadd.f32 v3, v47;
	v53 =	vbroadcast v29, $0x5;
	v22 =	vadd.f32 v22, v57  }
0x2f1: {  	v20 =	vadd.f32 v20, v55;
	v6 =	vadd.f32 v49, v50;
	v55 =	vbroadcast v26, $0x7  }
0x2f2: {  	v3 =	vadd.f32 v3, v52;
	v56 =	vmul.f32 v53, v9;
	v22 =	vadd.f32 v22, v59  }
0x2f3: {  	v57 =	vbroadcast v29, $0x6;
	v6 =	vadd.f32 v6, v54;
	v58 =	vmul.f32 v55, v12  }
0x2f4: {  	v59 =	vbroadcast v26, $0x8;
	v3 =	vadd.f32 v3, v56;
	v22 =	vadd.f32 v22, v61  }
0x2f5: {  	v60 =	vmul.f32 v57, v10;
	v6 =	vadd.f32 v6, v58;
	v61 =	vbroadcast v29, $0x7  }
0x2f6: {  	v62 =	vmul.f32 v59, v14;
	v21 =	vadd.f32 v22, v63;
	v63 =	vbroadcast v26, $0x9  }
0x2f7: {  	v3 =	vadd.f32 v3, v60;
	v12 =	vmul.f32 v61, v12;
	v22 =	vbroadcast v29, $0x8  }
0x2f8: {  	v37 =	vmul.f32 v34, v17;
	v24 =	vbroadcast v26, $0xA;
	v6 =	vadd.f32 v6, v62  }
0x2f9: {  	v23 =	vmul.f32 v63, v13;
	v3 =	vadd.f32 v3, v12;
	v25 =	vmul.f32 v22, v14  }
0x2fa: {  	v31 =	vmul.f32 v27, v13;
	v36 =	vbroadcast v29, $0xB  }
0x2fb: {  	v28 =	vmul.f32 v24, v16;
	v6 =	vadd.f32 v6, v23;
	v3 =	vadd.f32 v3, v25  }
0x2fc: {  	v41 =	vmul.f32 v38, v15;
	v40 =	vbroadcast v29, $0xC  }
0x2fd: {  	v39 =	vmul.f32 v36, v18;
	v6 =	vadd.f32 v6, v28;
	v3 =	vadd.f32 v3, v31  }
0x2fe: {  	v42 =	vbroadcast v26, $0xE;
	v43 =	vmul.f32 v40, v17  }
0x2ff: {  	v44 =	vbroadcast v29, $0xD;
	v6 =	vadd.f32 v6, v33;
	v3 =	vadd.f32 v3, v35  }
0x300: {  	v46 =	vbroadcast v26, $0xF;
	v48 =	vbroadcast v29, $0xE  }
0x301: {  	v45 =	vmul.f32 v42, v11;
	v6 =	vadd.f32 v6, v37;
	v3 =	vadd.f32 v3, v39  }
0x302: {  	v47 =	vmul.f32 v44, v15;
	v49 =	vbroadcast v2, $0xD  }
0x303: {  	v50 =	vmul.f32 v46, v8;
	v6 =	vadd.f32 v6, v41;
	v3 =	vadd.f32 v3, v43  }
0x304: {  	v51 =	vmul.f32 v48, v11;
	v52 =	vbroadcast v29, $0xF;
	v20 =	vmax.f32 v20, $0.0e+00  }
0x305: {  	v53 =	vbroadcast v1, $0xC;
	v6 =	vadd.f32 v6, v45;
	v3 =	vadd.f32 v3, v47  }
0x306: {  	v54 =	vbroadcast v2, $0xE;
	v2 =	vbroadcast v2, $0xF;
	v10 =	vadd.f32 v21, v49  }
0x307: {  	v55 =	vmul.f32 v52, v8;
	v6 =	vadd.f32 v6, v50;
	v3 =	vadd.f32 v3, v51  }
0x308: {  	v56 =	vmul.f32 v20, v53;
	v58 =	vbroadcast v1, $0xD  }
0x309: {  	v57 =	vmax.f32 v10, $0.0e+00;
	v6 =	vadd.f32 v6, v54;
	v3 =	vadd.f32 v3, v55  }
0x30a: {  	v59 =	vadd.f32 v56, v19;
	v61 =	vbroadcast v1, $0xE;
	v60 =	vmul.f32 v57, v58  }
0x30b: {  	v6 =	vmax.f32 v6, $0.0e+00;
	v2 =	vadd.f32 v3, v2  }
0x30c: {  	v1 =	vbroadcast v1, $0xF;
	v3 =	vadd.f32 v60, v59;
	v62 =	vmul.f32 v6, v61  }
0x30d: {  	v63 =	vld.msk [tilespmem:$0x179B0 ss:$0x0], $0xffff;
	v2 =	vmax.f32 v2, $0.0e+00  }
0x30e: {  	v3 =	vadd.f32 v62, v3;
	v1 =	vmul.f32 v2, v1;
	_ =	sdelay $0x1  }
0x30f: {  	v1 =	vadd.f32 v1, v3;
	_ =	sdelay $0x1  }
0x310: {  	v1 =	vadd.f32 v1, v63;
	_ =	sdelay $0x1  }
0x311: {  	v1 =	vsub.f32 $0.0e+00, v1;
	_ =	sdelay $0x1  }
0x312: {  	v1 =	vmul.f32 $1.442695020e+00, v1;
	_ =	sdelay $0x1  }
0x313: {  	(erf) = vpow2.f32 v1;
	_ =	sdelay $0x8  }
0x314: {  	v1 =	vpop (erf)  }
0x315: {  	v1 =	vadd.f32 $1.000000000e+00, v1;
	_ =	sdelay $0x1  }
0x316: {  	(erf) = vrcp.f32 v1;
	_ =	sdelay $0x3  }
0x317: {  	s18 =	sadd.s32 $0x1, s18  }
0x318: {  	p0 =	sne.s32 s18, $0x10  }
.Ltmp2:
0x319: {  	_ = 	snop;
	(pc) =	sbr.rel @p0 .LBB2_2-.Ltmp2, $4  }
0x31a: {  	_ = 	snop  }
0x31b: {  	s19 =	sshll.u32 s19, $0x4  }
0x31c: {  	s19 =	sand.u32 $0x3FFFFFF0, s19;
	v1 =	vpop (erf)  }
0x31d: {  	[tilespmem:s19+$0x179C0] =	vst v1  }
0x31e: {  	s17 =	sadd.s32 $0x1, s17  }
0x31f: {  	p0 =	sne.s32 s17, s10  }
.Ltmp3:
0x320: {  	_ = 	snop;
	(pc) =	sbr.rel @p0 .LBB2_1-.Ltmp3, $4  }
0x321: {  	[hbm4b:s9+s2] =	stream.linear.scatter [tilespmem:s16], [sflag:$0x2], $0x200, $0x38;
	[tilespmem:$0x17BC0] =	vst v63  }
0x322: {  	_ =	swait.ge [sflag:s11], $0x200  }
0x323: {  	[sflag:s11] =	ssyncset.done $0x0  }
0x324: {  	[sflag:s11] =	ssyncadd.s32 $0xFFFFFE00  }
0x325: {  	_ =	sfence.sel $0x180000  }
0x326: {  	[bflag:$0x0] =	sbarrier.arrive $0xFFFF  }
0x327: {  	p0 =	sne.s32 s1, $0x0;
	_ =	strace $0x90000047  }
0x328: {  	s0 =	sadd.s32 @!p0 $0x100000, s0;
	[bflag:$0x2] =	sbarrier.arrive $0xFFFF  }
0x329: {  	[sflag:s0] =	ssyncadd.tile.s32 @!p0 $0x1;
	_ =	shalt  }
.Lfunc_end2:
_tile_overlayer_lowered:
.L_overlay_start_2:
0x32a: {  	(tag) =	ssettag $0x2  }
0x32b: {  	s0 =	rddreg [dreg:$0x0];
	s2 =	stileid.u32  }
0x32c: {  	s1 =	rddreg [dreg:$0x1];
	p0 =	sne.s32 s2, $0x0  }
0x32d: {  	s3 =	rddreg [dreg:$0x2];
	[bflag:$0x3] =	sbarrier.arrive $0xFFFF;
	s2 =	simm.s32 @!p0 $0x1C02  }
0x32e: {  	[timem:s3], [sflag:s2] =	dma.local @!p0 [hbm:s0], s1  }
0x32f: {  	s0 =	simm.s32 @!p0 $0x2  }
0x330: {  	_ =	swait.ge @!p0 [sflag:s0], s1  }
0x331: {  	s1 =	ssub.s32 @!p0 $0x0, s1;
	[sflag:s0] =	ssyncset.done @!p0 $0x0  }
0x332: {  	[sflag:s0] =	ssyncadd.s32 @!p0 s1  }
0x333: {  	[bflag:$0x3] =	sbarrier.arrive $0xFFFF  }
0x334: {  	_ =	shalt  }

</sc_bundles>
